<compile_context>
chip_gen: v7x
topology: tpu7x:2x2x1
jax: 0.10.2.dev20260603
libtpu: 0.0.44.dev20260713+nightly
codegen_flags: <defaults>
</compile_context>

<pallas_src>
import functools

import jax
import jax.numpy as jnp
import numpy as np
from jax import lax
from jax.experimental import pallas as pl
from jax.experimental.pallas import tpu as pltpu
from jax.experimental.pallas import tpu_sc as plsc

N_BOXES = 20000
N_SUB = 16
LPAD = 1280
N_SLICE = LPAD // 16
UNROLL = 4
MAX_DET = 30
IOU_THRESH = 0.5
SCORE_THRESH = 0.2
NEG = np.float32(-1e30)
VTHR = np.float32(-5e29)
IMAX = np.int32(2**31 - 1)


def _insert4(sc, gi, t):
    (v1, v2, v3, v4), (i1, i2, i3, i4) = t
    m = sc > v1
    n1, j1 = jnp.where(m, sc, v1), jnp.where(m, gi, i1)
    sc, gi = jnp.where(m, v1, sc), jnp.where(m, i1, gi)
    m = sc > v2
    n2, j2 = jnp.where(m, sc, v2), jnp.where(m, gi, i2)
    sc, gi = jnp.where(m, v2, sc), jnp.where(m, i2, gi)
    m = sc > v3
    n3, j3 = jnp.where(m, sc, v3), jnp.where(m, gi, i3)
    sc, gi = jnp.where(m, v3, sc), jnp.where(m, i3, gi)
    m = sc > v4
    n4, j4 = jnp.where(m, sc, v4), jnp.where(m, gi, i4)
    return (n1, n2, n3, n4), (j1, j2, j3, j4)


def _top4_init():
    return (tuple(jnp.full((16,), NEG, jnp.float32) for _ in range(4)),
            tuple(jnp.zeros((16,), jnp.int32) for _ in range(4)))


def _extract4(t):
    vs, is_ = list(t[0]), list(t[1])
    out_v, out_i = [], []
    for _ in range(4):
        g = jnp.max(jnp.maximum(jnp.maximum(vs[0], vs[1]),
                                jnp.maximum(vs[2], vs[3])))
        gv = jnp.full((16,), g, jnp.float32)
        cand = jnp.minimum(
            jnp.minimum(jnp.where(vs[0] == gv, is_[0], IMAX),
                        jnp.where(vs[1] == gv, is_[1], IMAX)),
            jnp.minimum(jnp.where(vs[2] == gv, is_[2], IMAX),
                        jnp.where(vs[3] == gv, is_[3], IMAX)))
        gi = jnp.min(cand)
        giv = jnp.full((16,), gi, jnp.int32)
        out_v.append(g)
        out_i.append(gi)
        for r in range(4):
            sel = (vs[r] == gv) & (is_[r] == giv)
            vs[r] = jnp.where(sel, NEG, vs[r])
    return out_v, out_i


def _nms_body(x1h, y1h, x2h, y2h, sch, outh, commh,
              x1v, y1v, x2v, y2v, areav, scm, stage, commv, outv):
    sid = lax.axis_index("s")
    cid = lax.axis_index("c")
    base = sid * LPAD
    io = lax.iota(jnp.int32, 16)
    iok = io & 3
    zeros_i = jnp.zeros((16,), jnp.int32)
    zero_row = jnp.zeros((16,), jnp.float32)

    pltpu.sync_copy(x1h.at[pl.ds(base, LPAD)], x1v)
    pltpu.sync_copy(y1h.at[pl.ds(base, LPAD)], y1v)
    pltpu.sync_copy(x2h.at[pl.ds(base, LPAD)], x2v)
    pltpu.sync_copy(y2h.at[pl.ds(base, LPAD)], y2v)
    pltpu.sync_copy(sch.at[pl.ds(base, LPAD)], scm)

    def zero_one(i, _):
        plsc.store_scatter(outv, [jnp.full((16,), i, jnp.int32), io],
                           zero_row, mask=io < 5)
        return 0
    lax.fori_loop(0, MAX_DET, zero_one, 0)

    def init_one(j, t):
        s = pl.ds(j * 16, 16)
        x1 = x1v[s]
        y1 = y1v[s]
        x2 = x2v[s]
        y2 = y2v[s]
        areav[s] = (x2 - x1) * (y2 - y1)
        sc = scm[s]
        sc = jnp.where(sc >= SCORE_THRESH, sc, NEG)
        scm[s] = sc
        gi = (base + j * 16) + io
        return _insert4(sc, gi, t)

    def init_j(jo, t):
        for u in range(UNROLL):
            t = init_one(jo * UNROLL + u, t)
        return t

    t0 = lax.fori_loop(0, N_SLICE // UNROLL, init_j, _top4_init())
    cv0, ci0 = _extract4(t0)

    def round_body(carry):
        nwin, more, rnd, v1, v2, v3, v4, i1, i2, i3, i4 = carry
        locv = jnp.where(io < 4, i1, jnp.where(io < 8, i2,
                jnp.where(io < 12, i3, i4))) - base
        gx1 = plsc.load_gather(x1v, [locv])
        gy1 = plsc.load_gather(y1v, [locv])
        gx2 = plsc.load_gather(x2v, [locv])
        gy2 = plsc.load_gather(y2v, [locv])
        rowB = jnp.where(iok == 0, gx1, jnp.where(iok == 1, gy1,
                jnp.where(iok == 2, gx2, gy2)))
        rowA = jnp.where(io == 0, jnp.full((16,), v1, jnp.float32),
               jnp.where(io == 1, jnp.full((16,), v2, jnp.float32),
               jnp.where(io == 2, jnp.full((16,), v3, jnp.float32),
               jnp.where(io == 3, jnp.full((16,), v4, jnp.float32),
               jnp.where(io == 4, plsc.bitcast(
                   jnp.full((16,), i1, jnp.int32), jnp.float32),
               jnp.where(io == 5, plsc.bitcast(
                   jnp.full((16,), i2, jnp.int32), jnp.float32),
               jnp.where(io == 6, plsc.bitcast(
                   jnp.full((16,), i3, jnp.int32), jnp.float32),
               jnp.where(io == 7, plsc.bitcast(
                   jnp.full((16,), i4, jnp.int32), jnp.float32),
                         jnp.float32(0.0)))))))))
        stage[pl.ds(0, 16)] = rowA
        stage[pl.ds(16, 16)] = rowB
        p = lax.rem(rnd, jnp.int32(2))
        pltpu.sync_copy(stage,
                        commh.at[p, pl.ds(pl.multiple_of(sid * 32, 8), 32)])
        plsc.subcore_barrier()
        pltpu.sync_copy(commh.at[p], commv)
        r2 = 32 * io
        cvals = [plsc.load_gather(commv, [r2 + c]) for c in range(4)]
        cidx = [plsc.bitcast(plsc.load_gather(commv, [r2 + 4 + c]),
                             jnp.int32) for c in range(4)]
        cx1 = [plsc.load_gather(commv, [r2 + 16 + 4 * c]) for c in range(4)]
        cy1 = [plsc.load_gather(commv, [r2 + 16 + 4 * c + 1])
               for c in range(4)]
        cx2 = [plsc.load_gather(commv, [r2 + 16 + 4 * c + 2])
               for c in range(4)]
        cy2 = [plsc.load_gather(commv, [r2 + 16 + 4 * c + 3])
               for c in range(4)]
        car = [(cx2[c] - cx1[c]) * (cy2[c] - cy1[c]) for c in range(4)]
        ov4, oi4 = cvals[3], cidx[3]
        cur = list(cvals)
        winners = []
        first_take = None
        for _step in range(4):
            mx01 = jnp.maximum(cur[0], cur[1])
            mx23 = jnp.maximum(cur[2], cur[3])
            mx = jnp.maximum(mx01, mx23)
            cv = jnp.max(mx)
            cvv = jnp.full((16,), cv, jnp.float32)
            cand = jnp.minimum(
                jnp.minimum(jnp.where(cur[0] == cvv, cidx[0], IMAX),
                            jnp.where(cur[1] == cvv, cidx[1], IMAX)),
                jnp.minimum(jnp.where(cur[2] == cvv, cidx[2], IMAX),
                            jnp.where(cur[3] == cvv, cidx[3], IMAX)))
            ci = jnp.min(cand)
            civ = jnp.full((16,), ci, jnp.int32)
            valid = cv > VTHR
            uncov = mx < VTHR
            unsafe_l = uncov & ((ov4 > cvv) | ((ov4 == cvv) & (oi4 < civ)))
            unsafe = jnp.max(jnp.where(unsafe_l, 1, 0)) > 0
            take = valid & jnp.logical_not(unsafe) & (nwin < MAX_DET)
            if first_take is None:
                first_take = take
            else:
                take = take & prev_take
            prev_take = take
            takev = jnp.full((16,), take)
            mts = [(cidx[c] == civ) & (cur[c] == cvv) for c in range(4)]
            def wred(arrs):
                r = jnp.maximum(
                    jnp.maximum(jnp.where(mts[0], arrs[0], NEG),
                                jnp.where(mts[1], arrs[1], NEG)),
                    jnp.maximum(jnp.where(mts[2], arrs[2], NEG),
                                jnp.where(mts[3], arrs[3], NEG)))
                return jnp.max(r)
            wx1 = wred(cx1)
            wy1 = wred(cy1)
            wx2 = wred(cx2)
            wy2 = wred(cy2)
            wa = wred(car)
            wx1v = jnp.full((16,), wx1, jnp.float32)
            wy1v = jnp.full((16,), wy1, jnp.float32)
            wx2v = jnp.full((16,), wx2, jnp.float32)
            wy2v = jnp.full((16,), wy2, jnp.float32)
            wav = jnp.full((16,), wa, jnp.float32)
            outrow = jnp.where(io == 0, wx1v,
                     jnp.where(io == 1, wy1v,
                     jnp.where(io == 2, wx2v,
                     jnp.where(io == 3, wy2v,
                     jnp.where(io == 4, cvv, jnp.float32(0.0))))))
            plsc.store_scatter(outv, [jnp.full((16,), nwin, jnp.int32), io],
                               outrow, mask=(io < 5) & takev)
            nwin = nwin + jnp.where(take, 1, 0).astype(jnp.int32)
            winners.append((takev, civ, wx1v, wy1v, wx2v, wy2v, wav))
            for c in range(4):
                ltx = jnp.maximum(wx1v, cx1[c])
                lty = jnp.maximum(wy1v, cy1[c])
                rbx = jnp.minimum(wx2v, cx2[c])
                rby = jnp.minimum(wy2v, cy2[c])
                w = jnp.maximum(rbx - ltx, jnp.float32(0.0))
                h = jnp.maximum(rby - lty, jnp.float32(0.0))
                inter = w * h
                iou = inter / (wav + car[c] - inter + np.float32(1e-8))
                supp = ((iou > IOU_THRESH) | (cidx[c] == civ)) & takev
                cur[c] = jnp.where(supp, NEG, cur[c])
        more = first_take
        def supp_one(j, t):
            s = pl.ds(j * 16, 16)
            bx1 = x1v[s]
            by1 = y1v[s]
            bx2 = x2v[s]
            by2 = y2v[s]
            ba = areav[s]
            gi = (base + j * 16) + io
            supp = gi != gi
            for takev, civ, wx1v, wy1v, wx2v, wy2v, wav in winners:
                ltx = jnp.maximum(wx1v, bx1)
                lty = jnp.maximum(wy1v, by1)
                rbx = jnp.minimum(wx2v, bx2)
                rby = jnp.minimum(wy2v, by2)
                w = jnp.maximum(rbx - ltx, jnp.float32(0.0))
                h = jnp.maximum(rby - lty, jnp.float32(0.0))
                inter = w * h
                iou = inter / (wav + ba - inter + np.float32(1e-8))
                supp = supp | (((iou > IOU_THRESH) | (gi == civ)) & takev)
            sc = jnp.where(supp, NEG, scm[s])
            scm[s] = sc
            return _insert4(sc, gi, t)

        def supp_j(jo, t):
            for u in range(UNROLL):
                t = supp_one(jo * UNROLL + u, t)
            return t

        t = lax.fori_loop(0, N_SLICE // UNROLL, supp_j, _top4_init())
        nvs, nis = _extract4(t)
        return (nwin, more, rnd + 1, nvs[0], nvs[1], nvs[2], nvs[3],
                nis[0], nis[1], nis[2], nis[3])

    def round_cond(carry):
        nwin, more, *_ = carry
        return (nwin < MAX_DET) & more

    lax.while_loop(round_cond, round_body,
                   (jnp.int32(0), jnp.bool_(True), jnp.int32(0),
                    cv0[0], cv0[1], cv0[2], cv0[3],
                    ci0[0], ci0[1], ci0[2], ci0[3]))

    @pl.when(jnp.logical_and(cid == 0, sid == 0))
    def _():
        pltpu.sync_copy(outv, outh)


@jax.jit
def kernel(boxes, scores):
    mesh = plsc.VectorSubcoreMesh(core_axis_name="c", subcore_axis_name="s",
                                  num_cores=1)
    run = functools.partial(
        pl.kernel,
        mesh=mesh,
        compiler_params=pltpu.CompilerParams(needs_layout_passes=False),
        out_type=(jax.ShapeDtypeStruct((MAX_DET, 5), jnp.float32),
                  jax.ShapeDtypeStruct((2, 512), jnp.float32)),
        scratch_types=[
            pltpu.VMEM((LPAD,), jnp.float32),
            pltpu.VMEM((LPAD,), jnp.float32),
            pltpu.VMEM((LPAD,), jnp.float32),
            pltpu.VMEM((LPAD,), jnp.float32),
            pltpu.VMEM((LPAD,), jnp.float32),
            pltpu.VMEM((LPAD,), jnp.float32),
            pltpu.VMEM((32,), jnp.float32),
            pltpu.VMEM((512,), jnp.float32),
            pltpu.VMEM((MAX_DET, 5), jnp.float32),
        ],
    )(_nms_body)
    pad = LPAD * N_SUB - N_BOXES
    x1 = jnp.concatenate([boxes[:, 0], jnp.zeros((pad,), jnp.float32)])
    y1 = jnp.concatenate([boxes[:, 1], jnp.zeros((pad,), jnp.float32)])
    x2 = jnp.concatenate([boxes[:, 2], jnp.zeros((pad,), jnp.float32)])
    y2 = jnp.concatenate([boxes[:, 3], jnp.zeros((pad,), jnp.float32)])
    sc = jnp.concatenate([scores, jnp.full((pad,), NEG, jnp.float32)])
    out, _ = run(x1, y1, x2, y2, sc)
    return out

# --- scband reference (transcript-rebuilt; emitter-appended) ---
"""Pipeline reference for scband-interaction-head-26800595927188 (READ-ONLY COPY).

The authoritative reference and input builder live on the scoring server;
editing this copy changes nothing except your own understanding.
"""

import jax, jax.numpy as jnp
import numpy as np

N_BOXES = 20000
MAX_DET = 30
IOU_THRESH = 0.5
SCORE_THRESH = 0.2
NEG_INF = jnp.float32(-1e30)


def setup_inputs(seed: int = 0) -> dict:
    key = jax.random.key(seed)
    k1, k2, k3 = jax.random.split(key, 3)
    centers = jax.random.uniform(k1, (N_BOXES, 2), dtype=jnp.float32) * 1000.0
    sizes = jax.random.uniform(k2, (N_BOXES, 2), dtype=jnp.float32) * 100.0 + 1.0
    boxes = jnp.concatenate([centers - sizes * 0.5, centers + sizes * 0.5], axis=1)
    scores = jax.random.uniform(k3, (N_BOXES,), dtype=jnp.float32)
    return {"boxes": boxes, "scores": scores}


def _iou_one_to_many(box, boxes):
    area1 = (box[2] - box[0]) * (box[3] - box[1])
    areas = (boxes[:, 2] - boxes[:, 0]) * (boxes[:, 3] - boxes[:, 1])
    lt = jnp.maximum(box[:2], boxes[:, :2])
    rb = jnp.minimum(box[2:], boxes[:, 2:])
    wh = jnp.clip(rb - lt, 0.0)
    inter = wh[:, 0] * wh[:, 1]
    return inter / (area1 + areas - inter + 1e-8)


def _nms_select(boxes, scores):
    # score threshold (box_score_thresh), then greedy NMS (box_nms_thresh),
    # keeping at most max_subject + max_object detections, like
    # InteractionHead.preprocess filtering + detection suppression.
    sc0 = jnp.where(scores >= SCORE_THRESH, scores, NEG_INF)

    def body(i, state):
        sc, keep, mask = state
        idx = jnp.argmax(sc)
        val = sc[idx]
        valid = val > NEG_INF * 0.5
        keep = keep.at[i].set(idx.astype(jnp.int32))
        mask = mask.at[i].set(valid.astype(jnp.float32))
        iou = _iou_one_to_many(boxes[idx], boxes)
        sc = jnp.where((iou > IOU_THRESH) & valid, NEG_INF, sc)
        sc = sc.at[idx].set(NEG_INF)
        return (sc, keep, mask)

    init = (sc0,
            jnp.zeros((MAX_DET,), dtype=jnp.int32),
            jnp.zeros((MAX_DET,), dtype=jnp.float32))
    _, keep, mask = jax.lax.fori_loop(0, MAX_DET, body, init)
    return keep, mask


def reference(boxes, scores):
    keep, mask = _nms_select(boxes, scores)
    kept_boxes = jnp.take(boxes, keep, axis=0) * mask[:, None]
    kept_scores = jnp.take(scores, keep) * mask
    # (MAX_DET, 5): [x1, y1, x2, y2, score]; invalid slots zeroed
    return jnp.concatenate([kept_boxes, kept_scores[:, None]], axis=1)

if __name__ == "__main__":
    import jax
    _d = setup_inputs()
    print(jax.jit(kernel)(*tuple(_d.values())))

</pallas_src>

<mosaic_0001>
#map = affine_map<(d0, d1) -> (0)>
#map1 = affine_map<(d0, d1) -> (0, 0)>
module attributes {stable_mosaic.version = 14 : i64} {
  func.func @_nms_body(%arg0: i32, %arg1: i32, %arg2: memref<20480xf32, #tpu.memory_space<hbm>>, %arg3: memref<20480xf32, #tpu.memory_space<hbm>>, %arg4: memref<20480xf32, #tpu.memory_space<hbm>>, %arg5: memref<20480xf32, #tpu.memory_space<hbm>>, %arg6: memref<20480xf32, #tpu.memory_space<hbm>>, %arg7: memref<30x5xf32, #tpu.memory_space<hbm>>, %arg8: memref<2x512xf32, #tpu.memory_space<hbm>>, %arg9: memref<1280xf32, #tpu.memory_space<vmem>>, %arg10: memref<1280xf32, #tpu.memory_space<vmem>>, %arg11: memref<1280xf32, #tpu.memory_space<vmem>>, %arg12: memref<1280xf32, #tpu.memory_space<vmem>>, %arg13: memref<1280xf32, #tpu.memory_space<vmem>>, %arg14: memref<1280xf32, #tpu.memory_space<vmem>>, %arg15: memref<32xf32, #tpu.memory_space<vmem>>, %arg16: memref<512xf32, #tpu.memory_space<vmem>>, %arg17: memref<30x5xf32, #tpu.memory_space<vmem>>) attributes {dimension_semantics = [#tpu.dimension_semantics<core_parallel>, #tpu.dimension_semantics<subcore_parallel>], iteration_bounds = array<i64: 1, 16>, scalar_prefetch = 0 : i64, scratch_operands = 9 : i64, tpu.core_type = #tpu.core_type<sc_vector_subcore>, window_params = [{transform_indices = #map}, {transform_indices = #map}, {transform_indices = #map}, {transform_indices = #map}, {transform_indices = #map}, {transform_indices = #map1}, {transform_indices = #map1}]} {
    %mul3A = arith.constant 1280 : i32
    %mul3A_0 = arith.muli %arg1, %mul3A : i32
    %iota3A = tpu.iota {dimensions = array<i32: 0>} : vector<16xi32>
    %and3A = arith.constant 3 : i32
    %and3A_1 = vector.broadcast %and3A : i32 to vector<16xi32>
    %and3A_2 = arith.andi %iota3A, %and3A_1 : vector<16xi32>
    %broadcast_in_dim3A = arith.constant 0 : i32
    %broadcast_in_dim3A_3 = vector.broadcast %broadcast_in_dim3A : i32 to vector<16xi32>
    %broadcast_in_dim3A_4 = arith.constant 0.000000e+00 : f32
    %broadcast_in_dim3A_5 = vector.broadcast %broadcast_in_dim3A_4 : f32 to vector<16xf32>
    "tpu.region"() ({
      %run_scoped3A = tpu.sem_alloc : memref<!tpu.dma_semaphore, #tpu.memory_space<semaphore_mem>>
      %dma_start3A = tpu.memref_slice %arg2[%mul3A_0] : memref<20480xf32, #tpu.memory_space<hbm>> -> memref<1280xf32, #tpu.memory_space<hbm>>
      %dma_start3A_276 = tpu.memref_slice %arg2[%mul3A_0] : memref<20480xf32, #tpu.memory_space<hbm>> -> memref<1280xf32, #tpu.memory_space<hbm>>
      tpu.enqueue_dma source(%dma_start3A_276 : memref<1280xf32, #tpu.memory_space<hbm>>) target(%arg9 : memref<1280xf32, #tpu.memory_space<vmem>>) target_semaphore(%run_scoped3A : memref<!tpu.dma_semaphore, #tpu.memory_space<semaphore_mem>>)
      %dma_wait3A = tpu.memref_slice %arg2[%mul3A_0] : memref<20480xf32, #tpu.memory_space<hbm>> -> memref<1280xf32, #tpu.memory_space<hbm>>
      %dma_wait3A_277 = tpu.memref_slice %arg2[%mul3A_0] : memref<20480xf32, #tpu.memory_space<hbm>> -> memref<1280xf32, #tpu.memory_space<hbm>>
      tpu.wait_dma2 semaphore(%run_scoped3A : memref<!tpu.dma_semaphore, #tpu.memory_space<semaphore_mem>>) src(%dma_wait3A_277 : memref<1280xf32, #tpu.memory_space<hbm>>) dst(%arg9 : memref<1280xf32, #tpu.memory_space<vmem>>)
      tpu.yield
    }) : () -> ()
    "tpu.region"() ({
      %run_scoped3A = tpu.sem_alloc : memref<!tpu.dma_semaphore, #tpu.memory_space<semaphore_mem>>
      %dma_start3A = tpu.memref_slice %arg3[%mul3A_0] : memref<20480xf32, #tpu.memory_space<hbm>> -> memref<1280xf32, #tpu.memory_space<hbm>>
      %dma_start3A_276 = tpu.memref_slice %arg3[%mul3A_0] : memref<20480xf32, #tpu.memory_space<hbm>> -> memref<1280xf32, #tpu.memory_space<hbm>>
      tpu.enqueue_dma source(%dma_start3A_276 : memref<1280xf32, #tpu.memory_space<hbm>>) target(%arg10 : memref<1280xf32, #tpu.memory_space<vmem>>) target_semaphore(%run_scoped3A : memref<!tpu.dma_semaphore, #tpu.memory_space<semaphore_mem>>)
      %dma_wait3A = tpu.memref_slice %arg3[%mul3A_0] : memref<20480xf32, #tpu.memory_space<hbm>> -> memref<1280xf32, #tpu.memory_space<hbm>>
      %dma_wait3A_277 = tpu.memref_slice %arg3[%mul3A_0] : memref<20480xf32, #tpu.memory_space<hbm>> -> memref<1280xf32, #tpu.memory_space<hbm>>
      tpu.wait_dma2 semaphore(%run_scoped3A : memref<!tpu.dma_semaphore, #tpu.memory_space<semaphore_mem>>) src(%dma_wait3A_277 : memref<1280xf32, #tpu.memory_space<hbm>>) dst(%arg10 : memref<1280xf32, #tpu.memory_space<vmem>>)
      tpu.yield
    }) : () -> ()
    "tpu.region"() ({
      %run_scoped3A = tpu.sem_alloc : memref<!tpu.dma_semaphore, #tpu.memory_space<semaphore_mem>>
      %dma_start3A = tpu.memref_slice %arg4[%mul3A_0] : memref<20480xf32, #tpu.memory_space<hbm>> -> memref<1280xf32, #tpu.memory_space<hbm>>
      %dma_start3A_276 = tpu.memref_slice %arg4[%mul3A_0] : memref<20480xf32, #tpu.memory_space<hbm>> -> memref<1280xf32, #tpu.memory_space<hbm>>
      tpu.enqueue_dma source(%dma_start3A_276 : memref<1280xf32, #tpu.memory_space<hbm>>) target(%arg11 : memref<1280xf32, #tpu.memory_space<vmem>>) target_semaphore(%run_scoped3A : memref<!tpu.dma_semaphore, #tpu.memory_space<semaphore_mem>>)
      %dma_wait3A = tpu.memref_slice %arg4[%mul3A_0] : memref<20480xf32, #tpu.memory_space<hbm>> -> memref<1280xf32, #tpu.memory_space<hbm>>
      %dma_wait3A_277 = tpu.memref_slice %arg4[%mul3A_0] : memref<20480xf32, #tpu.memory_space<hbm>> -> memref<1280xf32, #tpu.memory_space<hbm>>
      tpu.wait_dma2 semaphore(%run_scoped3A : memref<!tpu.dma_semaphore, #tpu.memory_space<semaphore_mem>>) src(%dma_wait3A_277 : memref<1280xf32, #tpu.memory_space<hbm>>) dst(%arg11 : memref<1280xf32, #tpu.memory_space<vmem>>)
      tpu.yield
    }) : () -> ()
    "tpu.region"() ({
      %run_scoped3A = tpu.sem_alloc : memref<!tpu.dma_semaphore, #tpu.memory_space<semaphore_mem>>
      %dma_start3A = tpu.memref_slice %arg5[%mul3A_0] : memref<20480xf32, #tpu.memory_space<hbm>> -> memref<1280xf32, #tpu.memory_space<hbm>>
      %dma_start3A_276 = tpu.memref_slice %arg5[%mul3A_0] : memref<20480xf32, #tpu.memory_space<hbm>> -> memref<1280xf32, #tpu.memory_space<hbm>>
      tpu.enqueue_dma source(%dma_start3A_276 : memref<1280xf32, #tpu.memory_space<hbm>>) target(%arg12 : memref<1280xf32, #tpu.memory_space<vmem>>) target_semaphore(%run_scoped3A : memref<!tpu.dma_semaphore, #tpu.memory_space<semaphore_mem>>)
      %dma_wait3A = tpu.memref_slice %arg5[%mul3A_0] : memref<20480xf32, #tpu.memory_space<hbm>> -> memref<1280xf32, #tpu.memory_space<hbm>>
      %dma_wait3A_277 = tpu.memref_slice %arg5[%mul3A_0] : memref<20480xf32, #tpu.memory_space<hbm>> -> memref<1280xf32, #tpu.memory_space<hbm>>
      tpu.wait_dma2 semaphore(%run_scoped3A : memref<!tpu.dma_semaphore, #tpu.memory_space<semaphore_mem>>) src(%dma_wait3A_277 : memref<1280xf32, #tpu.memory_space<hbm>>) dst(%arg12 : memref<1280xf32, #tpu.memory_space<vmem>>)
      tpu.yield
    }) : () -> ()
    "tpu.region"() ({
      %run_scoped3A = tpu.sem_alloc : memref<!tpu.dma_semaphore, #tpu.memory_space<semaphore_mem>>
      %dma_start3A = tpu.memref_slice %arg6[%mul3A_0] : memref<20480xf32, #tpu.memory_space<hbm>> -> memref<1280xf32, #tpu.memory_space<hbm>>
      %dma_start3A_276 = tpu.memref_slice %arg6[%mul3A_0] : memref<20480xf32, #tpu.memory_space<hbm>> -> memref<1280xf32, #tpu.memory_space<hbm>>
      tpu.enqueue_dma source(%dma_start3A_276 : memref<1280xf32, #tpu.memory_space<hbm>>) target(%arg14 : memref<1280xf32, #tpu.memory_space<vmem>>) target_semaphore(%run_scoped3A : memref<!tpu.dma_semaphore, #tpu.memory_space<semaphore_mem>>)
      %dma_wait3A = tpu.memref_slice %arg6[%mul3A_0] : memref<20480xf32, #tpu.memory_space<hbm>> -> memref<1280xf32, #tpu.memory_space<hbm>>
      %dma_wait3A_277 = tpu.memref_slice %arg6[%mul3A_0] : memref<20480xf32, #tpu.memory_space<hbm>> -> memref<1280xf32, #tpu.memory_space<hbm>>
      tpu.wait_dma2 semaphore(%run_scoped3A : memref<!tpu.dma_semaphore, #tpu.memory_space<semaphore_mem>>) src(%dma_wait3A_277 : memref<1280xf32, #tpu.memory_space<hbm>>) dst(%arg14 : memref<1280xf32, #tpu.memory_space<vmem>>)
      tpu.yield
    }) : () -> ()
    %scan3A = arith.constant 0 : i32
    %scan3A_6 = arith.constant 0 : i32
    %scan3A_7 = arith.constant 30 : i32
    %scan3A_8 = arith.addi %scan3A_6, %scan3A_7 : i32
    %scan3A_9 = arith.constant 1 : i32
    %scan3A_10 = scf.for %scan3A_276 = %scan3A_6 to %scan3A_8 step %scan3A_9 iter_args(%scan3A_277 = %scan3A) -> (i32)  : i32 {
      %broadcast_in_dim3A_278 = vector.broadcast %scan3A_276 : i32 to vector<16xi32>
      %lt3A = arith.constant 5 : i32
      %lt3A_279 = vector.broadcast %lt3A : i32 to vector<16xi32>
      %lt3A_280 = arith.cmpi slt, %iota3A, %lt3A_279 : vector<16xi32>
      tpu.vector_store_idx %arg17[%broadcast_in_dim3A_278, %iota3A], %broadcast_in_dim3A_5 masked %lt3A_280 : memref<30x5xf32, #tpu.memory_space<vmem>>[vector<16xi32>, vector<16xi32>], vector<16xf32>, vector<16xi1>
      %scan3A_281 = arith.constant 0 : i32
      scf.yield %scan3A_281 : i32
    }
    %scan3A_11 = arith.constant 30 : i32
    %broadcast_in_dim3A_12 = arith.constant -1.000000e+30 : f32
    %broadcast_in_dim3A_13 = vector.broadcast %broadcast_in_dim3A_12 : f32 to vector<16xf32>
    %broadcast_in_dim3A_14 = arith.constant -1.000000e+30 : f32
    %broadcast_in_dim3A_15 = vector.broadcast %broadcast_in_dim3A_14 : f32 to vector<16xf32>
    %broadcast_in_dim3A_16 = arith.constant -1.000000e+30 : f32
    %broadcast_in_dim3A_17 = vector.broadcast %broadcast_in_dim3A_16 : f32 to vector<16xf32>
    %broadcast_in_dim3A_18 = arith.constant -1.000000e+30 : f32
    %broadcast_in_dim3A_19 = vector.broadcast %broadcast_in_dim3A_18 : f32 to vector<16xf32>
    %broadcast_in_dim3A_20 = arith.constant 0 : i32
    %broadcast_in_dim3A_21 = vector.broadcast %broadcast_in_dim3A_20 : i32 to vector<16xi32>
    %broadcast_in_dim3A_22 = arith.constant 0 : i32
    %broadcast_in_dim3A_23 = vector.broadcast %broadcast_in_dim3A_22 : i32 to vector<16xi32>
    %broadcast_in_dim3A_24 = arith.constant 0 : i32
    %broadcast_in_dim3A_25 = vector.broadcast %broadcast_in_dim3A_24 : i32 to vector<16xi32>
    %broadcast_in_dim3A_26 = arith.constant 0 : i32
    %broadcast_in_dim3A_27 = vector.broadcast %broadcast_in_dim3A_26 : i32 to vector<16xi32>
    %scan3A_28 = arith.constant 0 : i32
    %scan3A_29 = arith.constant 20 : i32
    %scan3A_30 = arith.addi %scan3A_28, %scan3A_29 : i32
    %scan3A_31 = arith.constant 1 : i32
    %scan3A_32:8 = scf.for %scan3A_276 = %scan3A_28 to %scan3A_30 step %scan3A_31 iter_args(%scan3A_277 = %broadcast_in_dim3A_13, %scan3A_278 = %broadcast_in_dim3A_15, %scan3A_279 = %broadcast_in_dim3A_17, %scan3A_280 = %broadcast_in_dim3A_19, %scan3A_281 = %broadcast_in_dim3A_21, %scan3A_282 = %broadcast_in_dim3A_23, %scan3A_283 = %broadcast_in_dim3A_25, %scan3A_284 = %broadcast_in_dim3A_27) -> (vector<16xf32>, vector<16xf32>, vector<16xf32>, vector<16xf32>, vector<16xi32>, vector<16xi32>, vector<16xi32>, vector<16xi32>)  : i32 {
      %mul3A_285 = arith.constant 4 : i32
      %mul3A_286 = arith.muli %scan3A_276, %mul3A_285 : i32
      %add3A = arith.constant 0 : i32
      %add3A_287 = arith.addi %mul3A_286, %add3A : i32
      %mul3A_288 = arith.constant 16 : i32
      %mul3A_289 = arith.muli %add3A_287, %mul3A_288 : i32
      %get3A = arith.index_cast %mul3A_289 : i32 to index
      %get3A_290 = tpu.vector_load %arg9[%get3A] {strides = array<i32>} : memref<1280xf32, #tpu.memory_space<vmem>>, vector<16xf32>,
      %get3A_291 = arith.index_cast %mul3A_289 : i32 to index
      %get3A_292 = tpu.vector_load %arg10[%get3A_291] {strides = array<i32>} : memref<1280xf32, #tpu.memory_space<vmem>>, vector<16xf32>,
      %get3A_293 = arith.index_cast %mul3A_289 : i32 to index
      %get3A_294 = tpu.vector_load %arg11[%get3A_293] {strides = array<i32>} : memref<1280xf32, #tpu.memory_space<vmem>>, vector<16xf32>,
      %get3A_295 = arith.index_cast %mul3A_289 : i32 to index
      %get3A_296 = tpu.vector_load %arg12[%get3A_295] {strides = array<i32>} : memref<1280xf32, #tpu.memory_space<vmem>>, vector<16xf32>,
      %sub3A = arith.subf %get3A_294, %get3A_290 : vector<16xf32>
      %sub3A_297 = arith.subf %get3A_296, %get3A_292 : vector<16xf32>
      %mul3A_298 = arith.mulf %sub3A, %sub3A_297 : vector<16xf32>
      %swap3A = arith.index_cast %mul3A_289 : i32 to index
      %swap3A_299 = tpu.vector_load %arg13[%swap3A] {strides = array<i32>} : memref<1280xf32, #tpu.memory_space<vmem>>, vector<16xf32>,
      tpu.vector_store %arg13[%swap3A], %mul3A_298 {strides = array<i32>} : memref<1280xf32, #tpu.memory_space<vmem>>, vector<16xf32>,
      %get3A_300 = arith.index_cast %mul3A_289 : i32 to index
      %get3A_301 = tpu.vector_load %arg14[%get3A_300] {strides = array<i32>} : memref<1280xf32, #tpu.memory_space<vmem>>, vector<16xf32>,
      %ge3A = arith.constant 2.000000e-01 : f32
      %ge3A_302 = vector.broadcast %ge3A : f32 to vector<16xf32>
      %ge3A_303 = arith.cmpf oge, %get3A_301, %ge3A_302 : vector<16xf32>
      %jit3A_304 = arith.constant -1.000000e+30 : f32
      %broadcast_in_dim3A_305 = vector.broadcast %jit3A_304 : f32 to vector<16xf32>
      %select_n3A_306 = arith.select %ge3A_303, %get3A_301, %broadcast_in_dim3A_305 : vector<16xi1>, vector<16xf32>
      %swap3A_307 = arith.index_cast %mul3A_289 : i32 to index
      %swap3A_308 = tpu.vector_load %arg14[%swap3A_307] {strides = array<i32>} : memref<1280xf32, #tpu.memory_space<vmem>>, vector<16xf32>,
      tpu.vector_store %arg14[%swap3A_307], %select_n3A_306 {strides = array<i32>} : memref<1280xf32, #tpu.memory_space<vmem>>, vector<16xf32>,
      %mul3A_309 = arith.constant 16 : i32
      %mul3A_310 = arith.muli %add3A_287, %mul3A_309 : i32
      %add3A_311 = arith.addi %mul3A_0, %mul3A_310 : i32
      %add3A_312 = vector.broadcast %add3A_311 : i32 to vector<16xi32>
      %add3A_313 = arith.addi %add3A_312, %iota3A : vector<16xi32>
      %gt3A = arith.cmpf ogt, %select_n3A_306, %scan3A_277 : vector<16xf32>
      %select_n3A_314 = arith.select %gt3A, %select_n3A_306, %scan3A_277 : vector<16xi1>, vector<16xf32>
      %select_n3A_315 = arith.select %gt3A, %add3A_313, %scan3A_281 : vector<16xi1>, vector<16xi32>
      %select_n3A_316 = arith.select %gt3A, %scan3A_277, %select_n3A_306 : vector<16xi1>, vector<16xf32>
      %select_n3A_317 = arith.select %gt3A, %scan3A_281, %add3A_313 : vector<16xi1>, vector<16xi32>
      %gt3A_318 = arith.cmpf ogt, %select_n3A_316, %scan3A_278 : vector<16xf32>
      %select_n3A_319 = arith.select %gt3A_318, %select_n3A_316, %scan3A_278 : vector<16xi1>, vector<16xf32>
      %select_n3A_320 = arith.select %gt3A_318, %select_n3A_317, %scan3A_282 : vector<16xi1>, vector<16xi32>
      %select_n3A_321 = arith.select %gt3A_318, %scan3A_278, %select_n3A_316 : vector<16xi1>, vector<16xf32>
      %select_n3A_322 = arith.select %gt3A_318, %scan3A_282, %select_n3A_317 : vector<16xi1>, vector<16xi32>
      %gt3A_323 = arith.cmpf ogt, %select_n3A_321, %scan3A_279 : vector<16xf32>
      %select_n3A_324 = arith.select %gt3A_323, %select_n3A_321, %scan3A_279 : vector<16xi1>, vector<16xf32>
      %select_n3A_325 = arith.select %gt3A_323, %select_n3A_322, %scan3A_283 : vector<16xi1>, vector<16xi32>
      %select_n3A_326 = arith.select %gt3A_323, %scan3A_279, %select_n3A_321 : vector<16xi1>, vector<16xf32>
      %select_n3A_327 = arith.select %gt3A_323, %scan3A_283, %select_n3A_322 : vector<16xi1>, vector<16xi32>
      %gt3A_328 = arith.cmpf ogt, %select_n3A_326, %scan3A_280 : vector<16xf32>
      %select_n3A_329 = arith.select %gt3A_328, %select_n3A_326, %scan3A_280 : vector<16xi1>, vector<16xf32>
      %select_n3A_330 = arith.select %gt3A_328, %select_n3A_327, %scan3A_284 : vector<16xi1>, vector<16xi32>
      %mul3A_331 = arith.constant 4 : i32
      %mul3A_332 = arith.muli %scan3A_276, %mul3A_331 : i32
      %add3A_333 = arith.constant 1 : i32
      %add3A_334 = arith.addi %mul3A_332, %add3A_333 : i32
      %mul3A_335 = arith.constant 16 : i32
      %mul3A_336 = arith.muli %add3A_334, %mul3A_335 : i32
      %get3A_337 = arith.index_cast %mul3A_336 : i32 to index
      %get3A_338 = tpu.vector_load %arg9[%get3A_337] {strides = array<i32>} : memref<1280xf32, #tpu.memory_space<vmem>>, vector<16xf32>,
      %get3A_339 = arith.index_cast %mul3A_336 : i32 to index
      %get3A_340 = tpu.vector_load %arg10[%get3A_339] {strides = array<i32>} : memref<1280xf32, #tpu.memory_space<vmem>>, vector<16xf32>,
      %get3A_341 = arith.index_cast %mul3A_336 : i32 to index
      %get3A_342 = tpu.vector_load %arg11[%get3A_341] {strides = array<i32>} : memref<1280xf32, #tpu.memory_space<vmem>>, vector<16xf32>,
      %get3A_343 = arith.index_cast %mul3A_336 : i32 to index
      %get3A_344 = tpu.vector_load %arg12[%get3A_343] {strides = array<i32>} : memref<1280xf32, #tpu.memory_space<vmem>>, vector<16xf32>,
      %sub3A_345 = arith.subf %get3A_342, %get3A_338 : vector<16xf32>
      %sub3A_346 = arith.subf %get3A_344, %get3A_340 : vector<16xf32>
      %mul3A_347 = arith.mulf %sub3A_345, %sub3A_346 : vector<16xf32>
      %swap3A_348 = arith.index_cast %mul3A_336 : i32 to index
      %swap3A_349 = tpu.vector_load %arg13[%swap3A_348] {strides = array<i32>} : memref<1280xf32, #tpu.memory_space<vmem>>, vector<16xf32>,
      tpu.vector_store %arg13[%swap3A_348], %mul3A_347 {strides = array<i32>} : memref<1280xf32, #tpu.memory_space<vmem>>, vector<16xf32>,
      %get3A_350 = arith.index_cast %mul3A_336 : i32 to index
      %get3A_351 = tpu.vector_load %arg14[%get3A_350] {strides = array<i32>} : memref<1280xf32, #tpu.memory_space<vmem>>, vector<16xf32>,
      %ge3A_352 = arith.constant 2.000000e-01 : f32
      %ge3A_353 = vector.broadcast %ge3A_352 : f32 to vector<16xf32>
      %ge3A_354 = arith.cmpf oge, %get3A_351, %ge3A_353 : vector<16xf32>
      %jit3A_355 = arith.constant -1.000000e+30 : f32
      %broadcast_in_dim3A_356 = vector.broadcast %jit3A_355 : f32 to vector<16xf32>
      %select_n3A_357 = arith.select %ge3A_354, %get3A_351, %broadcast_in_dim3A_356 : vector<16xi1>, vector<16xf32>
      %swap3A_358 = arith.index_cast %mul3A_336 : i32 to index
      %swap3A_359 = tpu.vector_load %arg14[%swap3A_358] {strides = array<i32>} : memref<1280xf32, #tpu.memory_space<vmem>>, vector<16xf32>,
      tpu.vector_store %arg14[%swap3A_358], %select_n3A_357 {strides = array<i32>} : memref<1280xf32, #tpu.memory_space<vmem>>, vector<16xf32>,
      %mul3A_360 = arith.constant 16 : i32
      %mul3A_361 = arith.muli %add3A_334, %mul3A_360 : i32
      %add3A_362 = arith.addi %mul3A_0, %mul3A_361 : i32
      %add3A_363 = vector.broadcast %add3A_362 : i32 to vector<16xi32>
      %add3A_364 = arith.addi %add3A_363, %iota3A : vector<16xi32>
      %gt3A_365 = arith.cmpf ogt, %select_n3A_357, %select_n3A_314 : vector<16xf32>
      %select_n3A_366 = arith.select %gt3A_365, %select_n3A_357, %select_n3A_314 : vector<16xi1>, vector<16xf32>
      %select_n3A_367 = arith.select %gt3A_365, %add3A_364, %select_n3A_315 : vector<16xi1>, vector<16xi32>
      %select_n3A_368 = arith.select %gt3A_365, %select_n3A_314, %select_n3A_357 : vector<16xi1>, vector<16xf32>
      %select_n3A_369 = arith.select %gt3A_365, %select_n3A_315, %add3A_364 : vector<16xi1>, vector<16xi32>
      %gt3A_370 = arith.cmpf ogt, %select_n3A_368, %select_n3A_319 : vector<16xf32>
      %select_n3A_371 = arith.select %gt3A_370, %select_n3A_368, %select_n3A_319 : vector<16xi1>, vector<16xf32>
      %select_n3A_372 = arith.select %gt3A_370, %select_n3A_369, %select_n3A_320 : vector<16xi1>, vector<16xi32>
      %select_n3A_373 = arith.select %gt3A_370, %select_n3A_319, %select_n3A_368 : vector<16xi1>, vector<16xf32>
      %select_n3A_374 = arith.select %gt3A_370, %select_n3A_320, %select_n3A_369 : vector<16xi1>, vector<16xi32>
      %gt3A_375 = arith.cmpf ogt, %select_n3A_373, %select_n3A_324 : vector<16xf32>
      %select_n3A_376 = arith.select %gt3A_375, %select_n3A_373, %select_n3A_324 : vector<16xi1>, vector<16xf32>
      %select_n3A_377 = arith.select %gt3A_375, %select_n3A_374, %select_n3A_325 : vector<16xi1>, vector<16xi32>
      %select_n3A_378 = arith.select %gt3A_375, %select_n3A_324, %select_n3A_373 : vector<16xi1>, vector<16xf32>
      %select_n3A_379 = arith.select %gt3A_375, %select_n3A_325, %select_n3A_374 : vector<16xi1>, vector<16xi32>
      %gt3A_380 = arith.cmpf ogt, %select_n3A_378, %select_n3A_329 : vector<16xf32>
      %select_n3A_381 = arith.select %gt3A_380, %select_n3A_378, %select_n3A_329 : vector<16xi1>, vector<16xf32>
      %select_n3A_382 = arith.select %gt3A_380, %select_n3A_379, %select_n3A_330 : vector<16xi1>, vector<16xi32>
      %mul3A_383 = arith.constant 4 : i32
      %mul3A_384 = arith.muli %scan3A_276, %mul3A_383 : i32
      %add3A_385 = arith.constant 2 : i32
      %add3A_386 = arith.addi %mul3A_384, %add3A_385 : i32
      %mul3A_387 = arith.constant 16 : i32
      %mul3A_388 = arith.muli %add3A_386, %mul3A_387 : i32
      %get3A_389 = arith.index_cast %mul3A_388 : i32 to index
      %get3A_390 = tpu.vector_load %arg9[%get3A_389] {strides = array<i32>} : memref<1280xf32, #tpu.memory_space<vmem>>, vector<16xf32>,
      %get3A_391 = arith.index_cast %mul3A_388 : i32 to index
      %get3A_392 = tpu.vector_load %arg10[%get3A_391] {strides = array<i32>} : memref<1280xf32, #tpu.memory_space<vmem>>, vector<16xf32>,
      %get3A_393 = arith.index_cast %mul3A_388 : i32 to index
      %get3A_394 = tpu.vector_load %arg11[%get3A_393] {strides = array<i32>} : memref<1280xf32, #tpu.memory_space<vmem>>, vector<16xf32>,
      %get3A_395 = arith.index_cast %mul3A_388 : i32 to index
      %get3A_396 = tpu.vector_load %arg12[%get3A_395] {strides = array<i32>} : memref<1280xf32, #tpu.memory_space<vmem>>, vector<16xf32>,
      %sub3A_397 = arith.subf %get3A_394, %get3A_390 : vector<16xf32>
      %sub3A_398 = arith.subf %get3A_396, %get3A_392 : vector<16xf32>
      %mul3A_399 = arith.mulf %sub3A_397, %sub3A_398 : vector<16xf32>
      %swap3A_400 = arith.index_cast %mul3A_388 : i32 to index
      %swap3A_401 = tpu.vector_load %arg13[%swap3A_400] {strides = array<i32>} : memref<1280xf32, #tpu.memory_space<vmem>>, vector<16xf32>,
      tpu.vector_store %arg13[%swap3A_400], %mul3A_399 {strides = array<i32>} : memref<1280xf32, #tpu.memory_space<vmem>>, vector<16xf32>,
      %get3A_402 = arith.index_cast %mul3A_388 : i32 to index
      %get3A_403 = tpu.vector_load %arg14[%get3A_402] {strides = array<i32>} : memref<1280xf32, #tpu.memory_space<vmem>>, vector<16xf32>,
      %ge3A_404 = arith.constant 2.000000e-01 : f32
      %ge3A_405 = vector.broadcast %ge3A_404 : f32 to vector<16xf32>
      %ge3A_406 = arith.cmpf oge, %get3A_403, %ge3A_405 : vector<16xf32>
      %jit3A_407 = arith.constant -1.000000e+30 : f32
      %broadcast_in_dim3A_408 = vector.broadcast %jit3A_407 : f32 to vector<16xf32>
      %select_n3A_409 = arith.select %ge3A_406, %get3A_403, %broadcast_in_dim3A_408 : vector<16xi1>, vector<16xf32>
      %swap3A_410 = arith.index_cast %mul3A_388 : i32 to index
      %swap3A_411 = tpu.vector_load %arg14[%swap3A_410] {strides = array<i32>} : memref<1280xf32, #tpu.memory_space<vmem>>, vector<16xf32>,
      tpu.vector_store %arg14[%swap3A_410], %select_n3A_409 {strides = array<i32>} : memref<1280xf32, #tpu.memory_space<vmem>>, vector<16xf32>,
      %mul3A_412 = arith.constant 16 : i32
      %mul3A_413 = arith.muli %add3A_386, %mul3A_412 : i32
      %add3A_414 = arith.addi %mul3A_0, %mul3A_413 : i32
      %add3A_415 = vector.broadcast %add3A_414 : i32 to vector<16xi32>
      %add3A_416 = arith.addi %add3A_415, %iota3A : vector<16xi32>
      %gt3A_417 = arith.cmpf ogt, %select_n3A_409, %select_n3A_366 : vector<16xf32>
      %select_n3A_418 = arith.select %gt3A_417, %select_n3A_409, %select_n3A_366 : vector<16xi1>, vector<16xf32>
      %select_n3A_419 = arith.select %gt3A_417, %add3A_416, %select_n3A_367 : vector<16xi1>, vector<16xi32>
      %select_n3A_420 = arith.select %gt3A_417, %select_n3A_366, %select_n3A_409 : vector<16xi1>, vector<16xf32>
      %select_n3A_421 = arith.select %gt3A_417, %select_n3A_367, %add3A_416 : vector<16xi1>, vector<16xi32>
      %gt3A_422 = arith.cmpf ogt, %select_n3A_420, %select_n3A_371 : vector<16xf32>
      %select_n3A_423 = arith.select %gt3A_422, %select_n3A_420, %select_n3A_371 : vector<16xi1>, vector<16xf32>
      %select_n3A_424 = arith.select %gt3A_422, %select_n3A_421, %select_n3A_372 : vector<16xi1>, vector<16xi32>
      %select_n3A_425 = arith.select %gt3A_422, %select_n3A_371, %select_n3A_420 : vector<16xi1>, vector<16xf32>
      %select_n3A_426 = arith.select %gt3A_422, %select_n3A_372, %select_n3A_421 : vector<16xi1>, vector<16xi32>
      %gt3A_427 = arith.cmpf ogt, %select_n3A_425, %select_n3A_376 : vector<16xf32>
      %select_n3A_428 = arith.select %gt3A_427, %select_n3A_425, %select_n3A_376 : vector<16xi1>, vector<16xf32>
      %select_n3A_429 = arith.select %gt3A_427, %select_n3A_426, %select_n3A_377 : vector<16xi1>, vector<16xi32>
      %select_n3A_430 = arith.select %gt3A_427, %select_n3A_376, %select_n3A_425 : vector<16xi1>, vector<16xf32>
      %select_n3A_431 = arith.select %gt3A_427, %select_n3A_377, %select_n3A_426 : vector<16xi1>, vector<16xi32>
      %gt3A_432 = arith.cmpf ogt, %select_n3A_430, %select_n3A_381 : vector<16xf32>
      %select_n3A_433 = arith.select %gt3A_432, %select_n3A_430, %select_n3A_381 : vector<16xi1>, vector<16xf32>
      %select_n3A_434 = arith.select %gt3A_432, %select_n3A_431, %select_n3A_382 : vector<16xi1>, vector<16xi32>
      %mul3A_435 = arith.constant 4 : i32
      %mul3A_436 = arith.muli %scan3A_276, %mul3A_435 : i32
      %add3A_437 = arith.constant 3 : i32
      %add3A_438 = arith.addi %mul3A_436, %add3A_437 : i32
      %mul3A_439 = arith.constant 16 : i32
      %mul3A_440 = arith.muli %add3A_438, %mul3A_439 : i32
      %get3A_441 = arith.index_cast %mul3A_440 : i32 to index
      %get3A_442 = tpu.vector_load %arg9[%get3A_441] {strides = array<i32>} : memref<1280xf32, #tpu.memory_space<vmem>>, vector<16xf32>,
      %get3A_443 = arith.index_cast %mul3A_440 : i32 to index
      %get3A_444 = tpu.vector_load %arg10[%get3A_443] {strides = array<i32>} : memref<1280xf32, #tpu.memory_space<vmem>>, vector<16xf32>,
      %get3A_445 = arith.index_cast %mul3A_440 : i32 to index
      %get3A_446 = tpu.vector_load %arg11[%get3A_445] {strides = array<i32>} : memref<1280xf32, #tpu.memory_space<vmem>>, vector<16xf32>,
      %get3A_447 = arith.index_cast %mul3A_440 : i32 to index
      %get3A_448 = tpu.vector_load %arg12[%get3A_447] {strides = array<i32>} : memref<1280xf32, #tpu.memory_space<vmem>>, vector<16xf32>,
      %sub3A_449 = arith.subf %get3A_446, %get3A_442 : vector<16xf32>
      %sub3A_450 = arith.subf %get3A_448, %get3A_444 : vector<16xf32>
      %mul3A_451 = arith.mulf %sub3A_449, %sub3A_450 : vector<16xf32>
      %swap3A_452 = arith.index_cast %mul3A_440 : i32 to index
      %swap3A_453 = tpu.vector_load %arg13[%swap3A_452] {strides = array<i32>} : memref<1280xf32, #tpu.memory_space<vmem>>, vector<16xf32>,
      tpu.vector_store %arg13[%swap3A_452], %mul3A_451 {strides = array<i32>} : memref<1280xf32, #tpu.memory_space<vmem>>, vector<16xf32>,
      %get3A_454 = arith.index_cast %mul3A_440 : i32 to index
      %get3A_455 = tpu.vector_load %arg14[%get3A_454] {strides = array<i32>} : memref<1280xf32, #tpu.memory_space<vmem>>, vector<16xf32>,
      %ge3A_456 = arith.constant 2.000000e-01 : f32
      %ge3A_457 = vector.broadcast %ge3A_456 : f32 to vector<16xf32>
      %ge3A_458 = arith.cmpf oge, %get3A_455, %ge3A_457 : vector<16xf32>
      %jit3A_459 = arith.constant -1.000000e+30 : f32
      %broadcast_in_dim3A_460 = vector.broadcast %jit3A_459 : f32 to vector<16xf32>
      %select_n3A_461 = arith.select %ge3A_458, %get3A_455, %broadcast_in_dim3A_460 : vector<16xi1>, vector<16xf32>
      %swap3A_462 = arith.index_cast %mul3A_440 : i32 to index
      %swap3A_463 = tpu.vector_load %arg14[%swap3A_462] {strides = array<i32>} : memref<1280xf32, #tpu.memory_space<vmem>>, vector<16xf32>,
      tpu.vector_store %arg14[%swap3A_462], %select_n3A_461 {strides = array<i32>} : memref<1280xf32, #tpu.memory_space<vmem>>, vector<16xf32>,
      %mul3A_464 = arith.constant 16 : i32
      %mul3A_465 = arith.muli %add3A_438, %mul3A_464 : i32
      %add3A_466 = arith.addi %mul3A_0, %mul3A_465 : i32
      %add3A_467 = vector.broadcast %add3A_466 : i32 to vector<16xi32>
      %add3A_468 = arith.addi %add3A_467, %iota3A : vector<16xi32>
      %gt3A_469 = arith.cmpf ogt, %select_n3A_461, %select_n3A_418 : vector<16xf32>
      %select_n3A_470 = arith.select %gt3A_469, %select_n3A_461, %select_n3A_418 : vector<16xi1>, vector<16xf32>
      %select_n3A_471 = arith.select %gt3A_469, %add3A_468, %select_n3A_419 : vector<16xi1>, vector<16xi32>
      %select_n3A_472 = arith.select %gt3A_469, %select_n3A_418, %select_n3A_461 : vector<16xi1>, vector<16xf32>
      %select_n3A_473 = arith.select %gt3A_469, %select_n3A_419, %add3A_468 : vector<16xi1>, vector<16xi32>
      %gt3A_474 = arith.cmpf ogt, %select_n3A_472, %select_n3A_423 : vector<16xf32>
      %select_n3A_475 = arith.select %gt3A_474, %select_n3A_472, %select_n3A_423 : vector<16xi1>, vector<16xf32>
      %select_n3A_476 = arith.select %gt3A_474, %select_n3A_473, %select_n3A_424 : vector<16xi1>, vector<16xi32>
      %select_n3A_477 = arith.select %gt3A_474, %select_n3A_423, %select_n3A_472 : vector<16xi1>, vector<16xf32>
      %select_n3A_478 = arith.select %gt3A_474, %select_n3A_424, %select_n3A_473 : vector<16xi1>, vector<16xi32>
      %gt3A_479 = arith.cmpf ogt, %select_n3A_477, %select_n3A_428 : vector<16xf32>
      %select_n3A_480 = arith.select %gt3A_479, %select_n3A_477, %select_n3A_428 : vector<16xi1>, vector<16xf32>
      %select_n3A_481 = arith.select %gt3A_479, %select_n3A_478, %select_n3A_429 : vector<16xi1>, vector<16xi32>
      %select_n3A_482 = arith.select %gt3A_479, %select_n3A_428, %select_n3A_477 : vector<16xi1>, vector<16xf32>
      %select_n3A_483 = arith.select %gt3A_479, %select_n3A_429, %select_n3A_478 : vector<16xi1>, vector<16xi32>
      %gt3A_484 = arith.cmpf ogt, %select_n3A_482, %select_n3A_433 : vector<16xf32>
      %select_n3A_485 = arith.select %gt3A_484, %select_n3A_482, %select_n3A_433 : vector<16xi1>, vector<16xf32>
      %select_n3A_486 = arith.select %gt3A_484, %select_n3A_483, %select_n3A_434 : vector<16xi1>, vector<16xi32>
      scf.yield %select_n3A_470, %select_n3A_475, %select_n3A_480, %select_n3A_485, %select_n3A_471, %select_n3A_476, %select_n3A_481, %select_n3A_486 : vector<16xf32>, vector<16xf32>, vector<16xf32>, vector<16xf32>, vector<16xi32>, vector<16xi32>, vector<16xi32>, vector<16xi32>
    }
    %scan3A_33 = arith.constant 20 : i32
    %max3A = arith.maximumf %scan3A_32#0, %scan3A_32#1 : vector<16xf32>
    %max3A_34 = arith.maximumf %scan3A_32#2, %scan3A_32#3 : vector<16xf32>
    %max3A_35 = arith.maximumf %max3A, %max3A_34 : vector<16xf32>
    %reduce_max3A = arith.constant true
    %reduce_max3A_36 = vector.broadcast %reduce_max3A : i1 to vector<16xi1>
    %reduce_max3A_37 = tpu.scan <max>, %max3A_35 masked %reduce_max3A_36 : vector<16xf32>, vector<16xi1> -> vector<16xf32>
    %reduce_max3A_38 = vector.extract %reduce_max3A_37[15] : f32 from vector<16xf32>
    %broadcast_in_dim3A_39 = vector.broadcast %reduce_max3A_38 : f32 to vector<16xf32>
    %eq3A = arith.cmpf oeq, %scan3A_32#0, %broadcast_in_dim3A_39 : vector<16xf32>
    %jit3A = arith.constant 2147483647 : i32
    %broadcast_in_dim3A_40 = vector.broadcast %jit3A : i32 to vector<16xi32>
    %select_n3A = arith.select %eq3A, %scan3A_32#4, %broadcast_in_dim3A_40 : vector<16xi1>, vector<16xi32>
    %eq3A_41 = arith.cmpf oeq, %scan3A_32#1, %broadcast_in_dim3A_39 : vector<16xf32>
    %jit3A_42 = arith.constant 2147483647 : i32
    %broadcast_in_dim3A_43 = vector.broadcast %jit3A_42 : i32 to vector<16xi32>
    %select_n3A_44 = arith.select %eq3A_41, %scan3A_32#5, %broadcast_in_dim3A_43 : vector<16xi1>, vector<16xi32>
    %min3A = arith.minsi %select_n3A, %select_n3A_44 : vector<16xi32>
    %eq3A_45 = arith.cmpf oeq, %scan3A_32#2, %broadcast_in_dim3A_39 : vector<16xf32>
    %jit3A_46 = arith.constant 2147483647 : i32
    %broadcast_in_dim3A_47 = vector.broadcast %jit3A_46 : i32 to vector<16xi32>
    %select_n3A_48 = arith.select %eq3A_45, %scan3A_32#6, %broadcast_in_dim3A_47 : vector<16xi1>, vector<16xi32>
    %eq3A_49 = arith.cmpf oeq, %scan3A_32#3, %broadcast_in_dim3A_39 : vector<16xf32>
    %jit3A_50 = arith.constant 2147483647 : i32
    %broadcast_in_dim3A_51 = vector.broadcast %jit3A_50 : i32 to vector<16xi32>
    %select_n3A_52 = arith.select %eq3A_49, %scan3A_32#7, %broadcast_in_dim3A_51 : vector<16xi1>, vector<16xi32>
    %min3A_53 = arith.minsi %select_n3A_48, %select_n3A_52 : vector<16xi32>
    %min3A_54 = arith.minsi %min3A, %min3A_53 : vector<16xi32>
    %reduce_min3A = arith.constant true
    %reduce_min3A_55 = vector.broadcast %reduce_min3A : i1 to vector<16xi1>
    %reduce_min3A_56 = arith.constant -2147483648 : i32
    %reduce_min3A_57 = vector.broadcast %reduce_min3A_56 : i32 to vector<16xi32>
    %reduce_min3A_58 = arith.xori %min3A_54, %reduce_min3A_57 : vector<16xi32>
    %reduce_min3A_59 = tpu.scan <min>, %reduce_min3A_58 masked %reduce_min3A_55 : vector<16xi32>, vector<16xi1> -> vector<16xi32>
    %reduce_min3A_60 = arith.xori %reduce_min3A_59, %reduce_min3A_57 : vector<16xi32>
    %reduce_min3A_61 = vector.extract %reduce_min3A_60[15] : i32 from vector<16xi32>
    %broadcast_in_dim3A_62 = vector.broadcast %reduce_min3A_61 : i32 to vector<16xi32>
    %eq3A_63 = arith.cmpf oeq, %scan3A_32#0, %broadcast_in_dim3A_39 : vector<16xf32>
    %eq3A_64 = arith.cmpi eq, %scan3A_32#4, %broadcast_in_dim3A_62 : vector<16xi32>
    %and3A_65 = arith.andi %eq3A_63, %eq3A_64 : vector<16xi1>
    %jit3A_66 = arith.constant -1.000000e+30 : f32
    %broadcast_in_dim3A_67 = vector.broadcast %jit3A_66 : f32 to vector<16xf32>
    %select_n3A_68 = arith.select %and3A_65, %broadcast_in_dim3A_67, %scan3A_32#0 : vector<16xi1>, vector<16xf32>
    %eq3A_69 = arith.cmpf oeq, %scan3A_32#1, %broadcast_in_dim3A_39 : vector<16xf32>
    %eq3A_70 = arith.cmpi eq, %scan3A_32#5, %broadcast_in_dim3A_62 : vector<16xi32>
    %and3A_71 = arith.andi %eq3A_69, %eq3A_70 : vector<16xi1>
    %jit3A_72 = arith.constant -1.000000e+30 : f32
    %broadcast_in_dim3A_73 = vector.broadcast %jit3A_72 : f32 to vector<16xf32>
    %select_n3A_74 = arith.select %and3A_71, %broadcast_in_dim3A_73, %scan3A_32#1 : vector<16xi1>, vector<16xf32>
    %eq3A_75 = arith.cmpf oeq, %scan3A_32#2, %broadcast_in_dim3A_39 : vector<16xf32>
    %eq3A_76 = arith.cmpi eq, %scan3A_32#6, %broadcast_in_dim3A_62 : vector<16xi32>
    %and3A_77 = arith.andi %eq3A_75, %eq3A_76 : vector<16xi1>
    %jit3A_78 = arith.constant -1.000000e+30 : f32
    %broadcast_in_dim3A_79 = vector.broadcast %jit3A_78 : f32 to vector<16xf32>
    %select_n3A_80 = arith.select %and3A_77, %broadcast_in_dim3A_79, %scan3A_32#2 : vector<16xi1>, vector<16xf32>
    %eq3A_81 = arith.cmpf oeq, %scan3A_32#3, %broadcast_in_dim3A_39 : vector<16xf32>
    %eq3A_82 = arith.cmpi eq, %scan3A_32#7, %broadcast_in_dim3A_62 : vector<16xi32>
    %and3A_83 = arith.andi %eq3A_81, %eq3A_82 : vector<16xi1>
    %jit3A_84 = arith.constant -1.000000e+30 : f32
    %broadcast_in_dim3A_85 = vector.broadcast %jit3A_84 : f32 to vector<16xf32>
    %select_n3A_86 = arith.select %and3A_83, %broadcast_in_dim3A_85, %scan3A_32#3 : vector<16xi1>, vector<16xf32>
    %max3A_87 = arith.maximumf %select_n3A_68, %select_n3A_74 : vector<16xf32>
    %max3A_88 = arith.maximumf %select_n3A_80, %select_n3A_86 : vector<16xf32>
    %max3A_89 = arith.maximumf %max3A_87, %max3A_88 : vector<16xf32>
    %reduce_max3A_90 = arith.constant true
    %reduce_max3A_91 = vector.broadcast %reduce_max3A_90 : i1 to vector<16xi1>
    %reduce_max3A_92 = tpu.scan <max>, %max3A_89 masked %reduce_max3A_91 : vector<16xf32>, vector<16xi1> -> vector<16xf32>
    %reduce_max3A_93 = vector.extract %reduce_max3A_92[15] : f32 from vector<16xf32>
    %broadcast_in_dim3A_94 = vector.broadcast %reduce_max3A_93 : f32 to vector<16xf32>
    %eq3A_95 = arith.cmpf oeq, %select_n3A_68, %broadcast_in_dim3A_94 : vector<16xf32>
    %jit3A_96 = arith.constant 2147483647 : i32
    %broadcast_in_dim3A_97 = vector.broadcast %jit3A_96 : i32 to vector<16xi32>
    %select_n3A_98 = arith.select %eq3A_95, %scan3A_32#4, %broadcast_in_dim3A_97 : vector<16xi1>, vector<16xi32>
    %eq3A_99 = arith.cmpf oeq, %select_n3A_74, %broadcast_in_dim3A_94 : vector<16xf32>
    %jit3A_100 = arith.constant 2147483647 : i32
    %broadcast_in_dim3A_101 = vector.broadcast %jit3A_100 : i32 to vector<16xi32>
    %select_n3A_102 = arith.select %eq3A_99, %scan3A_32#5, %broadcast_in_dim3A_101 : vector<16xi1>, vector<16xi32>
    %min3A_103 = arith.minsi %select_n3A_98, %select_n3A_102 : vector<16xi32>
    %eq3A_104 = arith.cmpf oeq, %select_n3A_80, %broadcast_in_dim3A_94 : vector<16xf32>
    %jit3A_105 = arith.constant 2147483647 : i32
    %broadcast_in_dim3A_106 = vector.broadcast %jit3A_105 : i32 to vector<16xi32>
    %select_n3A_107 = arith.select %eq3A_104, %scan3A_32#6, %broadcast_in_dim3A_106 : vector<16xi1>, vector<16xi32>
    %eq3A_108 = arith.cmpf oeq, %select_n3A_86, %broadcast_in_dim3A_94 : vector<16xf32>
    %jit3A_109 = arith.constant 2147483647 : i32
    %broadcast_in_dim3A_110 = vector.broadcast %jit3A_109 : i32 to vector<16xi32>
    %select_n3A_111 = arith.select %eq3A_108, %scan3A_32#7, %broadcast_in_dim3A_110 : vector<16xi1>, vector<16xi32>
    %min3A_112 = arith.minsi %select_n3A_107, %select_n3A_111 : vector<16xi32>
    %min3A_113 = arith.minsi %min3A_103, %min3A_112 : vector<16xi32>
    %reduce_min3A_114 = arith.constant true
    %reduce_min3A_115 = vector.broadcast %reduce_min3A_114 : i1 to vector<16xi1>
    %reduce_min3A_116 = arith.constant -2147483648 : i32
    %reduce_min3A_117 = vector.broadcast %reduce_min3A_116 : i32 to vector<16xi32>
    %reduce_min3A_118 = arith.xori %min3A_113, %reduce_min3A_117 : vector<16xi32>
    %reduce_min3A_119 = tpu.scan <min>, %reduce_min3A_118 masked %reduce_min3A_115 : vector<16xi32>, vector<16xi1> -> vector<16xi32>
    %reduce_min3A_120 = arith.xori %reduce_min3A_119, %reduce_min3A_117 : vector<16xi32>
    %reduce_min3A_121 = vector.extract %reduce_min3A_120[15] : i32 from vector<16xi32>
    %broadcast_in_dim3A_122 = vector.broadcast %reduce_min3A_121 : i32 to vector<16xi32>
    %eq3A_123 = arith.cmpf oeq, %select_n3A_68, %broadcast_in_dim3A_94 : vector<16xf32>
    %eq3A_124 = arith.cmpi eq, %scan3A_32#4, %broadcast_in_dim3A_122 : vector<16xi32>
    %and3A_125 = arith.andi %eq3A_123, %eq3A_124 : vector<16xi1>
    %jit3A_126 = arith.constant -1.000000e+30 : f32
    %broadcast_in_dim3A_127 = vector.broadcast %jit3A_126 : f32 to vector<16xf32>
    %select_n3A_128 = arith.select %and3A_125, %broadcast_in_dim3A_127, %select_n3A_68 : vector<16xi1>, vector<16xf32>
    %eq3A_129 = arith.cmpf oeq, %select_n3A_74, %broadcast_in_dim3A_94 : vector<16xf32>
    %eq3A_130 = arith.cmpi eq, %scan3A_32#5, %broadcast_in_dim3A_122 : vector<16xi32>
    %and3A_131 = arith.andi %eq3A_129, %eq3A_130 : vector<16xi1>
    %jit3A_132 = arith.constant -1.000000e+30 : f32
    %broadcast_in_dim3A_133 = vector.broadcast %jit3A_132 : f32 to vector<16xf32>
    %select_n3A_134 = arith.select %and3A_131, %broadcast_in_dim3A_133, %select_n3A_74 : vector<16xi1>, vector<16xf32>
    %eq3A_135 = arith.cmpf oeq, %select_n3A_80, %broadcast_in_dim3A_94 : vector<16xf32>
    %eq3A_136 = arith.cmpi eq, %scan3A_32#6, %broadcast_in_dim3A_122 : vector<16xi32>
    %and3A_137 = arith.andi %eq3A_135, %eq3A_136 : vector<16xi1>
    %jit3A_138 = arith.constant -1.000000e+30 : f32
    %broadcast_in_dim3A_139 = vector.broadcast %jit3A_138 : f32 to vector<16xf32>
    %select_n3A_140 = arith.select %and3A_137, %broadcast_in_dim3A_139, %select_n3A_80 : vector<16xi1>, vector<16xf32>
    %eq3A_141 = arith.cmpf oeq, %select_n3A_86, %broadcast_in_dim3A_94 : vector<16xf32>
    %eq3A_142 = arith.cmpi eq, %scan3A_32#7, %broadcast_in_dim3A_122 : vector<16xi32>
    %and3A_143 = arith.andi %eq3A_141, %eq3A_142 : vector<16xi1>
    %jit3A_144 = arith.constant -1.000000e+30 : f32
    %broadcast_in_dim3A_145 = vector.broadcast %jit3A_144 : f32 to vector<16xf32>
    %select_n3A_146 = arith.select %and3A_143, %broadcast_in_dim3A_145, %select_n3A_86 : vector<16xi1>, vector<16xf32>
    %max3A_147 = arith.maximumf %select_n3A_128, %select_n3A_134 : vector<16xf32>
    %max3A_148 = arith.maximumf %select_n3A_140, %select_n3A_146 : vector<16xf32>
    %max3A_149 = arith.maximumf %max3A_147, %max3A_148 : vector<16xf32>
    %reduce_max3A_150 = arith.constant true
    %reduce_max3A_151 = vector.broadcast %reduce_max3A_150 : i1 to vector<16xi1>
    %reduce_max3A_152 = tpu.scan <max>, %max3A_149 masked %reduce_max3A_151 : vector<16xf32>, vector<16xi1> -> vector<16xf32>
    %reduce_max3A_153 = vector.extract %reduce_max3A_152[15] : f32 from vector<16xf32>
    %broadcast_in_dim3A_154 = vector.broadcast %reduce_max3A_153 : f32 to vector<16xf32>
    %eq3A_155 = arith.cmpf oeq, %select_n3A_128, %broadcast_in_dim3A_154 : vector<16xf32>
    %jit3A_156 = arith.constant 2147483647 : i32
    %broadcast_in_dim3A_157 = vector.broadcast %jit3A_156 : i32 to vector<16xi32>
    %select_n3A_158 = arith.select %eq3A_155, %scan3A_32#4, %broadcast_in_dim3A_157 : vector<16xi1>, vector<16xi32>
    %eq3A_159 = arith.cmpf oeq, %select_n3A_134, %broadcast_in_dim3A_154 : vector<16xf32>
    %jit3A_160 = arith.constant 2147483647 : i32
    %broadcast_in_dim3A_161 = vector.broadcast %jit3A_160 : i32 to vector<16xi32>
    %select_n3A_162 = arith.select %eq3A_159, %scan3A_32#5, %broadcast_in_dim3A_161 : vector<16xi1>, vector<16xi32>
    %min3A_163 = arith.minsi %select_n3A_158, %select_n3A_162 : vector<16xi32>
    %eq3A_164 = arith.cmpf oeq, %select_n3A_140, %broadcast_in_dim3A_154 : vector<16xf32>
    %jit3A_165 = arith.constant 2147483647 : i32
    %broadcast_in_dim3A_166 = vector.broadcast %jit3A_165 : i32 to vector<16xi32>
    %select_n3A_167 = arith.select %eq3A_164, %scan3A_32#6, %broadcast_in_dim3A_166 : vector<16xi1>, vector<16xi32>
    %eq3A_168 = arith.cmpf oeq, %select_n3A_146, %broadcast_in_dim3A_154 : vector<16xf32>
    %jit3A_169 = arith.constant 2147483647 : i32
    %broadcast_in_dim3A_170 = vector.broadcast %jit3A_169 : i32 to vector<16xi32>
    %select_n3A_171 = arith.select %eq3A_168, %scan3A_32#7, %broadcast_in_dim3A_170 : vector<16xi1>, vector<16xi32>
    %min3A_172 = arith.minsi %select_n3A_167, %select_n3A_171 : vector<16xi32>
    %min3A_173 = arith.minsi %min3A_163, %min3A_172 : vector<16xi32>
    %reduce_min3A_174 = arith.constant true
    %reduce_min3A_175 = vector.broadcast %reduce_min3A_174 : i1 to vector<16xi1>
    %reduce_min3A_176 = arith.constant -2147483648 : i32
    %reduce_min3A_177 = vector.broadcast %reduce_min3A_176 : i32 to vector<16xi32>
    %reduce_min3A_178 = arith.xori %min3A_173, %reduce_min3A_177 : vector<16xi32>
    %reduce_min3A_179 = tpu.scan <min>, %reduce_min3A_178 masked %reduce_min3A_175 : vector<16xi32>, vector<16xi1> -> vector<16xi32>
    %reduce_min3A_180 = arith.xori %reduce_min3A_179, %reduce_min3A_177 : vector<16xi32>
    %reduce_min3A_181 = vector.extract %reduce_min3A_180[15] : i32 from vector<16xi32>
    %broadcast_in_dim3A_182 = vector.broadcast %reduce_min3A_181 : i32 to vector<16xi32>
    %eq3A_183 = arith.cmpf oeq, %select_n3A_128, %broadcast_in_dim3A_154 : vector<16xf32>
    %eq3A_184 = arith.cmpi eq, %scan3A_32#4, %broadcast_in_dim3A_182 : vector<16xi32>
    %and3A_185 = arith.andi %eq3A_183, %eq3A_184 : vector<16xi1>
    %jit3A_186 = arith.constant -1.000000e+30 : f32
    %broadcast_in_dim3A_187 = vector.broadcast %jit3A_186 : f32 to vector<16xf32>
    %select_n3A_188 = arith.select %and3A_185, %broadcast_in_dim3A_187, %select_n3A_128 : vector<16xi1>, vector<16xf32>
    %eq3A_189 = arith.cmpf oeq, %select_n3A_134, %broadcast_in_dim3A_154 : vector<16xf32>
    %eq3A_190 = arith.cmpi eq, %scan3A_32#5, %broadcast_in_dim3A_182 : vector<16xi32>
    %and3A_191 = arith.andi %eq3A_189, %eq3A_190 : vector<16xi1>
    %jit3A_192 = arith.constant -1.000000e+30 : f32
    %broadcast_in_dim3A_193 = vector.broadcast %jit3A_192 : f32 to vector<16xf32>
    %select_n3A_194 = arith.select %and3A_191, %broadcast_in_dim3A_193, %select_n3A_134 : vector<16xi1>, vector<16xf32>
    %eq3A_195 = arith.cmpf oeq, %select_n3A_140, %broadcast_in_dim3A_154 : vector<16xf32>
    %eq3A_196 = arith.cmpi eq, %scan3A_32#6, %broadcast_in_dim3A_182 : vector<16xi32>
    %and3A_197 = arith.andi %eq3A_195, %eq3A_196 : vector<16xi1>
    %jit3A_198 = arith.constant -1.000000e+30 : f32
    %broadcast_in_dim3A_199 = vector.broadcast %jit3A_198 : f32 to vector<16xf32>
    %select_n3A_200 = arith.select %and3A_197, %broadcast_in_dim3A_199, %select_n3A_140 : vector<16xi1>, vector<16xf32>
    %eq3A_201 = arith.cmpf oeq, %select_n3A_146, %broadcast_in_dim3A_154 : vector<16xf32>
    %eq3A_202 = arith.cmpi eq, %scan3A_32#7, %broadcast_in_dim3A_182 : vector<16xi32>
    %and3A_203 = arith.andi %eq3A_201, %eq3A_202 : vector<16xi1>
    %jit3A_204 = arith.constant -1.000000e+30 : f32
    %broadcast_in_dim3A_205 = vector.broadcast %jit3A_204 : f32 to vector<16xf32>
    %select_n3A_206 = arith.select %and3A_203, %broadcast_in_dim3A_205, %select_n3A_146 : vector<16xi1>, vector<16xf32>
    %max3A_207 = arith.maximumf %select_n3A_188, %select_n3A_194 : vector<16xf32>
    %max3A_208 = arith.maximumf %select_n3A_200, %select_n3A_206 : vector<16xf32>
    %max3A_209 = arith.maximumf %max3A_207, %max3A_208 : vector<16xf32>
    %reduce_max3A_210 = arith.constant true
    %reduce_max3A_211 = vector.broadcast %reduce_max3A_210 : i1 to vector<16xi1>
    %reduce_max3A_212 = tpu.scan <max>, %max3A_209 masked %reduce_max3A_211 : vector<16xf32>, vector<16xi1> -> vector<16xf32>
    %reduce_max3A_213 = vector.extract %reduce_max3A_212[15] : f32 from vector<16xf32>
    %broadcast_in_dim3A_214 = vector.broadcast %reduce_max3A_213 : f32 to vector<16xf32>
    %eq3A_215 = arith.cmpf oeq, %select_n3A_188, %broadcast_in_dim3A_214 : vector<16xf32>
    %jit3A_216 = arith.constant 2147483647 : i32
    %broadcast_in_dim3A_217 = vector.broadcast %jit3A_216 : i32 to vector<16xi32>
    %select_n3A_218 = arith.select %eq3A_215, %scan3A_32#4, %broadcast_in_dim3A_217 : vector<16xi1>, vector<16xi32>
    %eq3A_219 = arith.cmpf oeq, %select_n3A_194, %broadcast_in_dim3A_214 : vector<16xf32>
    %jit3A_220 = arith.constant 2147483647 : i32
    %broadcast_in_dim3A_221 = vector.broadcast %jit3A_220 : i32 to vector<16xi32>
    %select_n3A_222 = arith.select %eq3A_219, %scan3A_32#5, %broadcast_in_dim3A_221 : vector<16xi1>, vector<16xi32>
    %min3A_223 = arith.minsi %select_n3A_218, %select_n3A_222 : vector<16xi32>
    %eq3A_224 = arith.cmpf oeq, %select_n3A_200, %broadcast_in_dim3A_214 : vector<16xf32>
    %jit3A_225 = arith.constant 2147483647 : i32
    %broadcast_in_dim3A_226 = vector.broadcast %jit3A_225 : i32 to vector<16xi32>
    %select_n3A_227 = arith.select %eq3A_224, %scan3A_32#6, %broadcast_in_dim3A_226 : vector<16xi1>, vector<16xi32>
    %eq3A_228 = arith.cmpf oeq, %select_n3A_206, %broadcast_in_dim3A_214 : vector<16xf32>
    %jit3A_229 = arith.constant 2147483647 : i32
    %broadcast_in_dim3A_230 = vector.broadcast %jit3A_229 : i32 to vector<16xi32>
    %select_n3A_231 = arith.select %eq3A_228, %scan3A_32#7, %broadcast_in_dim3A_230 : vector<16xi1>, vector<16xi32>
    %min3A_232 = arith.minsi %select_n3A_227, %select_n3A_231 : vector<16xi32>
    %min3A_233 = arith.minsi %min3A_223, %min3A_232 : vector<16xi32>
    %reduce_min3A_234 = arith.constant true
    %reduce_min3A_235 = vector.broadcast %reduce_min3A_234 : i1 to vector<16xi1>
    %reduce_min3A_236 = arith.constant -2147483648 : i32
    %reduce_min3A_237 = vector.broadcast %reduce_min3A_236 : i32 to vector<16xi32>
    %reduce_min3A_238 = arith.xori %min3A_233, %reduce_min3A_237 : vector<16xi32>
    %reduce_min3A_239 = tpu.scan <min>, %reduce_min3A_238 masked %reduce_min3A_235 : vector<16xi32>, vector<16xi1> -> vector<16xi32>
    %reduce_min3A_240 = arith.xori %reduce_min3A_239, %reduce_min3A_237 : vector<16xi32>
    %reduce_min3A_241 = vector.extract %reduce_min3A_240[15] : i32 from vector<16xi32>
    %broadcast_in_dim3A_242 = vector.broadcast %reduce_min3A_241 : i32 to vector<16xi32>
    %eq3A_243 = arith.cmpf oeq, %select_n3A_188, %broadcast_in_dim3A_214 : vector<16xf32>
    %eq3A_244 = arith.cmpi eq, %scan3A_32#4, %broadcast_in_dim3A_242 : vector<16xi32>
    %and3A_245 = arith.andi %eq3A_243, %eq3A_244 : vector<16xi1>
    %jit3A_246 = arith.constant -1.000000e+30 : f32
    %broadcast_in_dim3A_247 = vector.broadcast %jit3A_246 : f32 to vector<16xf32>
    %select_n3A_248 = arith.select %and3A_245, %broadcast_in_dim3A_247, %select_n3A_188 : vector<16xi1>, vector<16xf32>
    %eq3A_249 = arith.cmpf oeq, %select_n3A_194, %broadcast_in_dim3A_214 : vector<16xf32>
    %eq3A_250 = arith.cmpi eq, %scan3A_32#5, %broadcast_in_dim3A_242 : vector<16xi32>
    %and3A_251 = arith.andi %eq3A_249, %eq3A_250 : vector<16xi1>
    %jit3A_252 = arith.constant -1.000000e+30 : f32
    %broadcast_in_dim3A_253 = vector.broadcast %jit3A_252 : f32 to vector<16xf32>
    %select_n3A_254 = arith.select %and3A_251, %broadcast_in_dim3A_253, %select_n3A_194 : vector<16xi1>, vector<16xf32>
    %eq3A_255 = arith.cmpf oeq, %select_n3A_200, %broadcast_in_dim3A_214 : vector<16xf32>
    %eq3A_256 = arith.cmpi eq, %scan3A_32#6, %broadcast_in_dim3A_242 : vector<16xi32>
    %and3A_257 = arith.andi %eq3A_255, %eq3A_256 : vector<16xi1>
    %jit3A_258 = arith.constant -1.000000e+30 : f32
    %broadcast_in_dim3A_259 = vector.broadcast %jit3A_258 : f32 to vector<16xf32>
    %select_n3A_260 = arith.select %and3A_257, %broadcast_in_dim3A_259, %select_n3A_200 : vector<16xi1>, vector<16xf32>
    %eq3A_261 = arith.cmpf oeq, %select_n3A_206, %broadcast_in_dim3A_214 : vector<16xf32>
    %eq3A_262 = arith.cmpi eq, %scan3A_32#7, %broadcast_in_dim3A_242 : vector<16xi32>
    %and3A_263 = arith.andi %eq3A_261, %eq3A_262 : vector<16xi1>
    %jit3A_264 = arith.constant -1.000000e+30 : f32
    %broadcast_in_dim3A_265 = vector.broadcast %jit3A_264 : f32 to vector<16xf32>
    %select_n3A_266 = arith.select %and3A_263, %broadcast_in_dim3A_265, %select_n3A_206 : vector<16xi1>, vector<16xf32>
    %while3A = arith.constant 0 : i32
    %while3A_267 = arith.constant true
    %while3A_268 = arith.constant 0 : i32
    %while3A_269:11 = scf.while (%while3A_276 = %while3A, %while3A_277 = %while3A_267, %while3A_278 = %while3A_268, %while3A_279 = %reduce_max3A_38, %while3A_280 = %reduce_max3A_93, %while3A_281 = %reduce_max3A_153, %while3A_282 = %reduce_max3A_213, %while3A_283 = %reduce_min3A_61, %while3A_284 = %reduce_min3A_121, %while3A_285 = %reduce_min3A_181, %while3A_286 = %reduce_min3A_241) : (i32, i1, i32, f32, f32, f32, f32, i32, i32, i32, i32) -> (i32, i1, i32, f32, f32, f32, f32, i32, i32, i32, i32) {
      %lt3A = arith.constant 30 : i32
      %lt3A_287 = arith.cmpi slt, %while3A_276, %lt3A : i32
      %and3A_288 = arith.andi %lt3A_287, %while3A_277 : i1
      scf.condition(%and3A_288) %while3A_276, %while3A_277, %while3A_278, %while3A_279, %while3A_280, %while3A_281, %while3A_282, %while3A_283, %while3A_284, %while3A_285, %while3A_286 : i32, i1, i32, f32, f32, f32, f32, i32, i32, i32, i32
    } do {
    ^bb0(%while3A_276: i32, %while3A_277: i1, %while3A_278: i32, %while3A_279: f32, %while3A_280: f32, %while3A_281: f32, %while3A_282: f32, %while3A_283: i32, %while3A_284: i32, %while3A_285: i32, %while3A_286: i32):
      %lt3A = arith.constant 4 : i32
      %lt3A_287 = vector.broadcast %lt3A : i32 to vector<16xi32>
      %lt3A_288 = arith.cmpi slt, %iota3A, %lt3A_287 : vector<16xi32>
      %lt3A_289 = arith.constant 8 : i32
      %lt3A_290 = vector.broadcast %lt3A_289 : i32 to vector<16xi32>
      %lt3A_291 = arith.cmpi slt, %iota3A, %lt3A_290 : vector<16xi32>
      %lt3A_292 = arith.constant 12 : i32
      %lt3A_293 = vector.broadcast %lt3A_292 : i32 to vector<16xi32>
      %lt3A_294 = arith.cmpi slt, %iota3A, %lt3A_293 : vector<16xi32>
      %broadcast_in_dim3A_295 = vector.broadcast %while3A_285 : i32 to vector<16xi32>
      %broadcast_in_dim3A_296 = vector.broadcast %while3A_286 : i32 to vector<16xi32>
      %select_n3A_297 = arith.select %lt3A_294, %broadcast_in_dim3A_295, %broadcast_in_dim3A_296 : vector<16xi1>, vector<16xi32>
      %broadcast_in_dim3A_298 = vector.broadcast %while3A_284 : i32 to vector<16xi32>
      %select_n3A_299 = arith.select %lt3A_291, %broadcast_in_dim3A_298, %select_n3A_297 : vector<16xi1>, vector<16xi32>
      %broadcast_in_dim3A_300 = vector.broadcast %while3A_283 : i32 to vector<16xi32>
      %select_n3A_301 = arith.select %lt3A_288, %broadcast_in_dim3A_300, %select_n3A_299 : vector<16xi1>, vector<16xi32>
      %sub3A = vector.broadcast %mul3A_0 : i32 to vector<16xi32>
      %sub3A_302 = arith.subi %select_n3A_301, %sub3A : vector<16xi32>
      %gather3A = tpu.vector_load_idx %arg9[%sub3A_302] : memref<1280xf32, #tpu.memory_space<vmem>>[vector<16xi32>], vector<16xf32>,
      %gather3A_303 = tpu.vector_load_idx %arg10[%sub3A_302] : memref<1280xf32, #tpu.memory_space<vmem>>[vector<16xi32>], vector<16xf32>,
      %gather3A_304 = tpu.vector_load_idx %arg11[%sub3A_302] : memref<1280xf32, #tpu.memory_space<vmem>>[vector<16xi32>], vector<16xf32>,
      %gather3A_305 = tpu.vector_load_idx %arg12[%sub3A_302] : memref<1280xf32, #tpu.memory_space<vmem>>[vector<16xi32>], vector<16xf32>,
      %eq3A_306 = arith.constant 0 : i32
      %eq3A_307 = vector.broadcast %eq3A_306 : i32 to vector<16xi32>
      %eq3A_308 = arith.cmpi eq, %and3A_2, %eq3A_307 : vector<16xi32>
      %eq3A_309 = arith.constant 1 : i32
      %eq3A_310 = vector.broadcast %eq3A_309 : i32 to vector<16xi32>
      %eq3A_311 = arith.cmpi eq, %and3A_2, %eq3A_310 : vector<16xi32>
      %eq3A_312 = arith.constant 2 : i32
      %eq3A_313 = vector.broadcast %eq3A_312 : i32 to vector<16xi32>
      %eq3A_314 = arith.cmpi eq, %and3A_2, %eq3A_313 : vector<16xi32>
      %select_n3A_315 = arith.select %eq3A_314, %gather3A_304, %gather3A_305 : vector<16xi1>, vector<16xf32>
      %select_n3A_316 = arith.select %eq3A_311, %gather3A_303, %select_n3A_315 : vector<16xi1>, vector<16xf32>
      %select_n3A_317 = arith.select %eq3A_308, %gather3A, %select_n3A_316 : vector<16xi1>, vector<16xf32>
      %eq3A_318 = arith.constant 0 : i32
      %eq3A_319 = vector.broadcast %eq3A_318 : i32 to vector<16xi32>
      %eq3A_320 = arith.cmpi eq, %iota3A, %eq3A_319 : vector<16xi32>
      %broadcast_in_dim3A_321 = vector.broadcast %while3A_279 : f32 to vector<16xf32>
      %eq3A_322 = arith.constant 1 : i32
      %eq3A_323 = vector.broadcast %eq3A_322 : i32 to vector<16xi32>
      %eq3A_324 = arith.cmpi eq, %iota3A, %eq3A_323 : vector<16xi32>
      %broadcast_in_dim3A_325 = vector.broadcast %while3A_280 : f32 to vector<16xf32>
      %eq3A_326 = arith.constant 2 : i32
      %eq3A_327 = vector.broadcast %eq3A_326 : i32 to vector<16xi32>
      %eq3A_328 = arith.cmpi eq, %iota3A, %eq3A_327 : vector<16xi32>
      %broadcast_in_dim3A_329 = vector.broadcast %while3A_281 : f32 to vector<16xf32>
      %eq3A_330 = arith.constant 3 : i32
      %eq3A_331 = vector.broadcast %eq3A_330 : i32 to vector<16xi32>
      %eq3A_332 = arith.cmpi eq, %iota3A, %eq3A_331 : vector<16xi32>
      %broadcast_in_dim3A_333 = vector.broadcast %while3A_282 : f32 to vector<16xf32>
      %eq3A_334 = arith.constant 4 : i32
      %eq3A_335 = vector.broadcast %eq3A_334 : i32 to vector<16xi32>
      %eq3A_336 = arith.cmpi eq, %iota3A, %eq3A_335 : vector<16xi32>
      %broadcast_in_dim3A_337 = vector.broadcast %while3A_283 : i32 to vector<16xi32>
      %bitcast3A = vector.bitcast %broadcast_in_dim3A_337 : vector<16xi32> to vector<16xf32>
      %eq3A_338 = arith.constant 5 : i32
      %eq3A_339 = vector.broadcast %eq3A_338 : i32 to vector<16xi32>
      %eq3A_340 = arith.cmpi eq, %iota3A, %eq3A_339 : vector<16xi32>
      %broadcast_in_dim3A_341 = vector.broadcast %while3A_284 : i32 to vector<16xi32>
      %bitcast3A_342 = vector.bitcast %broadcast_in_dim3A_341 : vector<16xi32> to vector<16xf32>
      %eq3A_343 = arith.constant 6 : i32
      %eq3A_344 = vector.broadcast %eq3A_343 : i32 to vector<16xi32>
      %eq3A_345 = arith.cmpi eq, %iota3A, %eq3A_344 : vector<16xi32>
      %broadcast_in_dim3A_346 = vector.broadcast %while3A_285 : i32 to vector<16xi32>
      %bitcast3A_347 = vector.bitcast %broadcast_in_dim3A_346 : vector<16xi32> to vector<16xf32>
      %eq3A_348 = arith.constant 7 : i32
      %eq3A_349 = vector.broadcast %eq3A_348 : i32 to vector<16xi32>
      %eq3A_350 = arith.cmpi eq, %iota3A, %eq3A_349 : vector<16xi32>
      %broadcast_in_dim3A_351 = vector.broadcast %while3A_286 : i32 to vector<16xi32>
      %bitcast3A_352 = vector.bitcast %broadcast_in_dim3A_351 : vector<16xi32> to vector<16xf32>
      %jit3A_353 = arith.constant 0.000000e+00 : f32
      %broadcast_in_dim3A_354 = vector.broadcast %jit3A_353 : f32 to vector<16xf32>
      %select_n3A_355 = arith.select %eq3A_350, %bitcast3A_352, %broadcast_in_dim3A_354 : vector<16xi1>, vector<16xf32>
      %select_n3A_356 = arith.select %eq3A_345, %bitcast3A_347, %select_n3A_355 : vector<16xi1>, vector<16xf32>
      %select_n3A_357 = arith.select %eq3A_340, %bitcast3A_342, %select_n3A_356 : vector<16xi1>, vector<16xf32>
      %select_n3A_358 = arith.select %eq3A_336, %bitcast3A, %select_n3A_357 : vector<16xi1>, vector<16xf32>
      %select_n3A_359 = arith.select %eq3A_332, %broadcast_in_dim3A_333, %select_n3A_358 : vector<16xi1>, vector<16xf32>
      %select_n3A_360 = arith.select %eq3A_328, %broadcast_in_dim3A_329, %select_n3A_359 : vector<16xi1>, vector<16xf32>
      %select_n3A_361 = arith.select %eq3A_324, %broadcast_in_dim3A_325, %select_n3A_360 : vector<16xi1>, vector<16xf32>
      %select_n3A_362 = arith.select %eq3A_320, %broadcast_in_dim3A_321, %select_n3A_361 : vector<16xi1>, vector<16xf32>
      %swap3A = arith.constant 0 : index
      %swap3A_363 = tpu.vector_load %arg15[%swap3A] {strides = array<i32>} : memref<32xf32, #tpu.memory_space<vmem>>, vector<16xf32>,
      tpu.vector_store %arg15[%swap3A], %select_n3A_362 {strides = array<i32>} : memref<32xf32, #tpu.memory_space<vmem>>, vector<16xf32>,
      %swap3A_364 = arith.constant 16 : index
      %swap3A_365 = tpu.vector_load %arg15[%swap3A_364] {strides = array<i32>} : memref<32xf32, #tpu.memory_space<vmem>>, vector<16xf32>,
      tpu.vector_store %arg15[%swap3A_364], %select_n3A_317 {strides = array<i32>} : memref<32xf32, #tpu.memory_space<vmem>>, vector<16xf32>,
      %rem3A = arith.constant 2 : i32
      %rem3A_366 = arith.remsi %while3A_278, %rem3A : i32
      %mul3A_367 = arith.constant 32 : i32
      %mul3A_368 = arith.muli %arg1, %mul3A_367 : i32
      %multiple_of3A = tpu.assume_multiple %mul3A_368, 8 : i32
      "tpu.region"() ({
        %run_scoped3A = tpu.sem_alloc : memref<!tpu.dma_semaphore, #tpu.memory_space<semaphore_mem>>
        %dma_start3A = tpu.memref_slice %arg8[%rem3A_366, %multiple_of3A] : memref<2x512xf32, #tpu.memory_space<hbm>> -> memref<1x32xf32, #tpu.memory_space<hbm>>
        %dma_start3A_2138 = tpu.memref_squeeze %dma_start3A : memref<1x32xf32, #tpu.memory_space<hbm>> -> memref<32xf32, #tpu.memory_space<hbm>>
        %dma_start3A_2139 = tpu.memref_slice %arg8[%rem3A_366, %multiple_of3A] : memref<2x512xf32, #tpu.memory_space<hbm>> -> memref<1x32xf32, #tpu.memory_space<hbm>>
        %dma_start3A_2140 = tpu.memref_squeeze %dma_start3A_2139 : memref<1x32xf32, #tpu.memory_space<hbm>> -> memref<32xf32, #tpu.memory_space<hbm>>
        tpu.enqueue_dma source(%arg15 : memref<32xf32, #tpu.memory_space<vmem>>) target(%dma_start3A_2140 : memref<32xf32, #tpu.memory_space<hbm>>) target_semaphore(%run_scoped3A : memref<!tpu.dma_semaphore, #tpu.memory_space<semaphore_mem>>)
        %dma_wait3A = tpu.memref_slice %arg8[%rem3A_366, %multiple_of3A] : memref<2x512xf32, #tpu.memory_space<hbm>> -> memref<1x32xf32, #tpu.memory_space<hbm>>
        %dma_wait3A_2141 = tpu.memref_squeeze %dma_wait3A : memref<1x32xf32, #tpu.memory_space<hbm>> -> memref<32xf32, #tpu.memory_space<hbm>>
        %dma_wait3A_2142 = tpu.memref_slice %arg8[%rem3A_366, %multiple_of3A] : memref<2x512xf32, #tpu.memory_space<hbm>> -> memref<1x32xf32, #tpu.memory_space<hbm>>
        %dma_wait3A_2143 = tpu.memref_squeeze %dma_wait3A_2142 : memref<1x32xf32, #tpu.memory_space<hbm>> -> memref<32xf32, #tpu.memory_space<hbm>>
        tpu.wait_dma2 semaphore(%run_scoped3A : memref<!tpu.dma_semaphore, #tpu.memory_space<semaphore_mem>>) src(%arg15 : memref<32xf32, #tpu.memory_space<vmem>>) dst(%dma_wait3A_2143 : memref<32xf32, #tpu.memory_space<hbm>>)
        tpu.yield
      }) : () -> ()
      %barrier3A = arith.constant 0 : index
      tpu.barrier barrier_id(%barrier3A)
      "tpu.region"() ({
        %run_scoped3A = tpu.sem_alloc : memref<!tpu.dma_semaphore, #tpu.memory_space<semaphore_mem>>
        %dma_start3A = arith.constant 0 : i32
        %dma_start3A_2138 = tpu.memref_slice %arg8[%rem3A_366, %dma_start3A] : memref<2x512xf32, #tpu.memory_space<hbm>> -> memref<1x512xf32, #tpu.memory_space<hbm>>
        %dma_start3A_2139 = tpu.memref_squeeze %dma_start3A_2138 : memref<1x512xf32, #tpu.memory_space<hbm>> -> memref<512xf32, #tpu.memory_space<hbm>>
        %dma_start3A_2140 = arith.constant 0 : i32
        %dma_start3A_2141 = tpu.memref_slice %arg8[%rem3A_366, %dma_start3A_2140] : memref<2x512xf32, #tpu.memory_space<hbm>> -> memref<1x512xf32, #tpu.memory_space<hbm>>
        %dma_start3A_2142 = tpu.memref_squeeze %dma_start3A_2141 : memref<1x512xf32, #tpu.memory_space<hbm>> -> memref<512xf32, #tpu.memory_space<hbm>>
        tpu.enqueue_dma source(%dma_start3A_2142 : memref<512xf32, #tpu.memory_space<hbm>>) target(%arg16 : memref<512xf32, #tpu.memory_space<vmem>>) target_semaphore(%run_scoped3A : memref<!tpu.dma_semaphore, #tpu.memory_space<semaphore_mem>>)
        %dma_wait3A = arith.constant 0 : i32
        %dma_wait3A_2143 = tpu.memref_slice %arg8[%rem3A_366, %dma_wait3A] : memref<2x512xf32, #tpu.memory_space<hbm>> -> memref<1x512xf32, #tpu.memory_space<hbm>>
        %dma_wait3A_2144 = tpu.memref_squeeze %dma_wait3A_2143 : memref<1x512xf32, #tpu.memory_space<hbm>> -> memref<512xf32, #tpu.memory_space<hbm>>
        %dma_wait3A_2145 = arith.constant 0 : i32
        %dma_wait3A_2146 = tpu.memref_slice %arg8[%rem3A_366, %dma_wait3A_2145] : memref<2x512xf32, #tpu.memory_space<hbm>> -> memref<1x512xf32, #tpu.memory_space<hbm>>
        %dma_wait3A_2147 = tpu.memref_squeeze %dma_wait3A_2146 : memref<1x512xf32, #tpu.memory_space<hbm>> -> memref<512xf32, #tpu.memory_space<hbm>>
        tpu.wait_dma2 semaphore(%run_scoped3A : memref<!tpu.dma_semaphore, #tpu.memory_space<semaphore_mem>>) src(%dma_wait3A_2147 : memref<512xf32, #tpu.memory_space<hbm>>) dst(%arg16 : memref<512xf32, #tpu.memory_space<vmem>>)
        tpu.yield
      }) : () -> ()
      %mul3A_369 = arith.constant 32 : i32
      %mul3A_370 = vector.broadcast %mul3A_369 : i32 to vector<16xi32>
      %mul3A_371 = arith.muli %mul3A_370, %iota3A : vector<16xi32>
      %add3A = arith.constant 0 : i32
      %add3A_372 = vector.broadcast %add3A : i32 to vector<16xi32>
      %add3A_373 = arith.addi %mul3A_371, %add3A_372 : vector<16xi32>
      %gather3A_374 = tpu.vector_load_idx %arg16[%add3A_373] : memref<512xf32, #tpu.memory_space<vmem>>[vector<16xi32>], vector<16xf32>,
      %add3A_375 = arith.constant 1 : i32
      %add3A_376 = vector.broadcast %add3A_375 : i32 to vector<16xi32>
      %add3A_377 = arith.addi %mul3A_371, %add3A_376 : vector<16xi32>
      %gather3A_378 = tpu.vector_load_idx %arg16[%add3A_377] : memref<512xf32, #tpu.memory_space<vmem>>[vector<16xi32>], vector<16xf32>,
      %add3A_379 = arith.constant 2 : i32
      %add3A_380 = vector.broadcast %add3A_379 : i32 to vector<16xi32>
      %add3A_381 = arith.addi %mul3A_371, %add3A_380 : vector<16xi32>
      %gather3A_382 = tpu.vector_load_idx %arg16[%add3A_381] : memref<512xf32, #tpu.memory_space<vmem>>[vector<16xi32>], vector<16xf32>,
      %add3A_383 = arith.constant 3 : i32
      %add3A_384 = vector.broadcast %add3A_383 : i32 to vector<16xi32>
      %add3A_385 = arith.addi %mul3A_371, %add3A_384 : vector<16xi32>
      %gather3A_386 = tpu.vector_load_idx %arg16[%add3A_385] : memref<512xf32, #tpu.memory_space<vmem>>[vector<16xi32>], vector<16xf32>,
      %add3A_387 = arith.constant 4 : i32
      %add3A_388 = vector.broadcast %add3A_387 : i32 to vector<16xi32>
      %add3A_389 = arith.addi %mul3A_371, %add3A_388 : vector<16xi32>
      %add3A_390 = arith.constant 0 : i32
      %add3A_391 = vector.broadcast %add3A_390 : i32 to vector<16xi32>
      %add3A_392 = arith.addi %add3A_389, %add3A_391 : vector<16xi32>
      %gather3A_393 = tpu.vector_load_idx %arg16[%add3A_392] : memref<512xf32, #tpu.memory_space<vmem>>[vector<16xi32>], vector<16xf32>,
      %bitcast3A_394 = vector.bitcast %gather3A_393 : vector<16xf32> to vector<16xi32>
      %add3A_395 = arith.constant 4 : i32
      %add3A_396 = vector.broadcast %add3A_395 : i32 to vector<16xi32>
      %add3A_397 = arith.addi %mul3A_371, %add3A_396 : vector<16xi32>
      %add3A_398 = arith.constant 1 : i32
      %add3A_399 = vector.broadcast %add3A_398 : i32 to vector<16xi32>
      %add3A_400 = arith.addi %add3A_397, %add3A_399 : vector<16xi32>
      %gather3A_401 = tpu.vector_load_idx %arg16[%add3A_400] : memref<512xf32, #tpu.memory_space<vmem>>[vector<16xi32>], vector<16xf32>,
      %bitcast3A_402 = vector.bitcast %gather3A_401 : vector<16xf32> to vector<16xi32>
      %add3A_403 = arith.constant 4 : i32
      %add3A_404 = vector.broadcast %add3A_403 : i32 to vector<16xi32>
      %add3A_405 = arith.addi %mul3A_371, %add3A_404 : vector<16xi32>
      %add3A_406 = arith.constant 2 : i32
      %add3A_407 = vector.broadcast %add3A_406 : i32 to vector<16xi32>
      %add3A_408 = arith.addi %add3A_405, %add3A_407 : vector<16xi32>
      %gather3A_409 = tpu.vector_load_idx %arg16[%add3A_408] : memref<512xf32, #tpu.memory_space<vmem>>[vector<16xi32>], vector<16xf32>,
      %bitcast3A_410 = vector.bitcast %gather3A_409 : vector<16xf32> to vector<16xi32>
      %add3A_411 = arith.constant 4 : i32
      %add3A_412 = vector.broadcast %add3A_411 : i32 to vector<16xi32>
      %add3A_413 = arith.addi %mul3A_371, %add3A_412 : vector<16xi32>
      %add3A_414 = arith.constant 3 : i32
      %add3A_415 = vector.broadcast %add3A_414 : i32 to vector<16xi32>
      %add3A_416 = arith.addi %add3A_413, %add3A_415 : vector<16xi32>
      %gather3A_417 = tpu.vector_load_idx %arg16[%add3A_416] : memref<512xf32, #tpu.memory_space<vmem>>[vector<16xi32>], vector<16xf32>,
      %bitcast3A_418 = vector.bitcast %gather3A_417 : vector<16xf32> to vector<16xi32>
      %add3A_419 = arith.constant 16 : i32
      %add3A_420 = vector.broadcast %add3A_419 : i32 to vector<16xi32>
      %add3A_421 = arith.addi %mul3A_371, %add3A_420 : vector<16xi32>
      %add3A_422 = arith.constant 0 : i32
      %add3A_423 = vector.broadcast %add3A_422 : i32 to vector<16xi32>
      %add3A_424 = arith.addi %add3A_421, %add3A_423 : vector<16xi32>
      %gather3A_425 = tpu.vector_load_idx %arg16[%add3A_424] : memref<512xf32, #tpu.memory_space<vmem>>[vector<16xi32>], vector<16xf32>,
      %add3A_426 = arith.constant 16 : i32
      %add3A_427 = vector.broadcast %add3A_426 : i32 to vector<16xi32>
      %add3A_428 = arith.addi %mul3A_371, %add3A_427 : vector<16xi32>
      %add3A_429 = arith.constant 4 : i32
      %add3A_430 = vector.broadcast %add3A_429 : i32 to vector<16xi32>
      %add3A_431 = arith.addi %add3A_428, %add3A_430 : vector<16xi32>
      %gather3A_432 = tpu.vector_load_idx %arg16[%add3A_431] : memref<512xf32, #tpu.memory_space<vmem>>[vector<16xi32>], vector<16xf32>,
      %add3A_433 = arith.constant 16 : i32
      %add3A_434 = vector.broadcast %add3A_433 : i32 to vector<16xi32>
      %add3A_435 = arith.addi %mul3A_371, %add3A_434 : vector<16xi32>
      %add3A_436 = arith.constant 8 : i32
      %add3A_437 = vector.broadcast %add3A_436 : i32 to vector<16xi32>
      %add3A_438 = arith.addi %add3A_435, %add3A_437 : vector<16xi32>
      %gather3A_439 = tpu.vector_load_idx %arg16[%add3A_438] : memref<512xf32, #tpu.memory_space<vmem>>[vector<16xi32>], vector<16xf32>,
      %add3A_440 = arith.constant 16 : i32
      %add3A_441 = vector.broadcast %add3A_440 : i32 to vector<16xi32>
      %add3A_442 = arith.addi %mul3A_371, %add3A_441 : vector<16xi32>
      %add3A_443 = arith.constant 12 : i32
      %add3A_444 = vector.broadcast %add3A_443 : i32 to vector<16xi32>
      %add3A_445 = arith.addi %add3A_442, %add3A_444 : vector<16xi32>
      %gather3A_446 = tpu.vector_load_idx %arg16[%add3A_445] : memref<512xf32, #tpu.memory_space<vmem>>[vector<16xi32>], vector<16xf32>,
      %add3A_447 = arith.constant 16 : i32
      %add3A_448 = vector.broadcast %add3A_447 : i32 to vector<16xi32>
      %add3A_449 = arith.addi %mul3A_371, %add3A_448 : vector<16xi32>
      %add3A_450 = arith.constant 0 : i32
      %add3A_451 = vector.broadcast %add3A_450 : i32 to vector<16xi32>
      %add3A_452 = arith.addi %add3A_449, %add3A_451 : vector<16xi32>
      %add3A_453 = arith.constant 1 : i32
      %add3A_454 = vector.broadcast %add3A_453 : i32 to vector<16xi32>
      %add3A_455 = arith.addi %add3A_452, %add3A_454 : vector<16xi32>
      %gather3A_456 = tpu.vector_load_idx %arg16[%add3A_455] : memref<512xf32, #tpu.memory_space<vmem>>[vector<16xi32>], vector<16xf32>,
      %add3A_457 = arith.constant 16 : i32
      %add3A_458 = vector.broadcast %add3A_457 : i32 to vector<16xi32>
      %add3A_459 = arith.addi %mul3A_371, %add3A_458 : vector<16xi32>
      %add3A_460 = arith.constant 4 : i32
      %add3A_461 = vector.broadcast %add3A_460 : i32 to vector<16xi32>
      %add3A_462 = arith.addi %add3A_459, %add3A_461 : vector<16xi32>
      %add3A_463 = arith.constant 1 : i32
      %add3A_464 = vector.broadcast %add3A_463 : i32 to vector<16xi32>
      %add3A_465 = arith.addi %add3A_462, %add3A_464 : vector<16xi32>
      %gather3A_466 = tpu.vector_load_idx %arg16[%add3A_465] : memref<512xf32, #tpu.memory_space<vmem>>[vector<16xi32>], vector<16xf32>,
      %add3A_467 = arith.constant 16 : i32
      %add3A_468 = vector.broadcast %add3A_467 : i32 to vector<16xi32>
      %add3A_469 = arith.addi %mul3A_371, %add3A_468 : vector<16xi32>
      %add3A_470 = arith.constant 8 : i32
      %add3A_471 = vector.broadcast %add3A_470 : i32 to vector<16xi32>
      %add3A_472 = arith.addi %add3A_469, %add3A_471 : vector<16xi32>
      %add3A_473 = arith.constant 1 : i32
      %add3A_474 = vector.broadcast %add3A_473 : i32 to vector<16xi32>
      %add3A_475 = arith.addi %add3A_472, %add3A_474 : vector<16xi32>
      %gather3A_476 = tpu.vector_load_idx %arg16[%add3A_475] : memref<512xf32, #tpu.memory_space<vmem>>[vector<16xi32>], vector<16xf32>,
      %add3A_477 = arith.constant 16 : i32
      %add3A_478 = vector.broadcast %add3A_477 : i32 to vector<16xi32>
      %add3A_479 = arith.addi %mul3A_371, %add3A_478 : vector<16xi32>
      %add3A_480 = arith.constant 12 : i32
      %add3A_481 = vector.broadcast %add3A_480 : i32 to vector<16xi32>
      %add3A_482 = arith.addi %add3A_479, %add3A_481 : vector<16xi32>
      %add3A_483 = arith.constant 1 : i32
      %add3A_484 = vector.broadcast %add3A_483 : i32 to vector<16xi32>
      %add3A_485 = arith.addi %add3A_482, %add3A_484 : vector<16xi32>
      %gather3A_486 = tpu.vector_load_idx %arg16[%add3A_485] : memref<512xf32, #tpu.memory_space<vmem>>[vector<16xi32>], vector<16xf32>,
      %add3A_487 = arith.constant 16 : i32
      %add3A_488 = vector.broadcast %add3A_487 : i32 to vector<16xi32>
      %add3A_489 = arith.addi %mul3A_371, %add3A_488 : vector<16xi32>
      %add3A_490 = arith.constant 0 : i32
      %add3A_491 = vector.broadcast %add3A_490 : i32 to vector<16xi32>
      %add3A_492 = arith.addi %add3A_489, %add3A_491 : vector<16xi32>
      %add3A_493 = arith.constant 2 : i32
      %add3A_494 = vector.broadcast %add3A_493 : i32 to vector<16xi32>
      %add3A_495 = arith.addi %add3A_492, %add3A_494 : vector<16xi32>
      %gather3A_496 = tpu.vector_load_idx %arg16[%add3A_495] : memref<512xf32, #tpu.memory_space<vmem>>[vector<16xi32>], vector<16xf32>,
      %add3A_497 = arith.constant 16 : i32
      %add3A_498 = vector.broadcast %add3A_497 : i32 to vector<16xi32>
      %add3A_499 = arith.addi %mul3A_371, %add3A_498 : vector<16xi32>
      %add3A_500 = arith.constant 4 : i32
      %add3A_501 = vector.broadcast %add3A_500 : i32 to vector<16xi32>
      %add3A_502 = arith.addi %add3A_499, %add3A_501 : vector<16xi32>
      %add3A_503 = arith.constant 2 : i32
      %add3A_504 = vector.broadcast %add3A_503 : i32 to vector<16xi32>
      %add3A_505 = arith.addi %add3A_502, %add3A_504 : vector<16xi32>
      %gather3A_506 = tpu.vector_load_idx %arg16[%add3A_505] : memref<512xf32, #tpu.memory_space<vmem>>[vector<16xi32>], vector<16xf32>,
      %add3A_507 = arith.constant 16 : i32
      %add3A_508 = vector.broadcast %add3A_507 : i32 to vector<16xi32>
      %add3A_509 = arith.addi %mul3A_371, %add3A_508 : vector<16xi32>
      %add3A_510 = arith.constant 8 : i32
      %add3A_511 = vector.broadcast %add3A_510 : i32 to vector<16xi32>
      %add3A_512 = arith.addi %add3A_509, %add3A_511 : vector<16xi32>
      %add3A_513 = arith.constant 2 : i32
      %add3A_514 = vector.broadcast %add3A_513 : i32 to vector<16xi32>
      %add3A_515 = arith.addi %add3A_512, %add3A_514 : vector<16xi32>
      %gather3A_516 = tpu.vector_load_idx %arg16[%add3A_515] : memref<512xf32, #tpu.memory_space<vmem>>[vector<16xi32>], vector<16xf32>,
      %add3A_517 = arith.constant 16 : i32
      %add3A_518 = vector.broadcast %add3A_517 : i32 to vector<16xi32>
      %add3A_519 = arith.addi %mul3A_371, %add3A_518 : vector<16xi32>
      %add3A_520 = arith.constant 12 : i32
      %add3A_521 = vector.broadcast %add3A_520 : i32 to vector<16xi32>
      %add3A_522 = arith.addi %add3A_519, %add3A_521 : vector<16xi32>
      %add3A_523 = arith.constant 2 : i32
      %add3A_524 = vector.broadcast %add3A_523 : i32 to vector<16xi32>
      %add3A_525 = arith.addi %add3A_522, %add3A_524 : vector<16xi32>
      %gather3A_526 = tpu.vector_load_idx %arg16[%add3A_525] : memref<512xf32, #tpu.memory_space<vmem>>[vector<16xi32>], vector<16xf32>,
      %add3A_527 = arith.constant 16 : i32
      %add3A_528 = vector.broadcast %add3A_527 : i32 to vector<16xi32>
      %add3A_529 = arith.addi %mul3A_371, %add3A_528 : vector<16xi32>
      %add3A_530 = arith.constant 0 : i32
      %add3A_531 = vector.broadcast %add3A_530 : i32 to vector<16xi32>
      %add3A_532 = arith.addi %add3A_529, %add3A_531 : vector<16xi32>
      %add3A_533 = arith.constant 3 : i32
      %add3A_534 = vector.broadcast %add3A_533 : i32 to vector<16xi32>
      %add3A_535 = arith.addi %add3A_532, %add3A_534 : vector<16xi32>
      %gather3A_536 = tpu.vector_load_idx %arg16[%add3A_535] : memref<512xf32, #tpu.memory_space<vmem>>[vector<16xi32>], vector<16xf32>,
      %add3A_537 = arith.constant 16 : i32
      %add3A_538 = vector.broadcast %add3A_537 : i32 to vector<16xi32>
      %add3A_539 = arith.addi %mul3A_371, %add3A_538 : vector<16xi32>
      %add3A_540 = arith.constant 4 : i32
      %add3A_541 = vector.broadcast %add3A_540 : i32 to vector<16xi32>
      %add3A_542 = arith.addi %add3A_539, %add3A_541 : vector<16xi32>
      %add3A_543 = arith.constant 3 : i32
      %add3A_544 = vector.broadcast %add3A_543 : i32 to vector<16xi32>
      %add3A_545 = arith.addi %add3A_542, %add3A_544 : vector<16xi32>
      %gather3A_546 = tpu.vector_load_idx %arg16[%add3A_545] : memref<512xf32, #tpu.memory_space<vmem>>[vector<16xi32>], vector<16xf32>,
      %add3A_547 = arith.constant 16 : i32
      %add3A_548 = vector.broadcast %add3A_547 : i32 to vector<16xi32>
      %add3A_549 = arith.addi %mul3A_371, %add3A_548 : vector<16xi32>
      %add3A_550 = arith.constant 8 : i32
      %add3A_551 = vector.broadcast %add3A_550 : i32 to vector<16xi32>
      %add3A_552 = arith.addi %add3A_549, %add3A_551 : vector<16xi32>
      %add3A_553 = arith.constant 3 : i32
      %add3A_554 = vector.broadcast %add3A_553 : i32 to vector<16xi32>
      %add3A_555 = arith.addi %add3A_552, %add3A_554 : vector<16xi32>
      %gather3A_556 = tpu.vector_load_idx %arg16[%add3A_555] : memref<512xf32, #tpu.memory_space<vmem>>[vector<16xi32>], vector<16xf32>,
      %add3A_557 = arith.constant 16 : i32
      %add3A_558 = vector.broadcast %add3A_557 : i32 to vector<16xi32>
      %add3A_559 = arith.addi %mul3A_371, %add3A_558 : vector<16xi32>
      %add3A_560 = arith.constant 12 : i32
      %add3A_561 = vector.broadcast %add3A_560 : i32 to vector<16xi32>
      %add3A_562 = arith.addi %add3A_559, %add3A_561 : vector<16xi32>
      %add3A_563 = arith.constant 3 : i32
      %add3A_564 = vector.broadcast %add3A_563 : i32 to vector<16xi32>
      %add3A_565 = arith.addi %add3A_562, %add3A_564 : vector<16xi32>
      %gather3A_566 = tpu.vector_load_idx %arg16[%add3A_565] : memref<512xf32, #tpu.memory_space<vmem>>[vector<16xi32>], vector<16xf32>,
      %sub3A_567 = arith.subf %gather3A_496, %gather3A_425 : vector<16xf32>
      %sub3A_568 = arith.subf %gather3A_536, %gather3A_456 : vector<16xf32>
      %mul3A_569 = arith.mulf %sub3A_567, %sub3A_568 : vector<16xf32>
      %sub3A_570 = arith.subf %gather3A_506, %gather3A_432 : vector<16xf32>
      %sub3A_571 = arith.subf %gather3A_546, %gather3A_466 : vector<16xf32>
      %mul3A_572 = arith.mulf %sub3A_570, %sub3A_571 : vector<16xf32>
      %sub3A_573 = arith.subf %gather3A_516, %gather3A_439 : vector<16xf32>
      %sub3A_574 = arith.subf %gather3A_556, %gather3A_476 : vector<16xf32>
      %mul3A_575 = arith.mulf %sub3A_573, %sub3A_574 : vector<16xf32>
      %sub3A_576 = arith.subf %gather3A_526, %gather3A_446 : vector<16xf32>
      %sub3A_577 = arith.subf %gather3A_566, %gather3A_486 : vector<16xf32>
      %mul3A_578 = arith.mulf %sub3A_576, %sub3A_577 : vector<16xf32>
      %max3A_579 = arith.maximumf %gather3A_374, %gather3A_378 : vector<16xf32>
      %max3A_580 = arith.maximumf %gather3A_382, %gather3A_386 : vector<16xf32>
      %max3A_581 = arith.maximumf %max3A_579, %max3A_580 : vector<16xf32>
      %reduce_max3A_582 = arith.constant true
      %reduce_max3A_583 = vector.broadcast %reduce_max3A_582 : i1 to vector<16xi1>
      %reduce_max3A_584 = tpu.scan <max>, %max3A_581 masked %reduce_max3A_583 : vector<16xf32>, vector<16xi1> -> vector<16xf32>
      %reduce_max3A_585 = vector.extract %reduce_max3A_584[15] : f32 from vector<16xf32>
      %broadcast_in_dim3A_586 = vector.broadcast %reduce_max3A_585 : f32 to vector<16xf32>
      %eq3A_587 = arith.cmpf oeq, %gather3A_374, %broadcast_in_dim3A_586 : vector<16xf32>
      %jit3A_588 = arith.constant 2147483647 : i32
      %broadcast_in_dim3A_589 = vector.broadcast %jit3A_588 : i32 to vector<16xi32>
      %select_n3A_590 = arith.select %eq3A_587, %bitcast3A_394, %broadcast_in_dim3A_589 : vector<16xi1>, vector<16xi32>
      %eq3A_591 = arith.cmpf oeq, %gather3A_378, %broadcast_in_dim3A_586 : vector<16xf32>
      %jit3A_592 = arith.constant 2147483647 : i32
      %broadcast_in_dim3A_593 = vector.broadcast %jit3A_592 : i32 to vector<16xi32>
      %select_n3A_594 = arith.select %eq3A_591, %bitcast3A_402, %broadcast_in_dim3A_593 : vector<16xi1>, vector<16xi32>
      %min3A_595 = arith.minsi %select_n3A_590, %select_n3A_594 : vector<16xi32>
      %eq3A_596 = arith.cmpf oeq, %gather3A_382, %broadcast_in_dim3A_586 : vector<16xf32>
      %jit3A_597 = arith.constant 2147483647 : i32
      %broadcast_in_dim3A_598 = vector.broadcast %jit3A_597 : i32 to vector<16xi32>
      %select_n3A_599 = arith.select %eq3A_596, %bitcast3A_410, %broadcast_in_dim3A_598 : vector<16xi1>, vector<16xi32>
      %eq3A_600 = arith.cmpf oeq, %gather3A_386, %broadcast_in_dim3A_586 : vector<16xf32>
      %jit3A_601 = arith.constant 2147483647 : i32
      %broadcast_in_dim3A_602 = vector.broadcast %jit3A_601 : i32 to vector<16xi32>
      %select_n3A_603 = arith.select %eq3A_600, %bitcast3A_418, %broadcast_in_dim3A_602 : vector<16xi1>, vector<16xi32>
      %min3A_604 = arith.minsi %select_n3A_599, %select_n3A_603 : vector<16xi32>
      %min3A_605 = arith.minsi %min3A_595, %min3A_604 : vector<16xi32>
      %reduce_min3A_606 = arith.constant true
      %reduce_min3A_607 = vector.broadcast %reduce_min3A_606 : i1 to vector<16xi1>
      %reduce_min3A_608 = arith.constant -2147483648 : i32
      %reduce_min3A_609 = vector.broadcast %reduce_min3A_608 : i32 to vector<16xi32>
      %reduce_min3A_610 = arith.xori %min3A_605, %reduce_min3A_609 : vector<16xi32>
      %reduce_min3A_611 = tpu.scan <min>, %reduce_min3A_610 masked %reduce_min3A_607 : vector<16xi32>, vector<16xi1> -> vector<16xi32>
      %reduce_min3A_612 = arith.xori %reduce_min3A_611, %reduce_min3A_609 : vector<16xi32>
      %reduce_min3A_613 = vector.extract %reduce_min3A_612[15] : i32 from vector<16xi32>
      %broadcast_in_dim3A_614 = vector.broadcast %reduce_min3A_613 : i32 to vector<16xi32>
      %gt3A = arith.constant -5.000000e+29 : f32
      %gt3A_615 = arith.cmpf ogt, %reduce_max3A_585, %gt3A : f32
      %lt3A_616 = arith.constant -5.000000e+29 : f32
      %lt3A_617 = vector.broadcast %lt3A_616 : f32 to vector<16xf32>
      %lt3A_618 = arith.cmpf olt, %max3A_581, %lt3A_617 : vector<16xf32>
      %gt3A_619 = arith.cmpf ogt, %gather3A_386, %broadcast_in_dim3A_586 : vector<16xf32>
      %eq3A_620 = arith.cmpf oeq, %gather3A_386, %broadcast_in_dim3A_586 : vector<16xf32>
      %lt3A_621 = arith.cmpi slt, %bitcast3A_418, %broadcast_in_dim3A_614 : vector<16xi32>
      %and3A_622 = arith.andi %eq3A_620, %lt3A_621 : vector<16xi1>
      %or3A = arith.ori %gt3A_619, %and3A_622 : vector<16xi1>
      %and3A_623 = arith.andi %lt3A_618, %or3A : vector<16xi1>
      %jit3A_624 = arith.constant 1 : i32
      %jit3A_625 = arith.constant 0 : i32
      %broadcast_in_dim3A_626 = vector.broadcast %jit3A_624 : i32 to vector<16xi32>
      %broadcast_in_dim3A_627 = vector.broadcast %jit3A_625 : i32 to vector<16xi32>
      %select_n3A_628 = arith.select %and3A_623, %broadcast_in_dim3A_626, %broadcast_in_dim3A_627 : vector<16xi1>, vector<16xi32>
      %reduce_max3A_629 = arith.constant true
      %reduce_max3A_630 = vector.broadcast %reduce_max3A_629 : i1 to vector<16xi1>
      %reduce_max3A_631 = arith.constant -2147483648 : i32
      %reduce_max3A_632 = vector.broadcast %reduce_max3A_631 : i32 to vector<16xi32>
      %reduce_max3A_633 = arith.xori %select_n3A_628, %reduce_max3A_632 : vector<16xi32>
      %reduce_max3A_634 = tpu.scan <max>, %reduce_max3A_633 masked %reduce_max3A_630 : vector<16xi32>, vector<16xi1> -> vector<16xi32>
      %reduce_max3A_635 = arith.xori %reduce_max3A_634, %reduce_max3A_632 : vector<16xi32>
      %reduce_max3A_636 = vector.extract %reduce_max3A_635[15] : i32 from vector<16xi32>
      %gt3A_637 = arith.constant 0 : i32
      %gt3A_638 = arith.cmpi sgt, %reduce_max3A_636, %gt3A_637 : i32
      %not3A = arith.constant true
      %not3A_639 = arith.xori %gt3A_638, %not3A : i1
      %and3A_640 = arith.andi %gt3A_615, %not3A_639 : i1
      %lt3A_641 = arith.constant 30 : i32
      %lt3A_642 = arith.cmpi slt, %while3A_276, %lt3A_641 : i32
      %and3A_643 = arith.andi %and3A_640, %lt3A_642 : i1
      %broadcast_in_dim3A_644 = vector.broadcast %and3A_643 : i1 to vector<16xi1>
      %eq3A_645 = arith.cmpi eq, %bitcast3A_394, %broadcast_in_dim3A_614 : vector<16xi32>
      %eq3A_646 = arith.cmpf oeq, %gather3A_374, %broadcast_in_dim3A_586 : vector<16xf32>
      %and3A_647 = arith.andi %eq3A_645, %eq3A_646 : vector<16xi1>
      %eq3A_648 = arith.cmpi eq, %bitcast3A_402, %broadcast_in_dim3A_614 : vector<16xi32>
      %eq3A_649 = arith.cmpf oeq, %gather3A_378, %broadcast_in_dim3A_586 : vector<16xf32>
      %and3A_650 = arith.andi %eq3A_648, %eq3A_649 : vector<16xi1>
      %eq3A_651 = arith.cmpi eq, %bitcast3A_410, %broadcast_in_dim3A_614 : vector<16xi32>
      %eq3A_652 = arith.cmpf oeq, %gather3A_382, %broadcast_in_dim3A_586 : vector<16xf32>
      %and3A_653 = arith.andi %eq3A_651, %eq3A_652 : vector<16xi1>
      %eq3A_654 = arith.cmpi eq, %bitcast3A_418, %broadcast_in_dim3A_614 : vector<16xi32>
      %eq3A_655 = arith.cmpf oeq, %gather3A_386, %broadcast_in_dim3A_586 : vector<16xf32>
      %and3A_656 = arith.andi %eq3A_654, %eq3A_655 : vector<16xi1>
      %jit3A_657 = arith.constant -1.000000e+30 : f32
      %broadcast_in_dim3A_658 = vector.broadcast %jit3A_657 : f32 to vector<16xf32>
      %select_n3A_659 = arith.select %and3A_647, %gather3A_425, %broadcast_in_dim3A_658 : vector<16xi1>, vector<16xf32>
      %jit3A_660 = arith.constant -1.000000e+30 : f32
      %broadcast_in_dim3A_661 = vector.broadcast %jit3A_660 : f32 to vector<16xf32>
      %select_n3A_662 = arith.select %and3A_650, %gather3A_432, %broadcast_in_dim3A_661 : vector<16xi1>, vector<16xf32>
      %max3A_663 = arith.maximumf %select_n3A_659, %select_n3A_662 : vector<16xf32>
      %jit3A_664 = arith.constant -1.000000e+30 : f32
      %broadcast_in_dim3A_665 = vector.broadcast %jit3A_664 : f32 to vector<16xf32>
      %select_n3A_666 = arith.select %and3A_653, %gather3A_439, %broadcast_in_dim3A_665 : vector<16xi1>, vector<16xf32>
      %jit3A_667 = arith.constant -1.000000e+30 : f32
      %broadcast_in_dim3A_668 = vector.broadcast %jit3A_667 : f32 to vector<16xf32>
      %select_n3A_669 = arith.select %and3A_656, %gather3A_446, %broadcast_in_dim3A_668 : vector<16xi1>, vector<16xf32>
      %max3A_670 = arith.maximumf %select_n3A_666, %select_n3A_669 : vector<16xf32>
      %max3A_671 = arith.maximumf %max3A_663, %max3A_670 : vector<16xf32>
      %reduce_max3A_672 = arith.constant true
      %reduce_max3A_673 = vector.broadcast %reduce_max3A_672 : i1 to vector<16xi1>
      %reduce_max3A_674 = tpu.scan <max>, %max3A_671 masked %reduce_max3A_673 : vector<16xf32>, vector<16xi1> -> vector<16xf32>
      %reduce_max3A_675 = vector.extract %reduce_max3A_674[15] : f32 from vector<16xf32>
      %jit3A_676 = arith.constant -1.000000e+30 : f32
      %broadcast_in_dim3A_677 = vector.broadcast %jit3A_676 : f32 to vector<16xf32>
      %select_n3A_678 = arith.select %and3A_647, %gather3A_456, %broadcast_in_dim3A_677 : vector<16xi1>, vector<16xf32>
      %jit3A_679 = arith.constant -1.000000e+30 : f32
      %broadcast_in_dim3A_680 = vector.broadcast %jit3A_679 : f32 to vector<16xf32>
      %select_n3A_681 = arith.select %and3A_650, %gather3A_466, %broadcast_in_dim3A_680 : vector<16xi1>, vector<16xf32>
      %max3A_682 = arith.maximumf %select_n3A_678, %select_n3A_681 : vector<16xf32>
      %jit3A_683 = arith.constant -1.000000e+30 : f32
      %broadcast_in_dim3A_684 = vector.broadcast %jit3A_683 : f32 to vector<16xf32>
      %select_n3A_685 = arith.select %and3A_653, %gather3A_476, %broadcast_in_dim3A_684 : vector<16xi1>, vector<16xf32>
      %jit3A_686 = arith.constant -1.000000e+30 : f32
      %broadcast_in_dim3A_687 = vector.broadcast %jit3A_686 : f32 to vector<16xf32>
      %select_n3A_688 = arith.select %and3A_656, %gather3A_486, %broadcast_in_dim3A_687 : vector<16xi1>, vector<16xf32>
      %max3A_689 = arith.maximumf %select_n3A_685, %select_n3A_688 : vector<16xf32>
      %max3A_690 = arith.maximumf %max3A_682, %max3A_689 : vector<16xf32>
      %reduce_max3A_691 = arith.constant true
      %reduce_max3A_692 = vector.broadcast %reduce_max3A_691 : i1 to vector<16xi1>
      %reduce_max3A_693 = tpu.scan <max>, %max3A_690 masked %reduce_max3A_692 : vector<16xf32>, vector<16xi1> -> vector<16xf32>
      %reduce_max3A_694 = vector.extract %reduce_max3A_693[15] : f32 from vector<16xf32>
      %jit3A_695 = arith.constant -1.000000e+30 : f32
      %broadcast_in_dim3A_696 = vector.broadcast %jit3A_695 : f32 to vector<16xf32>
      %select_n3A_697 = arith.select %and3A_647, %gather3A_496, %broadcast_in_dim3A_696 : vector<16xi1>, vector<16xf32>
      %jit3A_698 = arith.constant -1.000000e+30 : f32
      %broadcast_in_dim3A_699 = vector.broadcast %jit3A_698 : f32 to vector<16xf32>
      %select_n3A_700 = arith.select %and3A_650, %gather3A_506, %broadcast_in_dim3A_699 : vector<16xi1>, vector<16xf32>
      %max3A_701 = arith.maximumf %select_n3A_697, %select_n3A_700 : vector<16xf32>
      %jit3A_702 = arith.constant -1.000000e+30 : f32
      %broadcast_in_dim3A_703 = vector.broadcast %jit3A_702 : f32 to vector<16xf32>
      %select_n3A_704 = arith.select %and3A_653, %gather3A_516, %broadcast_in_dim3A_703 : vector<16xi1>, vector<16xf32>
      %jit3A_705 = arith.constant -1.000000e+30 : f32
      %broadcast_in_dim3A_706 = vector.broadcast %jit3A_705 : f32 to vector<16xf32>
      %select_n3A_707 = arith.select %and3A_656, %gather3A_526, %broadcast_in_dim3A_706 : vector<16xi1>, vector<16xf32>
      %max3A_708 = arith.maximumf %select_n3A_704, %select_n3A_707 : vector<16xf32>
      %max3A_709 = arith.maximumf %max3A_701, %max3A_708 : vector<16xf32>
      %reduce_max3A_710 = arith.constant true
      %reduce_max3A_711 = vector.broadcast %reduce_max3A_710 : i1 to vector<16xi1>
      %reduce_max3A_712 = tpu.scan <max>, %max3A_709 masked %reduce_max3A_711 : vector<16xf32>, vector<16xi1> -> vector<16xf32>
      %reduce_max3A_713 = vector.extract %reduce_max3A_712[15] : f32 from vector<16xf32>
      %jit3A_714 = arith.constant -1.000000e+30 : f32
      %broadcast_in_dim3A_715 = vector.broadcast %jit3A_714 : f32 to vector<16xf32>
      %select_n3A_716 = arith.select %and3A_647, %gather3A_536, %broadcast_in_dim3A_715 : vector<16xi1>, vector<16xf32>
      %jit3A_717 = arith.constant -1.000000e+30 : f32
      %broadcast_in_dim3A_718 = vector.broadcast %jit3A_717 : f32 to vector<16xf32>
      %select_n3A_719 = arith.select %and3A_650, %gather3A_546, %broadcast_in_dim3A_718 : vector<16xi1>, vector<16xf32>
      %max3A_720 = arith.maximumf %select_n3A_716, %select_n3A_719 : vector<16xf32>
      %jit3A_721 = arith.constant -1.000000e+30 : f32
      %broadcast_in_dim3A_722 = vector.broadcast %jit3A_721 : f32 to vector<16xf32>
      %select_n3A_723 = arith.select %and3A_653, %gather3A_556, %broadcast_in_dim3A_722 : vector<16xi1>, vector<16xf32>
      %jit3A_724 = arith.constant -1.000000e+30 : f32
      %broadcast_in_dim3A_725 = vector.broadcast %jit3A_724 : f32 to vector<16xf32>
      %select_n3A_726 = arith.select %and3A_656, %gather3A_566, %broadcast_in_dim3A_725 : vector<16xi1>, vector<16xf32>
      %max3A_727 = arith.maximumf %select_n3A_723, %select_n3A_726 : vector<16xf32>
      %max3A_728 = arith.maximumf %max3A_720, %max3A_727 : vector<16xf32>
      %reduce_max3A_729 = arith.constant true
      %reduce_max3A_730 = vector.broadcast %reduce_max3A_729 : i1 to vector<16xi1>
      %reduce_max3A_731 = tpu.scan <max>, %max3A_728 masked %reduce_max3A_730 : vector<16xf32>, vector<16xi1> -> vector<16xf32>
      %reduce_max3A_732 = vector.extract %reduce_max3A_731[15] : f32 from vector<16xf32>
      %jit3A_733 = arith.constant -1.000000e+30 : f32
      %broadcast_in_dim3A_734 = vector.broadcast %jit3A_733 : f32 to vector<16xf32>
      %select_n3A_735 = arith.select %and3A_647, %mul3A_569, %broadcast_in_dim3A_734 : vector<16xi1>, vector<16xf32>
      %jit3A_736 = arith.constant -1.000000e+30 : f32
      %broadcast_in_dim3A_737 = vector.broadcast %jit3A_736 : f32 to vector<16xf32>
      %select_n3A_738 = arith.select %and3A_650, %mul3A_572, %broadcast_in_dim3A_737 : vector<16xi1>, vector<16xf32>
      %max3A_739 = arith.maximumf %select_n3A_735, %select_n3A_738 : vector<16xf32>
      %jit3A_740 = arith.constant -1.000000e+30 : f32
      %broadcast_in_dim3A_741 = vector.broadcast %jit3A_740 : f32 to vector<16xf32>
      %select_n3A_742 = arith.select %and3A_653, %mul3A_575, %broadcast_in_dim3A_741 : vector<16xi1>, vector<16xf32>
      %jit3A_743 = arith.constant -1.000000e+30 : f32
      %broadcast_in_dim3A_744 = vector.broadcast %jit3A_743 : f32 to vector<16xf32>
      %select_n3A_745 = arith.select %and3A_656, %mul3A_578, %broadcast_in_dim3A_744 : vector<16xi1>, vector<16xf32>
      %max3A_746 = arith.maximumf %select_n3A_742, %select_n3A_745 : vector<16xf32>
      %max3A_747 = arith.maximumf %max3A_739, %max3A_746 : vector<16xf32>
      %reduce_max3A_748 = arith.constant true
      %reduce_max3A_749 = vector.broadcast %reduce_max3A_748 : i1 to vector<16xi1>
      %reduce_max3A_750 = tpu.scan <max>, %max3A_747 masked %reduce_max3A_749 : vector<16xf32>, vector<16xi1> -> vector<16xf32>
      %reduce_max3A_751 = vector.extract %reduce_max3A_750[15] : f32 from vector<16xf32>
      %broadcast_in_dim3A_752 = vector.broadcast %reduce_max3A_675 : f32 to vector<16xf32>
      %broadcast_in_dim3A_753 = vector.broadcast %reduce_max3A_694 : f32 to vector<16xf32>
      %broadcast_in_dim3A_754 = vector.broadcast %reduce_max3A_713 : f32 to vector<16xf32>
      %broadcast_in_dim3A_755 = vector.broadcast %reduce_max3A_732 : f32 to vector<16xf32>
      %broadcast_in_dim3A_756 = vector.broadcast %reduce_max3A_751 : f32 to vector<16xf32>
      %eq3A_757 = arith.constant 0 : i32
      %eq3A_758 = vector.broadcast %eq3A_757 : i32 to vector<16xi32>
      %eq3A_759 = arith.cmpi eq, %iota3A, %eq3A_758 : vector<16xi32>
      %eq3A_760 = arith.constant 1 : i32
      %eq3A_761 = vector.broadcast %eq3A_760 : i32 to vector<16xi32>
      %eq3A_762 = arith.cmpi eq, %iota3A, %eq3A_761 : vector<16xi32>
      %eq3A_763 = arith.constant 2 : i32
      %eq3A_764 = vector.broadcast %eq3A_763 : i32 to vector<16xi32>
      %eq3A_765 = arith.cmpi eq, %iota3A, %eq3A_764 : vector<16xi32>
      %eq3A_766 = arith.constant 3 : i32
      %eq3A_767 = vector.broadcast %eq3A_766 : i32 to vector<16xi32>
      %eq3A_768 = arith.cmpi eq, %iota3A, %eq3A_767 : vector<16xi32>
      %eq3A_769 = arith.constant 4 : i32
      %eq3A_770 = vector.broadcast %eq3A_769 : i32 to vector<16xi32>
      %eq3A_771 = arith.cmpi eq, %iota3A, %eq3A_770 : vector<16xi32>
      %jit3A_772 = arith.constant 0.000000e+00 : f32
      %broadcast_in_dim3A_773 = vector.broadcast %jit3A_772 : f32 to vector<16xf32>
      %select_n3A_774 = arith.select %eq3A_771, %broadcast_in_dim3A_586, %broadcast_in_dim3A_773 : vector<16xi1>, vector<16xf32>
      %select_n3A_775 = arith.select %eq3A_768, %broadcast_in_dim3A_755, %select_n3A_774 : vector<16xi1>, vector<16xf32>
      %select_n3A_776 = arith.select %eq3A_765, %broadcast_in_dim3A_754, %select_n3A_775 : vector<16xi1>, vector<16xf32>
      %select_n3A_777 = arith.select %eq3A_762, %broadcast_in_dim3A_753, %select_n3A_776 : vector<16xi1>, vector<16xf32>
      %select_n3A_778 = arith.select %eq3A_759, %broadcast_in_dim3A_752, %select_n3A_777 : vector<16xi1>, vector<16xf32>
      %broadcast_in_dim3A_779 = vector.broadcast %while3A_276 : i32 to vector<16xi32>
      %lt3A_780 = arith.constant 5 : i32
      %lt3A_781 = vector.broadcast %lt3A_780 : i32 to vector<16xi32>
      %lt3A_782 = arith.cmpi slt, %iota3A, %lt3A_781 : vector<16xi32>
      %and3A_783 = arith.andi %lt3A_782, %broadcast_in_dim3A_644 : vector<16xi1>
      tpu.vector_store_idx %arg17[%broadcast_in_dim3A_779, %iota3A], %select_n3A_778 masked %and3A_783 : memref<30x5xf32, #tpu.memory_space<vmem>>[vector<16xi32>, vector<16xi32>], vector<16xf32>, vector<16xi1>
      %jit3A_784 = arith.constant 1 : i32
      %jit3A_785 = arith.constant 0 : i32
      %select_n3A_786 = arith.select %and3A_643, %jit3A_784, %jit3A_785 : i32
      %add3A_787 = arith.addi %while3A_276, %select_n3A_786 : i32
      %max3A_788 = arith.maximumf %broadcast_in_dim3A_752, %gather3A_425 : vector<16xf32>
      %max3A_789 = arith.maximumf %broadcast_in_dim3A_753, %gather3A_456 : vector<16xf32>
      %min3A_790 = arith.minimumf %broadcast_in_dim3A_754, %gather3A_496 : vector<16xf32>
      %min3A_791 = arith.minimumf %broadcast_in_dim3A_755, %gather3A_536 : vector<16xf32>
      %sub3A_792 = arith.subf %min3A_790, %max3A_788 : vector<16xf32>
      %max3A_793 = arith.constant 0.000000e+00 : f32
      %max3A_794 = vector.broadcast %max3A_793 : f32 to vector<16xf32>
      %max3A_795 = arith.maximumf %sub3A_792, %max3A_794 : vector<16xf32>
      %sub3A_796 = arith.subf %min3A_791, %max3A_789 : vector<16xf32>
      %max3A_797 = arith.constant 0.000000e+00 : f32
      %max3A_798 = vector.broadcast %max3A_797 : f32 to vector<16xf32>
      %max3A_799 = arith.maximumf %sub3A_796, %max3A_798 : vector<16xf32>
      %mul3A_800 = arith.mulf %max3A_795, %max3A_799 : vector<16xf32>
      %add3A_801 = arith.addf %broadcast_in_dim3A_756, %mul3A_569 : vector<16xf32>
      %sub3A_802 = arith.subf %add3A_801, %mul3A_800 : vector<16xf32>
      %add3A_803 = arith.constant 9.99999993E-9 : f32
      %add3A_804 = vector.broadcast %add3A_803 : f32 to vector<16xf32>
      %add3A_805 = arith.addf %sub3A_802, %add3A_804 : vector<16xf32>
      %div3A = arith.divf %mul3A_800, %add3A_805 : vector<16xf32>
      %gt3A_806 = arith.constant 5.000000e-01 : f32
      %gt3A_807 = vector.broadcast %gt3A_806 : f32 to vector<16xf32>
      %gt3A_808 = arith.cmpf ogt, %div3A, %gt3A_807 : vector<16xf32>
      %eq3A_809 = arith.cmpi eq, %bitcast3A_394, %broadcast_in_dim3A_614 : vector<16xi32>
      %or3A_810 = arith.ori %gt3A_808, %eq3A_809 : vector<16xi1>
      %and3A_811 = arith.andi %or3A_810, %broadcast_in_dim3A_644 : vector<16xi1>
      %jit3A_812 = arith.constant -1.000000e+30 : f32
      %broadcast_in_dim3A_813 = vector.broadcast %jit3A_812 : f32 to vector<16xf32>
      %select_n3A_814 = arith.select %and3A_811, %broadcast_in_dim3A_813, %gather3A_374 : vector<16xi1>, vector<16xf32>
      %max3A_815 = arith.maximumf %broadcast_in_dim3A_752, %gather3A_432 : vector<16xf32>
      %max3A_816 = arith.maximumf %broadcast_in_dim3A_753, %gather3A_466 : vector<16xf32>
      %min3A_817 = arith.minimumf %broadcast_in_dim3A_754, %gather3A_506 : vector<16xf32>
      %min3A_818 = arith.minimumf %broadcast_in_dim3A_755, %gather3A_546 : vector<16xf32>
      %sub3A_819 = arith.subf %min3A_817, %max3A_815 : vector<16xf32>
      %max3A_820 = arith.constant 0.000000e+00 : f32
      %max3A_821 = vector.broadcast %max3A_820 : f32 to vector<16xf32>
      %max3A_822 = arith.maximumf %sub3A_819, %max3A_821 : vector<16xf32>
      %sub3A_823 = arith.subf %min3A_818, %max3A_816 : vector<16xf32>
      %max3A_824 = arith.constant 0.000000e+00 : f32
      %max3A_825 = vector.broadcast %max3A_824 : f32 to vector<16xf32>
      %max3A_826 = arith.maximumf %sub3A_823, %max3A_825 : vector<16xf32>
      %mul3A_827 = arith.mulf %max3A_822, %max3A_826 : vector<16xf32>
      %add3A_828 = arith.addf %broadcast_in_dim3A_756, %mul3A_572 : vector<16xf32>
      %sub3A_829 = arith.subf %add3A_828, %mul3A_827 : vector<16xf32>
      %add3A_830 = arith.constant 9.99999993E-9 : f32
      %add3A_831 = vector.broadcast %add3A_830 : f32 to vector<16xf32>
      %add3A_832 = arith.addf %sub3A_829, %add3A_831 : vector<16xf32>
      %div3A_833 = arith.divf %mul3A_827, %add3A_832 : vector<16xf32>
      %gt3A_834 = arith.constant 5.000000e-01 : f32
      %gt3A_835 = vector.broadcast %gt3A_834 : f32 to vector<16xf32>
      %gt3A_836 = arith.cmpf ogt, %div3A_833, %gt3A_835 : vector<16xf32>
      %eq3A_837 = arith.cmpi eq, %bitcast3A_402, %broadcast_in_dim3A_614 : vector<16xi32>
      %or3A_838 = arith.ori %gt3A_836, %eq3A_837 : vector<16xi1>
      %and3A_839 = arith.andi %or3A_838, %broadcast_in_dim3A_644 : vector<16xi1>
      %jit3A_840 = arith.constant -1.000000e+30 : f32
      %broadcast_in_dim3A_841 = vector.broadcast %jit3A_840 : f32 to vector<16xf32>
      %select_n3A_842 = arith.select %and3A_839, %broadcast_in_dim3A_841, %gather3A_378 : vector<16xi1>, vector<16xf32>
      %max3A_843 = arith.maximumf %broadcast_in_dim3A_752, %gather3A_439 : vector<16xf32>
      %max3A_844 = arith.maximumf %broadcast_in_dim3A_753, %gather3A_476 : vector<16xf32>
      %min3A_845 = arith.minimumf %broadcast_in_dim3A_754, %gather3A_516 : vector<16xf32>
      %min3A_846 = arith.minimumf %broadcast_in_dim3A_755, %gather3A_556 : vector<16xf32>
      %sub3A_847 = arith.subf %min3A_845, %max3A_843 : vector<16xf32>
      %max3A_848 = arith.constant 0.000000e+00 : f32
      %max3A_849 = vector.broadcast %max3A_848 : f32 to vector<16xf32>
      %max3A_850 = arith.maximumf %sub3A_847, %max3A_849 : vector<16xf32>
      %sub3A_851 = arith.subf %min3A_846, %max3A_844 : vector<16xf32>
      %max3A_852 = arith.constant 0.000000e+00 : f32
      %max3A_853 = vector.broadcast %max3A_852 : f32 to vector<16xf32>
      %max3A_854 = arith.maximumf %sub3A_851, %max3A_853 : vector<16xf32>
      %mul3A_855 = arith.mulf %max3A_850, %max3A_854 : vector<16xf32>
      %add3A_856 = arith.addf %broadcast_in_dim3A_756, %mul3A_575 : vector<16xf32>
      %sub3A_857 = arith.subf %add3A_856, %mul3A_855 : vector<16xf32>
      %add3A_858 = arith.constant 9.99999993E-9 : f32
      %add3A_859 = vector.broadcast %add3A_858 : f32 to vector<16xf32>
      %add3A_860 = arith.addf %sub3A_857, %add3A_859 : vector<16xf32>
      %div3A_861 = arith.divf %mul3A_855, %add3A_860 : vector<16xf32>
      %gt3A_862 = arith.constant 5.000000e-01 : f32
      %gt3A_863 = vector.broadcast %gt3A_862 : f32 to vector<16xf32>
      %gt3A_864 = arith.cmpf ogt, %div3A_861, %gt3A_863 : vector<16xf32>
      %eq3A_865 = arith.cmpi eq, %bitcast3A_410, %broadcast_in_dim3A_614 : vector<16xi32>
      %or3A_866 = arith.ori %gt3A_864, %eq3A_865 : vector<16xi1>
      %and3A_867 = arith.andi %or3A_866, %broadcast_in_dim3A_644 : vector<16xi1>
      %jit3A_868 = arith.constant -1.000000e+30 : f32
      %broadcast_in_dim3A_869 = vector.broadcast %jit3A_868 : f32 to vector<16xf32>
      %select_n3A_870 = arith.select %and3A_867, %broadcast_in_dim3A_869, %gather3A_382 : vector<16xi1>, vector<16xf32>
      %max3A_871 = arith.maximumf %broadcast_in_dim3A_752, %gather3A_446 : vector<16xf32>
      %max3A_872 = arith.maximumf %broadcast_in_dim3A_753, %gather3A_486 : vector<16xf32>
      %min3A_873 = arith.minimumf %broadcast_in_dim3A_754, %gather3A_526 : vector<16xf32>
      %min3A_874 = arith.minimumf %broadcast_in_dim3A_755, %gather3A_566 : vector<16xf32>
      %sub3A_875 = arith.subf %min3A_873, %max3A_871 : vector<16xf32>
      %max3A_876 = arith.constant 0.000000e+00 : f32
      %max3A_877 = vector.broadcast %max3A_876 : f32 to vector<16xf32>
      %max3A_878 = arith.maximumf %sub3A_875, %max3A_877 : vector<16xf32>
      %sub3A_879 = arith.subf %min3A_874, %max3A_872 : vector<16xf32>
      %max3A_880 = arith.constant 0.000000e+00 : f32
      %max3A_881 = vector.broadcast %max3A_880 : f32 to vector<16xf32>
      %max3A_882 = arith.maximumf %sub3A_879, %max3A_881 : vector<16xf32>
      %mul3A_883 = arith.mulf %max3A_878, %max3A_882 : vector<16xf32>
      %add3A_884 = arith.addf %broadcast_in_dim3A_756, %mul3A_578 : vector<16xf32>
      %sub3A_885 = arith.subf %add3A_884, %mul3A_883 : vector<16xf32>
      %add3A_886 = arith.constant 9.99999993E-9 : f32
      %add3A_887 = vector.broadcast %add3A_886 : f32 to vector<16xf32>
      %add3A_888 = arith.addf %sub3A_885, %add3A_887 : vector<16xf32>
      %div3A_889 = arith.divf %mul3A_883, %add3A_888 : vector<16xf32>
      %gt3A_890 = arith.constant 5.000000e-01 : f32
      %gt3A_891 = vector.broadcast %gt3A_890 : f32 to vector<16xf32>
      %gt3A_892 = arith.cmpf ogt, %div3A_889, %gt3A_891 : vector<16xf32>
      %eq3A_893 = arith.cmpi eq, %bitcast3A_418, %broadcast_in_dim3A_614 : vector<16xi32>
      %or3A_894 = arith.ori %gt3A_892, %eq3A_893 : vector<16xi1>
      %and3A_895 = arith.andi %or3A_894, %broadcast_in_dim3A_644 : vector<16xi1>
      %jit3A_896 = arith.constant -1.000000e+30 : f32
      %broadcast_in_dim3A_897 = vector.broadcast %jit3A_896 : f32 to vector<16xf32>
      %select_n3A_898 = arith.select %and3A_895, %broadcast_in_dim3A_897, %gather3A_386 : vector<16xi1>, vector<16xf32>
      %max3A_899 = arith.maximumf %select_n3A_814, %select_n3A_842 : vector<16xf32>
      %max3A_900 = arith.maximumf %select_n3A_870, %select_n3A_898 : vector<16xf32>
      %max3A_901 = arith.maximumf %max3A_899, %max3A_900 : vector<16xf32>
      %reduce_max3A_902 = arith.constant true
      %reduce_max3A_903 = vector.broadcast %reduce_max3A_902 : i1 to vector<16xi1>
      %reduce_max3A_904 = tpu.scan <max>, %max3A_901 masked %reduce_max3A_903 : vector<16xf32>, vector<16xi1> -> vector<16xf32>
      %reduce_max3A_905 = vector.extract %reduce_max3A_904[15] : f32 from vector<16xf32>
      %broadcast_in_dim3A_906 = vector.broadcast %reduce_max3A_905 : f32 to vector<16xf32>
      %eq3A_907 = arith.cmpf oeq, %select_n3A_814, %broadcast_in_dim3A_906 : vector<16xf32>
      %jit3A_908 = arith.constant 2147483647 : i32
      %broadcast_in_dim3A_909 = vector.broadcast %jit3A_908 : i32 to vector<16xi32>
      %select_n3A_910 = arith.select %eq3A_907, %bitcast3A_394, %broadcast_in_dim3A_909 : vector<16xi1>, vector<16xi32>
      %eq3A_911 = arith.cmpf oeq, %select_n3A_842, %broadcast_in_dim3A_906 : vector<16xf32>
      %jit3A_912 = arith.constant 2147483647 : i32
      %broadcast_in_dim3A_913 = vector.broadcast %jit3A_912 : i32 to vector<16xi32>
      %select_n3A_914 = arith.select %eq3A_911, %bitcast3A_402, %broadcast_in_dim3A_913 : vector<16xi1>, vector<16xi32>
      %min3A_915 = arith.minsi %select_n3A_910, %select_n3A_914 : vector<16xi32>
      %eq3A_916 = arith.cmpf oeq, %select_n3A_870, %broadcast_in_dim3A_906 : vector<16xf32>
      %jit3A_917 = arith.constant 2147483647 : i32
      %broadcast_in_dim3A_918 = vector.broadcast %jit3A_917 : i32 to vector<16xi32>
      %select_n3A_919 = arith.select %eq3A_916, %bitcast3A_410, %broadcast_in_dim3A_918 : vector<16xi1>, vector<16xi32>
      %eq3A_920 = arith.cmpf oeq, %select_n3A_898, %broadcast_in_dim3A_906 : vector<16xf32>
      %jit3A_921 = arith.constant 2147483647 : i32
      %broadcast_in_dim3A_922 = vector.broadcast %jit3A_921 : i32 to vector<16xi32>
      %select_n3A_923 = arith.select %eq3A_920, %bitcast3A_418, %broadcast_in_dim3A_922 : vector<16xi1>, vector<16xi32>
      %min3A_924 = arith.minsi %select_n3A_919, %select_n3A_923 : vector<16xi32>
      %min3A_925 = arith.minsi %min3A_915, %min3A_924 : vector<16xi32>
      %reduce_min3A_926 = arith.constant true
      %reduce_min3A_927 = vector.broadcast %reduce_min3A_926 : i1 to vector<16xi1>
      %reduce_min3A_928 = arith.constant -2147483648 : i32
      %reduce_min3A_929 = vector.broadcast %reduce_min3A_928 : i32 to vector<16xi32>
      %reduce_min3A_930 = arith.xori %min3A_925, %reduce_min3A_929 : vector<16xi32>
      %reduce_min3A_931 = tpu.scan <min>, %reduce_min3A_930 masked %reduce_min3A_927 : vector<16xi32>, vector<16xi1> -> vector<16xi32>
      %reduce_min3A_932 = arith.xori %reduce_min3A_931, %reduce_min3A_929 : vector<16xi32>
      %reduce_min3A_933 = vector.extract %reduce_min3A_932[15] : i32 from vector<16xi32>
      %broadcast_in_dim3A_934 = vector.broadcast %reduce_min3A_933 : i32 to vector<16xi32>
      %gt3A_935 = arith.constant -5.000000e+29 : f32
      %gt3A_936 = arith.cmpf ogt, %reduce_max3A_905, %gt3A_935 : f32
      %lt3A_937 = arith.constant -5.000000e+29 : f32
      %lt3A_938 = vector.broadcast %lt3A_937 : f32 to vector<16xf32>
      %lt3A_939 = arith.cmpf olt, %max3A_901, %lt3A_938 : vector<16xf32>
      %gt3A_940 = arith.cmpf ogt, %gather3A_386, %broadcast_in_dim3A_906 : vector<16xf32>
      %eq3A_941 = arith.cmpf oeq, %gather3A_386, %broadcast_in_dim3A_906 : vector<16xf32>
      %lt3A_942 = arith.cmpi slt, %bitcast3A_418, %broadcast_in_dim3A_934 : vector<16xi32>
      %and3A_943 = arith.andi %eq3A_941, %lt3A_942 : vector<16xi1>
      %or3A_944 = arith.ori %gt3A_940, %and3A_943 : vector<16xi1>
      %and3A_945 = arith.andi %lt3A_939, %or3A_944 : vector<16xi1>
      %jit3A_946 = arith.constant 1 : i32
      %jit3A_947 = arith.constant 0 : i32
      %broadcast_in_dim3A_948 = vector.broadcast %jit3A_946 : i32 to vector<16xi32>
      %broadcast_in_dim3A_949 = vector.broadcast %jit3A_947 : i32 to vector<16xi32>
      %select_n3A_950 = arith.select %and3A_945, %broadcast_in_dim3A_948, %broadcast_in_dim3A_949 : vector<16xi1>, vector<16xi32>
      %reduce_max3A_951 = arith.constant true
      %reduce_max3A_952 = vector.broadcast %reduce_max3A_951 : i1 to vector<16xi1>
      %reduce_max3A_953 = arith.constant -2147483648 : i32
      %reduce_max3A_954 = vector.broadcast %reduce_max3A_953 : i32 to vector<16xi32>
      %reduce_max3A_955 = arith.xori %select_n3A_950, %reduce_max3A_954 : vector<16xi32>
      %reduce_max3A_956 = tpu.scan <max>, %reduce_max3A_955 masked %reduce_max3A_952 : vector<16xi32>, vector<16xi1> -> vector<16xi32>
      %reduce_max3A_957 = arith.xori %reduce_max3A_956, %reduce_max3A_954 : vector<16xi32>
      %reduce_max3A_958 = vector.extract %reduce_max3A_957[15] : i32 from vector<16xi32>
      %gt3A_959 = arith.constant 0 : i32
      %gt3A_960 = arith.cmpi sgt, %reduce_max3A_958, %gt3A_959 : i32
      %not3A_961 = arith.constant true
      %not3A_962 = arith.xori %gt3A_960, %not3A_961 : i1
      %and3A_963 = arith.andi %gt3A_936, %not3A_962 : i1
      %lt3A_964 = arith.constant 30 : i32
      %lt3A_965 = arith.cmpi slt, %add3A_787, %lt3A_964 : i32
      %and3A_966 = arith.andi %and3A_963, %lt3A_965 : i1
      %and3A_967 = arith.andi %and3A_966, %and3A_643 : i1
      %broadcast_in_dim3A_968 = vector.broadcast %and3A_967 : i1 to vector<16xi1>
      %eq3A_969 = arith.cmpi eq, %bitcast3A_394, %broadcast_in_dim3A_934 : vector<16xi32>
      %eq3A_970 = arith.cmpf oeq, %select_n3A_814, %broadcast_in_dim3A_906 : vector<16xf32>
      %and3A_971 = arith.andi %eq3A_969, %eq3A_970 : vector<16xi1>
      %eq3A_972 = arith.cmpi eq, %bitcast3A_402, %broadcast_in_dim3A_934 : vector<16xi32>
      %eq3A_973 = arith.cmpf oeq, %select_n3A_842, %broadcast_in_dim3A_906 : vector<16xf32>
      %and3A_974 = arith.andi %eq3A_972, %eq3A_973 : vector<16xi1>
      %eq3A_975 = arith.cmpi eq, %bitcast3A_410, %broadcast_in_dim3A_934 : vector<16xi32>
      %eq3A_976 = arith.cmpf oeq, %select_n3A_870, %broadcast_in_dim3A_906 : vector<16xf32>
      %and3A_977 = arith.andi %eq3A_975, %eq3A_976 : vector<16xi1>
      %eq3A_978 = arith.cmpi eq, %bitcast3A_418, %broadcast_in_dim3A_934 : vector<16xi32>
      %eq3A_979 = arith.cmpf oeq, %select_n3A_898, %broadcast_in_dim3A_906 : vector<16xf32>
      %and3A_980 = arith.andi %eq3A_978, %eq3A_979 : vector<16xi1>
      %jit3A_981 = arith.constant -1.000000e+30 : f32
      %broadcast_in_dim3A_982 = vector.broadcast %jit3A_981 : f32 to vector<16xf32>
      %select_n3A_983 = arith.select %and3A_971, %gather3A_425, %broadcast_in_dim3A_982 : vector<16xi1>, vector<16xf32>
      %jit3A_984 = arith.constant -1.000000e+30 : f32
      %broadcast_in_dim3A_985 = vector.broadcast %jit3A_984 : f32 to vector<16xf32>
      %select_n3A_986 = arith.select %and3A_974, %gather3A_432, %broadcast_in_dim3A_985 : vector<16xi1>, vector<16xf32>
      %max3A_987 = arith.maximumf %select_n3A_983, %select_n3A_986 : vector<16xf32>
      %jit3A_988 = arith.constant -1.000000e+30 : f32
      %broadcast_in_dim3A_989 = vector.broadcast %jit3A_988 : f32 to vector<16xf32>
      %select_n3A_990 = arith.select %and3A_977, %gather3A_439, %broadcast_in_dim3A_989 : vector<16xi1>, vector<16xf32>
      %jit3A_991 = arith.constant -1.000000e+30 : f32
      %broadcast_in_dim3A_992 = vector.broadcast %jit3A_991 : f32 to vector<16xf32>
      %select_n3A_993 = arith.select %and3A_980, %gather3A_446, %broadcast_in_dim3A_992 : vector<16xi1>, vector<16xf32>
      %max3A_994 = arith.maximumf %select_n3A_990, %select_n3A_993 : vector<16xf32>
      %max3A_995 = arith.maximumf %max3A_987, %max3A_994 : vector<16xf32>
      %reduce_max3A_996 = arith.constant true
      %reduce_max3A_997 = vector.broadcast %reduce_max3A_996 : i1 to vector<16xi1>
      %reduce_max3A_998 = tpu.scan <max>, %max3A_995 masked %reduce_max3A_997 : vector<16xf32>, vector<16xi1> -> vector<16xf32>
      %reduce_max3A_999 = vector.extract %reduce_max3A_998[15] : f32 from vector<16xf32>
      %jit3A_1000 = arith.constant -1.000000e+30 : f32
      %broadcast_in_dim3A_1001 = vector.broadcast %jit3A_1000 : f32 to vector<16xf32>
      %select_n3A_1002 = arith.select %and3A_971, %gather3A_456, %broadcast_in_dim3A_1001 : vector<16xi1>, vector<16xf32>
      %jit3A_1003 = arith.constant -1.000000e+30 : f32
      %broadcast_in_dim3A_1004 = vector.broadcast %jit3A_1003 : f32 to vector<16xf32>
      %select_n3A_1005 = arith.select %and3A_974, %gather3A_466, %broadcast_in_dim3A_1004 : vector<16xi1>, vector<16xf32>
      %max3A_1006 = arith.maximumf %select_n3A_1002, %select_n3A_1005 : vector<16xf32>
      %jit3A_1007 = arith.constant -1.000000e+30 : f32
      %broadcast_in_dim3A_1008 = vector.broadcast %jit3A_1007 : f32 to vector<16xf32>
      %select_n3A_1009 = arith.select %and3A_977, %gather3A_476, %broadcast_in_dim3A_1008 : vector<16xi1>, vector<16xf32>
      %jit3A_1010 = arith.constant -1.000000e+30 : f32
      %broadcast_in_dim3A_1011 = vector.broadcast %jit3A_1010 : f32 to vector<16xf32>
      %select_n3A_1012 = arith.select %and3A_980, %gather3A_486, %broadcast_in_dim3A_1011 : vector<16xi1>, vector<16xf32>
      %max3A_1013 = arith.maximumf %select_n3A_1009, %select_n3A_1012 : vector<16xf32>
      %max3A_1014 = arith.maximumf %max3A_1006, %max3A_1013 : vector<16xf32>
      %reduce_max3A_1015 = arith.constant true
      %reduce_max3A_1016 = vector.broadcast %reduce_max3A_1015 : i1 to vector<16xi1>
      %reduce_max3A_1017 = tpu.scan <max>, %max3A_1014 masked %reduce_max3A_1016 : vector<16xf32>, vector<16xi1> -> vector<16xf32>
      %reduce_max3A_1018 = vector.extract %reduce_max3A_1017[15] : f32 from vector<16xf32>
      %jit3A_1019 = arith.constant -1.000000e+30 : f32
      %broadcast_in_dim3A_1020 = vector.broadcast %jit3A_1019 : f32 to vector<16xf32>
      %select_n3A_1021 = arith.select %and3A_971, %gather3A_496, %broadcast_in_dim3A_1020 : vector<16xi1>, vector<16xf32>
      %jit3A_1022 = arith.constant -1.000000e+30 : f32
      %broadcast_in_dim3A_1023 = vector.broadcast %jit3A_1022 : f32 to vector<16xf32>
      %select_n3A_1024 = arith.select %and3A_974, %gather3A_506, %broadcast_in_dim3A_1023 : vector<16xi1>, vector<16xf32>
      %max3A_1025 = arith.maximumf %select_n3A_1021, %select_n3A_1024 : vector<16xf32>
      %jit3A_1026 = arith.constant -1.000000e+30 : f32
      %broadcast_in_dim3A_1027 = vector.broadcast %jit3A_1026 : f32 to vector<16xf32>
      %select_n3A_1028 = arith.select %and3A_977, %gather3A_516, %broadcast_in_dim3A_1027 : vector<16xi1>, vector<16xf32>
      %jit3A_1029 = arith.constant -1.000000e+30 : f32
      %broadcast_in_dim3A_1030 = vector.broadcast %jit3A_1029 : f32 to vector<16xf32>
      %select_n3A_1031 = arith.select %and3A_980, %gather3A_526, %broadcast_in_dim3A_1030 : vector<16xi1>, vector<16xf32>
      %max3A_1032 = arith.maximumf %select_n3A_1028, %select_n3A_1031 : vector<16xf32>
      %max3A_1033 = arith.maximumf %max3A_1025, %max3A_1032 : vector<16xf32>
      %reduce_max3A_1034 = arith.constant true
      %reduce_max3A_1035 = vector.broadcast %reduce_max3A_1034 : i1 to vector<16xi1>
      %reduce_max3A_1036 = tpu.scan <max>, %max3A_1033 masked %reduce_max3A_1035 : vector<16xf32>, vector<16xi1> -> vector<16xf32>
      %reduce_max3A_1037 = vector.extract %reduce_max3A_1036[15] : f32 from vector<16xf32>
      %jit3A_1038 = arith.constant -1.000000e+30 : f32
      %broadcast_in_dim3A_1039 = vector.broadcast %jit3A_1038 : f32 to vector<16xf32>
      %select_n3A_1040 = arith.select %and3A_971, %gather3A_536, %broadcast_in_dim3A_1039 : vector<16xi1>, vector<16xf32>
      %jit3A_1041 = arith.constant -1.000000e+30 : f32
      %broadcast_in_dim3A_1042 = vector.broadcast %jit3A_1041 : f32 to vector<16xf32>
      %select_n3A_1043 = arith.select %and3A_974, %gather3A_546, %broadcast_in_dim3A_1042 : vector<16xi1>, vector<16xf32>
      %max3A_1044 = arith.maximumf %select_n3A_1040, %select_n3A_1043 : vector<16xf32>
      %jit3A_1045 = arith.constant -1.000000e+30 : f32
      %broadcast_in_dim3A_1046 = vector.broadcast %jit3A_1045 : f32 to vector<16xf32>
      %select_n3A_1047 = arith.select %and3A_977, %gather3A_556, %broadcast_in_dim3A_1046 : vector<16xi1>, vector<16xf32>
      %jit3A_1048 = arith.constant -1.000000e+30 : f32
      %broadcast_in_dim3A_1049 = vector.broadcast %jit3A_1048 : f32 to vector<16xf32>
      %select_n3A_1050 = arith.select %and3A_980, %gather3A_566, %broadcast_in_dim3A_1049 : vector<16xi1>, vector<16xf32>
      %max3A_1051 = arith.maximumf %select_n3A_1047, %select_n3A_1050 : vector<16xf32>
      %max3A_1052 = arith.maximumf %max3A_1044, %max3A_1051 : vector<16xf32>
      %reduce_max3A_1053 = arith.constant true
      %reduce_max3A_1054 = vector.broadcast %reduce_max3A_1053 : i1 to vector<16xi1>
      %reduce_max3A_1055 = tpu.scan <max>, %max3A_1052 masked %reduce_max3A_1054 : vector<16xf32>, vector<16xi1> -> vector<16xf32>
      %reduce_max3A_1056 = vector.extract %reduce_max3A_1055[15] : f32 from vector<16xf32>
      %jit3A_1057 = arith.constant -1.000000e+30 : f32
      %broadcast_in_dim3A_1058 = vector.broadcast %jit3A_1057 : f32 to vector<16xf32>
      %select_n3A_1059 = arith.select %and3A_971, %mul3A_569, %broadcast_in_dim3A_1058 : vector<16xi1>, vector<16xf32>
      %jit3A_1060 = arith.constant -1.000000e+30 : f32
      %broadcast_in_dim3A_1061 = vector.broadcast %jit3A_1060 : f32 to vector<16xf32>
      %select_n3A_1062 = arith.select %and3A_974, %mul3A_572, %broadcast_in_dim3A_1061 : vector<16xi1>, vector<16xf32>
      %max3A_1063 = arith.maximumf %select_n3A_1059, %select_n3A_1062 : vector<16xf32>
      %jit3A_1064 = arith.constant -1.000000e+30 : f32
      %broadcast_in_dim3A_1065 = vector.broadcast %jit3A_1064 : f32 to vector<16xf32>
      %select_n3A_1066 = arith.select %and3A_977, %mul3A_575, %broadcast_in_dim3A_1065 : vector<16xi1>, vector<16xf32>
      %jit3A_1067 = arith.constant -1.000000e+30 : f32
      %broadcast_in_dim3A_1068 = vector.broadcast %jit3A_1067 : f32 to vector<16xf32>
      %select_n3A_1069 = arith.select %and3A_980, %mul3A_578, %broadcast_in_dim3A_1068 : vector<16xi1>, vector<16xf32>
      %max3A_1070 = arith.maximumf %select_n3A_1066, %select_n3A_1069 : vector<16xf32>
      %max3A_1071 = arith.maximumf %max3A_1063, %max3A_1070 : vector<16xf32>
      %reduce_max3A_1072 = arith.constant true
      %reduce_max3A_1073 = vector.broadcast %reduce_max3A_1072 : i1 to vector<16xi1>
      %reduce_max3A_1074 = tpu.scan <max>, %max3A_1071 masked %reduce_max3A_1073 : vector<16xf32>, vector<16xi1> -> vector<16xf32>
      %reduce_max3A_1075 = vector.extract %reduce_max3A_1074[15] : f32 from vector<16xf32>
      %broadcast_in_dim3A_1076 = vector.broadcast %reduce_max3A_999 : f32 to vector<16xf32>
      %broadcast_in_dim3A_1077 = vector.broadcast %reduce_max3A_1018 : f32 to vector<16xf32>
      %broadcast_in_dim3A_1078 = vector.broadcast %reduce_max3A_1037 : f32 to vector<16xf32>
      %broadcast_in_dim3A_1079 = vector.broadcast %reduce_max3A_1056 : f32 to vector<16xf32>
      %broadcast_in_dim3A_1080 = vector.broadcast %reduce_max3A_1075 : f32 to vector<16xf32>
      %eq3A_1081 = arith.constant 0 : i32
      %eq3A_1082 = vector.broadcast %eq3A_1081 : i32 to vector<16xi32>
      %eq3A_1083 = arith.cmpi eq, %iota3A, %eq3A_1082 : vector<16xi32>
      %eq3A_1084 = arith.constant 1 : i32
      %eq3A_1085 = vector.broadcast %eq3A_1084 : i32 to vector<16xi32>
      %eq3A_1086 = arith.cmpi eq, %iota3A, %eq3A_1085 : vector<16xi32>
      %eq3A_1087 = arith.constant 2 : i32
      %eq3A_1088 = vector.broadcast %eq3A_1087 : i32 to vector<16xi32>
      %eq3A_1089 = arith.cmpi eq, %iota3A, %eq3A_1088 : vector<16xi32>
      %eq3A_1090 = arith.constant 3 : i32
      %eq3A_1091 = vector.broadcast %eq3A_1090 : i32 to vector<16xi32>
      %eq3A_1092 = arith.cmpi eq, %iota3A, %eq3A_1091 : vector<16xi32>
      %eq3A_1093 = arith.constant 4 : i32
      %eq3A_1094 = vector.broadcast %eq3A_1093 : i32 to vector<16xi32>
      %eq3A_1095 = arith.cmpi eq, %iota3A, %eq3A_1094 : vector<16xi32>
      %jit3A_1096 = arith.constant 0.000000e+00 : f32
      %broadcast_in_dim3A_1097 = vector.broadcast %jit3A_1096 : f32 to vector<16xf32>
      %select_n3A_1098 = arith.select %eq3A_1095, %broadcast_in_dim3A_906, %broadcast_in_dim3A_1097 : vector<16xi1>, vector<16xf32>
      %select_n3A_1099 = arith.select %eq3A_1092, %broadcast_in_dim3A_1079, %select_n3A_1098 : vector<16xi1>, vector<16xf32>
      %select_n3A_1100 = arith.select %eq3A_1089, %broadcast_in_dim3A_1078, %select_n3A_1099 : vector<16xi1>, vector<16xf32>
      %select_n3A_1101 = arith.select %eq3A_1086, %broadcast_in_dim3A_1077, %select_n3A_1100 : vector<16xi1>, vector<16xf32>
      %select_n3A_1102 = arith.select %eq3A_1083, %broadcast_in_dim3A_1076, %select_n3A_1101 : vector<16xi1>, vector<16xf32>
      %broadcast_in_dim3A_1103 = vector.broadcast %add3A_787 : i32 to vector<16xi32>
      %lt3A_1104 = arith.constant 5 : i32
      %lt3A_1105 = vector.broadcast %lt3A_1104 : i32 to vector<16xi32>
      %lt3A_1106 = arith.cmpi slt, %iota3A, %lt3A_1105 : vector<16xi32>
      %and3A_1107 = arith.andi %lt3A_1106, %broadcast_in_dim3A_968 : vector<16xi1>
      tpu.vector_store_idx %arg17[%broadcast_in_dim3A_1103, %iota3A], %select_n3A_1102 masked %and3A_1107 : memref<30x5xf32, #tpu.memory_space<vmem>>[vector<16xi32>, vector<16xi32>], vector<16xf32>, vector<16xi1>
      %jit3A_1108 = arith.constant 1 : i32
      %jit3A_1109 = arith.constant 0 : i32
      %select_n3A_1110 = arith.select %and3A_967, %jit3A_1108, %jit3A_1109 : i32
      %add3A_1111 = arith.addi %add3A_787, %select_n3A_1110 : i32
      %max3A_1112 = arith.maximumf %broadcast_in_dim3A_1076, %gather3A_425 : vector<16xf32>
      %max3A_1113 = arith.maximumf %broadcast_in_dim3A_1077, %gather3A_456 : vector<16xf32>
      %min3A_1114 = arith.minimumf %broadcast_in_dim3A_1078, %gather3A_496 : vector<16xf32>
      %min3A_1115 = arith.minimumf %broadcast_in_dim3A_1079, %gather3A_536 : vector<16xf32>
      %sub3A_1116 = arith.subf %min3A_1114, %max3A_1112 : vector<16xf32>
      %max3A_1117 = arith.constant 0.000000e+00 : f32
      %max3A_1118 = vector.broadcast %max3A_1117 : f32 to vector<16xf32>
      %max3A_1119 = arith.maximumf %sub3A_1116, %max3A_1118 : vector<16xf32>
      %sub3A_1120 = arith.subf %min3A_1115, %max3A_1113 : vector<16xf32>
      %max3A_1121 = arith.constant 0.000000e+00 : f32
      %max3A_1122 = vector.broadcast %max3A_1121 : f32 to vector<16xf32>
      %max3A_1123 = arith.maximumf %sub3A_1120, %max3A_1122 : vector<16xf32>
      %mul3A_1124 = arith.mulf %max3A_1119, %max3A_1123 : vector<16xf32>
      %add3A_1125 = arith.addf %broadcast_in_dim3A_1080, %mul3A_569 : vector<16xf32>
      %sub3A_1126 = arith.subf %add3A_1125, %mul3A_1124 : vector<16xf32>
      %add3A_1127 = arith.constant 9.99999993E-9 : f32
      %add3A_1128 = vector.broadcast %add3A_1127 : f32 to vector<16xf32>
      %add3A_1129 = arith.addf %sub3A_1126, %add3A_1128 : vector<16xf32>
      %div3A_1130 = arith.divf %mul3A_1124, %add3A_1129 : vector<16xf32>
      %gt3A_1131 = arith.constant 5.000000e-01 : f32
      %gt3A_1132 = vector.broadcast %gt3A_1131 : f32 to vector<16xf32>
      %gt3A_1133 = arith.cmpf ogt, %div3A_1130, %gt3A_1132 : vector<16xf32>
      %eq3A_1134 = arith.cmpi eq, %bitcast3A_394, %broadcast_in_dim3A_934 : vector<16xi32>
      %or3A_1135 = arith.ori %gt3A_1133, %eq3A_1134 : vector<16xi1>
      %and3A_1136 = arith.andi %or3A_1135, %broadcast_in_dim3A_968 : vector<16xi1>
      %jit3A_1137 = arith.constant -1.000000e+30 : f32
      %broadcast_in_dim3A_1138 = vector.broadcast %jit3A_1137 : f32 to vector<16xf32>
      %select_n3A_1139 = arith.select %and3A_1136, %broadcast_in_dim3A_1138, %select_n3A_814 : vector<16xi1>, vector<16xf32>
      %max3A_1140 = arith.maximumf %broadcast_in_dim3A_1076, %gather3A_432 : vector<16xf32>
      %max3A_1141 = arith.maximumf %broadcast_in_dim3A_1077, %gather3A_466 : vector<16xf32>
      %min3A_1142 = arith.minimumf %broadcast_in_dim3A_1078, %gather3A_506 : vector<16xf32>
      %min3A_1143 = arith.minimumf %broadcast_in_dim3A_1079, %gather3A_546 : vector<16xf32>
      %sub3A_1144 = arith.subf %min3A_1142, %max3A_1140 : vector<16xf32>
      %max3A_1145 = arith.constant 0.000000e+00 : f32
      %max3A_1146 = vector.broadcast %max3A_1145 : f32 to vector<16xf32>
      %max3A_1147 = arith.maximumf %sub3A_1144, %max3A_1146 : vector<16xf32>
      %sub3A_1148 = arith.subf %min3A_1143, %max3A_1141 : vector<16xf32>
      %max3A_1149 = arith.constant 0.000000e+00 : f32
      %max3A_1150 = vector.broadcast %max3A_1149 : f32 to vector<16xf32>
      %max3A_1151 = arith.maximumf %sub3A_1148, %max3A_1150 : vector<16xf32>
      %mul3A_1152 = arith.mulf %max3A_1147, %max3A_1151 : vector<16xf32>
      %add3A_1153 = arith.addf %broadcast_in_dim3A_1080, %mul3A_572 : vector<16xf32>
      %sub3A_1154 = arith.subf %add3A_1153, %mul3A_1152 : vector<16xf32>
      %add3A_1155 = arith.constant 9.99999993E-9 : f32
      %add3A_1156 = vector.broadcast %add3A_1155 : f32 to vector<16xf32>
      %add3A_1157 = arith.addf %sub3A_1154, %add3A_1156 : vector<16xf32>
      %div3A_1158 = arith.divf %mul3A_1152, %add3A_1157 : vector<16xf32>
      %gt3A_1159 = arith.constant 5.000000e-01 : f32
      %gt3A_1160 = vector.broadcast %gt3A_1159 : f32 to vector<16xf32>
      %gt3A_1161 = arith.cmpf ogt, %div3A_1158, %gt3A_1160 : vector<16xf32>
      %eq3A_1162 = arith.cmpi eq, %bitcast3A_402, %broadcast_in_dim3A_934 : vector<16xi32>
      %or3A_1163 = arith.ori %gt3A_1161, %eq3A_1162 : vector<16xi1>
      %and3A_1164 = arith.andi %or3A_1163, %broadcast_in_dim3A_968 : vector<16xi1>
      %jit3A_1165 = arith.constant -1.000000e+30 : f32
      %broadcast_in_dim3A_1166 = vector.broadcast %jit3A_1165 : f32 to vector<16xf32>
      %select_n3A_1167 = arith.select %and3A_1164, %broadcast_in_dim3A_1166, %select_n3A_842 : vector<16xi1>, vector<16xf32>
      %max3A_1168 = arith.maximumf %broadcast_in_dim3A_1076, %gather3A_439 : vector<16xf32>
      %max3A_1169 = arith.maximumf %broadcast_in_dim3A_1077, %gather3A_476 : vector<16xf32>
      %min3A_1170 = arith.minimumf %broadcast_in_dim3A_1078, %gather3A_516 : vector<16xf32>
      %min3A_1171 = arith.minimumf %broadcast_in_dim3A_1079, %gather3A_556 : vector<16xf32>
      %sub3A_1172 = arith.subf %min3A_1170, %max3A_1168 : vector<16xf32>
      %max3A_1173 = arith.constant 0.000000e+00 : f32
      %max3A_1174 = vector.broadcast %max3A_1173 : f32 to vector<16xf32>
      %max3A_1175 = arith.maximumf %sub3A_1172, %max3A_1174 : vector<16xf32>
      %sub3A_1176 = arith.subf %min3A_1171, %max3A_1169 : vector<16xf32>
      %max3A_1177 = arith.constant 0.000000e+00 : f32
      %max3A_1178 = vector.broadcast %max3A_1177 : f32 to vector<16xf32>
      %max3A_1179 = arith.maximumf %sub3A_1176, %max3A_1178 : vector<16xf32>
      %mul3A_1180 = arith.mulf %max3A_1175, %max3A_1179 : vector<16xf32>
      %add3A_1181 = arith.addf %broadcast_in_dim3A_1080, %mul3A_575 : vector<16xf32>
      %sub3A_1182 = arith.subf %add3A_1181, %mul3A_1180 : vector<16xf32>
      %add3A_1183 = arith.constant 9.99999993E-9 : f32
      %add3A_1184 = vector.broadcast %add3A_1183 : f32 to vector<16xf32>
      %add3A_1185 = arith.addf %sub3A_1182, %add3A_1184 : vector<16xf32>
      %div3A_1186 = arith.divf %mul3A_1180, %add3A_1185 : vector<16xf32>
      %gt3A_1187 = arith.constant 5.000000e-01 : f32
      %gt3A_1188 = vector.broadcast %gt3A_1187 : f32 to vector<16xf32>
      %gt3A_1189 = arith.cmpf ogt, %div3A_1186, %gt3A_1188 : vector<16xf32>
      %eq3A_1190 = arith.cmpi eq, %bitcast3A_410, %broadcast_in_dim3A_934 : vector<16xi32>
      %or3A_1191 = arith.ori %gt3A_1189, %eq3A_1190 : vector<16xi1>
      %and3A_1192 = arith.andi %or3A_1191, %broadcast_in_dim3A_968 : vector<16xi1>
      %jit3A_1193 = arith.constant -1.000000e+30 : f32
      %broadcast_in_dim3A_1194 = vector.broadcast %jit3A_1193 : f32 to vector<16xf32>
      %select_n3A_1195 = arith.select %and3A_1192, %broadcast_in_dim3A_1194, %select_n3A_870 : vector<16xi1>, vector<16xf32>
      %max3A_1196 = arith.maximumf %broadcast_in_dim3A_1076, %gather3A_446 : vector<16xf32>
      %max3A_1197 = arith.maximumf %broadcast_in_dim3A_1077, %gather3A_486 : vector<16xf32>
      %min3A_1198 = arith.minimumf %broadcast_in_dim3A_1078, %gather3A_526 : vector<16xf32>
      %min3A_1199 = arith.minimumf %broadcast_in_dim3A_1079, %gather3A_566 : vector<16xf32>
      %sub3A_1200 = arith.subf %min3A_1198, %max3A_1196 : vector<16xf32>
      %max3A_1201 = arith.constant 0.000000e+00 : f32
      %max3A_1202 = vector.broadcast %max3A_1201 : f32 to vector<16xf32>
      %max3A_1203 = arith.maximumf %sub3A_1200, %max3A_1202 : vector<16xf32>
      %sub3A_1204 = arith.subf %min3A_1199, %max3A_1197 : vector<16xf32>
      %max3A_1205 = arith.constant 0.000000e+00 : f32
      %max3A_1206 = vector.broadcast %max3A_1205 : f32 to vector<16xf32>
      %max3A_1207 = arith.maximumf %sub3A_1204, %max3A_1206 : vector<16xf32>
      %mul3A_1208 = arith.mulf %max3A_1203, %max3A_1207 : vector<16xf32>
      %add3A_1209 = arith.addf %broadcast_in_dim3A_1080, %mul3A_578 : vector<16xf32>
      %sub3A_1210 = arith.subf %add3A_1209, %mul3A_1208 : vector<16xf32>
      %add3A_1211 = arith.constant 9.99999993E-9 : f32
      %add3A_1212 = vector.broadcast %add3A_1211 : f32 to vector<16xf32>
      %add3A_1213 = arith.addf %sub3A_1210, %add3A_1212 : vector<16xf32>
      %div3A_1214 = arith.divf %mul3A_1208, %add3A_1213 : vector<16xf32>
      %gt3A_1215 = arith.constant 5.000000e-01 : f32
      %gt3A_1216 = vector.broadcast %gt3A_1215 : f32 to vector<16xf32>
      %gt3A_1217 = arith.cmpf ogt, %div3A_1214, %gt3A_1216 : vector<16xf32>
      %eq3A_1218 = arith.cmpi eq, %bitcast3A_418, %broadcast_in_dim3A_934 : vector<16xi32>
      %or3A_1219 = arith.ori %gt3A_1217, %eq3A_1218 : vector<16xi1>
      %and3A_1220 = arith.andi %or3A_1219, %broadcast_in_dim3A_968 : vector<16xi1>
      %jit3A_1221 = arith.constant -1.000000e+30 : f32
      %broadcast_in_dim3A_1222 = vector.broadcast %jit3A_1221 : f32 to vector<16xf32>
      %select_n3A_1223 = arith.select %and3A_1220, %broadcast_in_dim3A_1222, %select_n3A_898 : vector<16xi1>, vector<16xf32>
      %max3A_1224 = arith.maximumf %select_n3A_1139, %select_n3A_1167 : vector<16xf32>
      %max3A_1225 = arith.maximumf %select_n3A_1195, %select_n3A_1223 : vector<16xf32>
      %max3A_1226 = arith.maximumf %max3A_1224, %max3A_1225 : vector<16xf32>
      %reduce_max3A_1227 = arith.constant true
      %reduce_max3A_1228 = vector.broadcast %reduce_max3A_1227 : i1 to vector<16xi1>
      %reduce_max3A_1229 = tpu.scan <max>, %max3A_1226 masked %reduce_max3A_1228 : vector<16xf32>, vector<16xi1> -> vector<16xf32>
      %reduce_max3A_1230 = vector.extract %reduce_max3A_1229[15] : f32 from vector<16xf32>
      %broadcast_in_dim3A_1231 = vector.broadcast %reduce_max3A_1230 : f32 to vector<16xf32>
      %eq3A_1232 = arith.cmpf oeq, %select_n3A_1139, %broadcast_in_dim3A_1231 : vector<16xf32>
      %jit3A_1233 = arith.constant 2147483647 : i32
      %broadcast_in_dim3A_1234 = vector.broadcast %jit3A_1233 : i32 to vector<16xi32>
      %select_n3A_1235 = arith.select %eq3A_1232, %bitcast3A_394, %broadcast_in_dim3A_1234 : vector<16xi1>, vector<16xi32>
      %eq3A_1236 = arith.cmpf oeq, %select_n3A_1167, %broadcast_in_dim3A_1231 : vector<16xf32>
      %jit3A_1237 = arith.constant 2147483647 : i32
      %broadcast_in_dim3A_1238 = vector.broadcast %jit3A_1237 : i32 to vector<16xi32>
      %select_n3A_1239 = arith.select %eq3A_1236, %bitcast3A_402, %broadcast_in_dim3A_1238 : vector<16xi1>, vector<16xi32>
      %min3A_1240 = arith.minsi %select_n3A_1235, %select_n3A_1239 : vector<16xi32>
      %eq3A_1241 = arith.cmpf oeq, %select_n3A_1195, %broadcast_in_dim3A_1231 : vector<16xf32>
      %jit3A_1242 = arith.constant 2147483647 : i32
      %broadcast_in_dim3A_1243 = vector.broadcast %jit3A_1242 : i32 to vector<16xi32>
      %select_n3A_1244 = arith.select %eq3A_1241, %bitcast3A_410, %broadcast_in_dim3A_1243 : vector<16xi1>, vector<16xi32>
      %eq3A_1245 = arith.cmpf oeq, %select_n3A_1223, %broadcast_in_dim3A_1231 : vector<16xf32>
      %jit3A_1246 = arith.constant 2147483647 : i32
      %broadcast_in_dim3A_1247 = vector.broadcast %jit3A_1246 : i32 to vector<16xi32>
      %select_n3A_1248 = arith.select %eq3A_1245, %bitcast3A_418, %broadcast_in_dim3A_1247 : vector<16xi1>, vector<16xi32>
      %min3A_1249 = arith.minsi %select_n3A_1244, %select_n3A_1248 : vector<16xi32>
      %min3A_1250 = arith.minsi %min3A_1240, %min3A_1249 : vector<16xi32>
      %reduce_min3A_1251 = arith.constant true
      %reduce_min3A_1252 = vector.broadcast %reduce_min3A_1251 : i1 to vector<16xi1>
      %reduce_min3A_1253 = arith.constant -2147483648 : i32
      %reduce_min3A_1254 = vector.broadcast %reduce_min3A_1253 : i32 to vector<16xi32>
      %reduce_min3A_1255 = arith.xori %min3A_1250, %reduce_min3A_1254 : vector<16xi32>
      %reduce_min3A_1256 = tpu.scan <min>, %reduce_min3A_1255 masked %reduce_min3A_1252 : vector<16xi32>, vector<16xi1> -> vector<16xi32>
      %reduce_min3A_1257 = arith.xori %reduce_min3A_1256, %reduce_min3A_1254 : vector<16xi32>
      %reduce_min3A_1258 = vector.extract %reduce_min3A_1257[15] : i32 from vector<16xi32>
      %broadcast_in_dim3A_1259 = vector.broadcast %reduce_min3A_1258 : i32 to vector<16xi32>
      %gt3A_1260 = arith.constant -5.000000e+29 : f32
      %gt3A_1261 = arith.cmpf ogt, %reduce_max3A_1230, %gt3A_1260 : f32
      %lt3A_1262 = arith.constant -5.000000e+29 : f32
      %lt3A_1263 = vector.broadcast %lt3A_1262 : f32 to vector<16xf32>
      %lt3A_1264 = arith.cmpf olt, %max3A_1226, %lt3A_1263 : vector<16xf32>
      %gt3A_1265 = arith.cmpf ogt, %gather3A_386, %broadcast_in_dim3A_1231 : vector<16xf32>
      %eq3A_1266 = arith.cmpf oeq, %gather3A_386, %broadcast_in_dim3A_1231 : vector<16xf32>
      %lt3A_1267 = arith.cmpi slt, %bitcast3A_418, %broadcast_in_dim3A_1259 : vector<16xi32>
      %and3A_1268 = arith.andi %eq3A_1266, %lt3A_1267 : vector<16xi1>
      %or3A_1269 = arith.ori %gt3A_1265, %and3A_1268 : vector<16xi1>
      %and3A_1270 = arith.andi %lt3A_1264, %or3A_1269 : vector<16xi1>
      %jit3A_1271 = arith.constant 1 : i32
      %jit3A_1272 = arith.constant 0 : i32
      %broadcast_in_dim3A_1273 = vector.broadcast %jit3A_1271 : i32 to vector<16xi32>
      %broadcast_in_dim3A_1274 = vector.broadcast %jit3A_1272 : i32 to vector<16xi32>
      %select_n3A_1275 = arith.select %and3A_1270, %broadcast_in_dim3A_1273, %broadcast_in_dim3A_1274 : vector<16xi1>, vector<16xi32>
      %reduce_max3A_1276 = arith.constant true
      %reduce_max3A_1277 = vector.broadcast %reduce_max3A_1276 : i1 to vector<16xi1>
      %reduce_max3A_1278 = arith.constant -2147483648 : i32
      %reduce_max3A_1279 = vector.broadcast %reduce_max3A_1278 : i32 to vector<16xi32>
      %reduce_max3A_1280 = arith.xori %select_n3A_1275, %reduce_max3A_1279 : vector<16xi32>
      %reduce_max3A_1281 = tpu.scan <max>, %reduce_max3A_1280 masked %reduce_max3A_1277 : vector<16xi32>, vector<16xi1> -> vector<16xi32>
      %reduce_max3A_1282 = arith.xori %reduce_max3A_1281, %reduce_max3A_1279 : vector<16xi32>
      %reduce_max3A_1283 = vector.extract %reduce_max3A_1282[15] : i32 from vector<16xi32>
      %gt3A_1284 = arith.constant 0 : i32
      %gt3A_1285 = arith.cmpi sgt, %reduce_max3A_1283, %gt3A_1284 : i32
      %not3A_1286 = arith.constant true
      %not3A_1287 = arith.xori %gt3A_1285, %not3A_1286 : i1
      %and3A_1288 = arith.andi %gt3A_1261, %not3A_1287 : i1
      %lt3A_1289 = arith.constant 30 : i32
      %lt3A_1290 = arith.cmpi slt, %add3A_1111, %lt3A_1289 : i32
      %and3A_1291 = arith.andi %and3A_1288, %lt3A_1290 : i1
      %and3A_1292 = arith.andi %and3A_1291, %and3A_967 : i1
      %broadcast_in_dim3A_1293 = vector.broadcast %and3A_1292 : i1 to vector<16xi1>
      %eq3A_1294 = arith.cmpi eq, %bitcast3A_394, %broadcast_in_dim3A_1259 : vector<16xi32>
      %eq3A_1295 = arith.cmpf oeq, %select_n3A_1139, %broadcast_in_dim3A_1231 : vector<16xf32>
      %and3A_1296 = arith.andi %eq3A_1294, %eq3A_1295 : vector<16xi1>
      %eq3A_1297 = arith.cmpi eq, %bitcast3A_402, %broadcast_in_dim3A_1259 : vector<16xi32>
      %eq3A_1298 = arith.cmpf oeq, %select_n3A_1167, %broadcast_in_dim3A_1231 : vector<16xf32>
      %and3A_1299 = arith.andi %eq3A_1297, %eq3A_1298 : vector<16xi1>
      %eq3A_1300 = arith.cmpi eq, %bitcast3A_410, %broadcast_in_dim3A_1259 : vector<16xi32>
      %eq3A_1301 = arith.cmpf oeq, %select_n3A_1195, %broadcast_in_dim3A_1231 : vector<16xf32>
      %and3A_1302 = arith.andi %eq3A_1300, %eq3A_1301 : vector<16xi1>
      %eq3A_1303 = arith.cmpi eq, %bitcast3A_418, %broadcast_in_dim3A_1259 : vector<16xi32>
      %eq3A_1304 = arith.cmpf oeq, %select_n3A_1223, %broadcast_in_dim3A_1231 : vector<16xf32>
      %and3A_1305 = arith.andi %eq3A_1303, %eq3A_1304 : vector<16xi1>
      %jit3A_1306 = arith.constant -1.000000e+30 : f32
      %broadcast_in_dim3A_1307 = vector.broadcast %jit3A_1306 : f32 to vector<16xf32>
      %select_n3A_1308 = arith.select %and3A_1296, %gather3A_425, %broadcast_in_dim3A_1307 : vector<16xi1>, vector<16xf32>
      %jit3A_1309 = arith.constant -1.000000e+30 : f32
      %broadcast_in_dim3A_1310 = vector.broadcast %jit3A_1309 : f32 to vector<16xf32>
      %select_n3A_1311 = arith.select %and3A_1299, %gather3A_432, %broadcast_in_dim3A_1310 : vector<16xi1>, vector<16xf32>
      %max3A_1312 = arith.maximumf %select_n3A_1308, %select_n3A_1311 : vector<16xf32>
      %jit3A_1313 = arith.constant -1.000000e+30 : f32
      %broadcast_in_dim3A_1314 = vector.broadcast %jit3A_1313 : f32 to vector<16xf32>
      %select_n3A_1315 = arith.select %and3A_1302, %gather3A_439, %broadcast_in_dim3A_1314 : vector<16xi1>, vector<16xf32>
      %jit3A_1316 = arith.constant -1.000000e+30 : f32
      %broadcast_in_dim3A_1317 = vector.broadcast %jit3A_1316 : f32 to vector<16xf32>
      %select_n3A_1318 = arith.select %and3A_1305, %gather3A_446, %broadcast_in_dim3A_1317 : vector<16xi1>, vector<16xf32>
      %max3A_1319 = arith.maximumf %select_n3A_1315, %select_n3A_1318 : vector<16xf32>
      %max3A_1320 = arith.maximumf %max3A_1312, %max3A_1319 : vector<16xf32>
      %reduce_max3A_1321 = arith.constant true
      %reduce_max3A_1322 = vector.broadcast %reduce_max3A_1321 : i1 to vector<16xi1>
      %reduce_max3A_1323 = tpu.scan <max>, %max3A_1320 masked %reduce_max3A_1322 : vector<16xf32>, vector<16xi1> -> vector<16xf32>
      %reduce_max3A_1324 = vector.extract %reduce_max3A_1323[15] : f32 from vector<16xf32>
      %jit3A_1325 = arith.constant -1.000000e+30 : f32
      %broadcast_in_dim3A_1326 = vector.broadcast %jit3A_1325 : f32 to vector<16xf32>
      %select_n3A_1327 = arith.select %and3A_1296, %gather3A_456, %broadcast_in_dim3A_1326 : vector<16xi1>, vector<16xf32>
      %jit3A_1328 = arith.constant -1.000000e+30 : f32
      %broadcast_in_dim3A_1329 = vector.broadcast %jit3A_1328 : f32 to vector<16xf32>
      %select_n3A_1330 = arith.select %and3A_1299, %gather3A_466, %broadcast_in_dim3A_1329 : vector<16xi1>, vector<16xf32>
      %max3A_1331 = arith.maximumf %select_n3A_1327, %select_n3A_1330 : vector<16xf32>
      %jit3A_1332 = arith.constant -1.000000e+30 : f32
      %broadcast_in_dim3A_1333 = vector.broadcast %jit3A_1332 : f32 to vector<16xf32>
      %select_n3A_1334 = arith.select %and3A_1302, %gather3A_476, %broadcast_in_dim3A_1333 : vector<16xi1>, vector<16xf32>
      %jit3A_1335 = arith.constant -1.000000e+30 : f32
      %broadcast_in_dim3A_1336 = vector.broadcast %jit3A_1335 : f32 to vector<16xf32>
      %select_n3A_1337 = arith.select %and3A_1305, %gather3A_486, %broadcast_in_dim3A_1336 : vector<16xi1>, vector<16xf32>
      %max3A_1338 = arith.maximumf %select_n3A_1334, %select_n3A_1337 : vector<16xf32>
      %max3A_1339 = arith.maximumf %max3A_1331, %max3A_1338 : vector<16xf32>
      %reduce_max3A_1340 = arith.constant true
      %reduce_max3A_1341 = vector.broadcast %reduce_max3A_1340 : i1 to vector<16xi1>
      %reduce_max3A_1342 = tpu.scan <max>, %max3A_1339 masked %reduce_max3A_1341 : vector<16xf32>, vector<16xi1> -> vector<16xf32>
      %reduce_max3A_1343 = vector.extract %reduce_max3A_1342[15] : f32 from vector<16xf32>
      %jit3A_1344 = arith.constant -1.000000e+30 : f32
      %broadcast_in_dim3A_1345 = vector.broadcast %jit3A_1344 : f32 to vector<16xf32>
      %select_n3A_1346 = arith.select %and3A_1296, %gather3A_496, %broadcast_in_dim3A_1345 : vector<16xi1>, vector<16xf32>
      %jit3A_1347 = arith.constant -1.000000e+30 : f32
      %broadcast_in_dim3A_1348 = vector.broadcast %jit3A_1347 : f32 to vector<16xf32>
      %select_n3A_1349 = arith.select %and3A_1299, %gather3A_506, %broadcast_in_dim3A_1348 : vector<16xi1>, vector<16xf32>
      %max3A_1350 = arith.maximumf %select_n3A_1346, %select_n3A_1349 : vector<16xf32>
      %jit3A_1351 = arith.constant -1.000000e+30 : f32
      %broadcast_in_dim3A_1352 = vector.broadcast %jit3A_1351 : f32 to vector<16xf32>
      %select_n3A_1353 = arith.select %and3A_1302, %gather3A_516, %broadcast_in_dim3A_1352 : vector<16xi1>, vector<16xf32>
      %jit3A_1354 = arith.constant -1.000000e+30 : f32
      %broadcast_in_dim3A_1355 = vector.broadcast %jit3A_1354 : f32 to vector<16xf32>
      %select_n3A_1356 = arith.select %and3A_1305, %gather3A_526, %broadcast_in_dim3A_1355 : vector<16xi1>, vector<16xf32>
      %max3A_1357 = arith.maximumf %select_n3A_1353, %select_n3A_1356 : vector<16xf32>
      %max3A_1358 = arith.maximumf %max3A_1350, %max3A_1357 : vector<16xf32>
      %reduce_max3A_1359 = arith.constant true
      %reduce_max3A_1360 = vector.broadcast %reduce_max3A_1359 : i1 to vector<16xi1>
      %reduce_max3A_1361 = tpu.scan <max>, %max3A_1358 masked %reduce_max3A_1360 : vector<16xf32>, vector<16xi1> -> vector<16xf32>
      %reduce_max3A_1362 = vector.extract %reduce_max3A_1361[15] : f32 from vector<16xf32>
      %jit3A_1363 = arith.constant -1.000000e+30 : f32
      %broadcast_in_dim3A_1364 = vector.broadcast %jit3A_1363 : f32 to vector<16xf32>
      %select_n3A_1365 = arith.select %and3A_1296, %gather3A_536, %broadcast_in_dim3A_1364 : vector<16xi1>, vector<16xf32>
      %jit3A_1366 = arith.constant -1.000000e+30 : f32
      %broadcast_in_dim3A_1367 = vector.broadcast %jit3A_1366 : f32 to vector<16xf32>
      %select_n3A_1368 = arith.select %and3A_1299, %gather3A_546, %broadcast_in_dim3A_1367 : vector<16xi1>, vector<16xf32>
      %max3A_1369 = arith.maximumf %select_n3A_1365, %select_n3A_1368 : vector<16xf32>
      %jit3A_1370 = arith.constant -1.000000e+30 : f32
      %broadcast_in_dim3A_1371 = vector.broadcast %jit3A_1370 : f32 to vector<16xf32>
      %select_n3A_1372 = arith.select %and3A_1302, %gather3A_556, %broadcast_in_dim3A_1371 : vector<16xi1>, vector<16xf32>
      %jit3A_1373 = arith.constant -1.000000e+30 : f32
      %broadcast_in_dim3A_1374 = vector.broadcast %jit3A_1373 : f32 to vector<16xf32>
      %select_n3A_1375 = arith.select %and3A_1305, %gather3A_566, %broadcast_in_dim3A_1374 : vector<16xi1>, vector<16xf32>
      %max3A_1376 = arith.maximumf %select_n3A_1372, %select_n3A_1375 : vector<16xf32>
      %max3A_1377 = arith.maximumf %max3A_1369, %max3A_1376 : vector<16xf32>
      %reduce_max3A_1378 = arith.constant true
      %reduce_max3A_1379 = vector.broadcast %reduce_max3A_1378 : i1 to vector<16xi1>
      %reduce_max3A_1380 = tpu.scan <max>, %max3A_1377 masked %reduce_max3A_1379 : vector<16xf32>, vector<16xi1> -> vector<16xf32>
      %reduce_max3A_1381 = vector.extract %reduce_max3A_1380[15] : f32 from vector<16xf32>
      %jit3A_1382 = arith.constant -1.000000e+30 : f32
      %broadcast_in_dim3A_1383 = vector.broadcast %jit3A_1382 : f32 to vector<16xf32>
      %select_n3A_1384 = arith.select %and3A_1296, %mul3A_569, %broadcast_in_dim3A_1383 : vector<16xi1>, vector<16xf32>
      %jit3A_1385 = arith.constant -1.000000e+30 : f32
      %broadcast_in_dim3A_1386 = vector.broadcast %jit3A_1385 : f32 to vector<16xf32>
      %select_n3A_1387 = arith.select %and3A_1299, %mul3A_572, %broadcast_in_dim3A_1386 : vector<16xi1>, vector<16xf32>
      %max3A_1388 = arith.maximumf %select_n3A_1384, %select_n3A_1387 : vector<16xf32>
      %jit3A_1389 = arith.constant -1.000000e+30 : f32
      %broadcast_in_dim3A_1390 = vector.broadcast %jit3A_1389 : f32 to vector<16xf32>
      %select_n3A_1391 = arith.select %and3A_1302, %mul3A_575, %broadcast_in_dim3A_1390 : vector<16xi1>, vector<16xf32>
      %jit3A_1392 = arith.constant -1.000000e+30 : f32
      %broadcast_in_dim3A_1393 = vector.broadcast %jit3A_1392 : f32 to vector<16xf32>
      %select_n3A_1394 = arith.select %and3A_1305, %mul3A_578, %broadcast_in_dim3A_1393 : vector<16xi1>, vector<16xf32>
      %max3A_1395 = arith.maximumf %select_n3A_1391, %select_n3A_1394 : vector<16xf32>
      %max3A_1396 = arith.maximumf %max3A_1388, %max3A_1395 : vector<16xf32>
      %reduce_max3A_1397 = arith.constant true
      %reduce_max3A_1398 = vector.broadcast %reduce_max3A_1397 : i1 to vector<16xi1>
      %reduce_max3A_1399 = tpu.scan <max>, %max3A_1396 masked %reduce_max3A_1398 : vector<16xf32>, vector<16xi1> -> vector<16xf32>
      %reduce_max3A_1400 = vector.extract %reduce_max3A_1399[15] : f32 from vector<16xf32>
      %broadcast_in_dim3A_1401 = vector.broadcast %reduce_max3A_1324 : f32 to vector<16xf32>
      %broadcast_in_dim3A_1402 = vector.broadcast %reduce_max3A_1343 : f32 to vector<16xf32>
      %broadcast_in_dim3A_1403 = vector.broadcast %reduce_max3A_1362 : f32 to vector<16xf32>
      %broadcast_in_dim3A_1404 = vector.broadcast %reduce_max3A_1381 : f32 to vector<16xf32>
      %broadcast_in_dim3A_1405 = vector.broadcast %reduce_max3A_1400 : f32 to vector<16xf32>
      %eq3A_1406 = arith.constant 0 : i32
      %eq3A_1407 = vector.broadcast %eq3A_1406 : i32 to vector<16xi32>
      %eq3A_1408 = arith.cmpi eq, %iota3A, %eq3A_1407 : vector<16xi32>
      %eq3A_1409 = arith.constant 1 : i32
      %eq3A_1410 = vector.broadcast %eq3A_1409 : i32 to vector<16xi32>
      %eq3A_1411 = arith.cmpi eq, %iota3A, %eq3A_1410 : vector<16xi32>
      %eq3A_1412 = arith.constant 2 : i32
      %eq3A_1413 = vector.broadcast %eq3A_1412 : i32 to vector<16xi32>
      %eq3A_1414 = arith.cmpi eq, %iota3A, %eq3A_1413 : vector<16xi32>
      %eq3A_1415 = arith.constant 3 : i32
      %eq3A_1416 = vector.broadcast %eq3A_1415 : i32 to vector<16xi32>
      %eq3A_1417 = arith.cmpi eq, %iota3A, %eq3A_1416 : vector<16xi32>
      %eq3A_1418 = arith.constant 4 : i32
      %eq3A_1419 = vector.broadcast %eq3A_1418 : i32 to vector<16xi32>
      %eq3A_1420 = arith.cmpi eq, %iota3A, %eq3A_1419 : vector<16xi32>
      %jit3A_1421 = arith.constant 0.000000e+00 : f32
      %broadcast_in_dim3A_1422 = vector.broadcast %jit3A_1421 : f32 to vector<16xf32>
      %select_n3A_1423 = arith.select %eq3A_1420, %broadcast_in_dim3A_1231, %broadcast_in_dim3A_1422 : vector<16xi1>, vector<16xf32>
      %select_n3A_1424 = arith.select %eq3A_1417, %broadcast_in_dim3A_1404, %select_n3A_1423 : vector<16xi1>, vector<16xf32>
      %select_n3A_1425 = arith.select %eq3A_1414, %broadcast_in_dim3A_1403, %select_n3A_1424 : vector<16xi1>, vector<16xf32>
      %select_n3A_1426 = arith.select %eq3A_1411, %broadcast_in_dim3A_1402, %select_n3A_1425 : vector<16xi1>, vector<16xf32>
      %select_n3A_1427 = arith.select %eq3A_1408, %broadcast_in_dim3A_1401, %select_n3A_1426 : vector<16xi1>, vector<16xf32>
      %broadcast_in_dim3A_1428 = vector.broadcast %add3A_1111 : i32 to vector<16xi32>
      %lt3A_1429 = arith.constant 5 : i32
      %lt3A_1430 = vector.broadcast %lt3A_1429 : i32 to vector<16xi32>
      %lt3A_1431 = arith.cmpi slt, %iota3A, %lt3A_1430 : vector<16xi32>
      %and3A_1432 = arith.andi %lt3A_1431, %broadcast_in_dim3A_1293 : vector<16xi1>
      tpu.vector_store_idx %arg17[%broadcast_in_dim3A_1428, %iota3A], %select_n3A_1427 masked %and3A_1432 : memref<30x5xf32, #tpu.memory_space<vmem>>[vector<16xi32>, vector<16xi32>], vector<16xf32>, vector<16xi1>
      %jit3A_1433 = arith.constant 1 : i32
      %jit3A_1434 = arith.constant 0 : i32
      %select_n3A_1435 = arith.select %and3A_1292, %jit3A_1433, %jit3A_1434 : i32
      %add3A_1436 = arith.addi %add3A_1111, %select_n3A_1435 : i32
      %max3A_1437 = arith.maximumf %broadcast_in_dim3A_1401, %gather3A_425 : vector<16xf32>
      %max3A_1438 = arith.maximumf %broadcast_in_dim3A_1402, %gather3A_456 : vector<16xf32>
      %min3A_1439 = arith.minimumf %broadcast_in_dim3A_1403, %gather3A_496 : vector<16xf32>
      %min3A_1440 = arith.minimumf %broadcast_in_dim3A_1404, %gather3A_536 : vector<16xf32>
      %sub3A_1441 = arith.subf %min3A_1439, %max3A_1437 : vector<16xf32>
      %max3A_1442 = arith.constant 0.000000e+00 : f32
      %max3A_1443 = vector.broadcast %max3A_1442 : f32 to vector<16xf32>
      %max3A_1444 = arith.maximumf %sub3A_1441, %max3A_1443 : vector<16xf32>
      %sub3A_1445 = arith.subf %min3A_1440, %max3A_1438 : vector<16xf32>
      %max3A_1446 = arith.constant 0.000000e+00 : f32
      %max3A_1447 = vector.broadcast %max3A_1446 : f32 to vector<16xf32>
      %max3A_1448 = arith.maximumf %sub3A_1445, %max3A_1447 : vector<16xf32>
      %mul3A_1449 = arith.mulf %max3A_1444, %max3A_1448 : vector<16xf32>
      %add3A_1450 = arith.addf %broadcast_in_dim3A_1405, %mul3A_569 : vector<16xf32>
      %sub3A_1451 = arith.subf %add3A_1450, %mul3A_1449 : vector<16xf32>
      %add3A_1452 = arith.constant 9.99999993E-9 : f32
      %add3A_1453 = vector.broadcast %add3A_1452 : f32 to vector<16xf32>
      %add3A_1454 = arith.addf %sub3A_1451, %add3A_1453 : vector<16xf32>
      %div3A_1455 = arith.divf %mul3A_1449, %add3A_1454 : vector<16xf32>
      %gt3A_1456 = arith.constant 5.000000e-01 : f32
      %gt3A_1457 = vector.broadcast %gt3A_1456 : f32 to vector<16xf32>
      %gt3A_1458 = arith.cmpf ogt, %div3A_1455, %gt3A_1457 : vector<16xf32>
      %eq3A_1459 = arith.cmpi eq, %bitcast3A_394, %broadcast_in_dim3A_1259 : vector<16xi32>
      %or3A_1460 = arith.ori %gt3A_1458, %eq3A_1459 : vector<16xi1>
      %and3A_1461 = arith.andi %or3A_1460, %broadcast_in_dim3A_1293 : vector<16xi1>
      %jit3A_1462 = arith.constant -1.000000e+30 : f32
      %broadcast_in_dim3A_1463 = vector.broadcast %jit3A_1462 : f32 to vector<16xf32>
      %select_n3A_1464 = arith.select %and3A_1461, %broadcast_in_dim3A_1463, %select_n3A_1139 : vector<16xi1>, vector<16xf32>
      %max3A_1465 = arith.maximumf %broadcast_in_dim3A_1401, %gather3A_432 : vector<16xf32>
      %max3A_1466 = arith.maximumf %broadcast_in_dim3A_1402, %gather3A_466 : vector<16xf32>
      %min3A_1467 = arith.minimumf %broadcast_in_dim3A_1403, %gather3A_506 : vector<16xf32>
      %min3A_1468 = arith.minimumf %broadcast_in_dim3A_1404, %gather3A_546 : vector<16xf32>
      %sub3A_1469 = arith.subf %min3A_1467, %max3A_1465 : vector<16xf32>
      %max3A_1470 = arith.constant 0.000000e+00 : f32
      %max3A_1471 = vector.broadcast %max3A_1470 : f32 to vector<16xf32>
      %max3A_1472 = arith.maximumf %sub3A_1469, %max3A_1471 : vector<16xf32>
      %sub3A_1473 = arith.subf %min3A_1468, %max3A_1466 : vector<16xf32>
      %max3A_1474 = arith.constant 0.000000e+00 : f32
      %max3A_1475 = vector.broadcast %max3A_1474 : f32 to vector<16xf32>
      %max3A_1476 = arith.maximumf %sub3A_1473, %max3A_1475 : vector<16xf32>
      %mul3A_1477 = arith.mulf %max3A_1472, %max3A_1476 : vector<16xf32>
      %add3A_1478 = arith.addf %broadcast_in_dim3A_1405, %mul3A_572 : vector<16xf32>
      %sub3A_1479 = arith.subf %add3A_1478, %mul3A_1477 : vector<16xf32>
      %add3A_1480 = arith.constant 9.99999993E-9 : f32
      %add3A_1481 = vector.broadcast %add3A_1480 : f32 to vector<16xf32>
      %add3A_1482 = arith.addf %sub3A_1479, %add3A_1481 : vector<16xf32>
      %div3A_1483 = arith.divf %mul3A_1477, %add3A_1482 : vector<16xf32>
      %gt3A_1484 = arith.constant 5.000000e-01 : f32
      %gt3A_1485 = vector.broadcast %gt3A_1484 : f32 to vector<16xf32>
      %gt3A_1486 = arith.cmpf ogt, %div3A_1483, %gt3A_1485 : vector<16xf32>
      %eq3A_1487 = arith.cmpi eq, %bitcast3A_402, %broadcast_in_dim3A_1259 : vector<16xi32>
      %or3A_1488 = arith.ori %gt3A_1486, %eq3A_1487 : vector<16xi1>
      %and3A_1489 = arith.andi %or3A_1488, %broadcast_in_dim3A_1293 : vector<16xi1>
      %jit3A_1490 = arith.constant -1.000000e+30 : f32
      %broadcast_in_dim3A_1491 = vector.broadcast %jit3A_1490 : f32 to vector<16xf32>
      %select_n3A_1492 = arith.select %and3A_1489, %broadcast_in_dim3A_1491, %select_n3A_1167 : vector<16xi1>, vector<16xf32>
      %max3A_1493 = arith.maximumf %broadcast_in_dim3A_1401, %gather3A_439 : vector<16xf32>
      %max3A_1494 = arith.maximumf %broadcast_in_dim3A_1402, %gather3A_476 : vector<16xf32>
      %min3A_1495 = arith.minimumf %broadcast_in_dim3A_1403, %gather3A_516 : vector<16xf32>
      %min3A_1496 = arith.minimumf %broadcast_in_dim3A_1404, %gather3A_556 : vector<16xf32>
      %sub3A_1497 = arith.subf %min3A_1495, %max3A_1493 : vector<16xf32>
      %max3A_1498 = arith.constant 0.000000e+00 : f32
      %max3A_1499 = vector.broadcast %max3A_1498 : f32 to vector<16xf32>
      %max3A_1500 = arith.maximumf %sub3A_1497, %max3A_1499 : vector<16xf32>
      %sub3A_1501 = arith.subf %min3A_1496, %max3A_1494 : vector<16xf32>
      %max3A_1502 = arith.constant 0.000000e+00 : f32
      %max3A_1503 = vector.broadcast %max3A_1502 : f32 to vector<16xf32>
      %max3A_1504 = arith.maximumf %sub3A_1501, %max3A_1503 : vector<16xf32>
      %mul3A_1505 = arith.mulf %max3A_1500, %max3A_1504 : vector<16xf32>
      %add3A_1506 = arith.addf %broadcast_in_dim3A_1405, %mul3A_575 : vector<16xf32>
      %sub3A_1507 = arith.subf %add3A_1506, %mul3A_1505 : vector<16xf32>
      %add3A_1508 = arith.constant 9.99999993E-9 : f32
      %add3A_1509 = vector.broadcast %add3A_1508 : f32 to vector<16xf32>
      %add3A_1510 = arith.addf %sub3A_1507, %add3A_1509 : vector<16xf32>
      %div3A_1511 = arith.divf %mul3A_1505, %add3A_1510 : vector<16xf32>
      %gt3A_1512 = arith.constant 5.000000e-01 : f32
      %gt3A_1513 = vector.broadcast %gt3A_1512 : f32 to vector<16xf32>
      %gt3A_1514 = arith.cmpf ogt, %div3A_1511, %gt3A_1513 : vector<16xf32>
      %eq3A_1515 = arith.cmpi eq, %bitcast3A_410, %broadcast_in_dim3A_1259 : vector<16xi32>
      %or3A_1516 = arith.ori %gt3A_1514, %eq3A_1515 : vector<16xi1>
      %and3A_1517 = arith.andi %or3A_1516, %broadcast_in_dim3A_1293 : vector<16xi1>
      %jit3A_1518 = arith.constant -1.000000e+30 : f32
      %broadcast_in_dim3A_1519 = vector.broadcast %jit3A_1518 : f32 to vector<16xf32>
      %select_n3A_1520 = arith.select %and3A_1517, %broadcast_in_dim3A_1519, %select_n3A_1195 : vector<16xi1>, vector<16xf32>
      %max3A_1521 = arith.maximumf %broadcast_in_dim3A_1401, %gather3A_446 : vector<16xf32>
      %max3A_1522 = arith.maximumf %broadcast_in_dim3A_1402, %gather3A_486 : vector<16xf32>
      %min3A_1523 = arith.minimumf %broadcast_in_dim3A_1403, %gather3A_526 : vector<16xf32>
      %min3A_1524 = arith.minimumf %broadcast_in_dim3A_1404, %gather3A_566 : vector<16xf32>
      %sub3A_1525 = arith.subf %min3A_1523, %max3A_1521 : vector<16xf32>
      %max3A_1526 = arith.constant 0.000000e+00 : f32
      %max3A_1527 = vector.broadcast %max3A_1526 : f32 to vector<16xf32>
      %max3A_1528 = arith.maximumf %sub3A_1525, %max3A_1527 : vector<16xf32>
      %sub3A_1529 = arith.subf %min3A_1524, %max3A_1522 : vector<16xf32>
      %max3A_1530 = arith.constant 0.000000e+00 : f32
      %max3A_1531 = vector.broadcast %max3A_1530 : f32 to vector<16xf32>
      %max3A_1532 = arith.maximumf %sub3A_1529, %max3A_1531 : vector<16xf32>
      %mul3A_1533 = arith.mulf %max3A_1528, %max3A_1532 : vector<16xf32>
      %add3A_1534 = arith.addf %broadcast_in_dim3A_1405, %mul3A_578 : vector<16xf32>
      %sub3A_1535 = arith.subf %add3A_1534, %mul3A_1533 : vector<16xf32>
      %add3A_1536 = arith.constant 9.99999993E-9 : f32
      %add3A_1537 = vector.broadcast %add3A_1536 : f32 to vector<16xf32>
      %add3A_1538 = arith.addf %sub3A_1535, %add3A_1537 : vector<16xf32>
      %div3A_1539 = arith.divf %mul3A_1533, %add3A_1538 : vector<16xf32>
      %gt3A_1540 = arith.constant 5.000000e-01 : f32
      %gt3A_1541 = vector.broadcast %gt3A_1540 : f32 to vector<16xf32>
      %gt3A_1542 = arith.cmpf ogt, %div3A_1539, %gt3A_1541 : vector<16xf32>
      %eq3A_1543 = arith.cmpi eq, %bitcast3A_418, %broadcast_in_dim3A_1259 : vector<16xi32>
      %or3A_1544 = arith.ori %gt3A_1542, %eq3A_1543 : vector<16xi1>
      %and3A_1545 = arith.andi %or3A_1544, %broadcast_in_dim3A_1293 : vector<16xi1>
      %jit3A_1546 = arith.constant -1.000000e+30 : f32
      %broadcast_in_dim3A_1547 = vector.broadcast %jit3A_1546 : f32 to vector<16xf32>
      %select_n3A_1548 = arith.select %and3A_1545, %broadcast_in_dim3A_1547, %select_n3A_1223 : vector<16xi1>, vector<16xf32>
      %max3A_1549 = arith.maximumf %select_n3A_1464, %select_n3A_1492 : vector<16xf32>
      %max3A_1550 = arith.maximumf %select_n3A_1520, %select_n3A_1548 : vector<16xf32>
      %max3A_1551 = arith.maximumf %max3A_1549, %max3A_1550 : vector<16xf32>
      %reduce_max3A_1552 = arith.constant true
      %reduce_max3A_1553 = vector.broadcast %reduce_max3A_1552 : i1 to vector<16xi1>
      %reduce_max3A_1554 = tpu.scan <max>, %max3A_1551 masked %reduce_max3A_1553 : vector<16xf32>, vector<16xi1> -> vector<16xf32>
      %reduce_max3A_1555 = vector.extract %reduce_max3A_1554[15] : f32 from vector<16xf32>
      %broadcast_in_dim3A_1556 = vector.broadcast %reduce_max3A_1555 : f32 to vector<16xf32>
      %eq3A_1557 = arith.cmpf oeq, %select_n3A_1464, %broadcast_in_dim3A_1556 : vector<16xf32>
      %jit3A_1558 = arith.constant 2147483647 : i32
      %broadcast_in_dim3A_1559 = vector.broadcast %jit3A_1558 : i32 to vector<16xi32>
      %select_n3A_1560 = arith.select %eq3A_1557, %bitcast3A_394, %broadcast_in_dim3A_1559 : vector<16xi1>, vector<16xi32>
      %eq3A_1561 = arith.cmpf oeq, %select_n3A_1492, %broadcast_in_dim3A_1556 : vector<16xf32>
      %jit3A_1562 = arith.constant 2147483647 : i32
      %broadcast_in_dim3A_1563 = vector.broadcast %jit3A_1562 : i32 to vector<16xi32>
      %select_n3A_1564 = arith.select %eq3A_1561, %bitcast3A_402, %broadcast_in_dim3A_1563 : vector<16xi1>, vector<16xi32>
      %min3A_1565 = arith.minsi %select_n3A_1560, %select_n3A_1564 : vector<16xi32>
      %eq3A_1566 = arith.cmpf oeq, %select_n3A_1520, %broadcast_in_dim3A_1556 : vector<16xf32>
      %jit3A_1567 = arith.constant 2147483647 : i32
      %broadcast_in_dim3A_1568 = vector.broadcast %jit3A_1567 : i32 to vector<16xi32>
      %select_n3A_1569 = arith.select %eq3A_1566, %bitcast3A_410, %broadcast_in_dim3A_1568 : vector<16xi1>, vector<16xi32>
      %eq3A_1570 = arith.cmpf oeq, %select_n3A_1548, %broadcast_in_dim3A_1556 : vector<16xf32>
      %jit3A_1571 = arith.constant 2147483647 : i32
      %broadcast_in_dim3A_1572 = vector.broadcast %jit3A_1571 : i32 to vector<16xi32>
      %select_n3A_1573 = arith.select %eq3A_1570, %bitcast3A_418, %broadcast_in_dim3A_1572 : vector<16xi1>, vector<16xi32>
      %min3A_1574 = arith.minsi %select_n3A_1569, %select_n3A_1573 : vector<16xi32>
      %min3A_1575 = arith.minsi %min3A_1565, %min3A_1574 : vector<16xi32>
      %reduce_min3A_1576 = arith.constant true
      %reduce_min3A_1577 = vector.broadcast %reduce_min3A_1576 : i1 to vector<16xi1>
      %reduce_min3A_1578 = arith.constant -2147483648 : i32
      %reduce_min3A_1579 = vector.broadcast %reduce_min3A_1578 : i32 to vector<16xi32>
      %reduce_min3A_1580 = arith.xori %min3A_1575, %reduce_min3A_1579 : vector<16xi32>
      %reduce_min3A_1581 = tpu.scan <min>, %reduce_min3A_1580 masked %reduce_min3A_1577 : vector<16xi32>, vector<16xi1> -> vector<16xi32>
      %reduce_min3A_1582 = arith.xori %reduce_min3A_1581, %reduce_min3A_1579 : vector<16xi32>
      %reduce_min3A_1583 = vector.extract %reduce_min3A_1582[15] : i32 from vector<16xi32>
      %broadcast_in_dim3A_1584 = vector.broadcast %reduce_min3A_1583 : i32 to vector<16xi32>
      %gt3A_1585 = arith.constant -5.000000e+29 : f32
      %gt3A_1586 = arith.cmpf ogt, %reduce_max3A_1555, %gt3A_1585 : f32
      %lt3A_1587 = arith.constant -5.000000e+29 : f32
      %lt3A_1588 = vector.broadcast %lt3A_1587 : f32 to vector<16xf32>
      %lt3A_1589 = arith.cmpf olt, %max3A_1551, %lt3A_1588 : vector<16xf32>
      %gt3A_1590 = arith.cmpf ogt, %gather3A_386, %broadcast_in_dim3A_1556 : vector<16xf32>
      %eq3A_1591 = arith.cmpf oeq, %gather3A_386, %broadcast_in_dim3A_1556 : vector<16xf32>
      %lt3A_1592 = arith.cmpi slt, %bitcast3A_418, %broadcast_in_dim3A_1584 : vector<16xi32>
      %and3A_1593 = arith.andi %eq3A_1591, %lt3A_1592 : vector<16xi1>
      %or3A_1594 = arith.ori %gt3A_1590, %and3A_1593 : vector<16xi1>
      %and3A_1595 = arith.andi %lt3A_1589, %or3A_1594 : vector<16xi1>
      %jit3A_1596 = arith.constant 1 : i32
      %jit3A_1597 = arith.constant 0 : i32
      %broadcast_in_dim3A_1598 = vector.broadcast %jit3A_1596 : i32 to vector<16xi32>
      %broadcast_in_dim3A_1599 = vector.broadcast %jit3A_1597 : i32 to vector<16xi32>
      %select_n3A_1600 = arith.select %and3A_1595, %broadcast_in_dim3A_1598, %broadcast_in_dim3A_1599 : vector<16xi1>, vector<16xi32>
      %reduce_max3A_1601 = arith.constant true
      %reduce_max3A_1602 = vector.broadcast %reduce_max3A_1601 : i1 to vector<16xi1>
      %reduce_max3A_1603 = arith.constant -2147483648 : i32
      %reduce_max3A_1604 = vector.broadcast %reduce_max3A_1603 : i32 to vector<16xi32>
      %reduce_max3A_1605 = arith.xori %select_n3A_1600, %reduce_max3A_1604 : vector<16xi32>
      %reduce_max3A_1606 = tpu.scan <max>, %reduce_max3A_1605 masked %reduce_max3A_1602 : vector<16xi32>, vector<16xi1> -> vector<16xi32>
      %reduce_max3A_1607 = arith.xori %reduce_max3A_1606, %reduce_max3A_1604 : vector<16xi32>
      %reduce_max3A_1608 = vector.extract %reduce_max3A_1607[15] : i32 from vector<16xi32>
      %gt3A_1609 = arith.constant 0 : i32
      %gt3A_1610 = arith.cmpi sgt, %reduce_max3A_1608, %gt3A_1609 : i32
      %not3A_1611 = arith.constant true
      %not3A_1612 = arith.xori %gt3A_1610, %not3A_1611 : i1
      %and3A_1613 = arith.andi %gt3A_1586, %not3A_1612 : i1
      %lt3A_1614 = arith.constant 30 : i32
      %lt3A_1615 = arith.cmpi slt, %add3A_1436, %lt3A_1614 : i32
      %and3A_1616 = arith.andi %and3A_1613, %lt3A_1615 : i1
      %and3A_1617 = arith.andi %and3A_1616, %and3A_1292 : i1
      %broadcast_in_dim3A_1618 = vector.broadcast %and3A_1617 : i1 to vector<16xi1>
      %eq3A_1619 = arith.cmpi eq, %bitcast3A_394, %broadcast_in_dim3A_1584 : vector<16xi32>
      %eq3A_1620 = arith.cmpf oeq, %select_n3A_1464, %broadcast_in_dim3A_1556 : vector<16xf32>
      %and3A_1621 = arith.andi %eq3A_1619, %eq3A_1620 : vector<16xi1>
      %eq3A_1622 = arith.cmpi eq, %bitcast3A_402, %broadcast_in_dim3A_1584 : vector<16xi32>
      %eq3A_1623 = arith.cmpf oeq, %select_n3A_1492, %broadcast_in_dim3A_1556 : vector<16xf32>
      %and3A_1624 = arith.andi %eq3A_1622, %eq3A_1623 : vector<16xi1>
      %eq3A_1625 = arith.cmpi eq, %bitcast3A_410, %broadcast_in_dim3A_1584 : vector<16xi32>
      %eq3A_1626 = arith.cmpf oeq, %select_n3A_1520, %broadcast_in_dim3A_1556 : vector<16xf32>
      %and3A_1627 = arith.andi %eq3A_1625, %eq3A_1626 : vector<16xi1>
      %eq3A_1628 = arith.cmpi eq, %bitcast3A_418, %broadcast_in_dim3A_1584 : vector<16xi32>
      %eq3A_1629 = arith.cmpf oeq, %select_n3A_1548, %broadcast_in_dim3A_1556 : vector<16xf32>
      %and3A_1630 = arith.andi %eq3A_1628, %eq3A_1629 : vector<16xi1>
      %jit3A_1631 = arith.constant -1.000000e+30 : f32
      %broadcast_in_dim3A_1632 = vector.broadcast %jit3A_1631 : f32 to vector<16xf32>
      %select_n3A_1633 = arith.select %and3A_1621, %gather3A_425, %broadcast_in_dim3A_1632 : vector<16xi1>, vector<16xf32>
      %jit3A_1634 = arith.constant -1.000000e+30 : f32
      %broadcast_in_dim3A_1635 = vector.broadcast %jit3A_1634 : f32 to vector<16xf32>
      %select_n3A_1636 = arith.select %and3A_1624, %gather3A_432, %broadcast_in_dim3A_1635 : vector<16xi1>, vector<16xf32>
      %max3A_1637 = arith.maximumf %select_n3A_1633, %select_n3A_1636 : vector<16xf32>
      %jit3A_1638 = arith.constant -1.000000e+30 : f32
      %broadcast_in_dim3A_1639 = vector.broadcast %jit3A_1638 : f32 to vector<16xf32>
      %select_n3A_1640 = arith.select %and3A_1627, %gather3A_439, %broadcast_in_dim3A_1639 : vector<16xi1>, vector<16xf32>
      %jit3A_1641 = arith.constant -1.000000e+30 : f32
      %broadcast_in_dim3A_1642 = vector.broadcast %jit3A_1641 : f32 to vector<16xf32>
      %select_n3A_1643 = arith.select %and3A_1630, %gather3A_446, %broadcast_in_dim3A_1642 : vector<16xi1>, vector<16xf32>
      %max3A_1644 = arith.maximumf %select_n3A_1640, %select_n3A_1643 : vector<16xf32>
      %max3A_1645 = arith.maximumf %max3A_1637, %max3A_1644 : vector<16xf32>
      %reduce_max3A_1646 = arith.constant true
      %reduce_max3A_1647 = vector.broadcast %reduce_max3A_1646 : i1 to vector<16xi1>
      %reduce_max3A_1648 = tpu.scan <max>, %max3A_1645 masked %reduce_max3A_1647 : vector<16xf32>, vector<16xi1> -> vector<16xf32>
      %reduce_max3A_1649 = vector.extract %reduce_max3A_1648[15] : f32 from vector<16xf32>
      %jit3A_1650 = arith.constant -1.000000e+30 : f32
      %broadcast_in_dim3A_1651 = vector.broadcast %jit3A_1650 : f32 to vector<16xf32>
      %select_n3A_1652 = arith.select %and3A_1621, %gather3A_456, %broadcast_in_dim3A_1651 : vector<16xi1>, vector<16xf32>
      %jit3A_1653 = arith.constant -1.000000e+30 : f32
      %broadcast_in_dim3A_1654 = vector.broadcast %jit3A_1653 : f32 to vector<16xf32>
      %select_n3A_1655 = arith.select %and3A_1624, %gather3A_466, %broadcast_in_dim3A_1654 : vector<16xi1>, vector<16xf32>
      %max3A_1656 = arith.maximumf %select_n3A_1652, %select_n3A_1655 : vector<16xf32>
      %jit3A_1657 = arith.constant -1.000000e+30 : f32
      %broadcast_in_dim3A_1658 = vector.broadcast %jit3A_1657 : f32 to vector<16xf32>
      %select_n3A_1659 = arith.select %and3A_1627, %gather3A_476, %broadcast_in_dim3A_1658 : vector<16xi1>, vector<16xf32>
      %jit3A_1660 = arith.constant -1.000000e+30 : f32
      %broadcast_in_dim3A_1661 = vector.broadcast %jit3A_1660 : f32 to vector<16xf32>
      %select_n3A_1662 = arith.select %and3A_1630, %gather3A_486, %broadcast_in_dim3A_1661 : vector<16xi1>, vector<16xf32>
      %max3A_1663 = arith.maximumf %select_n3A_1659, %select_n3A_1662 : vector<16xf32>
      %max3A_1664 = arith.maximumf %max3A_1656, %max3A_1663 : vector<16xf32>
      %reduce_max3A_1665 = arith.constant true
      %reduce_max3A_1666 = vector.broadcast %reduce_max3A_1665 : i1 to vector<16xi1>
      %reduce_max3A_1667 = tpu.scan <max>, %max3A_1664 masked %reduce_max3A_1666 : vector<16xf32>, vector<16xi1> -> vector<16xf32>
      %reduce_max3A_1668 = vector.extract %reduce_max3A_1667[15] : f32 from vector<16xf32>
      %jit3A_1669 = arith.constant -1.000000e+30 : f32
      %broadcast_in_dim3A_1670 = vector.broadcast %jit3A_1669 : f32 to vector<16xf32>
      %select_n3A_1671 = arith.select %and3A_1621, %gather3A_496, %broadcast_in_dim3A_1670 : vector<16xi1>, vector<16xf32>
      %jit3A_1672 = arith.constant -1.000000e+30 : f32
      %broadcast_in_dim3A_1673 = vector.broadcast %jit3A_1672 : f32 to vector<16xf32>
      %select_n3A_1674 = arith.select %and3A_1624, %gather3A_506, %broadcast_in_dim3A_1673 : vector<16xi1>, vector<16xf32>
      %max3A_1675 = arith.maximumf %select_n3A_1671, %select_n3A_1674 : vector<16xf32>
      %jit3A_1676 = arith.constant -1.000000e+30 : f32
      %broadcast_in_dim3A_1677 = vector.broadcast %jit3A_1676 : f32 to vector<16xf32>
      %select_n3A_1678 = arith.select %and3A_1627, %gather3A_516, %broadcast_in_dim3A_1677 : vector<16xi1>, vector<16xf32>
      %jit3A_1679 = arith.constant -1.000000e+30 : f32
      %broadcast_in_dim3A_1680 = vector.broadcast %jit3A_1679 : f32 to vector<16xf32>
      %select_n3A_1681 = arith.select %and3A_1630, %gather3A_526, %broadcast_in_dim3A_1680 : vector<16xi1>, vector<16xf32>
      %max3A_1682 = arith.maximumf %select_n3A_1678, %select_n3A_1681 : vector<16xf32>
      %max3A_1683 = arith.maximumf %max3A_1675, %max3A_1682 : vector<16xf32>
      %reduce_max3A_1684 = arith.constant true
      %reduce_max3A_1685 = vector.broadcast %reduce_max3A_1684 : i1 to vector<16xi1>
      %reduce_max3A_1686 = tpu.scan <max>, %max3A_1683 masked %reduce_max3A_1685 : vector<16xf32>, vector<16xi1> -> vector<16xf32>
      %reduce_max3A_1687 = vector.extract %reduce_max3A_1686[15] : f32 from vector<16xf32>
      %jit3A_1688 = arith.constant -1.000000e+30 : f32
      %broadcast_in_dim3A_1689 = vector.broadcast %jit3A_1688 : f32 to vector<16xf32>
      %select_n3A_1690 = arith.select %and3A_1621, %gather3A_536, %broadcast_in_dim3A_1689 : vector<16xi1>, vector<16xf32>
      %jit3A_1691 = arith.constant -1.000000e+30 : f32
      %broadcast_in_dim3A_1692 = vector.broadcast %jit3A_1691 : f32 to vector<16xf32>
      %select_n3A_1693 = arith.select %and3A_1624, %gather3A_546, %broadcast_in_dim3A_1692 : vector<16xi1>, vector<16xf32>
      %max3A_1694 = arith.maximumf %select_n3A_1690, %select_n3A_1693 : vector<16xf32>
      %jit3A_1695 = arith.constant -1.000000e+30 : f32
      %broadcast_in_dim3A_1696 = vector.broadcast %jit3A_1695 : f32 to vector<16xf32>
      %select_n3A_1697 = arith.select %and3A_1627, %gather3A_556, %broadcast_in_dim3A_1696 : vector<16xi1>, vector<16xf32>
      %jit3A_1698 = arith.constant -1.000000e+30 : f32
      %broadcast_in_dim3A_1699 = vector.broadcast %jit3A_1698 : f32 to vector<16xf32>
      %select_n3A_1700 = arith.select %and3A_1630, %gather3A_566, %broadcast_in_dim3A_1699 : vector<16xi1>, vector<16xf32>
      %max3A_1701 = arith.maximumf %select_n3A_1697, %select_n3A_1700 : vector<16xf32>
      %max3A_1702 = arith.maximumf %max3A_1694, %max3A_1701 : vector<16xf32>
      %reduce_max3A_1703 = arith.constant true
      %reduce_max3A_1704 = vector.broadcast %reduce_max3A_1703 : i1 to vector<16xi1>
      %reduce_max3A_1705 = tpu.scan <max>, %max3A_1702 masked %reduce_max3A_1704 : vector<16xf32>, vector<16xi1> -> vector<16xf32>
      %reduce_max3A_1706 = vector.extract %reduce_max3A_1705[15] : f32 from vector<16xf32>
      %jit3A_1707 = arith.constant -1.000000e+30 : f32
      %broadcast_in_dim3A_1708 = vector.broadcast %jit3A_1707 : f32 to vector<16xf32>
      %select_n3A_1709 = arith.select %and3A_1621, %mul3A_569, %broadcast_in_dim3A_1708 : vector<16xi1>, vector<16xf32>
      %jit3A_1710 = arith.constant -1.000000e+30 : f32
      %broadcast_in_dim3A_1711 = vector.broadcast %jit3A_1710 : f32 to vector<16xf32>
      %select_n3A_1712 = arith.select %and3A_1624, %mul3A_572, %broadcast_in_dim3A_1711 : vector<16xi1>, vector<16xf32>
      %max3A_1713 = arith.maximumf %select_n3A_1709, %select_n3A_1712 : vector<16xf32>
      %jit3A_1714 = arith.constant -1.000000e+30 : f32
      %broadcast_in_dim3A_1715 = vector.broadcast %jit3A_1714 : f32 to vector<16xf32>
      %select_n3A_1716 = arith.select %and3A_1627, %mul3A_575, %broadcast_in_dim3A_1715 : vector<16xi1>, vector<16xf32>
      %jit3A_1717 = arith.constant -1.000000e+30 : f32
      %broadcast_in_dim3A_1718 = vector.broadcast %jit3A_1717 : f32 to vector<16xf32>
      %select_n3A_1719 = arith.select %and3A_1630, %mul3A_578, %broadcast_in_dim3A_1718 : vector<16xi1>, vector<16xf32>
      %max3A_1720 = arith.maximumf %select_n3A_1716, %select_n3A_1719 : vector<16xf32>
      %max3A_1721 = arith.maximumf %max3A_1713, %max3A_1720 : vector<16xf32>
      %reduce_max3A_1722 = arith.constant true
      %reduce_max3A_1723 = vector.broadcast %reduce_max3A_1722 : i1 to vector<16xi1>
      %reduce_max3A_1724 = tpu.scan <max>, %max3A_1721 masked %reduce_max3A_1723 : vector<16xf32>, vector<16xi1> -> vector<16xf32>
      %reduce_max3A_1725 = vector.extract %reduce_max3A_1724[15] : f32 from vector<16xf32>
      %broadcast_in_dim3A_1726 = vector.broadcast %reduce_max3A_1649 : f32 to vector<16xf32>
      %broadcast_in_dim3A_1727 = vector.broadcast %reduce_max3A_1668 : f32 to vector<16xf32>
      %broadcast_in_dim3A_1728 = vector.broadcast %reduce_max3A_1687 : f32 to vector<16xf32>
      %broadcast_in_dim3A_1729 = vector.broadcast %reduce_max3A_1706 : f32 to vector<16xf32>
      %broadcast_in_dim3A_1730 = vector.broadcast %reduce_max3A_1725 : f32 to vector<16xf32>
      %eq3A_1731 = arith.constant 0 : i32
      %eq3A_1732 = vector.broadcast %eq3A_1731 : i32 to vector<16xi32>
      %eq3A_1733 = arith.cmpi eq, %iota3A, %eq3A_1732 : vector<16xi32>
      %eq3A_1734 = arith.constant 1 : i32
      %eq3A_1735 = vector.broadcast %eq3A_1734 : i32 to vector<16xi32>
      %eq3A_1736 = arith.cmpi eq, %iota3A, %eq3A_1735 : vector<16xi32>
      %eq3A_1737 = arith.constant 2 : i32
      %eq3A_1738 = vector.broadcast %eq3A_1737 : i32 to vector<16xi32>
      %eq3A_1739 = arith.cmpi eq, %iota3A, %eq3A_1738 : vector<16xi32>
      %eq3A_1740 = arith.constant 3 : i32
      %eq3A_1741 = vector.broadcast %eq3A_1740 : i32 to vector<16xi32>
      %eq3A_1742 = arith.cmpi eq, %iota3A, %eq3A_1741 : vector<16xi32>
      %eq3A_1743 = arith.constant 4 : i32
      %eq3A_1744 = vector.broadcast %eq3A_1743 : i32 to vector<16xi32>
      %eq3A_1745 = arith.cmpi eq, %iota3A, %eq3A_1744 : vector<16xi32>
      %jit3A_1746 = arith.constant 0.000000e+00 : f32
      %broadcast_in_dim3A_1747 = vector.broadcast %jit3A_1746 : f32 to vector<16xf32>
      %select_n3A_1748 = arith.select %eq3A_1745, %broadcast_in_dim3A_1556, %broadcast_in_dim3A_1747 : vector<16xi1>, vector<16xf32>
      %select_n3A_1749 = arith.select %eq3A_1742, %broadcast_in_dim3A_1729, %select_n3A_1748 : vector<16xi1>, vector<16xf32>
      %select_n3A_1750 = arith.select %eq3A_1739, %broadcast_in_dim3A_1728, %select_n3A_1749 : vector<16xi1>, vector<16xf32>
      %select_n3A_1751 = arith.select %eq3A_1736, %broadcast_in_dim3A_1727, %select_n3A_1750 : vector<16xi1>, vector<16xf32>
      %select_n3A_1752 = arith.select %eq3A_1733, %broadcast_in_dim3A_1726, %select_n3A_1751 : vector<16xi1>, vector<16xf32>
      %broadcast_in_dim3A_1753 = vector.broadcast %add3A_1436 : i32 to vector<16xi32>
      %lt3A_1754 = arith.constant 5 : i32
      %lt3A_1755 = vector.broadcast %lt3A_1754 : i32 to vector<16xi32>
      %lt3A_1756 = arith.cmpi slt, %iota3A, %lt3A_1755 : vector<16xi32>
      %and3A_1757 = arith.andi %lt3A_1756, %broadcast_in_dim3A_1618 : vector<16xi1>
      tpu.vector_store_idx %arg17[%broadcast_in_dim3A_1753, %iota3A], %select_n3A_1752 masked %and3A_1757 : memref<30x5xf32, #tpu.memory_space<vmem>>[vector<16xi32>, vector<16xi32>], vector<16xf32>, vector<16xi1>
      %jit3A_1758 = arith.constant 1 : i32
      %jit3A_1759 = arith.constant 0 : i32
      %select_n3A_1760 = arith.select %and3A_1617, %jit3A_1758, %jit3A_1759 : i32
      %add3A_1761 = arith.addi %add3A_1436, %select_n3A_1760 : i32
      %max3A_1762 = arith.maximumf %broadcast_in_dim3A_1726, %gather3A_425 : vector<16xf32>
      %max3A_1763 = arith.maximumf %broadcast_in_dim3A_1727, %gather3A_456 : vector<16xf32>
      %min3A_1764 = arith.minimumf %broadcast_in_dim3A_1728, %gather3A_496 : vector<16xf32>
      %min3A_1765 = arith.minimumf %broadcast_in_dim3A_1729, %gather3A_536 : vector<16xf32>
      %sub3A_1766 = arith.subf %min3A_1764, %max3A_1762 : vector<16xf32>
      %max3A_1767 = arith.constant 0.000000e+00 : f32
      %max3A_1768 = vector.broadcast %max3A_1767 : f32 to vector<16xf32>
      %max3A_1769 = arith.maximumf %sub3A_1766, %max3A_1768 : vector<16xf32>
      %sub3A_1770 = arith.subf %min3A_1765, %max3A_1763 : vector<16xf32>
      %max3A_1771 = arith.constant 0.000000e+00 : f32
      %max3A_1772 = vector.broadcast %max3A_1771 : f32 to vector<16xf32>
      %max3A_1773 = arith.maximumf %sub3A_1770, %max3A_1772 : vector<16xf32>
      %mul3A_1774 = arith.mulf %max3A_1769, %max3A_1773 : vector<16xf32>
      %add3A_1775 = arith.addf %broadcast_in_dim3A_1730, %mul3A_569 : vector<16xf32>
      %sub3A_1776 = arith.subf %add3A_1775, %mul3A_1774 : vector<16xf32>
      %add3A_1777 = arith.constant 9.99999993E-9 : f32
      %add3A_1778 = vector.broadcast %add3A_1777 : f32 to vector<16xf32>
      %add3A_1779 = arith.addf %sub3A_1776, %add3A_1778 : vector<16xf32>
      %div3A_1780 = arith.divf %mul3A_1774, %add3A_1779 : vector<16xf32>
      %gt3A_1781 = arith.constant 5.000000e-01 : f32
      %gt3A_1782 = vector.broadcast %gt3A_1781 : f32 to vector<16xf32>
      %gt3A_1783 = arith.cmpf ogt, %div3A_1780, %gt3A_1782 : vector<16xf32>
      %eq3A_1784 = arith.cmpi eq, %bitcast3A_394, %broadcast_in_dim3A_1584 : vector<16xi32>
      %or3A_1785 = arith.ori %gt3A_1783, %eq3A_1784 : vector<16xi1>
      %and3A_1786 = arith.andi %or3A_1785, %broadcast_in_dim3A_1618 : vector<16xi1>
      %jit3A_1787 = arith.constant -1.000000e+30 : f32
      %broadcast_in_dim3A_1788 = vector.broadcast %jit3A_1787 : f32 to vector<16xf32>
      %select_n3A_1789 = arith.select %and3A_1786, %broadcast_in_dim3A_1788, %select_n3A_1464 : vector<16xi1>, vector<16xf32>
      %max3A_1790 = arith.maximumf %broadcast_in_dim3A_1726, %gather3A_432 : vector<16xf32>
      %max3A_1791 = arith.maximumf %broadcast_in_dim3A_1727, %gather3A_466 : vector<16xf32>
      %min3A_1792 = arith.minimumf %broadcast_in_dim3A_1728, %gather3A_506 : vector<16xf32>
      %min3A_1793 = arith.minimumf %broadcast_in_dim3A_1729, %gather3A_546 : vector<16xf32>
      %sub3A_1794 = arith.subf %min3A_1792, %max3A_1790 : vector<16xf32>
      %max3A_1795 = arith.constant 0.000000e+00 : f32
      %max3A_1796 = vector.broadcast %max3A_1795 : f32 to vector<16xf32>
      %max3A_1797 = arith.maximumf %sub3A_1794, %max3A_1796 : vector<16xf32>
      %sub3A_1798 = arith.subf %min3A_1793, %max3A_1791 : vector<16xf32>
      %max3A_1799 = arith.constant 0.000000e+00 : f32
      %max3A_1800 = vector.broadcast %max3A_1799 : f32 to vector<16xf32>
      %max3A_1801 = arith.maximumf %sub3A_1798, %max3A_1800 : vector<16xf32>
      %mul3A_1802 = arith.mulf %max3A_1797, %max3A_1801 : vector<16xf32>
      %add3A_1803 = arith.addf %broadcast_in_dim3A_1730, %mul3A_572 : vector<16xf32>
      %sub3A_1804 = arith.subf %add3A_1803, %mul3A_1802 : vector<16xf32>
      %add3A_1805 = arith.constant 9.99999993E-9 : f32
      %add3A_1806 = vector.broadcast %add3A_1805 : f32 to vector<16xf32>
      %add3A_1807 = arith.addf %sub3A_1804, %add3A_1806 : vector<16xf32>
      %div3A_1808 = arith.divf %mul3A_1802, %add3A_1807 : vector<16xf32>
      %gt3A_1809 = arith.constant 5.000000e-01 : f32
      %gt3A_1810 = vector.broadcast %gt3A_1809 : f32 to vector<16xf32>
      %gt3A_1811 = arith.cmpf ogt, %div3A_1808, %gt3A_1810 : vector<16xf32>
      %eq3A_1812 = arith.cmpi eq, %bitcast3A_402, %broadcast_in_dim3A_1584 : vector<16xi32>
      %or3A_1813 = arith.ori %gt3A_1811, %eq3A_1812 : vector<16xi1>
      %and3A_1814 = arith.andi %or3A_1813, %broadcast_in_dim3A_1618 : vector<16xi1>
      %jit3A_1815 = arith.constant -1.000000e+30 : f32
      %broadcast_in_dim3A_1816 = vector.broadcast %jit3A_1815 : f32 to vector<16xf32>
      %select_n3A_1817 = arith.select %and3A_1814, %broadcast_in_dim3A_1816, %select_n3A_1492 : vector<16xi1>, vector<16xf32>
      %max3A_1818 = arith.maximumf %broadcast_in_dim3A_1726, %gather3A_439 : vector<16xf32>
      %max3A_1819 = arith.maximumf %broadcast_in_dim3A_1727, %gather3A_476 : vector<16xf32>
      %min3A_1820 = arith.minimumf %broadcast_in_dim3A_1728, %gather3A_516 : vector<16xf32>
      %min3A_1821 = arith.minimumf %broadcast_in_dim3A_1729, %gather3A_556 : vector<16xf32>
      %sub3A_1822 = arith.subf %min3A_1820, %max3A_1818 : vector<16xf32>
      %max3A_1823 = arith.constant 0.000000e+00 : f32
      %max3A_1824 = vector.broadcast %max3A_1823 : f32 to vector<16xf32>
      %max3A_1825 = arith.maximumf %sub3A_1822, %max3A_1824 : vector<16xf32>
      %sub3A_1826 = arith.subf %min3A_1821, %max3A_1819 : vector<16xf32>
      %max3A_1827 = arith.constant 0.000000e+00 : f32
      %max3A_1828 = vector.broadcast %max3A_1827 : f32 to vector<16xf32>
      %max3A_1829 = arith.maximumf %sub3A_1826, %max3A_1828 : vector<16xf32>
      %mul3A_1830 = arith.mulf %max3A_1825, %max3A_1829 : vector<16xf32>
      %add3A_1831 = arith.addf %broadcast_in_dim3A_1730, %mul3A_575 : vector<16xf32>
      %sub3A_1832 = arith.subf %add3A_1831, %mul3A_1830 : vector<16xf32>
      %add3A_1833 = arith.constant 9.99999993E-9 : f32
      %add3A_1834 = vector.broadcast %add3A_1833 : f32 to vector<16xf32>
      %add3A_1835 = arith.addf %sub3A_1832, %add3A_1834 : vector<16xf32>
      %div3A_1836 = arith.divf %mul3A_1830, %add3A_1835 : vector<16xf32>
      %gt3A_1837 = arith.constant 5.000000e-01 : f32
      %gt3A_1838 = vector.broadcast %gt3A_1837 : f32 to vector<16xf32>
      %gt3A_1839 = arith.cmpf ogt, %div3A_1836, %gt3A_1838 : vector<16xf32>
      %eq3A_1840 = arith.cmpi eq, %bitcast3A_410, %broadcast_in_dim3A_1584 : vector<16xi32>
      %or3A_1841 = arith.ori %gt3A_1839, %eq3A_1840 : vector<16xi1>
      %and3A_1842 = arith.andi %or3A_1841, %broadcast_in_dim3A_1618 : vector<16xi1>
      %jit3A_1843 = arith.constant -1.000000e+30 : f32
      %broadcast_in_dim3A_1844 = vector.broadcast %jit3A_1843 : f32 to vector<16xf32>
      %select_n3A_1845 = arith.select %and3A_1842, %broadcast_in_dim3A_1844, %select_n3A_1520 : vector<16xi1>, vector<16xf32>
      %max3A_1846 = arith.maximumf %broadcast_in_dim3A_1726, %gather3A_446 : vector<16xf32>
      %max3A_1847 = arith.maximumf %broadcast_in_dim3A_1727, %gather3A_486 : vector<16xf32>
      %min3A_1848 = arith.minimumf %broadcast_in_dim3A_1728, %gather3A_526 : vector<16xf32>
      %min3A_1849 = arith.minimumf %broadcast_in_dim3A_1729, %gather3A_566 : vector<16xf32>
      %sub3A_1850 = arith.subf %min3A_1848, %max3A_1846 : vector<16xf32>
      %max3A_1851 = arith.constant 0.000000e+00 : f32
      %max3A_1852 = vector.broadcast %max3A_1851 : f32 to vector<16xf32>
      %max3A_1853 = arith.maximumf %sub3A_1850, %max3A_1852 : vector<16xf32>
      %sub3A_1854 = arith.subf %min3A_1849, %max3A_1847 : vector<16xf32>
      %max3A_1855 = arith.constant 0.000000e+00 : f32
      %max3A_1856 = vector.broadcast %max3A_1855 : f32 to vector<16xf32>
      %max3A_1857 = arith.maximumf %sub3A_1854, %max3A_1856 : vector<16xf32>
      %mul3A_1858 = arith.mulf %max3A_1853, %max3A_1857 : vector<16xf32>
      %add3A_1859 = arith.addf %broadcast_in_dim3A_1730, %mul3A_578 : vector<16xf32>
      %sub3A_1860 = arith.subf %add3A_1859, %mul3A_1858 : vector<16xf32>
      %add3A_1861 = arith.constant 9.99999993E-9 : f32
      %add3A_1862 = vector.broadcast %add3A_1861 : f32 to vector<16xf32>
      %add3A_1863 = arith.addf %sub3A_1860, %add3A_1862 : vector<16xf32>
      %div3A_1864 = arith.divf %mul3A_1858, %add3A_1863 : vector<16xf32>
      %gt3A_1865 = arith.constant 5.000000e-01 : f32
      %gt3A_1866 = vector.broadcast %gt3A_1865 : f32 to vector<16xf32>
      %gt3A_1867 = arith.cmpf ogt, %div3A_1864, %gt3A_1866 : vector<16xf32>
      %eq3A_1868 = arith.cmpi eq, %bitcast3A_418, %broadcast_in_dim3A_1584 : vector<16xi32>
      %or3A_1869 = arith.ori %gt3A_1867, %eq3A_1868 : vector<16xi1>
      %and3A_1870 = arith.andi %or3A_1869, %broadcast_in_dim3A_1618 : vector<16xi1>
      %jit3A_1871 = arith.constant -1.000000e+30 : f32
      %broadcast_in_dim3A_1872 = vector.broadcast %jit3A_1871 : f32 to vector<16xf32>
      %select_n3A_1873 = arith.select %and3A_1870, %broadcast_in_dim3A_1872, %select_n3A_1548 : vector<16xi1>, vector<16xf32>
      %broadcast_in_dim3A_1874 = arith.constant -1.000000e+30 : f32
      %broadcast_in_dim3A_1875 = vector.broadcast %broadcast_in_dim3A_1874 : f32 to vector<16xf32>
      %broadcast_in_dim3A_1876 = arith.constant -1.000000e+30 : f32
      %broadcast_in_dim3A_1877 = vector.broadcast %broadcast_in_dim3A_1876 : f32 to vector<16xf32>
      %broadcast_in_dim3A_1878 = arith.constant -1.000000e+30 : f32
      %broadcast_in_dim3A_1879 = vector.broadcast %broadcast_in_dim3A_1878 : f32 to vector<16xf32>
      %broadcast_in_dim3A_1880 = arith.constant -1.000000e+30 : f32
      %broadcast_in_dim3A_1881 = vector.broadcast %broadcast_in_dim3A_1880 : f32 to vector<16xf32>
      %broadcast_in_dim3A_1882 = arith.constant 0 : i32
      %broadcast_in_dim3A_1883 = vector.broadcast %broadcast_in_dim3A_1882 : i32 to vector<16xi32>
      %broadcast_in_dim3A_1884 = arith.constant 0 : i32
      %broadcast_in_dim3A_1885 = vector.broadcast %broadcast_in_dim3A_1884 : i32 to vector<16xi32>
      %broadcast_in_dim3A_1886 = arith.constant 0 : i32
      %broadcast_in_dim3A_1887 = vector.broadcast %broadcast_in_dim3A_1886 : i32 to vector<16xi32>
      %broadcast_in_dim3A_1888 = arith.constant 0 : i32
      %broadcast_in_dim3A_1889 = vector.broadcast %broadcast_in_dim3A_1888 : i32 to vector<16xi32>
      %scan3A_1890 = arith.constant 0 : i32
      %scan3A_1891 = arith.constant 20 : i32
      %scan3A_1892 = arith.addi %scan3A_1890, %scan3A_1891 : i32
      %scan3A_1893 = arith.constant 1 : i32
      %scan3A_1894:8 = scf.for %scan3A_2138 = %scan3A_1890 to %scan3A_1892 step %scan3A_1893 iter_args(%scan3A_2139 = %broadcast_in_dim3A_1875, %scan3A_2140 = %broadcast_in_dim3A_1877, %scan3A_2141 = %broadcast_in_dim3A_1879, %scan3A_2142 = %broadcast_in_dim3A_1881, %scan3A_2143 = %broadcast_in_dim3A_1883, %scan3A_2144 = %broadcast_in_dim3A_1885, %scan3A_2145 = %broadcast_in_dim3A_1887, %scan3A_2146 = %broadcast_in_dim3A_1889) -> (vector<16xf32>, vector<16xf32>, vector<16xf32>, vector<16xf32>, vector<16xi32>, vector<16xi32>, vector<16xi32>, vector<16xi32>)  : i32 {
        %mul3A_2147 = arith.constant 4 : i32
        %mul3A_2148 = arith.muli %scan3A_2138, %mul3A_2147 : i32
        %add3A_2149 = arith.constant 0 : i32
        %add3A_2150 = arith.addi %mul3A_2148, %add3A_2149 : i32
        %mul3A_2151 = arith.constant 16 : i32
        %mul3A_2152 = arith.muli %add3A_2150, %mul3A_2151 : i32
        %get3A = arith.index_cast %mul3A_2152 : i32 to index
        %get3A_2153 = tpu.vector_load %arg9[%get3A] {strides = array<i32>} : memref<1280xf32, #tpu.memory_space<vmem>>, vector<16xf32>,
        %get3A_2154 = arith.index_cast %mul3A_2152 : i32 to index
        %get3A_2155 = tpu.vector_load %arg10[%get3A_2154] {strides = array<i32>} : memref<1280xf32, #tpu.memory_space<vmem>>, vector<16xf32>,
        %get3A_2156 = arith.index_cast %mul3A_2152 : i32 to index
        %get3A_2157 = tpu.vector_load %arg11[%get3A_2156] {strides = array<i32>} : memref<1280xf32, #tpu.memory_space<vmem>>, vector<16xf32>,
        %get3A_2158 = arith.index_cast %mul3A_2152 : i32 to index
        %get3A_2159 = tpu.vector_load %arg12[%get3A_2158] {strides = array<i32>} : memref<1280xf32, #tpu.memory_space<vmem>>, vector<16xf32>,
        %get3A_2160 = arith.index_cast %mul3A_2152 : i32 to index
        %get3A_2161 = tpu.vector_load %arg13[%get3A_2160] {strides = array<i32>} : memref<1280xf32, #tpu.memory_space<vmem>>, vector<16xf32>,
        %mul3A_2162 = arith.constant 16 : i32
        %mul3A_2163 = arith.muli %add3A_2150, %mul3A_2162 : i32
        %add3A_2164 = arith.addi %mul3A_0, %mul3A_2163 : i32
        %add3A_2165 = vector.broadcast %add3A_2164 : i32 to vector<16xi32>
        %add3A_2166 = arith.addi %add3A_2165, %iota3A : vector<16xi32>
        %ne3A = arith.cmpi ne, %add3A_2166, %add3A_2166 : vector<16xi32>
        %max3A_2167 = arith.maximumf %broadcast_in_dim3A_752, %get3A_2153 : vector<16xf32>
        %max3A_2168 = arith.maximumf %broadcast_in_dim3A_753, %get3A_2155 : vector<16xf32>
        %min3A_2169 = arith.minimumf %broadcast_in_dim3A_754, %get3A_2157 : vector<16xf32>
        %min3A_2170 = arith.minimumf %broadcast_in_dim3A_755, %get3A_2159 : vector<16xf32>
        %sub3A_2171 = arith.subf %min3A_2169, %max3A_2167 : vector<16xf32>
        %max3A_2172 = arith.constant 0.000000e+00 : f32
        %max3A_2173 = vector.broadcast %max3A_2172 : f32 to vector<16xf32>
        %max3A_2174 = arith.maximumf %sub3A_2171, %max3A_2173 : vector<16xf32>
        %sub3A_2175 = arith.subf %min3A_2170, %max3A_2168 : vector<16xf32>
        %max3A_2176 = arith.constant 0.000000e+00 : f32
        %max3A_2177 = vector.broadcast %max3A_2176 : f32 to vector<16xf32>
        %max3A_2178 = arith.maximumf %sub3A_2175, %max3A_2177 : vector<16xf32>
        %mul3A_2179 = arith.mulf %max3A_2174, %max3A_2178 : vector<16xf32>
        %add3A_2180 = arith.addf %broadcast_in_dim3A_756, %get3A_2161 : vector<16xf32>
        %sub3A_2181 = arith.subf %add3A_2180, %mul3A_2179 : vector<16xf32>
        %add3A_2182 = arith.constant 9.99999993E-9 : f32
        %add3A_2183 = vector.broadcast %add3A_2182 : f32 to vector<16xf32>
        %add3A_2184 = arith.addf %sub3A_2181, %add3A_2183 : vector<16xf32>
        %div3A_2185 = arith.divf %mul3A_2179, %add3A_2184 : vector<16xf32>
        %gt3A_2186 = arith.constant 5.000000e-01 : f32
        %gt3A_2187 = vector.broadcast %gt3A_2186 : f32 to vector<16xf32>
        %gt3A_2188 = arith.cmpf ogt, %div3A_2185, %gt3A_2187 : vector<16xf32>
        %eq3A_2189 = arith.cmpi eq, %add3A_2166, %broadcast_in_dim3A_614 : vector<16xi32>
        %or3A_2190 = arith.ori %gt3A_2188, %eq3A_2189 : vector<16xi1>
        %and3A_2191 = arith.andi %or3A_2190, %broadcast_in_dim3A_644 : vector<16xi1>
        %or3A_2192 = arith.ori %ne3A, %and3A_2191 : vector<16xi1>
        %max3A_2193 = arith.maximumf %broadcast_in_dim3A_1076, %get3A_2153 : vector<16xf32>
        %max3A_2194 = arith.maximumf %broadcast_in_dim3A_1077, %get3A_2155 : vector<16xf32>
        %min3A_2195 = arith.minimumf %broadcast_in_dim3A_1078, %get3A_2157 : vector<16xf32>
        %min3A_2196 = arith.minimumf %broadcast_in_dim3A_1079, %get3A_2159 : vector<16xf32>
        %sub3A_2197 = arith.subf %min3A_2195, %max3A_2193 : vector<16xf32>
        %max3A_2198 = arith.constant 0.000000e+00 : f32
        %max3A_2199 = vector.broadcast %max3A_2198 : f32 to vector<16xf32>
        %max3A_2200 = arith.maximumf %sub3A_2197, %max3A_2199 : vector<16xf32>
        %sub3A_2201 = arith.subf %min3A_2196, %max3A_2194 : vector<16xf32>
        %max3A_2202 = arith.constant 0.000000e+00 : f32
        %max3A_2203 = vector.broadcast %max3A_2202 : f32 to vector<16xf32>
        %max3A_2204 = arith.maximumf %sub3A_2201, %max3A_2203 : vector<16xf32>
        %mul3A_2205 = arith.mulf %max3A_2200, %max3A_2204 : vector<16xf32>
        %add3A_2206 = arith.addf %broadcast_in_dim3A_1080, %get3A_2161 : vector<16xf32>
        %sub3A_2207 = arith.subf %add3A_2206, %mul3A_2205 : vector<16xf32>
        %add3A_2208 = arith.constant 9.99999993E-9 : f32
        %add3A_2209 = vector.broadcast %add3A_2208 : f32 to vector<16xf32>
        %add3A_2210 = arith.addf %sub3A_2207, %add3A_2209 : vector<16xf32>
        %div3A_2211 = arith.divf %mul3A_2205, %add3A_2210 : vector<16xf32>
        %gt3A_2212 = arith.constant 5.000000e-01 : f32
        %gt3A_2213 = vector.broadcast %gt3A_2212 : f32 to vector<16xf32>
        %gt3A_2214 = arith.cmpf ogt, %div3A_2211, %gt3A_2213 : vector<16xf32>
        %eq3A_2215 = arith.cmpi eq, %add3A_2166, %broadcast_in_dim3A_934 : vector<16xi32>
        %or3A_2216 = arith.ori %gt3A_2214, %eq3A_2215 : vector<16xi1>
        %and3A_2217 = arith.andi %or3A_2216, %broadcast_in_dim3A_968 : vector<16xi1>
        %or3A_2218 = arith.ori %or3A_2192, %and3A_2217 : vector<16xi1>
        %max3A_2219 = arith.maximumf %broadcast_in_dim3A_1401, %get3A_2153 : vector<16xf32>
        %max3A_2220 = arith.maximumf %broadcast_in_dim3A_1402, %get3A_2155 : vector<16xf32>
        %min3A_2221 = arith.minimumf %broadcast_in_dim3A_1403, %get3A_2157 : vector<16xf32>
        %min3A_2222 = arith.minimumf %broadcast_in_dim3A_1404, %get3A_2159 : vector<16xf32>
        %sub3A_2223 = arith.subf %min3A_2221, %max3A_2219 : vector<16xf32>
        %max3A_2224 = arith.constant 0.000000e+00 : f32
        %max3A_2225 = vector.broadcast %max3A_2224 : f32 to vector<16xf32>
        %max3A_2226 = arith.maximumf %sub3A_2223, %max3A_2225 : vector<16xf32>
        %sub3A_2227 = arith.subf %min3A_2222, %max3A_2220 : vector<16xf32>
        %max3A_2228 = arith.constant 0.000000e+00 : f32
        %max3A_2229 = vector.broadcast %max3A_2228 : f32 to vector<16xf32>
        %max3A_2230 = arith.maximumf %sub3A_2227, %max3A_2229 : vector<16xf32>
        %mul3A_2231 = arith.mulf %max3A_2226, %max3A_2230 : vector<16xf32>
        %add3A_2232 = arith.addf %broadcast_in_dim3A_1405, %get3A_2161 : vector<16xf32>
        %sub3A_2233 = arith.subf %add3A_2232, %mul3A_2231 : vector<16xf32>
        %add3A_2234 = arith.constant 9.99999993E-9 : f32
        %add3A_2235 = vector.broadcast %add3A_2234 : f32 to vector<16xf32>
        %add3A_2236 = arith.addf %sub3A_2233, %add3A_2235 : vector<16xf32>
        %div3A_2237 = arith.divf %mul3A_2231, %add3A_2236 : vector<16xf32>
        %gt3A_2238 = arith.constant 5.000000e-01 : f32
        %gt3A_2239 = vector.broadcast %gt3A_2238 : f32 to vector<16xf32>
        %gt3A_2240 = arith.cmpf ogt, %div3A_2237, %gt3A_2239 : vector<16xf32>
        %eq3A_2241 = arith.cmpi eq, %add3A_2166, %broadcast_in_dim3A_1259 : vector<16xi32>
        %or3A_2242 = arith.ori %gt3A_2240, %eq3A_2241 : vector<16xi1>
        %and3A_2243 = arith.andi %or3A_2242, %broadcast_in_dim3A_1293 : vector<16xi1>
        %or3A_2244 = arith.ori %or3A_2218, %and3A_2243 : vector<16xi1>
        %max3A_2245 = arith.maximumf %broadcast_in_dim3A_1726, %get3A_2153 : vector<16xf32>
        %max3A_2246 = arith.maximumf %broadcast_in_dim3A_1727, %get3A_2155 : vector<16xf32>
        %min3A_2247 = arith.minimumf %broadcast_in_dim3A_1728, %get3A_2157 : vector<16xf32>
        %min3A_2248 = arith.minimumf %broadcast_in_dim3A_1729, %get3A_2159 : vector<16xf32>
        %sub3A_2249 = arith.subf %min3A_2247, %max3A_2245 : vector<16xf32>
        %max3A_2250 = arith.constant 0.000000e+00 : f32
        %max3A_2251 = vector.broadcast %max3A_2250 : f32 to vector<16xf32>
        %max3A_2252 = arith.maximumf %sub3A_2249, %max3A_2251 : vector<16xf32>
        %sub3A_2253 = arith.subf %min3A_2248, %max3A_2246 : vector<16xf32>
        %max3A_2254 = arith.constant 0.000000e+00 : f32
        %max3A_2255 = vector.broadcast %max3A_2254 : f32 to vector<16xf32>
        %max3A_2256 = arith.maximumf %sub3A_2253, %max3A_2255 : vector<16xf32>
        %mul3A_2257 = arith.mulf %max3A_2252, %max3A_2256 : vector<16xf32>
        %add3A_2258 = arith.addf %broadcast_in_dim3A_1730, %get3A_2161 : vector<16xf32>
        %sub3A_2259 = arith.subf %add3A_2258, %mul3A_2257 : vector<16xf32>
        %add3A_2260 = arith.constant 9.99999993E-9 : f32
        %add3A_2261 = vector.broadcast %add3A_2260 : f32 to vector<16xf32>
        %add3A_2262 = arith.addf %sub3A_2259, %add3A_2261 : vector<16xf32>
        %div3A_2263 = arith.divf %mul3A_2257, %add3A_2262 : vector<16xf32>
        %gt3A_2264 = arith.constant 5.000000e-01 : f32
        %gt3A_2265 = vector.broadcast %gt3A_2264 : f32 to vector<16xf32>
        %gt3A_2266 = arith.cmpf ogt, %div3A_2263, %gt3A_2265 : vector<16xf32>
        %eq3A_2267 = arith.cmpi eq, %add3A_2166, %broadcast_in_dim3A_1584 : vector<16xi32>
        %or3A_2268 = arith.ori %gt3A_2266, %eq3A_2267 : vector<16xi1>
        %and3A_2269 = arith.andi %or3A_2268, %broadcast_in_dim3A_1618 : vector<16xi1>
        %or3A_2270 = arith.ori %or3A_2244, %and3A_2269 : vector<16xi1>
        %get3A_2271 = arith.index_cast %mul3A_2152 : i32 to index
        %get3A_2272 = tpu.vector_load %arg14[%get3A_2271] {strides = array<i32>} : memref<1280xf32, #tpu.memory_space<vmem>>, vector<16xf32>,
        %jit3A_2273 = arith.constant -1.000000e+30 : f32
        %broadcast_in_dim3A_2274 = vector.broadcast %jit3A_2273 : f32 to vector<16xf32>
        %select_n3A_2275 = arith.select %or3A_2270, %broadcast_in_dim3A_2274, %get3A_2272 : vector<16xi1>, vector<16xf32>
        %swap3A_2276 = arith.index_cast %mul3A_2152 : i32 to index
        %swap3A_2277 = tpu.vector_load %arg14[%swap3A_2276] {strides = array<i32>} : memref<1280xf32, #tpu.memory_space<vmem>>, vector<16xf32>,
        tpu.vector_store %arg14[%swap3A_2276], %select_n3A_2275 {strides = array<i32>} : memref<1280xf32, #tpu.memory_space<vmem>>, vector<16xf32>,
        %gt3A_2278 = arith.cmpf ogt, %select_n3A_2275, %scan3A_2139 : vector<16xf32>
        %select_n3A_2279 = arith.select %gt3A_2278, %select_n3A_2275, %scan3A_2139 : vector<16xi1>, vector<16xf32>
        %select_n3A_2280 = arith.select %gt3A_2278, %add3A_2166, %scan3A_2143 : vector<16xi1>, vector<16xi32>
        %select_n3A_2281 = arith.select %gt3A_2278, %scan3A_2139, %select_n3A_2275 : vector<16xi1>, vector<16xf32>
        %select_n3A_2282 = arith.select %gt3A_2278, %scan3A_2143, %add3A_2166 : vector<16xi1>, vector<16xi32>
        %gt3A_2283 = arith.cmpf ogt, %select_n3A_2281, %scan3A_2140 : vector<16xf32>
        %select_n3A_2284 = arith.select %gt3A_2283, %select_n3A_2281, %scan3A_2140 : vector<16xi1>, vector<16xf32>
        %select_n3A_2285 = arith.select %gt3A_2283, %select_n3A_2282, %scan3A_2144 : vector<16xi1>, vector<16xi32>
        %select_n3A_2286 = arith.select %gt3A_2283, %scan3A_2140, %select_n3A_2281 : vector<16xi1>, vector<16xf32>
        %select_n3A_2287 = arith.select %gt3A_2283, %scan3A_2144, %select_n3A_2282 : vector<16xi1>, vector<16xi32>
        %gt3A_2288 = arith.cmpf ogt, %select_n3A_2286, %scan3A_2141 : vector<16xf32>
        %select_n3A_2289 = arith.select %gt3A_2288, %select_n3A_2286, %scan3A_2141 : vector<16xi1>, vector<16xf32>
        %select_n3A_2290 = arith.select %gt3A_2288, %select_n3A_2287, %scan3A_2145 : vector<16xi1>, vector<16xi32>
        %select_n3A_2291 = arith.select %gt3A_2288, %scan3A_2141, %select_n3A_2286 : vector<16xi1>, vector<16xf32>
        %select_n3A_2292 = arith.select %gt3A_2288, %scan3A_2145, %select_n3A_2287 : vector<16xi1>, vector<16xi32>
        %gt3A_2293 = arith.cmpf ogt, %select_n3A_2291, %scan3A_2142 : vector<16xf32>
        %select_n3A_2294 = arith.select %gt3A_2293, %select_n3A_2291, %scan3A_2142 : vector<16xi1>, vector<16xf32>
        %select_n3A_2295 = arith.select %gt3A_2293, %select_n3A_2292, %scan3A_2146 : vector<16xi1>, vector<16xi32>
        %mul3A_2296 = arith.constant 4 : i32
        %mul3A_2297 = arith.muli %scan3A_2138, %mul3A_2296 : i32
        %add3A_2298 = arith.constant 1 : i32
        %add3A_2299 = arith.addi %mul3A_2297, %add3A_2298 : i32
        %mul3A_2300 = arith.constant 16 : i32
        %mul3A_2301 = arith.muli %add3A_2299, %mul3A_2300 : i32
        %get3A_2302 = arith.index_cast %mul3A_2301 : i32 to index
        %get3A_2303 = tpu.vector_load %arg9[%get3A_2302] {strides = array<i32>} : memref<1280xf32, #tpu.memory_space<vmem>>, vector<16xf32>,
        %get3A_2304 = arith.index_cast %mul3A_2301 : i32 to index
        %get3A_2305 = tpu.vector_load %arg10[%get3A_2304] {strides = array<i32>} : memref<1280xf32, #tpu.memory_space<vmem>>, vector<16xf32>,
        %get3A_2306 = arith.index_cast %mul3A_2301 : i32 to index
        %get3A_2307 = tpu.vector_load %arg11[%get3A_2306] {strides = array<i32>} : memref<1280xf32, #tpu.memory_space<vmem>>, vector<16xf32>,
        %get3A_2308 = arith.index_cast %mul3A_2301 : i32 to index
        %get3A_2309 = tpu.vector_load %arg12[%get3A_2308] {strides = array<i32>} : memref<1280xf32, #tpu.memory_space<vmem>>, vector<16xf32>,
        %get3A_2310 = arith.index_cast %mul3A_2301 : i32 to index
        %get3A_2311 = tpu.vector_load %arg13[%get3A_2310] {strides = array<i32>} : memref<1280xf32, #tpu.memory_space<vmem>>, vector<16xf32>,
        %mul3A_2312 = arith.constant 16 : i32
        %mul3A_2313 = arith.muli %add3A_2299, %mul3A_2312 : i32
        %add3A_2314 = arith.addi %mul3A_0, %mul3A_2313 : i32
        %add3A_2315 = vector.broadcast %add3A_2314 : i32 to vector<16xi32>
        %add3A_2316 = arith.addi %add3A_2315, %iota3A : vector<16xi32>
        %ne3A_2317 = arith.cmpi ne, %add3A_2316, %add3A_2316 : vector<16xi32>
        %max3A_2318 = arith.maximumf %broadcast_in_dim3A_752, %get3A_2303 : vector<16xf32>
        %max3A_2319 = arith.maximumf %broadcast_in_dim3A_753, %get3A_2305 : vector<16xf32>
        %min3A_2320 = arith.minimumf %broadcast_in_dim3A_754, %get3A_2307 : vector<16xf32>
        %min3A_2321 = arith.minimumf %broadcast_in_dim3A_755, %get3A_2309 : vector<16xf32>
        %sub3A_2322 = arith.subf %min3A_2320, %max3A_2318 : vector<16xf32>
        %max3A_2323 = arith.constant 0.000000e+00 : f32
        %max3A_2324 = vector.broadcast %max3A_2323 : f32 to vector<16xf32>
        %max3A_2325 = arith.maximumf %sub3A_2322, %max3A_2324 : vector<16xf32>
        %sub3A_2326 = arith.subf %min3A_2321, %max3A_2319 : vector<16xf32>
        %max3A_2327 = arith.constant 0.000000e+00 : f32
        %max3A_2328 = vector.broadcast %max3A_2327 : f32 to vector<16xf32>
        %max3A_2329 = arith.maximumf %sub3A_2326, %max3A_2328 : vector<16xf32>
        %mul3A_2330 = arith.mulf %max3A_2325, %max3A_2329 : vector<16xf32>
        %add3A_2331 = arith.addf %broadcast_in_dim3A_756, %get3A_2311 : vector<16xf32>
        %sub3A_2332 = arith.subf %add3A_2331, %mul3A_2330 : vector<16xf32>
        %add3A_2333 = arith.constant 9.99999993E-9 : f32
        %add3A_2334 = vector.broadcast %add3A_2333 : f32 to vector<16xf32>
        %add3A_2335 = arith.addf %sub3A_2332, %add3A_2334 : vector<16xf32>
        %div3A_2336 = arith.divf %mul3A_2330, %add3A_2335 : vector<16xf32>
        %gt3A_2337 = arith.constant 5.000000e-01 : f32
        %gt3A_2338 = vector.broadcast %gt3A_2337 : f32 to vector<16xf32>
        %gt3A_2339 = arith.cmpf ogt, %div3A_2336, %gt3A_2338 : vector<16xf32>
        %eq3A_2340 = arith.cmpi eq, %add3A_2316, %broadcast_in_dim3A_614 : vector<16xi32>
        %or3A_2341 = arith.ori %gt3A_2339, %eq3A_2340 : vector<16xi1>
        %and3A_2342 = arith.andi %or3A_2341, %broadcast_in_dim3A_644 : vector<16xi1>
        %or3A_2343 = arith.ori %ne3A_2317, %and3A_2342 : vector<16xi1>
        %max3A_2344 = arith.maximumf %broadcast_in_dim3A_1076, %get3A_2303 : vector<16xf32>
        %max3A_2345 = arith.maximumf %broadcast_in_dim3A_1077, %get3A_2305 : vector<16xf32>
        %min3A_2346 = arith.minimumf %broadcast_in_dim3A_1078, %get3A_2307 : vector<16xf32>
        %min3A_2347 = arith.minimumf %broadcast_in_dim3A_1079, %get3A_2309 : vector<16xf32>
        %sub3A_2348 = arith.subf %min3A_2346, %max3A_2344 : vector<16xf32>
        %max3A_2349 = arith.constant 0.000000e+00 : f32
        %max3A_2350 = vector.broadcast %max3A_2349 : f32 to vector<16xf32>
        %max3A_2351 = arith.maximumf %sub3A_2348, %max3A_2350 : vector<16xf32>
        %sub3A_2352 = arith.subf %min3A_2347, %max3A_2345 : vector<16xf32>
        %max3A_2353 = arith.constant 0.000000e+00 : f32
        %max3A_2354 = vector.broadcast %max3A_2353 : f32 to vector<16xf32>
        %max3A_2355 = arith.maximumf %sub3A_2352, %max3A_2354 : vector<16xf32>
        %mul3A_2356 = arith.mulf %max3A_2351, %max3A_2355 : vector<16xf32>
        %add3A_2357 = arith.addf %broadcast_in_dim3A_1080, %get3A_2311 : vector<16xf32>
        %sub3A_2358 = arith.subf %add3A_2357, %mul3A_2356 : vector<16xf32>
        %add3A_2359 = arith.constant 9.99999993E-9 : f32
        %add3A_2360 = vector.broadcast %add3A_2359 : f32 to vector<16xf32>
        %add3A_2361 = arith.addf %sub3A_2358, %add3A_2360 : vector<16xf32>
        %div3A_2362 = arith.divf %mul3A_2356, %add3A_2361 : vector<16xf32>
        %gt3A_2363 = arith.constant 5.000000e-01 : f32
        %gt3A_2364 = vector.broadcast %gt3A_2363 : f32 to vector<16xf32>
        %gt3A_2365 = arith.cmpf ogt, %div3A_2362, %gt3A_2364 : vector<16xf32>
        %eq3A_2366 = arith.cmpi eq, %add3A_2316, %broadcast_in_dim3A_934 : vector<16xi32>
        %or3A_2367 = arith.ori %gt3A_2365, %eq3A_2366 : vector<16xi1>
        %and3A_2368 = arith.andi %or3A_2367, %broadcast_in_dim3A_968 : vector<16xi1>
        %or3A_2369 = arith.ori %or3A_2343, %and3A_2368 : vector<16xi1>
        %max3A_2370 = arith.maximumf %broadcast_in_dim3A_1401, %get3A_2303 : vector<16xf32>
        %max3A_2371 = arith.maximumf %broadcast_in_dim3A_1402, %get3A_2305 : vector<16xf32>
        %min3A_2372 = arith.minimumf %broadcast_in_dim3A_1403, %get3A_2307 : vector<16xf32>
        %min3A_2373 = arith.minimumf %broadcast_in_dim3A_1404, %get3A_2309 : vector<16xf32>
        %sub3A_2374 = arith.subf %min3A_2372, %max3A_2370 : vector<16xf32>
        %max3A_2375 = arith.constant 0.000000e+00 : f32
        %max3A_2376 = vector.broadcast %max3A_2375 : f32 to vector<16xf32>
        %max3A_2377 = arith.maximumf %sub3A_2374, %max3A_2376 : vector<16xf32>
        %sub3A_2378 = arith.subf %min3A_2373, %max3A_2371 : vector<16xf32>
        %max3A_2379 = arith.constant 0.000000e+00 : f32
        %max3A_2380 = vector.broadcast %max3A_2379 : f32 to vector<16xf32>
        %max3A_2381 = arith.maximumf %sub3A_2378, %max3A_2380 : vector<16xf32>
        %mul3A_2382 = arith.mulf %max3A_2377, %max3A_2381 : vector<16xf32>
        %add3A_2383 = arith.addf %broadcast_in_dim3A_1405, %get3A_2311 : vector<16xf32>
        %sub3A_2384 = arith.subf %add3A_2383, %mul3A_2382 : vector<16xf32>
        %add3A_2385 = arith.constant 9.99999993E-9 : f32
        %add3A_2386 = vector.broadcast %add3A_2385 : f32 to vector<16xf32>
        %add3A_2387 = arith.addf %sub3A_2384, %add3A_2386 : vector<16xf32>
        %div3A_2388 = arith.divf %mul3A_2382, %add3A_2387 : vector<16xf32>
        %gt3A_2389 = arith.constant 5.000000e-01 : f32
        %gt3A_2390 = vector.broadcast %gt3A_2389 : f32 to vector<16xf32>
        %gt3A_2391 = arith.cmpf ogt, %div3A_2388, %gt3A_2390 : vector<16xf32>
        %eq3A_2392 = arith.cmpi eq, %add3A_2316, %broadcast_in_dim3A_1259 : vector<16xi32>
        %or3A_2393 = arith.ori %gt3A_2391, %eq3A_2392 : vector<16xi1>
        %and3A_2394 = arith.andi %or3A_2393, %broadcast_in_dim3A_1293 : vector<16xi1>
        %or3A_2395 = arith.ori %or3A_2369, %and3A_2394 : vector<16xi1>
        %max3A_2396 = arith.maximumf %broadcast_in_dim3A_1726, %get3A_2303 : vector<16xf32>
        %max3A_2397 = arith.maximumf %broadcast_in_dim3A_1727, %get3A_2305 : vector<16xf32>
        %min3A_2398 = arith.minimumf %broadcast_in_dim3A_1728, %get3A_2307 : vector<16xf32>
        %min3A_2399 = arith.minimumf %broadcast_in_dim3A_1729, %get3A_2309 : vector<16xf32>
        %sub3A_2400 = arith.subf %min3A_2398, %max3A_2396 : vector<16xf32>
        %max3A_2401 = arith.constant 0.000000e+00 : f32
        %max3A_2402 = vector.broadcast %max3A_2401 : f32 to vector<16xf32>
        %max3A_2403 = arith.maximumf %sub3A_2400, %max3A_2402 : vector<16xf32>
        %sub3A_2404 = arith.subf %min3A_2399, %max3A_2397 : vector<16xf32>
        %max3A_2405 = arith.constant 0.000000e+00 : f32
        %max3A_2406 = vector.broadcast %max3A_2405 : f32 to vector<16xf32>
        %max3A_2407 = arith.maximumf %sub3A_2404, %max3A_2406 : vector<16xf32>
        %mul3A_2408 = arith.mulf %max3A_2403, %max3A_2407 : vector<16xf32>
        %add3A_2409 = arith.addf %broadcast_in_dim3A_1730, %get3A_2311 : vector<16xf32>
        %sub3A_2410 = arith.subf %add3A_2409, %mul3A_2408 : vector<16xf32>
        %add3A_2411 = arith.constant 9.99999993E-9 : f32
        %add3A_2412 = vector.broadcast %add3A_2411 : f32 to vector<16xf32>
        %add3A_2413 = arith.addf %sub3A_2410, %add3A_2412 : vector<16xf32>
        %div3A_2414 = arith.divf %mul3A_2408, %add3A_2413 : vector<16xf32>
        %gt3A_2415 = arith.constant 5.000000e-01 : f32
        %gt3A_2416 = vector.broadcast %gt3A_2415 : f32 to vector<16xf32>
        %gt3A_2417 = arith.cmpf ogt, %div3A_2414, %gt3A_2416 : vector<16xf32>
        %eq3A_2418 = arith.cmpi eq, %add3A_2316, %broadcast_in_dim3A_1584 : vector<16xi32>
        %or3A_2419 = arith.ori %gt3A_2417, %eq3A_2418 : vector<16xi1>
        %and3A_2420 = arith.andi %or3A_2419, %broadcast_in_dim3A_1618 : vector<16xi1>
        %or3A_2421 = arith.ori %or3A_2395, %and3A_2420 : vector<16xi1>
        %get3A_2422 = arith.index_cast %mul3A_2301 : i32 to index
        %get3A_2423 = tpu.vector_load %arg14[%get3A_2422] {strides = array<i32>} : memref<1280xf32, #tpu.memory_space<vmem>>, vector<16xf32>,
        %jit3A_2424 = arith.constant -1.000000e+30 : f32
        %broadcast_in_dim3A_2425 = vector.broadcast %jit3A_2424 : f32 to vector<16xf32>
        %select_n3A_2426 = arith.select %or3A_2421, %broadcast_in_dim3A_2425, %get3A_2423 : vector<16xi1>, vector<16xf32>
        %swap3A_2427 = arith.index_cast %mul3A_2301 : i32 to index
        %swap3A_2428 = tpu.vector_load %arg14[%swap3A_2427] {strides = array<i32>} : memref<1280xf32, #tpu.memory_space<vmem>>, vector<16xf32>,
        tpu.vector_store %arg14[%swap3A_2427], %select_n3A_2426 {strides = array<i32>} : memref<1280xf32, #tpu.memory_space<vmem>>, vector<16xf32>,
        %gt3A_2429 = arith.cmpf ogt, %select_n3A_2426, %select_n3A_2279 : vector<16xf32>
        %select_n3A_2430 = arith.select %gt3A_2429, %select_n3A_2426, %select_n3A_2279 : vector<16xi1>, vector<16xf32>
        %select_n3A_2431 = arith.select %gt3A_2429, %add3A_2316, %select_n3A_2280 : vector<16xi1>, vector<16xi32>
        %select_n3A_2432 = arith.select %gt3A_2429, %select_n3A_2279, %select_n3A_2426 : vector<16xi1>, vector<16xf32>
        %select_n3A_2433 = arith.select %gt3A_2429, %select_n3A_2280, %add3A_2316 : vector<16xi1>, vector<16xi32>
        %gt3A_2434 = arith.cmpf ogt, %select_n3A_2432, %select_n3A_2284 : vector<16xf32>
        %select_n3A_2435 = arith.select %gt3A_2434, %select_n3A_2432, %select_n3A_2284 : vector<16xi1>, vector<16xf32>
        %select_n3A_2436 = arith.select %gt3A_2434, %select_n3A_2433, %select_n3A_2285 : vector<16xi1>, vector<16xi32>
        %select_n3A_2437 = arith.select %gt3A_2434, %select_n3A_2284, %select_n3A_2432 : vector<16xi1>, vector<16xf32>
        %select_n3A_2438 = arith.select %gt3A_2434, %select_n3A_2285, %select_n3A_2433 : vector<16xi1>, vector<16xi32>
        %gt3A_2439 = arith.cmpf ogt, %select_n3A_2437, %select_n3A_2289 : vector<16xf32>
        %select_n3A_2440 = arith.select %gt3A_2439, %select_n3A_2437, %select_n3A_2289 : vector<16xi1>, vector<16xf32>
        %select_n3A_2441 = arith.select %gt3A_2439, %select_n3A_2438, %select_n3A_2290 : vector<16xi1>, vector<16xi32>
        %select_n3A_2442 = arith.select %gt3A_2439, %select_n3A_2289, %select_n3A_2437 : vector<16xi1>, vector<16xf32>
        %select_n3A_2443 = arith.select %gt3A_2439, %select_n3A_2290, %select_n3A_2438 : vector<16xi1>, vector<16xi32>
        %gt3A_2444 = arith.cmpf ogt, %select_n3A_2442, %select_n3A_2294 : vector<16xf32>
        %select_n3A_2445 = arith.select %gt3A_2444, %select_n3A_2442, %select_n3A_2294 : vector<16xi1>, vector<16xf32>
        %select_n3A_2446 = arith.select %gt3A_2444, %select_n3A_2443, %select_n3A_2295 : vector<16xi1>, vector<16xi32>
        %mul3A_2447 = arith.constant 4 : i32
        %mul3A_2448 = arith.muli %scan3A_2138, %mul3A_2447 : i32
        %add3A_2449 = arith.constant 2 : i32
        %add3A_2450 = arith.addi %mul3A_2448, %add3A_2449 : i32
        %mul3A_2451 = arith.constant 16 : i32
        %mul3A_2452 = arith.muli %add3A_2450, %mul3A_2451 : i32
        %get3A_2453 = arith.index_cast %mul3A_2452 : i32 to index
        %get3A_2454 = tpu.vector_load %arg9[%get3A_2453] {strides = array<i32>} : memref<1280xf32, #tpu.memory_space<vmem>>, vector<16xf32>,
        %get3A_2455 = arith.index_cast %mul3A_2452 : i32 to index
        %get3A_2456 = tpu.vector_load %arg10[%get3A_2455] {strides = array<i32>} : memref<1280xf32, #tpu.memory_space<vmem>>, vector<16xf32>,
        %get3A_2457 = arith.index_cast %mul3A_2452 : i32 to index
        %get3A_2458 = tpu.vector_load %arg11[%get3A_2457] {strides = array<i32>} : memref<1280xf32, #tpu.memory_space<vmem>>, vector<16xf32>,
        %get3A_2459 = arith.index_cast %mul3A_2452 : i32 to index
        %get3A_2460 = tpu.vector_load %arg12[%get3A_2459] {strides = array<i32>} : memref<1280xf32, #tpu.memory_space<vmem>>, vector<16xf32>,
        %get3A_2461 = arith.index_cast %mul3A_2452 : i32 to index
        %get3A_2462 = tpu.vector_load %arg13[%get3A_2461] {strides = array<i32>} : memref<1280xf32, #tpu.memory_space<vmem>>, vector<16xf32>,
        %mul3A_2463 = arith.constant 16 : i32
        %mul3A_2464 = arith.muli %add3A_2450, %mul3A_2463 : i32
        %add3A_2465 = arith.addi %mul3A_0, %mul3A_2464 : i32
        %add3A_2466 = vector.broadcast %add3A_2465 : i32 to vector<16xi32>
        %add3A_2467 = arith.addi %add3A_2466, %iota3A : vector<16xi32>
        %ne3A_2468 = arith.cmpi ne, %add3A_2467, %add3A_2467 : vector<16xi32>
        %max3A_2469 = arith.maximumf %broadcast_in_dim3A_752, %get3A_2454 : vector<16xf32>
        %max3A_2470 = arith.maximumf %broadcast_in_dim3A_753, %get3A_2456 : vector<16xf32>
        %min3A_2471 = arith.minimumf %broadcast_in_dim3A_754, %get3A_2458 : vector<16xf32>
        %min3A_2472 = arith.minimumf %broadcast_in_dim3A_755, %get3A_2460 : vector<16xf32>
        %sub3A_2473 = arith.subf %min3A_2471, %max3A_2469 : vector<16xf32>
        %max3A_2474 = arith.constant 0.000000e+00 : f32
        %max3A_2475 = vector.broadcast %max3A_2474 : f32 to vector<16xf32>
        %max3A_2476 = arith.maximumf %sub3A_2473, %max3A_2475 : vector<16xf32>
        %sub3A_2477 = arith.subf %min3A_2472, %max3A_2470 : vector<16xf32>
        %max3A_2478 = arith.constant 0.000000e+00 : f32
        %max3A_2479 = vector.broadcast %max3A_2478 : f32 to vector<16xf32>
        %max3A_2480 = arith.maximumf %sub3A_2477, %max3A_2479 : vector<16xf32>
        %mul3A_2481 = arith.mulf %max3A_2476, %max3A_2480 : vector<16xf32>
        %add3A_2482 = arith.addf %broadcast_in_dim3A_756, %get3A_2462 : vector<16xf32>
        %sub3A_2483 = arith.subf %add3A_2482, %mul3A_2481 : vector<16xf32>
        %add3A_2484 = arith.constant 9.99999993E-9 : f32
        %add3A_2485 = vector.broadcast %add3A_2484 : f32 to vector<16xf32>
        %add3A_2486 = arith.addf %sub3A_2483, %add3A_2485 : vector<16xf32>
        %div3A_2487 = arith.divf %mul3A_2481, %add3A_2486 : vector<16xf32>
        %gt3A_2488 = arith.constant 5.000000e-01 : f32
        %gt3A_2489 = vector.broadcast %gt3A_2488 : f32 to vector<16xf32>
        %gt3A_2490 = arith.cmpf ogt, %div3A_2487, %gt3A_2489 : vector<16xf32>
        %eq3A_2491 = arith.cmpi eq, %add3A_2467, %broadcast_in_dim3A_614 : vector<16xi32>
        %or3A_2492 = arith.ori %gt3A_2490, %eq3A_2491 : vector<16xi1>
        %and3A_2493 = arith.andi %or3A_2492, %broadcast_in_dim3A_644 : vector<16xi1>
        %or3A_2494 = arith.ori %ne3A_2468, %and3A_2493 : vector<16xi1>
        %max3A_2495 = arith.maximumf %broadcast_in_dim3A_1076, %get3A_2454 : vector<16xf32>
        %max3A_2496 = arith.maximumf %broadcast_in_dim3A_1077, %get3A_2456 : vector<16xf32>
        %min3A_2497 = arith.minimumf %broadcast_in_dim3A_1078, %get3A_2458 : vector<16xf32>
        %min3A_2498 = arith.minimumf %broadcast_in_dim3A_1079, %get3A_2460 : vector<16xf32>
        %sub3A_2499 = arith.subf %min3A_2497, %max3A_2495 : vector<16xf32>
        %max3A_2500 = arith.constant 0.000000e+00 : f32
        %max3A_2501 = vector.broadcast %max3A_2500 : f32 to vector<16xf32>
        %max3A_2502 = arith.maximumf %sub3A_2499, %max3A_2501 : vector<16xf32>
        %sub3A_2503 = arith.subf %min3A_2498, %max3A_2496 : vector<16xf32>
        %max3A_2504 = arith.constant 0.000000e+00 : f32
        %max3A_2505 = vector.broadcast %max3A_2504 : f32 to vector<16xf32>
        %max3A_2506 = arith.maximumf %sub3A_2503, %max3A_2505 : vector<16xf32>
        %mul3A_2507 = arith.mulf %max3A_2502, %max3A_2506 : vector<16xf32>
        %add3A_2508 = arith.addf %broadcast_in_dim3A_1080, %get3A_2462 : vector<16xf32>
        %sub3A_2509 = arith.subf %add3A_2508, %mul3A_2507 : vector<16xf32>
        %add3A_2510 = arith.constant 9.99999993E-9 : f32
        %add3A_2511 = vector.broadcast %add3A_2510 : f32 to vector<16xf32>
        %add3A_2512 = arith.addf %sub3A_2509, %add3A_2511 : vector<16xf32>
        %div3A_2513 = arith.divf %mul3A_2507, %add3A_2512 : vector<16xf32>
        %gt3A_2514 = arith.constant 5.000000e-01 : f32
        %gt3A_2515 = vector.broadcast %gt3A_2514 : f32 to vector<16xf32>
        %gt3A_2516 = arith.cmpf ogt, %div3A_2513, %gt3A_2515 : vector<16xf32>
        %eq3A_2517 = arith.cmpi eq, %add3A_2467, %broadcast_in_dim3A_934 : vector<16xi32>
        %or3A_2518 = arith.ori %gt3A_2516, %eq3A_2517 : vector<16xi1>
        %and3A_2519 = arith.andi %or3A_2518, %broadcast_in_dim3A_968 : vector<16xi1>
        %or3A_2520 = arith.ori %or3A_2494, %and3A_2519 : vector<16xi1>
        %max3A_2521 = arith.maximumf %broadcast_in_dim3A_1401, %get3A_2454 : vector<16xf32>
        %max3A_2522 = arith.maximumf %broadcast_in_dim3A_1402, %get3A_2456 : vector<16xf32>
        %min3A_2523 = arith.minimumf %broadcast_in_dim3A_1403, %get3A_2458 : vector<16xf32>
        %min3A_2524 = arith.minimumf %broadcast_in_dim3A_1404, %get3A_2460 : vector<16xf32>
        %sub3A_2525 = arith.subf %min3A_2523, %max3A_2521 : vector<16xf32>
        %max3A_2526 = arith.constant 0.000000e+00 : f32
        %max3A_2527 = vector.broadcast %max3A_2526 : f32 to vector<16xf32>
        %max3A_2528 = arith.maximumf %sub3A_2525, %max3A_2527 : vector<16xf32>
        %sub3A_2529 = arith.subf %min3A_2524, %max3A_2522 : vector<16xf32>
        %max3A_2530 = arith.constant 0.000000e+00 : f32
        %max3A_2531 = vector.broadcast %max3A_2530 : f32 to vector<16xf32>
        %max3A_2532 = arith.maximumf %sub3A_2529, %max3A_2531 : vector<16xf32>
        %mul3A_2533 = arith.mulf %max3A_2528, %max3A_2532 : vector<16xf32>
        %add3A_2534 = arith.addf %broadcast_in_dim3A_1405, %get3A_2462 : vector<16xf32>
        %sub3A_2535 = arith.subf %add3A_2534, %mul3A_2533 : vector<16xf32>
        %add3A_2536 = arith.constant 9.99999993E-9 : f32
        %add3A_2537 = vector.broadcast %add3A_2536 : f32 to vector<16xf32>
        %add3A_2538 = arith.addf %sub3A_2535, %add3A_2537 : vector<16xf32>
        %div3A_2539 = arith.divf %mul3A_2533, %add3A_2538 : vector<16xf32>
        %gt3A_2540 = arith.constant 5.000000e-01 : f32
        %gt3A_2541 = vector.broadcast %gt3A_2540 : f32 to vector<16xf32>
        %gt3A_2542 = arith.cmpf ogt, %div3A_2539, %gt3A_2541 : vector<16xf32>
        %eq3A_2543 = arith.cmpi eq, %add3A_2467, %broadcast_in_dim3A_1259 : vector<16xi32>
        %or3A_2544 = arith.ori %gt3A_2542, %eq3A_2543 : vector<16xi1>
        %and3A_2545 = arith.andi %or3A_2544, %broadcast_in_dim3A_1293 : vector<16xi1>
        %or3A_2546 = arith.ori %or3A_2520, %and3A_2545 : vector<16xi1>
        %max3A_2547 = arith.maximumf %broadcast_in_dim3A_1726, %get3A_2454 : vector<16xf32>
        %max3A_2548 = arith.maximumf %broadcast_in_dim3A_1727, %get3A_2456 : vector<16xf32>
        %min3A_2549 = arith.minimumf %broadcast_in_dim3A_1728, %get3A_2458 : vector<16xf32>
        %min3A_2550 = arith.minimumf %broadcast_in_dim3A_1729, %get3A_2460 : vector<16xf32>
        %sub3A_2551 = arith.subf %min3A_2549, %max3A_2547 : vector<16xf32>
        %max3A_2552 = arith.constant 0.000000e+00 : f32
        %max3A_2553 = vector.broadcast %max3A_2552 : f32 to vector<16xf32>
        %max3A_2554 = arith.maximumf %sub3A_2551, %max3A_2553 : vector<16xf32>
        %sub3A_2555 = arith.subf %min3A_2550, %max3A_2548 : vector<16xf32>
        %max3A_2556 = arith.constant 0.000000e+00 : f32
        %max3A_2557 = vector.broadcast %max3A_2556 : f32 to vector<16xf32>
        %max3A_2558 = arith.maximumf %sub3A_2555, %max3A_2557 : vector<16xf32>
        %mul3A_2559 = arith.mulf %max3A_2554, %max3A_2558 : vector<16xf32>
        %add3A_2560 = arith.addf %broadcast_in_dim3A_1730, %get3A_2462 : vector<16xf32>
        %sub3A_2561 = arith.subf %add3A_2560, %mul3A_2559 : vector<16xf32>
        %add3A_2562 = arith.constant 9.99999993E-9 : f32
        %add3A_2563 = vector.broadcast %add3A_2562 : f32 to vector<16xf32>
        %add3A_2564 = arith.addf %sub3A_2561, %add3A_2563 : vector<16xf32>
        %div3A_2565 = arith.divf %mul3A_2559, %add3A_2564 : vector<16xf32>
        %gt3A_2566 = arith.constant 5.000000e-01 : f32
        %gt3A_2567 = vector.broadcast %gt3A_2566 : f32 to vector<16xf32>
        %gt3A_2568 = arith.cmpf ogt, %div3A_2565, %gt3A_2567 : vector<16xf32>
        %eq3A_2569 = arith.cmpi eq, %add3A_2467, %broadcast_in_dim3A_1584 : vector<16xi32>
        %or3A_2570 = arith.ori %gt3A_2568, %eq3A_2569 : vector<16xi1>
        %and3A_2571 = arith.andi %or3A_2570, %broadcast_in_dim3A_1618 : vector<16xi1>
        %or3A_2572 = arith.ori %or3A_2546, %and3A_2571 : vector<16xi1>
        %get3A_2573 = arith.index_cast %mul3A_2452 : i32 to index
        %get3A_2574 = tpu.vector_load %arg14[%get3A_2573] {strides = array<i32>} : memref<1280xf32, #tpu.memory_space<vmem>>, vector<16xf32>,
        %jit3A_2575 = arith.constant -1.000000e+30 : f32
        %broadcast_in_dim3A_2576 = vector.broadcast %jit3A_2575 : f32 to vector<16xf32>
        %select_n3A_2577 = arith.select %or3A_2572, %broadcast_in_dim3A_2576, %get3A_2574 : vector<16xi1>, vector<16xf32>
        %swap3A_2578 = arith.index_cast %mul3A_2452 : i32 to index
        %swap3A_2579 = tpu.vector_load %arg14[%swap3A_2578] {strides = array<i32>} : memref<1280xf32, #tpu.memory_space<vmem>>, vector<16xf32>,
        tpu.vector_store %arg14[%swap3A_2578], %select_n3A_2577 {strides = array<i32>} : memref<1280xf32, #tpu.memory_space<vmem>>, vector<16xf32>,
        %gt3A_2580 = arith.cmpf ogt, %select_n3A_2577, %select_n3A_2430 : vector<16xf32>
        %select_n3A_2581 = arith.select %gt3A_2580, %select_n3A_2577, %select_n3A_2430 : vector<16xi1>, vector<16xf32>
        %select_n3A_2582 = arith.select %gt3A_2580, %add3A_2467, %select_n3A_2431 : vector<16xi1>, vector<16xi32>
        %select_n3A_2583 = arith.select %gt3A_2580, %select_n3A_2430, %select_n3A_2577 : vector<16xi1>, vector<16xf32>
        %select_n3A_2584 = arith.select %gt3A_2580, %select_n3A_2431, %add3A_2467 : vector<16xi1>, vector<16xi32>
        %gt3A_2585 = arith.cmpf ogt, %select_n3A_2583, %select_n3A_2435 : vector<16xf32>
        %select_n3A_2586 = arith.select %gt3A_2585, %select_n3A_2583, %select_n3A_2435 : vector<16xi1>, vector<16xf32>
        %select_n3A_2587 = arith.select %gt3A_2585, %select_n3A_2584, %select_n3A_2436 : vector<16xi1>, vector<16xi32>
        %select_n3A_2588 = arith.select %gt3A_2585, %select_n3A_2435, %select_n3A_2583 : vector<16xi1>, vector<16xf32>
        %select_n3A_2589 = arith.select %gt3A_2585, %select_n3A_2436, %select_n3A_2584 : vector<16xi1>, vector<16xi32>
        %gt3A_2590 = arith.cmpf ogt, %select_n3A_2588, %select_n3A_2440 : vector<16xf32>
        %select_n3A_2591 = arith.select %gt3A_2590, %select_n3A_2588, %select_n3A_2440 : vector<16xi1>, vector<16xf32>
        %select_n3A_2592 = arith.select %gt3A_2590, %select_n3A_2589, %select_n3A_2441 : vector<16xi1>, vector<16xi32>
        %select_n3A_2593 = arith.select %gt3A_2590, %select_n3A_2440, %select_n3A_2588 : vector<16xi1>, vector<16xf32>
        %select_n3A_2594 = arith.select %gt3A_2590, %select_n3A_2441, %select_n3A_2589 : vector<16xi1>, vector<16xi32>
        %gt3A_2595 = arith.cmpf ogt, %select_n3A_2593, %select_n3A_2445 : vector<16xf32>
        %select_n3A_2596 = arith.select %gt3A_2595, %select_n3A_2593, %select_n3A_2445 : vector<16xi1>, vector<16xf32>
        %select_n3A_2597 = arith.select %gt3A_2595, %select_n3A_2594, %select_n3A_2446 : vector<16xi1>, vector<16xi32>
        %mul3A_2598 = arith.constant 4 : i32
        %mul3A_2599 = arith.muli %scan3A_2138, %mul3A_2598 : i32
        %add3A_2600 = arith.constant 3 : i32
        %add3A_2601 = arith.addi %mul3A_2599, %add3A_2600 : i32
        %mul3A_2602 = arith.constant 16 : i32
        %mul3A_2603 = arith.muli %add3A_2601, %mul3A_2602 : i32
        %get3A_2604 = arith.index_cast %mul3A_2603 : i32 to index
        %get3A_2605 = tpu.vector_load %arg9[%get3A_2604] {strides = array<i32>} : memref<1280xf32, #tpu.memory_space<vmem>>, vector<16xf32>,
        %get3A_2606 = arith.index_cast %mul3A_2603 : i32 to index
        %get3A_2607 = tpu.vector_load %arg10[%get3A_2606] {strides = array<i32>} : memref<1280xf32, #tpu.memory_space<vmem>>, vector<16xf32>,
        %get3A_2608 = arith.index_cast %mul3A_2603 : i32 to index
        %get3A_2609 = tpu.vector_load %arg11[%get3A_2608] {strides = array<i32>} : memref<1280xf32, #tpu.memory_space<vmem>>, vector<16xf32>,
        %get3A_2610 = arith.index_cast %mul3A_2603 : i32 to index
        %get3A_2611 = tpu.vector_load %arg12[%get3A_2610] {strides = array<i32>} : memref<1280xf32, #tpu.memory_space<vmem>>, vector<16xf32>,
        %get3A_2612 = arith.index_cast %mul3A_2603 : i32 to index
        %get3A_2613 = tpu.vector_load %arg13[%get3A_2612] {strides = array<i32>} : memref<1280xf32, #tpu.memory_space<vmem>>, vector<16xf32>,
        %mul3A_2614 = arith.constant 16 : i32
        %mul3A_2615 = arith.muli %add3A_2601, %mul3A_2614 : i32
        %add3A_2616 = arith.addi %mul3A_0, %mul3A_2615 : i32
        %add3A_2617 = vector.broadcast %add3A_2616 : i32 to vector<16xi32>
        %add3A_2618 = arith.addi %add3A_2617, %iota3A : vector<16xi32>
        %ne3A_2619 = arith.cmpi ne, %add3A_2618, %add3A_2618 : vector<16xi32>
        %max3A_2620 = arith.maximumf %broadcast_in_dim3A_752, %get3A_2605 : vector<16xf32>
        %max3A_2621 = arith.maximumf %broadcast_in_dim3A_753, %get3A_2607 : vector<16xf32>
        %min3A_2622 = arith.minimumf %broadcast_in_dim3A_754, %get3A_2609 : vector<16xf32>
        %min3A_2623 = arith.minimumf %broadcast_in_dim3A_755, %get3A_2611 : vector<16xf32>
        %sub3A_2624 = arith.subf %min3A_2622, %max3A_2620 : vector<16xf32>
        %max3A_2625 = arith.constant 0.000000e+00 : f32
        %max3A_2626 = vector.broadcast %max3A_2625 : f32 to vector<16xf32>
        %max3A_2627 = arith.maximumf %sub3A_2624, %max3A_2626 : vector<16xf32>
        %sub3A_2628 = arith.subf %min3A_2623, %max3A_2621 : vector<16xf32>
        %max3A_2629 = arith.constant 0.000000e+00 : f32
        %max3A_2630 = vector.broadcast %max3A_2629 : f32 to vector<16xf32>
        %max3A_2631 = arith.maximumf %sub3A_2628, %max3A_2630 : vector<16xf32>
        %mul3A_2632 = arith.mulf %max3A_2627, %max3A_2631 : vector<16xf32>
        %add3A_2633 = arith.addf %broadcast_in_dim3A_756, %get3A_2613 : vector<16xf32>
        %sub3A_2634 = arith.subf %add3A_2633, %mul3A_2632 : vector<16xf32>
        %add3A_2635 = arith.constant 9.99999993E-9 : f32
        %add3A_2636 = vector.broadcast %add3A_2635 : f32 to vector<16xf32>
        %add3A_2637 = arith.addf %sub3A_2634, %add3A_2636 : vector<16xf32>
        %div3A_2638 = arith.divf %mul3A_2632, %add3A_2637 : vector<16xf32>
        %gt3A_2639 = arith.constant 5.000000e-01 : f32
        %gt3A_2640 = vector.broadcast %gt3A_2639 : f32 to vector<16xf32>
        %gt3A_2641 = arith.cmpf ogt, %div3A_2638, %gt3A_2640 : vector<16xf32>
        %eq3A_2642 = arith.cmpi eq, %add3A_2618, %broadcast_in_dim3A_614 : vector<16xi32>
        %or3A_2643 = arith.ori %gt3A_2641, %eq3A_2642 : vector<16xi1>
        %and3A_2644 = arith.andi %or3A_2643, %broadcast_in_dim3A_644 : vector<16xi1>
        %or3A_2645 = arith.ori %ne3A_2619, %and3A_2644 : vector<16xi1>
        %max3A_2646 = arith.maximumf %broadcast_in_dim3A_1076, %get3A_2605 : vector<16xf32>
        %max3A_2647 = arith.maximumf %broadcast_in_dim3A_1077, %get3A_2607 : vector<16xf32>
        %min3A_2648 = arith.minimumf %broadcast_in_dim3A_1078, %get3A_2609 : vector<16xf32>
        %min3A_2649 = arith.minimumf %broadcast_in_dim3A_1079, %get3A_2611 : vector<16xf32>
        %sub3A_2650 = arith.subf %min3A_2648, %max3A_2646 : vector<16xf32>
        %max3A_2651 = arith.constant 0.000000e+00 : f32
        %max3A_2652 = vector.broadcast %max3A_2651 : f32 to vector<16xf32>
        %max3A_2653 = arith.maximumf %sub3A_2650, %max3A_2652 : vector<16xf32>
        %sub3A_2654 = arith.subf %min3A_2649, %max3A_2647 : vector<16xf32>
        %max3A_2655 = arith.constant 0.000000e+00 : f32
        %max3A_2656 = vector.broadcast %max3A_2655 : f32 to vector<16xf32>
        %max3A_2657 = arith.maximumf %sub3A_2654, %max3A_2656 : vector<16xf32>
        %mul3A_2658 = arith.mulf %max3A_2653, %max3A_2657 : vector<16xf32>
        %add3A_2659 = arith.addf %broadcast_in_dim3A_1080, %get3A_2613 : vector<16xf32>
        %sub3A_2660 = arith.subf %add3A_2659, %mul3A_2658 : vector<16xf32>
        %add3A_2661 = arith.constant 9.99999993E-9 : f32
        %add3A_2662 = vector.broadcast %add3A_2661 : f32 to vector<16xf32>
        %add3A_2663 = arith.addf %sub3A_2660, %add3A_2662 : vector<16xf32>
        %div3A_2664 = arith.divf %mul3A_2658, %add3A_2663 : vector<16xf32>
        %gt3A_2665 = arith.constant 5.000000e-01 : f32
        %gt3A_2666 = vector.broadcast %gt3A_2665 : f32 to vector<16xf32>
        %gt3A_2667 = arith.cmpf ogt, %div3A_2664, %gt3A_2666 : vector<16xf32>
        %eq3A_2668 = arith.cmpi eq, %add3A_2618, %broadcast_in_dim3A_934 : vector<16xi32>
        %or3A_2669 = arith.ori %gt3A_2667, %eq3A_2668 : vector<16xi1>
        %and3A_2670 = arith.andi %or3A_2669, %broadcast_in_dim3A_968 : vector<16xi1>
        %or3A_2671 = arith.ori %or3A_2645, %and3A_2670 : vector<16xi1>
        %max3A_2672 = arith.maximumf %broadcast_in_dim3A_1401, %get3A_2605 : vector<16xf32>
        %max3A_2673 = arith.maximumf %broadcast_in_dim3A_1402, %get3A_2607 : vector<16xf32>
        %min3A_2674 = arith.minimumf %broadcast_in_dim3A_1403, %get3A_2609 : vector<16xf32>
        %min3A_2675 = arith.minimumf %broadcast_in_dim3A_1404, %get3A_2611 : vector<16xf32>
        %sub3A_2676 = arith.subf %min3A_2674, %max3A_2672 : vector<16xf32>
        %max3A_2677 = arith.constant 0.000000e+00 : f32
        %max3A_2678 = vector.broadcast %max3A_2677 : f32 to vector<16xf32>
        %max3A_2679 = arith.maximumf %sub3A_2676, %max3A_2678 : vector<16xf32>
        %sub3A_2680 = arith.subf %min3A_2675, %max3A_2673 : vector<16xf32>
        %max3A_2681 = arith.constant 0.000000e+00 : f32
        %max3A_2682 = vector.broadcast %max3A_2681 : f32 to vector<16xf32>
        %max3A_2683 = arith.maximumf %sub3A_2680, %max3A_2682 : vector<16xf32>
        %mul3A_2684 = arith.mulf %max3A_2679, %max3A_2683 : vector<16xf32>
        %add3A_2685 = arith.addf %broadcast_in_dim3A_1405, %get3A_2613 : vector<16xf32>
        %sub3A_2686 = arith.subf %add3A_2685, %mul3A_2684 : vector<16xf32>
        %add3A_2687 = arith.constant 9.99999993E-9 : f32
        %add3A_2688 = vector.broadcast %add3A_2687 : f32 to vector<16xf32>
        %add3A_2689 = arith.addf %sub3A_2686, %add3A_2688 : vector<16xf32>
        %div3A_2690 = arith.divf %mul3A_2684, %add3A_2689 : vector<16xf32>
        %gt3A_2691 = arith.constant 5.000000e-01 : f32
        %gt3A_2692 = vector.broadcast %gt3A_2691 : f32 to vector<16xf32>
        %gt3A_2693 = arith.cmpf ogt, %div3A_2690, %gt3A_2692 : vector<16xf32>
        %eq3A_2694 = arith.cmpi eq, %add3A_2618, %broadcast_in_dim3A_1259 : vector<16xi32>
        %or3A_2695 = arith.ori %gt3A_2693, %eq3A_2694 : vector<16xi1>
        %and3A_2696 = arith.andi %or3A_2695, %broadcast_in_dim3A_1293 : vector<16xi1>
        %or3A_2697 = arith.ori %or3A_2671, %and3A_2696 : vector<16xi1>
        %max3A_2698 = arith.maximumf %broadcast_in_dim3A_1726, %get3A_2605 : vector<16xf32>
        %max3A_2699 = arith.maximumf %broadcast_in_dim3A_1727, %get3A_2607 : vector<16xf32>
        %min3A_2700 = arith.minimumf %broadcast_in_dim3A_1728, %get3A_2609 : vector<16xf32>
        %min3A_2701 = arith.minimumf %broadcast_in_dim3A_1729, %get3A_2611 : vector<16xf32>
        %sub3A_2702 = arith.subf %min3A_2700, %max3A_2698 : vector<16xf32>
        %max3A_2703 = arith.constant 0.000000e+00 : f32
        %max3A_2704 = vector.broadcast %max3A_2703 : f32 to vector<16xf32>
        %max3A_2705 = arith.maximumf %sub3A_2702, %max3A_2704 : vector<16xf32>
        %sub3A_2706 = arith.subf %min3A_2701, %max3A_2699 : vector<16xf32>
        %max3A_2707 = arith.constant 0.000000e+00 : f32
        %max3A_2708 = vector.broadcast %max3A_2707 : f32 to vector<16xf32>
        %max3A_2709 = arith.maximumf %sub3A_2706, %max3A_2708 : vector<16xf32>
        %mul3A_2710 = arith.mulf %max3A_2705, %max3A_2709 : vector<16xf32>
        %add3A_2711 = arith.addf %broadcast_in_dim3A_1730, %get3A_2613 : vector<16xf32>
        %sub3A_2712 = arith.subf %add3A_2711, %mul3A_2710 : vector<16xf32>
        %add3A_2713 = arith.constant 9.99999993E-9 : f32
        %add3A_2714 = vector.broadcast %add3A_2713 : f32 to vector<16xf32>
        %add3A_2715 = arith.addf %sub3A_2712, %add3A_2714 : vector<16xf32>
        %div3A_2716 = arith.divf %mul3A_2710, %add3A_2715 : vector<16xf32>
        %gt3A_2717 = arith.constant 5.000000e-01 : f32
        %gt3A_2718 = vector.broadcast %gt3A_2717 : f32 to vector<16xf32>
        %gt3A_2719 = arith.cmpf ogt, %div3A_2716, %gt3A_2718 : vector<16xf32>
        %eq3A_2720 = arith.cmpi eq, %add3A_2618, %broadcast_in_dim3A_1584 : vector<16xi32>
        %or3A_2721 = arith.ori %gt3A_2719, %eq3A_2720 : vector<16xi1>
        %and3A_2722 = arith.andi %or3A_2721, %broadcast_in_dim3A_1618 : vector<16xi1>
        %or3A_2723 = arith.ori %or3A_2697, %and3A_2722 : vector<16xi1>
        %get3A_2724 = arith.index_cast %mul3A_2603 : i32 to index
        %get3A_2725 = tpu.vector_load %arg14[%get3A_2724] {strides = array<i32>} : memref<1280xf32, #tpu.memory_space<vmem>>, vector<16xf32>,
        %jit3A_2726 = arith.constant -1.000000e+30 : f32
        %broadcast_in_dim3A_2727 = vector.broadcast %jit3A_2726 : f32 to vector<16xf32>
        %select_n3A_2728 = arith.select %or3A_2723, %broadcast_in_dim3A_2727, %get3A_2725 : vector<16xi1>, vector<16xf32>
        %swap3A_2729 = arith.index_cast %mul3A_2603 : i32 to index
        %swap3A_2730 = tpu.vector_load %arg14[%swap3A_2729] {strides = array<i32>} : memref<1280xf32, #tpu.memory_space<vmem>>, vector<16xf32>,
        tpu.vector_store %arg14[%swap3A_2729], %select_n3A_2728 {strides = array<i32>} : memref<1280xf32, #tpu.memory_space<vmem>>, vector<16xf32>,
        %gt3A_2731 = arith.cmpf ogt, %select_n3A_2728, %select_n3A_2581 : vector<16xf32>
        %select_n3A_2732 = arith.select %gt3A_2731, %select_n3A_2728, %select_n3A_2581 : vector<16xi1>, vector<16xf32>
        %select_n3A_2733 = arith.select %gt3A_2731, %add3A_2618, %select_n3A_2582 : vector<16xi1>, vector<16xi32>
        %select_n3A_2734 = arith.select %gt3A_2731, %select_n3A_2581, %select_n3A_2728 : vector<16xi1>, vector<16xf32>
        %select_n3A_2735 = arith.select %gt3A_2731, %select_n3A_2582, %add3A_2618 : vector<16xi1>, vector<16xi32>
        %gt3A_2736 = arith.cmpf ogt, %select_n3A_2734, %select_n3A_2586 : vector<16xf32>
        %select_n3A_2737 = arith.select %gt3A_2736, %select_n3A_2734, %select_n3A_2586 : vector<16xi1>, vector<16xf32>
        %select_n3A_2738 = arith.select %gt3A_2736, %select_n3A_2735, %select_n3A_2587 : vector<16xi1>, vector<16xi32>
        %select_n3A_2739 = arith.select %gt3A_2736, %select_n3A_2586, %select_n3A_2734 : vector<16xi1>, vector<16xf32>
        %select_n3A_2740 = arith.select %gt3A_2736, %select_n3A_2587, %select_n3A_2735 : vector<16xi1>, vector<16xi32>
        %gt3A_2741 = arith.cmpf ogt, %select_n3A_2739, %select_n3A_2591 : vector<16xf32>
        %select_n3A_2742 = arith.select %gt3A_2741, %select_n3A_2739, %select_n3A_2591 : vector<16xi1>, vector<16xf32>
        %select_n3A_2743 = arith.select %gt3A_2741, %select_n3A_2740, %select_n3A_2592 : vector<16xi1>, vector<16xi32>
        %select_n3A_2744 = arith.select %gt3A_2741, %select_n3A_2591, %select_n3A_2739 : vector<16xi1>, vector<16xf32>
        %select_n3A_2745 = arith.select %gt3A_2741, %select_n3A_2592, %select_n3A_2740 : vector<16xi1>, vector<16xi32>
        %gt3A_2746 = arith.cmpf ogt, %select_n3A_2744, %select_n3A_2596 : vector<16xf32>
        %select_n3A_2747 = arith.select %gt3A_2746, %select_n3A_2744, %select_n3A_2596 : vector<16xi1>, vector<16xf32>
        %select_n3A_2748 = arith.select %gt3A_2746, %select_n3A_2745, %select_n3A_2597 : vector<16xi1>, vector<16xi32>
        scf.yield %select_n3A_2732, %select_n3A_2737, %select_n3A_2742, %select_n3A_2747, %select_n3A_2733, %select_n3A_2738, %select_n3A_2743, %select_n3A_2748 : vector<16xf32>, vector<16xf32>, vector<16xf32>, vector<16xf32>, vector<16xi32>, vector<16xi32>, vector<16xi32>, vector<16xi32>
      }
      %scan3A_1895 = arith.constant 20 : i32
      %max3A_1896 = arith.maximumf %scan3A_1894#0, %scan3A_1894#1 : vector<16xf32>
      %max3A_1897 = arith.maximumf %scan3A_1894#2, %scan3A_1894#3 : vector<16xf32>
      %max3A_1898 = arith.maximumf %max3A_1896, %max3A_1897 : vector<16xf32>
      %reduce_max3A_1899 = arith.constant true
      %reduce_max3A_1900 = vector.broadcast %reduce_max3A_1899 : i1 to vector<16xi1>
      %reduce_max3A_1901 = tpu.scan <max>, %max3A_1898 masked %reduce_max3A_1900 : vector<16xf32>, vector<16xi1> -> vector<16xf32>
      %reduce_max3A_1902 = vector.extract %reduce_max3A_1901[15] : f32 from vector<16xf32>
      %broadcast_in_dim3A_1903 = vector.broadcast %reduce_max3A_1902 : f32 to vector<16xf32>
      %eq3A_1904 = arith.cmpf oeq, %scan3A_1894#0, %broadcast_in_dim3A_1903 : vector<16xf32>
      %jit3A_1905 = arith.constant 2147483647 : i32
      %broadcast_in_dim3A_1906 = vector.broadcast %jit3A_1905 : i32 to vector<16xi32>
      %select_n3A_1907 = arith.select %eq3A_1904, %scan3A_1894#4, %broadcast_in_dim3A_1906 : vector<16xi1>, vector<16xi32>
      %eq3A_1908 = arith.cmpf oeq, %scan3A_1894#1, %broadcast_in_dim3A_1903 : vector<16xf32>
      %jit3A_1909 = arith.constant 2147483647 : i32
      %broadcast_in_dim3A_1910 = vector.broadcast %jit3A_1909 : i32 to vector<16xi32>
      %select_n3A_1911 = arith.select %eq3A_1908, %scan3A_1894#5, %broadcast_in_dim3A_1910 : vector<16xi1>, vector<16xi32>
      %min3A_1912 = arith.minsi %select_n3A_1907, %select_n3A_1911 : vector<16xi32>
      %eq3A_1913 = arith.cmpf oeq, %scan3A_1894#2, %broadcast_in_dim3A_1903 : vector<16xf32>
      %jit3A_1914 = arith.constant 2147483647 : i32
      %broadcast_in_dim3A_1915 = vector.broadcast %jit3A_1914 : i32 to vector<16xi32>
      %select_n3A_1916 = arith.select %eq3A_1913, %scan3A_1894#6, %broadcast_in_dim3A_1915 : vector<16xi1>, vector<16xi32>
      %eq3A_1917 = arith.cmpf oeq, %scan3A_1894#3, %broadcast_in_dim3A_1903 : vector<16xf32>
      %jit3A_1918 = arith.constant 2147483647 : i32
      %broadcast_in_dim3A_1919 = vector.broadcast %jit3A_1918 : i32 to vector<16xi32>
      %select_n3A_1920 = arith.select %eq3A_1917, %scan3A_1894#7, %broadcast_in_dim3A_1919 : vector<16xi1>, vector<16xi32>
      %min3A_1921 = arith.minsi %select_n3A_1916, %select_n3A_1920 : vector<16xi32>
      %min3A_1922 = arith.minsi %min3A_1912, %min3A_1921 : vector<16xi32>
      %reduce_min3A_1923 = arith.constant true
      %reduce_min3A_1924 = vector.broadcast %reduce_min3A_1923 : i1 to vector<16xi1>
      %reduce_min3A_1925 = arith.constant -2147483648 : i32
      %reduce_min3A_1926 = vector.broadcast %reduce_min3A_1925 : i32 to vector<16xi32>
      %reduce_min3A_1927 = arith.xori %min3A_1922, %reduce_min3A_1926 : vector<16xi32>
      %reduce_min3A_1928 = tpu.scan <min>, %reduce_min3A_1927 masked %reduce_min3A_1924 : vector<16xi32>, vector<16xi1> -> vector<16xi32>
      %reduce_min3A_1929 = arith.xori %reduce_min3A_1928, %reduce_min3A_1926 : vector<16xi32>
      %reduce_min3A_1930 = vector.extract %reduce_min3A_1929[15] : i32 from vector<16xi32>
      %broadcast_in_dim3A_1931 = vector.broadcast %reduce_min3A_1930 : i32 to vector<16xi32>
      %eq3A_1932 = arith.cmpf oeq, %scan3A_1894#0, %broadcast_in_dim3A_1903 : vector<16xf32>
      %eq3A_1933 = arith.cmpi eq, %scan3A_1894#4, %broadcast_in_dim3A_1931 : vector<16xi32>
      %and3A_1934 = arith.andi %eq3A_1932, %eq3A_1933 : vector<16xi1>
      %jit3A_1935 = arith.constant -1.000000e+30 : f32
      %broadcast_in_dim3A_1936 = vector.broadcast %jit3A_1935 : f32 to vector<16xf32>
      %select_n3A_1937 = arith.select %and3A_1934, %broadcast_in_dim3A_1936, %scan3A_1894#0 : vector<16xi1>, vector<16xf32>
      %eq3A_1938 = arith.cmpf oeq, %scan3A_1894#1, %broadcast_in_dim3A_1903 : vector<16xf32>
      %eq3A_1939 = arith.cmpi eq, %scan3A_1894#5, %broadcast_in_dim3A_1931 : vector<16xi32>
      %and3A_1940 = arith.andi %eq3A_1938, %eq3A_1939 : vector<16xi1>
      %jit3A_1941 = arith.constant -1.000000e+30 : f32
      %broadcast_in_dim3A_1942 = vector.broadcast %jit3A_1941 : f32 to vector<16xf32>
      %select_n3A_1943 = arith.select %and3A_1940, %broadcast_in_dim3A_1942, %scan3A_1894#1 : vector<16xi1>, vector<16xf32>
      %eq3A_1944 = arith.cmpf oeq, %scan3A_1894#2, %broadcast_in_dim3A_1903 : vector<16xf32>
      %eq3A_1945 = arith.cmpi eq, %scan3A_1894#6, %broadcast_in_dim3A_1931 : vector<16xi32>
      %and3A_1946 = arith.andi %eq3A_1944, %eq3A_1945 : vector<16xi1>
      %jit3A_1947 = arith.constant -1.000000e+30 : f32
      %broadcast_in_dim3A_1948 = vector.broadcast %jit3A_1947 : f32 to vector<16xf32>
      %select_n3A_1949 = arith.select %and3A_1946, %broadcast_in_dim3A_1948, %scan3A_1894#2 : vector<16xi1>, vector<16xf32>
      %eq3A_1950 = arith.cmpf oeq, %scan3A_1894#3, %broadcast_in_dim3A_1903 : vector<16xf32>
      %eq3A_1951 = arith.cmpi eq, %scan3A_1894#7, %broadcast_in_dim3A_1931 : vector<16xi32>
      %and3A_1952 = arith.andi %eq3A_1950, %eq3A_1951 : vector<16xi1>
      %jit3A_1953 = arith.constant -1.000000e+30 : f32
      %broadcast_in_dim3A_1954 = vector.broadcast %jit3A_1953 : f32 to vector<16xf32>
      %select_n3A_1955 = arith.select %and3A_1952, %broadcast_in_dim3A_1954, %scan3A_1894#3 : vector<16xi1>, vector<16xf32>
      %max3A_1956 = arith.maximumf %select_n3A_1937, %select_n3A_1943 : vector<16xf32>
      %max3A_1957 = arith.maximumf %select_n3A_1949, %select_n3A_1955 : vector<16xf32>
      %max3A_1958 = arith.maximumf %max3A_1956, %max3A_1957 : vector<16xf32>
      %reduce_max3A_1959 = arith.constant true
      %reduce_max3A_1960 = vector.broadcast %reduce_max3A_1959 : i1 to vector<16xi1>
      %reduce_max3A_1961 = tpu.scan <max>, %max3A_1958 masked %reduce_max3A_1960 : vector<16xf32>, vector<16xi1> -> vector<16xf32>
      %reduce_max3A_1962 = vector.extract %reduce_max3A_1961[15] : f32 from vector<16xf32>
      %broadcast_in_dim3A_1963 = vector.broadcast %reduce_max3A_1962 : f32 to vector<16xf32>
      %eq3A_1964 = arith.cmpf oeq, %select_n3A_1937, %broadcast_in_dim3A_1963 : vector<16xf32>
      %jit3A_1965 = arith.constant 2147483647 : i32
      %broadcast_in_dim3A_1966 = vector.broadcast %jit3A_1965 : i32 to vector<16xi32>
      %select_n3A_1967 = arith.select %eq3A_1964, %scan3A_1894#4, %broadcast_in_dim3A_1966 : vector<16xi1>, vector<16xi32>
      %eq3A_1968 = arith.cmpf oeq, %select_n3A_1943, %broadcast_in_dim3A_1963 : vector<16xf32>
      %jit3A_1969 = arith.constant 2147483647 : i32
      %broadcast_in_dim3A_1970 = vector.broadcast %jit3A_1969 : i32 to vector<16xi32>
      %select_n3A_1971 = arith.select %eq3A_1968, %scan3A_1894#5, %broadcast_in_dim3A_1970 : vector<16xi1>, vector<16xi32>
      %min3A_1972 = arith.minsi %select_n3A_1967, %select_n3A_1971 : vector<16xi32>
      %eq3A_1973 = arith.cmpf oeq, %select_n3A_1949, %broadcast_in_dim3A_1963 : vector<16xf32>
      %jit3A_1974 = arith.constant 2147483647 : i32
      %broadcast_in_dim3A_1975 = vector.broadcast %jit3A_1974 : i32 to vector<16xi32>
      %select_n3A_1976 = arith.select %eq3A_1973, %scan3A_1894#6, %broadcast_in_dim3A_1975 : vector<16xi1>, vector<16xi32>
      %eq3A_1977 = arith.cmpf oeq, %select_n3A_1955, %broadcast_in_dim3A_1963 : vector<16xf32>
      %jit3A_1978 = arith.constant 2147483647 : i32
      %broadcast_in_dim3A_1979 = vector.broadcast %jit3A_1978 : i32 to vector<16xi32>
      %select_n3A_1980 = arith.select %eq3A_1977, %scan3A_1894#7, %broadcast_in_dim3A_1979 : vector<16xi1>, vector<16xi32>
      %min3A_1981 = arith.minsi %select_n3A_1976, %select_n3A_1980 : vector<16xi32>
      %min3A_1982 = arith.minsi %min3A_1972, %min3A_1981 : vector<16xi32>
      %reduce_min3A_1983 = arith.constant true
      %reduce_min3A_1984 = vector.broadcast %reduce_min3A_1983 : i1 to vector<16xi1>
      %reduce_min3A_1985 = arith.constant -2147483648 : i32
      %reduce_min3A_1986 = vector.broadcast %reduce_min3A_1985 : i32 to vector<16xi32>
      %reduce_min3A_1987 = arith.xori %min3A_1982, %reduce_min3A_1986 : vector<16xi32>
      %reduce_min3A_1988 = tpu.scan <min>, %reduce_min3A_1987 masked %reduce_min3A_1984 : vector<16xi32>, vector<16xi1> -> vector<16xi32>
      %reduce_min3A_1989 = arith.xori %reduce_min3A_1988, %reduce_min3A_1986 : vector<16xi32>
      %reduce_min3A_1990 = vector.extract %reduce_min3A_1989[15] : i32 from vector<16xi32>
      %broadcast_in_dim3A_1991 = vector.broadcast %reduce_min3A_1990 : i32 to vector<16xi32>
      %eq3A_1992 = arith.cmpf oeq, %select_n3A_1937, %broadcast_in_dim3A_1963 : vector<16xf32>
      %eq3A_1993 = arith.cmpi eq, %scan3A_1894#4, %broadcast_in_dim3A_1991 : vector<16xi32>
      %and3A_1994 = arith.andi %eq3A_1992, %eq3A_1993 : vector<16xi1>
      %jit3A_1995 = arith.constant -1.000000e+30 : f32
      %broadcast_in_dim3A_1996 = vector.broadcast %jit3A_1995 : f32 to vector<16xf32>
      %select_n3A_1997 = arith.select %and3A_1994, %broadcast_in_dim3A_1996, %select_n3A_1937 : vector<16xi1>, vector<16xf32>
      %eq3A_1998 = arith.cmpf oeq, %select_n3A_1943, %broadcast_in_dim3A_1963 : vector<16xf32>
      %eq3A_1999 = arith.cmpi eq, %scan3A_1894#5, %broadcast_in_dim3A_1991 : vector<16xi32>
      %and3A_2000 = arith.andi %eq3A_1998, %eq3A_1999 : vector<16xi1>
      %jit3A_2001 = arith.constant -1.000000e+30 : f32
      %broadcast_in_dim3A_2002 = vector.broadcast %jit3A_2001 : f32 to vector<16xf32>
      %select_n3A_2003 = arith.select %and3A_2000, %broadcast_in_dim3A_2002, %select_n3A_1943 : vector<16xi1>, vector<16xf32>
      %eq3A_2004 = arith.cmpf oeq, %select_n3A_1949, %broadcast_in_dim3A_1963 : vector<16xf32>
      %eq3A_2005 = arith.cmpi eq, %scan3A_1894#6, %broadcast_in_dim3A_1991 : vector<16xi32>
      %and3A_2006 = arith.andi %eq3A_2004, %eq3A_2005 : vector<16xi1>
      %jit3A_2007 = arith.constant -1.000000e+30 : f32
      %broadcast_in_dim3A_2008 = vector.broadcast %jit3A_2007 : f32 to vector<16xf32>
      %select_n3A_2009 = arith.select %and3A_2006, %broadcast_in_dim3A_2008, %select_n3A_1949 : vector<16xi1>, vector<16xf32>
      %eq3A_2010 = arith.cmpf oeq, %select_n3A_1955, %broadcast_in_dim3A_1963 : vector<16xf32>
      %eq3A_2011 = arith.cmpi eq, %scan3A_1894#7, %broadcast_in_dim3A_1991 : vector<16xi32>
      %and3A_2012 = arith.andi %eq3A_2010, %eq3A_2011 : vector<16xi1>
      %jit3A_2013 = arith.constant -1.000000e+30 : f32
      %broadcast_in_dim3A_2014 = vector.broadcast %jit3A_2013 : f32 to vector<16xf32>
      %select_n3A_2015 = arith.select %and3A_2012, %broadcast_in_dim3A_2014, %select_n3A_1955 : vector<16xi1>, vector<16xf32>
      %max3A_2016 = arith.maximumf %select_n3A_1997, %select_n3A_2003 : vector<16xf32>
      %max3A_2017 = arith.maximumf %select_n3A_2009, %select_n3A_2015 : vector<16xf32>
      %max3A_2018 = arith.maximumf %max3A_2016, %max3A_2017 : vector<16xf32>
      %reduce_max3A_2019 = arith.constant true
      %reduce_max3A_2020 = vector.broadcast %reduce_max3A_2019 : i1 to vector<16xi1>
      %reduce_max3A_2021 = tpu.scan <max>, %max3A_2018 masked %reduce_max3A_2020 : vector<16xf32>, vector<16xi1> -> vector<16xf32>
      %reduce_max3A_2022 = vector.extract %reduce_max3A_2021[15] : f32 from vector<16xf32>
      %broadcast_in_dim3A_2023 = vector.broadcast %reduce_max3A_2022 : f32 to vector<16xf32>
      %eq3A_2024 = arith.cmpf oeq, %select_n3A_1997, %broadcast_in_dim3A_2023 : vector<16xf32>
      %jit3A_2025 = arith.constant 2147483647 : i32
      %broadcast_in_dim3A_2026 = vector.broadcast %jit3A_2025 : i32 to vector<16xi32>
      %select_n3A_2027 = arith.select %eq3A_2024, %scan3A_1894#4, %broadcast_in_dim3A_2026 : vector<16xi1>, vector<16xi32>
      %eq3A_2028 = arith.cmpf oeq, %select_n3A_2003, %broadcast_in_dim3A_2023 : vector<16xf32>
      %jit3A_2029 = arith.constant 2147483647 : i32
      %broadcast_in_dim3A_2030 = vector.broadcast %jit3A_2029 : i32 to vector<16xi32>
      %select_n3A_2031 = arith.select %eq3A_2028, %scan3A_1894#5, %broadcast_in_dim3A_2030 : vector<16xi1>, vector<16xi32>
      %min3A_2032 = arith.minsi %select_n3A_2027, %select_n3A_2031 : vector<16xi32>
      %eq3A_2033 = arith.cmpf oeq, %select_n3A_2009, %broadcast_in_dim3A_2023 : vector<16xf32>
      %jit3A_2034 = arith.constant 2147483647 : i32
      %broadcast_in_dim3A_2035 = vector.broadcast %jit3A_2034 : i32 to vector<16xi32>
      %select_n3A_2036 = arith.select %eq3A_2033, %scan3A_1894#6, %broadcast_in_dim3A_2035 : vector<16xi1>, vector<16xi32>
      %eq3A_2037 = arith.cmpf oeq, %select_n3A_2015, %broadcast_in_dim3A_2023 : vector<16xf32>
      %jit3A_2038 = arith.constant 2147483647 : i32
      %broadcast_in_dim3A_2039 = vector.broadcast %jit3A_2038 : i32 to vector<16xi32>
      %select_n3A_2040 = arith.select %eq3A_2037, %scan3A_1894#7, %broadcast_in_dim3A_2039 : vector<16xi1>, vector<16xi32>
      %min3A_2041 = arith.minsi %select_n3A_2036, %select_n3A_2040 : vector<16xi32>
      %min3A_2042 = arith.minsi %min3A_2032, %min3A_2041 : vector<16xi32>
      %reduce_min3A_2043 = arith.constant true
      %reduce_min3A_2044 = vector.broadcast %reduce_min3A_2043 : i1 to vector<16xi1>
      %reduce_min3A_2045 = arith.constant -2147483648 : i32
      %reduce_min3A_2046 = vector.broadcast %reduce_min3A_2045 : i32 to vector<16xi32>
      %reduce_min3A_2047 = arith.xori %min3A_2042, %reduce_min3A_2046 : vector<16xi32>
      %reduce_min3A_2048 = tpu.scan <min>, %reduce_min3A_2047 masked %reduce_min3A_2044 : vector<16xi32>, vector<16xi1> -> vector<16xi32>
      %reduce_min3A_2049 = arith.xori %reduce_min3A_2048, %reduce_min3A_2046 : vector<16xi32>
      %reduce_min3A_2050 = vector.extract %reduce_min3A_2049[15] : i32 from vector<16xi32>
      %broadcast_in_dim3A_2051 = vector.broadcast %reduce_min3A_2050 : i32 to vector<16xi32>
      %eq3A_2052 = arith.cmpf oeq, %select_n3A_1997, %broadcast_in_dim3A_2023 : vector<16xf32>
      %eq3A_2053 = arith.cmpi eq, %scan3A_1894#4, %broadcast_in_dim3A_2051 : vector<16xi32>
      %and3A_2054 = arith.andi %eq3A_2052, %eq3A_2053 : vector<16xi1>
      %jit3A_2055 = arith.constant -1.000000e+30 : f32
      %broadcast_in_dim3A_2056 = vector.broadcast %jit3A_2055 : f32 to vector<16xf32>
      %select_n3A_2057 = arith.select %and3A_2054, %broadcast_in_dim3A_2056, %select_n3A_1997 : vector<16xi1>, vector<16xf32>
      %eq3A_2058 = arith.cmpf oeq, %select_n3A_2003, %broadcast_in_dim3A_2023 : vector<16xf32>
      %eq3A_2059 = arith.cmpi eq, %scan3A_1894#5, %broadcast_in_dim3A_2051 : vector<16xi32>
      %and3A_2060 = arith.andi %eq3A_2058, %eq3A_2059 : vector<16xi1>
      %jit3A_2061 = arith.constant -1.000000e+30 : f32
      %broadcast_in_dim3A_2062 = vector.broadcast %jit3A_2061 : f32 to vector<16xf32>
      %select_n3A_2063 = arith.select %and3A_2060, %broadcast_in_dim3A_2062, %select_n3A_2003 : vector<16xi1>, vector<16xf32>
      %eq3A_2064 = arith.cmpf oeq, %select_n3A_2009, %broadcast_in_dim3A_2023 : vector<16xf32>
      %eq3A_2065 = arith.cmpi eq, %scan3A_1894#6, %broadcast_in_dim3A_2051 : vector<16xi32>
      %and3A_2066 = arith.andi %eq3A_2064, %eq3A_2065 : vector<16xi1>
      %jit3A_2067 = arith.constant -1.000000e+30 : f32
      %broadcast_in_dim3A_2068 = vector.broadcast %jit3A_2067 : f32 to vector<16xf32>
      %select_n3A_2069 = arith.select %and3A_2066, %broadcast_in_dim3A_2068, %select_n3A_2009 : vector<16xi1>, vector<16xf32>
      %eq3A_2070 = arith.cmpf oeq, %select_n3A_2015, %broadcast_in_dim3A_2023 : vector<16xf32>
      %eq3A_2071 = arith.cmpi eq, %scan3A_1894#7, %broadcast_in_dim3A_2051 : vector<16xi32>
      %and3A_2072 = arith.andi %eq3A_2070, %eq3A_2071 : vector<16xi1>
      %jit3A_2073 = arith.constant -1.000000e+30 : f32
      %broadcast_in_dim3A_2074 = vector.broadcast %jit3A_2073 : f32 to vector<16xf32>
      %select_n3A_2075 = arith.select %and3A_2072, %broadcast_in_dim3A_2074, %select_n3A_2015 : vector<16xi1>, vector<16xf32>
      %max3A_2076 = arith.maximumf %select_n3A_2057, %select_n3A_2063 : vector<16xf32>
      %max3A_2077 = arith.maximumf %select_n3A_2069, %select_n3A_2075 : vector<16xf32>
      %max3A_2078 = arith.maximumf %max3A_2076, %max3A_2077 : vector<16xf32>
      %reduce_max3A_2079 = arith.constant true
      %reduce_max3A_2080 = vector.broadcast %reduce_max3A_2079 : i1 to vector<16xi1>
      %reduce_max3A_2081 = tpu.scan <max>, %max3A_2078 masked %reduce_max3A_2080 : vector<16xf32>, vector<16xi1> -> vector<16xf32>
      %reduce_max3A_2082 = vector.extract %reduce_max3A_2081[15] : f32 from vector<16xf32>
      %broadcast_in_dim3A_2083 = vector.broadcast %reduce_max3A_2082 : f32 to vector<16xf32>
      %eq3A_2084 = arith.cmpf oeq, %select_n3A_2057, %broadcast_in_dim3A_2083 : vector<16xf32>
      %jit3A_2085 = arith.constant 2147483647 : i32
      %broadcast_in_dim3A_2086 = vector.broadcast %jit3A_2085 : i32 to vector<16xi32>
      %select_n3A_2087 = arith.select %eq3A_2084, %scan3A_1894#4, %broadcast_in_dim3A_2086 : vector<16xi1>, vector<16xi32>
      %eq3A_2088 = arith.cmpf oeq, %select_n3A_2063, %broadcast_in_dim3A_2083 : vector<16xf32>
      %jit3A_2089 = arith.constant 2147483647 : i32
      %broadcast_in_dim3A_2090 = vector.broadcast %jit3A_2089 : i32 to vector<16xi32>
      %select_n3A_2091 = arith.select %eq3A_2088, %scan3A_1894#5, %broadcast_in_dim3A_2090 : vector<16xi1>, vector<16xi32>
      %min3A_2092 = arith.minsi %select_n3A_2087, %select_n3A_2091 : vector<16xi32>
      %eq3A_2093 = arith.cmpf oeq, %select_n3A_2069, %broadcast_in_dim3A_2083 : vector<16xf32>
      %jit3A_2094 = arith.constant 2147483647 : i32
      %broadcast_in_dim3A_2095 = vector.broadcast %jit3A_2094 : i32 to vector<16xi32>
      %select_n3A_2096 = arith.select %eq3A_2093, %scan3A_1894#6, %broadcast_in_dim3A_2095 : vector<16xi1>, vector<16xi32>
      %eq3A_2097 = arith.cmpf oeq, %select_n3A_2075, %broadcast_in_dim3A_2083 : vector<16xf32>
      %jit3A_2098 = arith.constant 2147483647 : i32
      %broadcast_in_dim3A_2099 = vector.broadcast %jit3A_2098 : i32 to vector<16xi32>
      %select_n3A_2100 = arith.select %eq3A_2097, %scan3A_1894#7, %broadcast_in_dim3A_2099 : vector<16xi1>, vector<16xi32>
      %min3A_2101 = arith.minsi %select_n3A_2096, %select_n3A_2100 : vector<16xi32>
      %min3A_2102 = arith.minsi %min3A_2092, %min3A_2101 : vector<16xi32>
      %reduce_min3A_2103 = arith.constant true
      %reduce_min3A_2104 = vector.broadcast %reduce_min3A_2103 : i1 to vector<16xi1>
      %reduce_min3A_2105 = arith.constant -2147483648 : i32
      %reduce_min3A_2106 = vector.broadcast %reduce_min3A_2105 : i32 to vector<16xi32>
      %reduce_min3A_2107 = arith.xori %min3A_2102, %reduce_min3A_2106 : vector<16xi32>
      %reduce_min3A_2108 = tpu.scan <min>, %reduce_min3A_2107 masked %reduce_min3A_2104 : vector<16xi32>, vector<16xi1> -> vector<16xi32>
      %reduce_min3A_2109 = arith.xori %reduce_min3A_2108, %reduce_min3A_2106 : vector<16xi32>
      %reduce_min3A_2110 = vector.extract %reduce_min3A_2109[15] : i32 from vector<16xi32>
      %broadcast_in_dim3A_2111 = vector.broadcast %reduce_min3A_2110 : i32 to vector<16xi32>
      %eq3A_2112 = arith.cmpf oeq, %select_n3A_2057, %broadcast_in_dim3A_2083 : vector<16xf32>
      %eq3A_2113 = arith.cmpi eq, %scan3A_1894#4, %broadcast_in_dim3A_2111 : vector<16xi32>
      %and3A_2114 = arith.andi %eq3A_2112, %eq3A_2113 : vector<16xi1>
      %jit3A_2115 = arith.constant -1.000000e+30 : f32
      %broadcast_in_dim3A_2116 = vector.broadcast %jit3A_2115 : f32 to vector<16xf32>
      %select_n3A_2117 = arith.select %and3A_2114, %broadcast_in_dim3A_2116, %select_n3A_2057 : vector<16xi1>, vector<16xf32>
      %eq3A_2118 = arith.cmpf oeq, %select_n3A_2063, %broadcast_in_dim3A_2083 : vector<16xf32>
      %eq3A_2119 = arith.cmpi eq, %scan3A_1894#5, %broadcast_in_dim3A_2111 : vector<16xi32>
      %and3A_2120 = arith.andi %eq3A_2118, %eq3A_2119 : vector<16xi1>
      %jit3A_2121 = arith.constant -1.000000e+30 : f32
      %broadcast_in_dim3A_2122 = vector.broadcast %jit3A_2121 : f32 to vector<16xf32>
      %select_n3A_2123 = arith.select %and3A_2120, %broadcast_in_dim3A_2122, %select_n3A_2063 : vector<16xi1>, vector<16xf32>
      %eq3A_2124 = arith.cmpf oeq, %select_n3A_2069, %broadcast_in_dim3A_2083 : vector<16xf32>
      %eq3A_2125 = arith.cmpi eq, %scan3A_1894#6, %broadcast_in_dim3A_2111 : vector<16xi32>
      %and3A_2126 = arith.andi %eq3A_2124, %eq3A_2125 : vector<16xi1>
      %jit3A_2127 = arith.constant -1.000000e+30 : f32
      %broadcast_in_dim3A_2128 = vector.broadcast %jit3A_2127 : f32 to vector<16xf32>
      %select_n3A_2129 = arith.select %and3A_2126, %broadcast_in_dim3A_2128, %select_n3A_2069 : vector<16xi1>, vector<16xf32>
      %eq3A_2130 = arith.cmpf oeq, %select_n3A_2075, %broadcast_in_dim3A_2083 : vector<16xf32>
      %eq3A_2131 = arith.cmpi eq, %scan3A_1894#7, %broadcast_in_dim3A_2111 : vector<16xi32>
      %and3A_2132 = arith.andi %eq3A_2130, %eq3A_2131 : vector<16xi1>
      %jit3A_2133 = arith.constant -1.000000e+30 : f32
      %broadcast_in_dim3A_2134 = vector.broadcast %jit3A_2133 : f32 to vector<16xf32>
      %select_n3A_2135 = arith.select %and3A_2132, %broadcast_in_dim3A_2134, %select_n3A_2075 : vector<16xi1>, vector<16xf32>
      %add3A_2136 = arith.constant 1 : i32
      %add3A_2137 = arith.addi %while3A_278, %add3A_2136 : i32
      scf.yield %add3A_1761, %and3A_643, %add3A_2137, %reduce_max3A_1902, %reduce_max3A_1962, %reduce_max3A_2022, %reduce_max3A_2082, %reduce_min3A_1930, %reduce_min3A_1990, %reduce_min3A_2050, %reduce_min3A_2110 : i32, i1, i32, f32, f32, f32, f32, i32, i32, i32, i32
    }
    %eq3A_270 = arith.constant 0 : i32
    %eq3A_271 = arith.cmpi eq, %arg0, %eq3A_270 : i32
    %eq3A_272 = arith.constant 0 : i32
    %eq3A_273 = arith.cmpi eq, %arg1, %eq3A_272 : i32
    %and3A_274 = arith.andi %eq3A_271, %eq3A_273 : i1
    %convert_element_type3A = arith.extui %and3A_274 : i1 to i32
    %cond3A = arith.constant 0 : i32
    %cond3A_275 = arith.cmpi ne, %convert_element_type3A, %cond3A : i32
    scf.if %cond3A_275 {
      "tpu.region"() ({
        %run_scoped3A = tpu.sem_alloc : memref<!tpu.dma_semaphore, #tpu.memory_space<semaphore_mem>>
        tpu.enqueue_dma source(%arg17 : memref<30x5xf32, #tpu.memory_space<vmem>>) target(%arg7 : memref<30x5xf32, #tpu.memory_space<hbm>>) target_semaphore(%run_scoped3A : memref<!tpu.dma_semaphore, #tpu.memory_space<semaphore_mem>>)
        tpu.wait_dma2 semaphore(%run_scoped3A : memref<!tpu.dma_semaphore, #tpu.memory_space<semaphore_mem>>) src(%arg17 : memref<30x5xf32, #tpu.memory_space<vmem>>) dst(%arg7 : memref<30x5xf32, #tpu.memory_space<hbm>>)
        tpu.yield
      }) : () -> ()
    } else {
    }
    return
  }
}

</mosaic_0001>

<sc_bundles>
// kernel: kernel.3.cloned.1.call-start
scs
__scs_entry_jumppad:
0x0: {  	(pc) =	sbr.rel $0x88, $3  }
0x1: {  	(tag) =	ssettag $0x0;
	lr =	simm.s32 $0x1  }
0x2: {  	[smem:$0x3F9F] =	sst lr;
	_ =	strace $0xD0000000  }
0x3: {  	_ = 	snop  }
0x4: {  	_ = 	snop  }
0x5: {  	_ = 	snop  }
0x6: {  	_ = 	snop  }
0x7: {  	_ = 	snop  }
__scs_overlays_trampoline_lowered:
0x8: {  	[smem:$0x3FAE] =	sst s0  }
0x9: {  	[smem:$0x3FAF] =	sst s1  }
0xa: {  	[smem:$0x3FB0] =	sst s2  }
0xb: {  	[smem:$0x3FB1] =	sst s3  }
0xc: {  	[smem:$0x3FB2] =	sst s4  }
0xd: {  	[smem:$0x3FB3] =	sst s5  }
0xe: {  	[smem:$0x3FB4] =	sst s6  }
0xf: {  	[smem:$0x3FB5] =	sst s7  }
0x10: {  	[smem:$0x3FB6] =	sst s8  }
0x11: {  	[smem:$0x3FB7] =	sst s9;
	s0 =	simm.s32 @!p0 $0x0  }
0x12: {  	s1 =	sld [smem:$0x3F9D];
	s0 =	simm.s32 @p0 $0x1  }
0x13: {  	[smem:$0x3FB8] =	sst s0;
	s0 =	simm.s32 @!p1 $0x0  }
0x14: {  	s2 =	sld [smem:$0x3F9C];
	s0 =	simm.s32 @p1 $0x1  }
0x15: {  	[smem:$0x3FB9] =	sst s0;
	s0 =	simm.s32 @!p2 $0x0  }
0x16: {  	s3 =	sld [smem:$0x3FDB];
	s0 =	simm.s32 @p2 $0x1  }
0x17: {  	s4 =	simm.s32 $0x1BF5;
	[smem:$0x3FBB] =	sst s0  }
0x18: {  	s0 =	sld [smem:$0x3F9E];
	_ =	swait.ge [sflag:s4], $0x0  }
0x19: {  	s7 =	sld [smem:$0x3F9F]  }
0x1a: {  	s8 =	sadd.s32 $0xFFFFE003, lr  }
0x1b: {  	s9 =	sadd.s32 $0xFFFFFEF7, lr;
	s5 =	simm.s32 $0xFFFFFFFF;
	p2 =	slt.u32 s8, $0xFFFFF086  }
0x1c: {  	p1 =	slt.u32 s9, $0xF7A;
	s5 =	simm.s32 @!p2 $0x0  }
0x1d: {  	s5 =	simm.s32 @p1 $0x1;
	p0 =	seq.s32 s7, s2  }
0x1e: {  	s7 =	smul.u32 @!p0 $0xF7A, s2;
	p2 =	seq.s32 @!p0 s5, $0x0  }
0x1f: {  	s9 =	smul.u32 $0xF7A, s1;
	s8 =	simm.s32 @!p0 $0x1BF5;
	p2 =	por !p2, p0  }
0x20: {  	[sflag:s8] =	ssyncset.s32 @!p0 $0xFFFFF086;
	s6 =	sadd.s32 @!p0 s3, s7;
	s7 =	simm.s32 @!p0 $0x108  }
0x21: {  	s3 =	sadd.s32 s3, s9;
	s6 =	sadd.s32 @!p0 $0x88, s6;
	s7 =	simm.s32 @p2 $0x1082  }
0x22: {  	[simem:s7], [sflag:s8] =	dma.local @!p0 [hbm:s6], $0xF7A  }
0x23: {  	s9 =	sor.u32 $0xD0000000, s2;
	s6 =	simm.s32 $0x108;
	_ =	swait.ge @!p0 [sflag:s8], $0x0  }
0x24: {  	s3 =	sadd.s32 $0x88, s3;
	s6 =	simm.s32 @!p1 $0x1082;
	[sflag:s4] =	ssyncset.s32 $0xFFFFF086  }
0x25: {  	[simem:s6], [sflag:s4] =	dma.local [hbm:s3], $0xF7A  }
0x26: {  	[smem:$0x3F9F] =	sst s1;
	(tag) =	ssettag s2;
	_ =	strace s9  }
0x27: {  	s1 =	sld [smem:$0x3FAF]  }
0x28: {  	s2 =	sld [smem:$0x3FB0]  }
0x29: {  	s4 =	sld [smem:$0x3FB2]  }
0x2a: {  	p0 =	seq.s32 s5, $0x0;
	s5 =	sld [smem:$0x3FB3]  }
0x2b: {  	s6 =	sld [smem:$0x3FB4]  }
0x2c: {  	s7 =	sld [smem:$0x3FB5]  }
0x2d: {  	s3 =	simm.s32 $0x108;
	s8 =	sld [smem:$0x3FB6]  }
0x2e: {  	s3 =	simm.s32 @!p0 $0x1082;
	s9 =	sld [smem:$0x3FB7]  }
0x2f: {  	lr =	sadd.s32 s0, s3;
	s0 =	sld [smem:$0x3FAE]  }
0x30: {  	s3 =	sld [smem:$0x3FB1]  }
0x31: {  	[smem:$0x3FBA] =	sst s10  }
0x32: {  	s10 =	sld [smem:$0x3FB8];
	_ =	sdelay $0x3  }
0x33: {  	p0 =	seq.s32 s10, $0x1;
	s10 =	sld [smem:$0x3FBA];
	_ =	sdelay $0x3  }
0x34: {  	[smem:$0x3FBA] =	sst s10  }
0x35: {  	s10 =	sld [smem:$0x3FB9];
	_ =	sdelay $0x3  }
0x36: {  	p1 =	seq.s32 s10, $0x1;
	s10 =	sld [smem:$0x3FBA];
	_ =	sdelay $0x3  }
0x37: {  	[smem:$0x3FBA] =	sst s10  }
0x38: {  	s10 =	sld [smem:$0x3FBB]  }
0x39: {  	_ = 	snop;
	(pc) =	sbr.ind lr, $3  }
0x3a: {  	_ = 	snop  }
0x3b: {  	_ = 	snop  }
0x3c: {  	p2 =	seq.s32 s10, $0x1;
	s10 =	sld [smem:$0x3FBA]  }
0x3d: {  	_ =	shalt  }
0x3e: {  	_ =	shalt  }
0x3f: {  	_ =	shalt  }
0x40: {  	_ =	shalt  }
0x41: {  	_ =	shalt  }
0x42: {  	_ =	shalt  }
0x43: {  	_ =	shalt  }
0x44: {  	_ =	shalt  }
0x45: {  	_ =	shalt  }
0x46: {  	_ =	shalt  }
0x47: {  	_ =	shalt  }
0x48: {  	_ =	shalt  }
0x49: {  	_ =	shalt  }
0x4a: {  	_ =	shalt  }
0x4b: {  	_ =	shalt  }
0x4c: {  	_ =	shalt  }
0x4d: {  	_ =	shalt  }
0x4e: {  	_ =	shalt  }
0x4f: {  	_ =	shalt  }
0x50: {  	_ =	shalt  }
0x51: {  	_ =	shalt  }
0x52: {  	_ =	shalt  }
0x53: {  	_ =	shalt  }
0x54: {  	_ =	shalt  }
0x55: {  	_ =	shalt  }
0x56: {  	_ =	shalt  }
0x57: {  	_ =	shalt  }
0x58: {  	_ =	shalt  }
0x59: {  	_ =	shalt  }
0x5a: {  	_ =	shalt  }
0x5b: {  	_ =	shalt  }
0x5c: {  	_ =	shalt  }
0x5d: {  	_ =	shalt  }
0x5e: {  	_ =	shalt  }
0x5f: {  	_ =	shalt  }
0x60: {  	_ =	shalt  }
0x61: {  	_ =	shalt  }
0x62: {  	_ =	shalt  }
0x63: {  	_ =	shalt  }
0x64: {  	_ =	shalt  }
0x65: {  	_ =	shalt  }
0x66: {  	_ =	shalt  }
0x67: {  	_ =	shalt  }
0x68: {  	_ =	shalt  }
0x69: {  	_ =	shalt  }
0x6a: {  	_ =	shalt  }
0x6b: {  	_ =	shalt  }
0x6c: {  	_ =	shalt  }
0x6d: {  	_ =	shalt  }
0x6e: {  	_ =	shalt  }
0x6f: {  	_ =	shalt  }
0x70: {  	_ =	shalt  }
0x71: {  	_ =	shalt  }
0x72: {  	_ =	shalt  }
0x73: {  	_ =	shalt  }
0x74: {  	_ =	shalt  }
0x75: {  	_ =	shalt  }
0x76: {  	_ =	shalt  }
0x77: {  	_ =	shalt  }
0x78: {  	_ =	shalt  }
0x79: {  	_ =	shalt  }
0x7a: {  	_ =	shalt  }
0x7b: {  	_ =	shalt  }
0x7c: {  	_ =	shalt  }
0x7d: {  	_ =	shalt  }
0x7e: {  	_ =	shalt  }
0x7f: {  	_ =	shalt  }
0x80: {  	_ =	shalt  }
0x81: {  	_ =	shalt  }
0x82: {  	_ =	shalt  }
0x83: {  	_ =	shalt  }
0x84: {  	_ =	shalt  }
0x85: {  	_ =	shalt  }
0x86: {  	_ =	shalt  }
0x87: {  	_ =	shalt  }
.Lfunc_end0:
.L_simem_size_0:
called_computation_lowered:
.L_overlay_start_0:
0x88: {  	s0 =	sld [smem:$0x3FD9]  }
0x89: {  	s1 =	sld [smem:$0x3FFE];
	_ =	sdelay $0x3  }
0x8a: {  	s0 =	sadd.s32 s1, s0  }
0x8b: {  	[smem:$0x3FC6] =	sst s0  }
0x8c: {  	_ = 	snop  }
0x8d: {  	s0 =	sld [smem:$0x3FD0];
	(tm) =	ssettm $0x1  }
0x8e: {  	s16 =	sld [smem:$0x3FFB];
	_ =	sdelay $0x3  }
0x8f: {  	_ =	strace s16  }
0x90: {  	s1 =	sld [smem:$0x3FFC];
	_ =	sdelay $0x3  }
0x91: {  	_ =	strace s1  }
0x92: {  	s1 =	sld [smem:$0x3FFD];
	_ =	sdelay $0x3  }
0x93: {  	_ =	strace s1  }
0x94: {  	_ =	strace $0x8FFFFFFF  }
0x95: {  	s17 =	sld [smem:$0x3FDB];
	_ =	sdelay $0x1  }
0x96: {  	s2 =	simm.s32 $_scs_section_size  }
0x97: {  	s3 =	simm.s32 $_size__tile_overlayer_lowered;
	s4 =	simm.s32 $_tile_overlayer_lowered  }
0x98: {  	s20 =	simm.s32 $0x1BFF;
	s19 =	sshll.u32 s4, $0x1;
	s1 =	sadd.s32 s2, s17  }
0x99: {  	s5 =	simm.s32 $0x0;
	s18 =	sshll.u32 s3, $0x1;
	s3 =	sadd.s32 s19, s1  }
0x9a: {  	[timem:s5], [sflag:s20] =	dma.local [hbm:s3], s18  }
0x9b: {  	_ =	swait.ge [sflag:s20], s18  }
0x9c: {  	s2 =	ssub.s32 $0x0, s18;
	[sflag:s20] =	ssyncset.done $0x0  }
0x9d: {  	[sflag:s20] =	ssyncadd.s32 s2;
	_ =	sdelay $0x1  }
0x9e: {  	s21 =	simm.s32 $0x1B8B  }
0x9f: {  	_ =	swait.ge [sflag:s21], $0x1  }
0xa0: {  	[sflag:s21] =	ssyncset.done $0x0  }
0xa1: {  	s23 =	simm.s32 $0x1B8E;
	s22 =	sld [smem:$0x3FFE];
	[sflag:s21] =	ssyncadd.s32 $0xFFFFFFFF  }
0xa2: {  	s24 =	simm.s32 $execute0_lowered;
	[smem:$0x3FD2] =	sst s23  }
0xa3: {  	s3 =	sshll.u32 s24, $0x1;
	_ =	strace $0x80000046;
	[dreg:$0x1] =	wrdreg $0xFFFFFFFF  }
0xa4: {  	s25 =	simm.s32 $_size_execute0_lowered;
	s1 =	sadd.s32 s1, s3;
	[dreg:$0x0] =	wrdreg $0x0  }
0xa5: {  	s3 =	sshll.u32 s25, $0x1;
	[dreg:$0x2] =	wrdreg s1  }
0xa6: {  	[dreg:$0x3] =	wrdreg s3  }
0xa7: {  	[dreg:$0x4] =	wrdreg $0xC0  }
0xa8: {  	_ =	task [dreg:s5], $0x5FFFF  }
0xa9: {  	[dreg:$0x1] =	wrdreg $0xFFFFFFFF  }
0xaa: {  	[dreg:$0x0] =	wrdreg $0x60  }
0xab: {  	[dreg:$0x2] =	wrdreg s22  }
0xac: {  	[dreg:$0x3] =	wrdreg s0  }
0xad: {  	[dreg:$0x4] =	wrdreg $0x9  }
0xae: {  	_ =	task.clear_ibuf [dreg:s5], $0x5FFFF;
	_ =	strace $0x90000046  }
0xaf: {  	s26 =	simm.s32 $0x9;
	_ =	strace $0x80000048  }
0xb0: {  	_ =	swait.ge [sflag:s26], $0x1  }
0xb1: {  	[sflag:s26] =	ssyncadd.s32 $0xFFFFFFFF  }
0xb2: {  	_ =	strace $0x90000048  }
0xb3: {  	_ =	sfence  }
0xb4: {  	s28 =	sld [smem:$0x0];
	_ =	sdelay $0x1  }
0xb5: {  	s29 =	srdreg.scid  }
0xb6: {  	s30 =	sshll.u32 s29, $0xD;
	s31 =	sshrl.u32 s29, $0x2  }
0xb7: {  	s2 =	sand.u32 $0x4000, s30;
	s1 =	sand.u32 $0x1, s29;
	s0 =	sadd.s32 s31, s28  }
0xb8: {  	s1 =	sor.u32 s2, s1;
	s0 =	sshll.u32 s0, $0x11  }
0xb9: {  	s0 =	sor.u32 s0, s1  }
0xba: {  	s0 =	sadd.s32 $0x8F2B, s0  }
0xbb: {  	[sflag:s0] =	ssyncadd.remote.s32 $0x1  }
0xbc: {  	_ =	sfence.sel $0xFFFF  }
0xbd: {  	[dreg:$0x0] =	wrdreg $0xFFFFFFFF;
	(pc) =	sbr.abs _section_cstart, $3  }
0xbe: {  	[dreg:$0x1] =	wrdreg $0xFFFFFFFF  }
0xbf: {  	_ =	task.clear_ibuf [dreg:s5], $0x2FFFF;
	_ =	strace $0x9FFFFFFF  }
0xc0: {  	(tm) =	ssettm $0x7FFFFFFF  }
0xc1: {  	_ =	shalt  }
tec
execute0_lowered:
.L_overlay_start_1:
0x0: {  	(tag) =	ssettag $0x1  }
0x1: {  	s4 =	rddreg [dreg:$0x0];
	s1 =	stileid.u32  }
0x2: {  	s2 =	rddreg [dreg:$0x1];
	s3 =	smul.u32 $0x500, s1  }
0x3: {  	s0 =	rddreg [dreg:$0x2];
	s5 =	simm.s32 $0x0  }
0x4: {  	[smem:$0x7FF] =	sst s5;
	s6 =	sshrl.u32 s3, $0x3  }
0x5: {  	s7 =	simm.s32 $0x1;
	_ =	strace $0x80000047;
	s6 =	sadd.s32 s4, s6  }
0x6: {  	[tilespmem:s5], [sflag:$0x1] =	stream.linear.gather [hbm4b:s6+s5], $0x500, $0x38;
	[tilespmem:$0x3080] =	vst v63  }
0x7: {  	_ =	swait.ge [sflag:s7], $0x500  }
0x8: {  	[sflag:s7] =	ssyncset.done $0x0  }
0x9: {  	s9 =	simm.s32 $0x500;
	s8 =	sadd.s32 $0xA00, s6;
	[sflag:s7] =	ssyncadd.s32 $0xFFFFFB00  }
0xa: {  	[tilespmem:s9], [sflag:$0x1] =	stream.linear.gather [hbm4b:s8+s5], $0x500, $0x38;
	[tilespmem:$0x3080] =	vst v63  }
0xb: {  	_ =	swait.ge [sflag:s7], $0x500  }
0xc: {  	[sflag:s7] =	ssyncset.done $0x0  }
0xd: {  	s26 =	simm.s32 $0xA00;
	s25 =	sadd.s32 $0x1400, s6;
	[sflag:s7] =	ssyncadd.s32 $0xFFFFFB00  }
0xe: {  	[tilespmem:s26], [sflag:$0x1] =	stream.linear.gather [hbm4b:s25+s5], $0x500, $0x38;
	[tilespmem:$0x3080] =	vst v63  }
0xf: {  	_ =	swait.ge [sflag:s7], $0x500  }
0x10: {  	[sflag:s7] =	ssyncset.done $0x0  }
0x11: {  	s29 =	simm.s32 $0xF00;
	s28 =	sadd.s32 $0x1E00, s6;
	[sflag:s7] =	ssyncadd.s32 $0xFFFFFB00  }
0x12: {  	[tilespmem:s29], [sflag:$0x1] =	stream.linear.gather [hbm4b:s28+s5], $0x500, $0x38;
	[tilespmem:$0x3080] =	vst v63  }
0x13: {  	_ =	swait.ge [sflag:s7], $0x500  }
0x14: {  	[sflag:s7] =	ssyncset.done $0x0  }
0x15: {  	s30 =	simm.s32 $0x1900;
	s6 =	sadd.s32 $0x2800, s6;
	[sflag:s7] =	ssyncadd.s32 $0xFFFFFB00  }
0x16: {  	[tilespmem:s30], [sflag:$0x1] =	stream.linear.gather [hbm4b:s6+s5], $0x500, $0x38;
	[tilespmem:$0x3080] =	vst v63  }
0x17: {  	_ =	swait.ge [sflag:s7], $0x500  }
0x18: {  	v0 =	vlaneseq.u32;
	s31 =	simm.s32 $0x0;
	s4 =	sadd.s32 $0x3200, s4;
	[sflag:s7] =	ssyncset.done $0x0  }
0x19: {  	v1 =	vimm.f32 $0.0e+00;
	v2 =	vor.u32 s31, v0;
	s5 =	simm.s32 $0x2080;
	s6 =	simm.s32 $0x1;
	[sflag:s7] =	ssyncadd.s32 $0xFFFFFB00  }
.LBB2_1:
0x1a: {  	p0 =	sne.s32 s6, $0x1D  }
.Ltmp0:
0x1b: {  	_ = 	snop;
	(pc) =	sbr.rel @p0 .LBB2_1-.Ltmp0, $3  }
0x1c: {  	_ =	sdelay $0x1  }
0x1d: {  	s7 =	sshll.u32 s6, $0x7;
	s6 =	sadd.s32 $0x1, s6;
	[tilespmem:v2+s5+$0x0] =	vst.idx.msk $0x1f, v1  }
0x1e: {  	v2 =	vor.u32 s7, v0  }
0x1f: {  	_ =	sdelay $0x3  }
0x20: {  	[tilespmem:v2+s5+$0x0] =	vst.idx.msk $0x1f, v1;
	s15 =	simm.s32 $0x0  }
0x21: {  	v0 =	vld [tilespmem:s15+$0xF30]  }
0x22: {  	v3 =	vld [tilespmem:s15+$0xA20]  }
0x23: {  	v4 =	vld [tilespmem:s15+$0xA30]  }
0x24: {  	v6 =	vld [tilespmem:s15+$0xF00]  }
0x25: {  	v1 =	vld [tilespmem:s15+$0x1900]  }
0x26: {  	v7 =	vld [tilespmem:s15+$0x30]  }
0x27: {  	v9 =	vld [tilespmem:s15+$0x500]  }
0x28: {  	v10 =	vld [tilespmem:s15+$0x20]  }
0x29: {  	v11 =	vld [tilespmem:s15+$0x1930]  }
0x2a: {  	v12 =	vld [tilespmem:s15+$0x1910]  }
0x2b: {  	v19 =	vld [tilespmem:s15+$0x530]  }
0x2c: {  	v18 =	vld [tilespmem:s15+$0xA00]  }
0x2d: {  	v24 =	vld [tilespmem:s15+$0x0]  }
0x2e: {  	v26 =	vld [tilespmem:s15+$0xA10]  }
0x2f: {  	v30 =	vld [tilespmem:s15+$0x10]  }
0x30: {  	v2 =	vlaneseq.u32;
	s31 =	sadd.s32 $0x20, s3;
	v20 =	vimm.f32 $-1.000000020e+30;
	s6 =	sadd.s32 $0x30, s3;
	s7 =	sadd.s32 $0x10, s3;
	v5 =	vld [tilespmem:s15+$0x1920]  }
0x31: {  	v21 =	vor.u32 s31, v2;
	v22 =	vor.u32 s6, v2;
	v23 =	vor.u32 s7, v2  }
0x32: {  	vm0 =	vge.f32 v1, $2.000000030e-01;
	v25 =	vsub.f32 v4, v7;
	v6 =	vsub.f32 v6, v9  }
0x33: {  	vm1 =	vge.f32 v12, $2.000000030e-01;
	v3 =	vsub.f32 v3, v10;
	v24 =	vsub.f32 v18, v24  }
0x34: {  	vm2 =	vge.f32 v11, $2.000000030e-01;
	v19 =	vsub.f32 v0, v19;
	v62 =	vsub.f32 v26, v30  }
0x35: {  	v16 =	vld [tilespmem:s15+$0xF10];
	v13 =	vnsel vm0, $0xF149F2CA, v1;
	vm0 =	vge.f32 v5, $2.000000030e-01;
	v1 =	vimm.s32 $0x0  }
0x36: {  	v28 =	vld [tilespmem:s15+$0x520];
	v9 =	vnsel vm1, $0xF149F2CA, v12;
	v14 =	vnsel vm2, $0xF149F2CA, v11;
	v8 =	vnsel vm0, $0xF149F2CA, v5  }
0x37: {  	v12 =	vld [tilespmem:s15+$0x510];
	v5 =	vor.u32 s3, v2;
	vm0 =	vgt.f32 v13, v20;
	v61 =	vmul.f32 v6, v24  }
0x38: {  	v11 =	vld [tilespmem:s15+$0xF20];
	v63 =	vmul.f32 v19, v25;
	v4 =	vsel vm0, v20, v13;
	v27 =	vsel vm0, v13, v20  }
0x39: {  	v10 =	vsel vm0, v5, v1;
	vm1 =	vgt.f32 v4, v20;
	vm4 =	vgt.f32 v9, v27  }
0x3a: {  	[tilespmem:s15+$0x1900] =	vst v13;
	v7 =	vsel vm1, v20, v4;
	v13 =	vsel vm1, v4, v20;
	v17 =	vsel vm4, v9, v27  }
0x3b: {  	v0 =	vsel vm4, v23, v10;
	v10 =	vsel vm4, v10, v23;
	v19 =	vsel vm4, v27, v9  }
0x3c: {  	[tilespmem:s15+$0x1910] =	vst v9;
	v9 =	vimm.s32 $0x0;
	vm2 =	vgt.f32 v7, v20;
	vm5 =	vgt.f32 v8, v17  }
0x3d: {  	v11 =	vsub.f32 v11, v28;
	v12 =	vsub.f32 v16, v12;
	vm4 =	vgt.f32 v19, v13  }
0x3e: {  	[tilespmem:s15+$0x1930] =	vst v14;
	v15 =	vsel vm2, v7, v20;
	v29 =	vsel vm2, v20, v7;
	v18 =	vsel vm5, v8, v17  }
0x3f: {  	[tilespmem:s15+$0x1920] =	vst v8;
	v31 =	vsel vm5, v21, v0;
	v7 =	vsel vm5, v0, v21;
	vm3 =	vgt.f32 v29, v20  }
0x40: {  	[tilespmem:s15+$0x1400] =	vst v61;
	vm6 =	vgt.f32 v14, v18;
	v11 =	vmul.f32 v11, v3;
	v3 =	vmul.f32 v12, v62  }
0x41: {  	[tilespmem:s15+$0x1430] =	vst v63;
	v12 =	vimm.s32 $0x0;
	v4 =	vsel vm6, v14, v18;
	v0 =	vsel vm6, v22, v31  }
0x42: {  	s5 =	smov.u32 s3;
	s7 =	simm.s32 $0x100;
	v6 =	vsel vm6, v31, v22;
	v16 =	vsel vm3, v29, v20;
	[tilespmem:s15+$0x1420] =	vst v11;
	v11 =	vimm.s32 $0x0  }
.LBB2_3:
0x43: {  	s6 =	smov.u32 s7  }
0x44: {  	[tilespmem:s15+$0x1410] =	vst v3;
	s15 =	sshra.s32 s7, $0x2;
	v3 =	vsel vm4, v13, v19;
	v14 =	vsel vm6, v18, v14;
	s5 =	sadd.s32 $0x40, s5;
	s6 =	sadd.s32 $0x100, s7  }
0x45: {  	p0 =	sne.s32 s7, $0x1300;
	v5 =	vsel vm0, v1, v5;
	v8 =	vsel vm5, v17, v8;
	v1 =	vmovc v0;
	vm6 =	vgt.f32 v3, v15;
	v20 =	vld [tilespmem:s15+$0xF30]  }
0x46: {  	v13 =	vsel vm4, v19, v13;
	v18 =	vsel vm6, v3, v15;
	v3 =	vsel vm6, v15, v3;
	v17 =	vld [tilespmem:s15+$0xA20]  }
0x47: {  	v19 =	vsel vm1, v5, v9;
	v5 =	vsel vm1, v9, v5;
	vm0 =	vgt.f32 v8, v13;
	v15 =	vld [tilespmem:s15+$0xA30]  }
0x48: {  	v21 =	vsel vm2, v5, v12;
	v22 =	vsel vm4, v19, v10;
	v23 =	vsel vm0, v8, v13;
	v9 =	vld [tilespmem:s15+$0xF00]  }
0x49: {  	v5 =	vsel vm2, v12, v5;
	v8 =	vsel vm0, v13, v8;
	v12 =	vsel vm6, v21, v22;
	v24 =	vld [tilespmem:s15+$0x30]  }
0x4a: {  	v5 =	vsel vm3, v5, v11;
	vm1 =	vgt.f32 v3, v16;
	vm2 =	vgt.f32 v8, v18;
	v13 =	vld [tilespmem:s15+$0x500]  }
0x4b: {  	s7 =	sadd.s32 $0x20, s5;
	s8 =	sadd.s32 $0x30, s5;
	v21 =	vsel vm6, v22, v21;
	v12 =	vsel vm1, v12, v5;
	v22 =	vsel vm2, v18, v8;
	v11 =	vld [tilespmem:s15+$0x20]  }
0x4c: {  	s9 =	sadd.s32 $0x10, s5;
	v25 =	vor.u32 s7, v2;
	v27 =	vor.u32 s8, v2;
	v18 =	vsel vm2, v8, v18;
	v26 =	vld [tilespmem:s15+$0x1930]  }
0x4d: {  	v28 =	vor.u32 s9, v2;
	v10 =	vsel vm4, v10, v19;
	v3 =	vsel vm1, v3, v16;
	v8 =	vld [tilespmem:s15+$0x1920]  }
0x4e: {  	v5 =	vor.u32 s5, v2;
	vm1 =	vgt.f32 v14, v23;
	v16 =	vld [tilespmem:s15+$0x1900];
	v19 =	vsub.f32 v15, v24  }
0x4f: {  	v15 =	vsel vm1, v23, v14;
	v24 =	vsub.f32 v9, v13;
	v13 =	vld [tilespmem:s15+$0x1910];
	v9 =	vsel vm0, v7, v10  }
0x50: {  	v7 =	vsel vm0, v10, v7;
	vm3 =	vgt.f32 v15, v18;
	v29 =	vsub.f32 v17, v11  }
0x51: {  	v10 =	vsel vm1, v9, v6;
	v11 =	vsel vm3, v18, v15;
	vm4 =	vge.f32 v26, $2.000000030e-01  }
0x52: {  	v23 =	vsel vm1, v14, v23;
	vm0 =	vgt.f32 v22, v3;
	v17 =	vsel vm2, v21, v7  }
0x53: {  	v3 =	vsel vm0, v22, v3;
	v9 =	vsel vm1, v6, v9;
	vm5 =	vge.f32 v16, $2.000000030e-01  }
0x54: {  	vm1 =	vge.f32 v8, $2.000000030e-01;
	v6 =	vnsel vm5, $0xF149F2CA, v16;
	v16 =	vsel vm0, v17, v12  }
0x55: {  	vm6 =	vge.f32 v13, $2.000000030e-01;
	vm5 =	vgt.f32 v11, v3;
	[tilespmem:s15+$0x1900] =	vst v6;
	vm0 =	vgt.f32 v6, v4;
	v22 =	vld [tilespmem:s15+$0xF10]  }
0x56: {  	v18 =	vsel vm3, v15, v18;
	v8 =	vnsel vm1, $0xF149F2CA, v8;
	v30 =	vsel vm0, v6, v4;
	v31 =	vld [tilespmem:s15+$0x530]  }
0x57: {  	v33 =	vnsel vm6, $0xF149F2CA, v13;
	v0 =	vsel vm0, v5, v0;
	v4 =	vsel vm0, v4, v6;
	v32 =	vld [tilespmem:s15+$0xA00];
	[tilespmem:s15+$0x1920] =	vst v8  }
0x58: {  	v7 =	vsel vm2, v7, v21;
	v3 =	vsel vm5, v11, v3;
	vm1 =	vgt.f32 v4, v23;
	v6 =	vld [tilespmem:s15+$0x0]  }
0x59: {  	v14 =	vnsel vm4, $0xF149F2CA, v26;
	v11 =	vsel vm3, v7, v10;
	v13 =	vsel vm1, v4, v23;
	v21 =	vld [tilespmem:s15+$0xA10]  }
0x5a: {  	v12 =	vsel vm3, v10, v7;
	vm4 =	vgt.f32 v33, v30;
	v4 =	vsel vm1, v23, v4;
	v23 =	vld [tilespmem:s15+$0x510];
	[tilespmem:s15+$0x1910] =	vst v33  }
0x5b: {  	v11 =	vsel vm5, v11, v16;
	v17 =	vsel vm4, v33, v30;
	vm2 =	vgt.f32 v4, v18;
	v26 =	vld [tilespmem:s15+$0xF20];
	[tilespmem:s15+$0x1930] =	vst v14  }
0x5c: {  	vm5 =	vgt.f32 v8, v17;
	v15 =	vsel vm2, v4, v18;
	v16 =	vsel vm2, v18, v4;
	v34 =	vld [tilespmem:s15+$0x520]  }
0x5d: {  	v18 =	vsel vm5, v8, v17;
	v20 =	vsub.f32 v20, v31;
	v32 =	vsub.f32 v32, v6;
	v35 =	vld [tilespmem:s15+$0x10]  }
0x5e: {  	v4 =	vsel vm4, v28, v0;
	vm3 =	vgt.f32 v16, v3;
	vm6 =	vgt.f32 v14, v18  }
0x5f: {  	v7 =	vsel vm5, v4, v25;
	v6 =	vsel vm5, v25, v4;
	v4 =	vsel vm6, v14, v18  }
0x60: {  	v10 =	vsel vm4, v0, v28;
	v0 =	vsel vm6, v27, v6;
	v6 =	vsel vm6, v6, v27  }
.Ltmp1:
0x61: {  	v16 =	vsel vm3, v16, v3;
	v24 =	vmul.f32 v24, v32;
	v3 =	vsub.f32 v26, v34;
	(pc) =	sbr.rel @p0 .LBB2_3-.Ltmp1, $4  }
0x62: {  	v20 =	vmul.f32 v20, v19;
	v22 =	vsub.f32 v22, v23;
	v21 =	vsub.f32 v21, v35  }
0x63: {  	[tilespmem:s15+$0x1400] =	vst v24;
	v23 =	vmul.f32 v3, v29  }
0x64: {  	v19 =	vsel vm4, v30, v33;
	v3 =	vmul.f32 v22, v21;
	[tilespmem:s15+$0x1430] =	vst v20  }
0x65: {  	s7 =	smov.u32 s6;
	vm4 =	vgt.f32 v19, v13;
	[tilespmem:s15+$0x1420] =	vst v23  }
0x66: {  	v2 =	vsel vm5, v17, v8;
	v23 =	vsel vm4, v13, v19;
	v24 =	vsel vm4, v19, v13  }
0x67: {  	vm7 =	vgt.f32 v23, v15;
	vm5 =	vgt.f32 v2, v24  }
0x68: {  	v14 =	vsel vm6, v18, v14;
	v25 =	vsel vm7, v23, v15;
	v26 =	vsel vm5, v24, v2  }
0x69: {  	v8 =	vsel vm7, v15, v23;
	v2 =	vsel vm5, v2, v24;
	vm8 =	vgt.f32 v26, v25  }
0x6a: {  	vm10 =	vgt.f32 v8, v16;
	vm9 =	vgt.f32 v14, v2;
	v27 =	vsel vm8, v25, v26  }
0x6b: {  	v28 =	vsel vm8, v26, v25;
	v8 =	vsel vm10, v8, v16;
	v29 =	vsel vm9, v2, v14  }
0x6c: {  	vm6 =	vgt.f32 v29, v28;
	vm11 =	vgt.f32 v27, v8  }
0x6d: {  	v17 =	vsel vm6, v28, v29;
	v8 =	vsel vm11, v27, v8  }
0x6e: {  	vm12 =	vgt.f32 v17, v8  }
0x6f: {  	v2 =	vsel vm9, v14, v2;
	v30 =	vsel vm6, v29, v28;
	v8 =	vsel vm12, v17, v8  }
0x70: {  	v14 =	vmax.f32 v4, v2;
	v15 =	vmax.f32 v30, v8  }
0x71: {  	v14 =	vmax.f32 v14, v15  }
0x72: {  	(xrf0) =	vmax.scan.msk.f32 $0xffff, v14  }
0x73: {  	v1 =	vsel vm0, v1, v5  }
0x74: {  	v5 =	vsel vm1, v1, v9;
	v1 =	vsel vm1, v9, v1  }
0x75: {  	v9 =	vsel vm2, v1, v12;
	v31 =	vsel vm4, v5, v10  }
0x76: {  	v1 =	vsel vm2, v12, v1;
	v5 =	vsel vm4, v10, v5;
	v32 =	vsel vm7, v9, v31  }
0x77: {  	v1 =	vsel vm3, v1, v11;
	v9 =	vsel vm7, v31, v9;
	v10 =	vsel vm5, v7, v5  }
0x78: {  	v5 =	vsel vm5, v5, v7;
	v1 =	vsel vm10, v32, v1;
	v33 =	vsel vm9, v10, v6;
	v34, _, _ =	vpop (xrf0)  }
0x79: {  	v35 =	vsel vm8, v9, v5;
	v5 =	vsel vm8, v5, v9;
	v36 =	vbroadcast v34, $0xF  }
0x7a: {  	v37 =	vsel vm9, v6, v10;
	v1 =	vsel vm11, v35, v1;
	v38 =	vsel vm6, v5, v33  }
0x7b: {  	v1 =	vsel vm12, v38, v1;
	vm0 =	veq.f32 v2, v36;
	vm1 =	veq.f32 v8, v36  }
0x7c: {  	v5 =	vsel vm6, v33, v5;
	v39 =	vnsel vm0, $0x7FFFFFFF, v37;
	v10 =	vnsel vm1, $0x7FFFFFFF, v1  }
0x7d: {  	vm2 =	veq.f32 v4, v36;
	vm3 =	vlt.s32 v0, v39;
	vm4 =	vlt.s32 v5, v10  }
0x7e: {  	v40 =	vsel vm3, v0, v39;
	vm3 =	veq.f32 v30, v36;
	v41 =	vsel vm4, v5, v10  }
0x7f: {  	v7 =	vsel vm2, v40, v39;
	v9 =	vsel vm3, v41, v10  }
0x80: {  	vm4 =	vlt.s32 v7, v9  }
0x81: {  	v7 =	vsel vm4, v7, v9  }
0x82: {  	v7 =	vxor.u32 $0x80000000, v7  }
0x83: {  	(xrf0) =	vmin.scan.msk.u32 $0xffff, v7;
	_ =	sdelay $0x5  }
0x84: {  	(v2sf) =	vpush v34, $0xF;
	v7, _, _ =	vpop (xrf0)  }
0x85: {  	(v2sf) =	vpush v7, $0xF;
	_ =	sdelay $0xd  }
0x86: {  	s18 =	spop (v2sf)  }
0x87: {  	s5 =	spop (v2sf)  }
0x88: {  	s19 =	sxor.u32 $0x80000000, s5  }
0x89: {  	vm4 =	veq.s32 v0, s19  }
0x8a: {  	vm5 =	veq.s32 v1, s19;
	vm2 =	vmand vm2, vm4  }
0x8b: {  	vm4 =	veq.s32 v5, s19;
	v42 =	vsel vm2, $0xF149F2CA, v4;
	vm2 =	veq.s32 v37, s19  }
0x8c: {  	vm1 =	vmand vm1, vm5;
	vm0 =	vmand vm0, vm2;
	vm2 =	vmand vm3, vm4  }
0x8d: {  	v8 =	vsel vm1, $0xF149F2CA, v8;
	v2 =	vsel vm0, $0xF149F2CA, v2;
	v43 =	vsel vm2, $0xF149F2CA, v30  }
0x8e: {  	v44 =	vmax.f32 v42, v2;
	v45 =	vmax.f32 v43, v8  }
0x8f: {  	v9 =	vmax.f32 v44, v45  }
0x90: {  	(xrf0) =	vmax.scan.msk.f32 $0xffff, v9;
	_ =	sdelay $0x5  }
0x91: {  	v9, _, _ =	vpop (xrf0)  }
0x92: {  	v46 =	vbroadcast v9, $0xF;
	_ =	sdelay $0x1  }
0x93: {  	vm0 =	veq.f32 v2, v46;
	vm1 =	veq.f32 v8, v46  }
0x94: {  	v47 =	vnsel vm0, $0x7FFFFFFF, v37;
	v48 =	vnsel vm1, $0x7FFFFFFF, v1  }
0x95: {  	vm2 =	veq.f32 v42, v46;
	vm3 =	vlt.s32 v0, v47;
	vm4 =	vlt.s32 v5, v48  }
0x96: {  	v49 =	vsel vm3, v0, v47;
	vm3 =	veq.f32 v43, v46;
	v50 =	vsel vm4, v5, v48  }
0x97: {  	v11 =	vsel vm2, v49, v47;
	v10 =	vsel vm3, v50, v48  }
0x98: {  	vm4 =	vlt.s32 v11, v10  }
0x99: {  	v10 =	vsel vm4, v11, v10  }
0x9a: {  	v10 =	vxor.u32 $0x80000000, v10  }
0x9b: {  	(xrf0) =	vmin.scan.msk.u32 $0xffff, v10;
	_ =	sdelay $0x5  }
0x9c: {  	(v2sf) =	vpush v9, $0xF;
	v51, _, _ =	vpop (xrf0)  }
0x9d: {  	(v2sf) =	vpush v51, $0xF;
	_ =	sdelay $0xd  }
0x9e: {  	s20 =	spop (v2sf)  }
0x9f: {  	s29 =	spop (v2sf)  }
0xa0: {  	s21 =	sxor.u32 $0x80000000, s29  }
0xa1: {  	vm4 =	veq.s32 v0, s21  }
0xa2: {  	vm5 =	veq.s32 v1, s21;
	vm2 =	vmand vm2, vm4  }
0xa3: {  	vm4 =	veq.s32 v5, s21;
	v4 =	vsel vm2, $0xF149F2CA, v42;
	vm2 =	veq.s32 v37, s21  }
0xa4: {  	vm1 =	vmand vm1, vm5;
	vm0 =	vmand vm0, vm2;
	vm2 =	vmand vm3, vm4  }
0xa5: {  	v8 =	vsel vm1, $0xF149F2CA, v8;
	v2 =	vsel vm0, $0xF149F2CA, v2;
	v7 =	vsel vm2, $0xF149F2CA, v43  }
0xa6: {  	v52 =	vmax.f32 v4, v2;
	v53 =	vmax.f32 v7, v8  }
0xa7: {  	v9 =	vmax.f32 v52, v53  }
0xa8: {  	(xrf0) =	vmax.scan.msk.f32 $0xffff, v9;
	_ =	sdelay $0x5  }
0xa9: {  	v9, _, _ =	vpop (xrf0)  }
0xaa: {  	v54 =	vbroadcast v9, $0xF;
	_ =	sdelay $0x1  }
0xab: {  	vm0 =	veq.f32 v2, v54;
	vm1 =	veq.f32 v8, v54  }
0xac: {  	v55 =	vnsel vm0, $0x7FFFFFFF, v37;
	v56 =	vnsel vm1, $0x7FFFFFFF, v1  }
0xad: {  	vm2 =	veq.f32 v4, v54;
	vm3 =	vlt.s32 v0, v55;
	vm4 =	vlt.s32 v5, v56  }
0xae: {  	v57 =	vsel vm3, v0, v55;
	vm3 =	veq.f32 v7, v54;
	v58 =	vsel vm4, v5, v56  }
0xaf: {  	v11 =	vsel vm2, v57, v55;
	v10 =	vsel vm3, v58, v56  }
0xb0: {  	vm4 =	vlt.s32 v11, v10  }
0xb1: {  	v10 =	vsel vm4, v11, v10  }
0xb2: {  	v10 =	vxor.u32 $0x80000000, v10  }
0xb3: {  	(xrf0) =	vmin.scan.msk.u32 $0xffff, v10;
	_ =	sdelay $0x5  }
0xb4: {  	(v2sf) =	vpush v9, $0xF;
	v59, _, _ =	vpop (xrf0)  }
0xb5: {  	(v2sf) =	vpush v59, $0xF;
	_ =	sdelay $0xd  }
0xb6: {  	s22 =	spop (v2sf)  }
0xb7: {  	s30 =	spop (v2sf)  }
0xb8: {  	s23 =	sxor.u32 $0x80000000, s30  }
0xb9: {  	vm4 =	veq.s32 v0, s23  }
0xba: {  	vm5 =	veq.s32 v1, s23;
	vm2 =	vmand vm2, vm4  }
0xbb: {  	vm4 =	veq.s32 v5, s23;
	v4 =	vsel vm2, $0xF149F2CA, v4;
	vm2 =	veq.s32 v37, s23  }
0xbc: {  	vm1 =	vmand vm1, vm5;
	vm0 =	vmand vm0, vm2;
	vm2 =	vmand vm3, vm4  }
0xbd: {  	v8 =	vsel vm1, $0xF149F2CA, v8;
	v2 =	vsel vm0, $0xF149F2CA, v2;
	v7 =	vsel vm2, $0xF149F2CA, v7  }
0xbe: {  	v60 =	vmax.f32 v4, v2;
	v61 =	vmax.f32 v7, v8  }
0xbf: {  	v9 =	vmax.f32 v60, v61  }
0xc0: {  	(xrf0) =	vmax.scan.msk.f32 $0xffff, v9;
	_ =	sdelay $0x5  }
0xc1: {  	v9, _, _ =	vpop (xrf0)  }
0xc2: {  	v62 =	vbroadcast v9, $0xF;
	_ =	sdelay $0x1  }
0xc3: {  	vm0 =	veq.f32 v2, v62;
	vm1 =	veq.f32 v8, v62  }
0xc4: {  	v2 =	vnsel vm0, $0x7FFFFFFF, v37;
	v1 =	vnsel vm1, $0x7FFFFFFF, v1  }
0xc5: {  	vm0 =	veq.f32 v4, v62;
	vm1 =	vlt.s32 v0, v2;
	vm2 =	vlt.s32 v5, v1  }
0xc6: {  	v0 =	vsel vm1, v0, v2;
	vm1 =	veq.f32 v7, v62;
	v63 =	vsel vm2, v5, v1  }
0xc7: {  	v0 =	vsel vm0, v0, v2;
	v1 =	vsel vm1, v63, v1  }
0xc8: {  	vm0 =	vlt.s32 v0, v1  }
0xc9: {  	v0 =	vsel vm0, v0, v1  }
0xca: {  	v0 =	vxor.u32 $0x80000000, v0  }
0xcb: {  	(xrf0) =	vmin.scan.msk.u32 $0xffff, v0;
	_ =	sdelay $0x5  }
0xcc: {  	(v2sf) =	vpush v9, $0xF;
	v0, _, _ =	vpop (xrf0)  }
0xcd: {  	(v2sf) =	vpush v0, $0xF;
	_ =	sdelay $0x3  }
0xce: {  	vm13 =	vcmask $0x3F04;
	vm7 =	vcmask $0x3F38  }
0xcf: {  	vm6 =	vcmask $0x300;
	vm11 =	vcmask $0x3F0C;
	vm5 =	vcmask $0x2F28  }
0xd0: {  	vm3 =	vcmask $0x1F18;
	vm1 =	vcmask $0xF0C;
	vm0 =	vcmask $0x1F1C  }
0xd1: {  	vm4 =	vcmask $0xF08;
	vm0 =	vmor vm1, vm0;
	vm1 =	vcmask $0x2F2C  }
0xd2: {  	vm4 =	vmor vm4, vm3;
	vm0 =	vmor vm0, vm1;
	vm1 =	vcmask $0x3F3C  }
0xd3: {  	s31 =	sshll.u32 s1, $0x6;
	vm3 =	vcmask $0x1310;
	v1 =	vimm.s32 $0x0;
	vm0 =	vmor vm0, vm1  }
0xd4: {  	s6 =	sshll.u32 s1, $0x5;
	s7 =	simm.s32 $0x500;
	s8 =	simm.s32 $0xA00;
	vm4 =	vmor vm4, vm5;
	vm5 =	vmor vm6, vm3;
	v1 =	vsel vm0, $0xFFFFFFFF, v1  }
0xd5: {  	s9 =	simm.s32 $0xF00;
	s10 =	simm.s32 $0x1E00;
	s11 =	simm.s32 $0x1;
	vm6 =	vcmask $0x2320;
	vm0 =	vmor vm4, vm7;
	[tilespmem:$0x1FFD0] =	vst v1;
	v1 =	vimm.s32 $0x0  }
0xd6: {  	s12 =	simm.s32 $0x80;
	s13 =	simm.s32 $0x100;
	s14 =	simm.s32 $0x1E80;
	[tilespmem:s15+$0x1410] =	vst v3;
	vm5 =	vmor vm5, vm6;
	vm6 =	vcmask $0x3330;
	v1 =	vsel vm0, $0xFFFFFFFF, v1  }
0xd7: {  	s15 =	simm.s32 $0x2080;
	s16 =	simm.s32 $0x0;
	s17 =	simm.s32 $0x0;
	vm12 =	vcmask $0x3F08;
	vm0 =	vmor vm5, vm6;
	[tilespmem:$0x1FFE0] =	vst v1;
	v1 =	vimm.s32 $0x0  }
0xd8: {  	s6 =	sand.u32 $0x60, s6;
	s5 =	sand.u32 $0x300, s31;
	vm2 =	vcmask $0x3F10;
	v2 =	vimm.s32 $0x0;
	s24 =	spop (v2sf);
	v1 =	vsel vm0, $0xFFFFFFFF, v1  }
0xd9: {  	s5 =	sor.u32 s5, s6;
	s6 =	simm.s32 $0x0;
	vm7 =	vmxor vm7, vm7;
	v0 =	vmov s3;
	[tilespmem:$0x1FFF0] =	vst v1;
	v1 =	vlaneseq.u32;
	s25 =	spop (v2sf)  }
.LBB2_5:
0xda: {  	s25 =	sxor.u32 $0x80000000, s25  }
0xdb: {  	vm0 =	vcmask $0x2F20;
	v3 =	vmov s25  }
0xdc: {  	v4 =	vsel vm0, s23, v3;
	vm0 =	vcmask $0x3F20  }
0xdd: {  	v4 =	vnsel vm0, s21, v4  }
0xde: {  	v4 =	vnsel vm2, s19, v4  }
0xdf: {  	v5 =	vsub.s32 v4, v0  }
0xe0: {  	v4 =	vand.u32 $0x7F, v4;
	v5 =	vand.u32 $0xFFFFFF80, v5  }
0xe1: {  	v4 =	vor.u32 v4, v5  }
0xe2: {  	v3 =	vsel vm0, $0x0, v3;
	vm0 =	vcmask $0x3F1C;
	v5 =	vmov s23  }
0xe3: {  	v7 =	vmov s21;
	v3 =	vsel vm0, v3, v5;
	vm0 =	vcmask $0x3F18  }
0xe4: {  	v5 =	vmov s19;
	v3 =	vsel vm0, v3, v7;
	vm0 =	vcmask $0x3F14  }
0xe5: {  	v3 =	vsel vm0, v3, v5;
	v5 =	vld [tilespmem:$0x1FFD0]  }
0xe6: {  	v6 =	vld.idx.msk [tilespmem:v4+s8+$0x0], $0xffff  }
0xe7: {  	v8 =	vld.idx.msk [tilespmem:v4+s9+$0x0], $0xffff;
	_ =	sdelay $0x3  }
0xe8: {  	vm1 =	vnez.u8 v5  }
0xe9: {  	v5 =	vsel vm1, v8, v6;
	v6 =	vld [tilespmem:$0x1FFE0];
	_ =	sdelay $0x3  }
0xea: {  	s30 =	sshrl.u32 s16, $0x1F;
	v9 =	vld.idx.msk [tilespmem:v4+s7+$0x0], $0xffff  }
0xeb: {  	s31 =	sadd.s32 s30, s16;
	vm1 =	vnez.u8 v6;
	v6 =	vld [tilespmem:$0x1FFF0]  }
0xec: {  	s19 =	sand.u32 $0xFFFFFFFE, s31;
	vm0 =	veq.s32 v1, $0x0;
	v4 =	vld.idx.msk [tilespmem:v4+s6+$0x0], $0xffff  }
0xed: {  	s21 =	ssub.s32 s16, s19;
	v3 =	vsel vm0, s18, v3;
	vm0 =	veq.s32 v1, $0x1  }
0xee: {  	s19 =	sand.u32 $0xFFFFFC00, s21;
	s18 =	sshll.u32 s21, $0x7;
	v3 =	vsel vm0, s20, v3;
	vm0 =	veq.s32 v1, $0x2  }
0xef: {  	s23 =	sor.u32 s5, s19;
	s18 =	sand.u32 $0x80, s18;
	v3 =	vsel vm0, s22, v3;
	vm0 =	veq.s32 v1, $0x3  }
0xf0: {  	s20 =	sor.u32 s18, s23;
	v3 =	vsel vm0, s24, v3;
	v5 =	vsel vm1, v5, v9;
	vm0 =	vnez.u8 v6  }
0xf1: {  	s20 =	sshrl.u32 s20, $0x3;
	[tilespmem:$0x1E00] =	vst v3;
	v4 =	vsel vm0, v4, v5  }
0xf2: {  	s20 =	sadd.s32 s2, s20;
	[tilespmem:$0x1E10] =	vst v4  }
0xf3: {  	[hbm4b:s20+s6] =	stream.linear.scatter [tilespmem:s10], [sflag:$0x1], $0x20, $0x38;
	[tilespmem:$0x3080] =	vst v63  }
0xf4: {  	_ =	swait.ge [sflag:s11], $0x20  }
0xf5: {  	s18 =	sor.u32 s19, s18;
	[sflag:s11] =	ssyncset.done $0x0  }
0xf6: {  	s18 =	sshrl.u32 s18, $0x3;
	v3 =	vmul.u32 $0x20, v1;
	[sflag:s11] =	ssyncadd.s32 $0xFFFFFFE0  }
0xf7: {  	s18 =	sadd.s32 s2, s18;
	[bflag:$0x0] =	sbarrier.arrive $0xFFFF  }
0xf8: {  	v4 =	vor.u32 $0x1, v3;
	[tilespmem:s14], [sflag:$0x1] =	stream.strided.gather [hbm4b:s18+s12], $0x200, s13, s12, $0x38;
	[tilespmem:$0x3080] =	vst v63  }
0xf9: {  	v5 =	vor.u32 $0x2, v3;
	_ =	swait.ge [sflag:s11], $0x200  }
0xfa: {  	v6 =	vor.u32 $0x3, v3;
	[sflag:s11] =	ssyncset.done $0x0  }
0xfb: {  	[sflag:s11] =	ssyncadd.s32 $0xFFFFFE00  }
0xfc: {  	v11 =	vld.idx.msk [tilespmem:v3+s14+$0x0], $0xffff  }
0xfd: {  	v9 =	vld.idx.msk [tilespmem:v4+s14+$0x0], $0xffff  }
0xfe: {  	v10 =	vld.idx.msk [tilespmem:v5+s14+$0x0], $0xffff  }
0xff: {  	v25 =	vld.idx.msk [tilespmem:v6+s14+$0x0], $0xffff;
	_ =	sdelay $0x4  }
0x100: {  	v7 =	vor.u32 $0x5, v3;
	v5 =	vmax.f32 v11, v9;
	v6 =	vmax.f32 v10, v25  }
0x101: {  	v8 =	vor.u32 $0x6, v3;
	v5 =	vmax.f32 v5, v6  }
0x102: {  	v6 =	vor.u32 $0x7, v3;
	(xrf0) =	vmax.scan.msk.f32 $0xffff, v5  }
0x103: {  	v4 =	vor.u32 $0x4, v3;
	_ =	sdelay $0x1  }
0x104: {  	v22 =	vld.idx.msk [tilespmem:v7+s14+$0x0], $0xffff  }
0x105: {  	v24 =	vld.idx.msk [tilespmem:v8+s14+$0x0], $0xffff  }
0x106: {  	v21 =	vld.idx.msk [tilespmem:v6+s14+$0x0], $0xffff  }
0x107: {  	v23 =	vld.idx.msk [tilespmem:v4+s14+$0x0], $0xffff;
	v4, _, _ =	vpop (xrf0)  }
0x108: {  	v26 =	vbroadcast v4, $0xF;
	_ =	sdelay $0x1  }
0x109: {  	vm8 =	veq.f32 v9, v26;
	vm10 =	veq.f32 v25, v26  }
0x10a: {  	v6 =	vnsel vm8, $0x7FFFFFFF, v22;
	v7 =	vnsel vm10, $0x7FFFFFFF, v21  }
0x10b: {  	vm9 =	veq.f32 v11, v26;
	vm0 =	vlt.s32 v23, v6;
	vm1 =	vlt.s32 v24, v7  }
0x10c: {  	vm14 =	veq.f32 v10, v26;
	v8 =	vsel vm0, v23, v6;
	v12 =	vsel vm1, v24, v7  }
0x10d: {  	v6 =	vsel vm9, v8, v6;
	v7 =	vsel vm14, v12, v7  }
0x10e: {  	vm0 =	vlt.s32 v6, v7  }
0x10f: {  	v6 =	vsel vm0, v6, v7  }
0x110: {  	v6 =	vxor.u32 $0x80000000, v6  }
0x111: {  	(xrf0) =	vmin.scan.msk.u32 $0xffff, v6  }
0x112: {  	v7 =	vor.u32 $0x14, v3;
	_ =	sdelay $0x1  }
0x113: {  	v6 =	vor.u32 $0x10, v3  }
0x114: {  	v8 =	vor.u32 $0x18, v3  }
0x115: {  	v12 =	vor.u32 $0x1C, v3  }
0x116: {  	(v2sf) =	vpush v4, $0xF;
	v35 =	vld.idx.msk [tilespmem:v7+s14+$0x0], $0xffff;
	v7 =	vor.u32 $0x19, v3;
	v4, _, _ =	vpop (xrf0)  }
0x117: {  	(v2sf) =	vpush v4, $0xF;
	v4 =	vor.u32 $0x11, v3  }
0x118: {  	v32 =	vld.idx.msk [tilespmem:v6+s14+$0x0], $0xffff;
	v6 =	vor.u32 $0x15, v3  }
0x119: {  	v31 =	vld.idx.msk [tilespmem:v8+s14+$0x0], $0xffff;
	v8 =	vor.u32 $0x1D, v3  }
0x11a: {  	v33 =	vld.idx.msk [tilespmem:v12+s14+$0x0], $0xffff;
	v12 =	vor.u32 $0x12, v3  }
0x11b: {  	v40 =	vld.idx.msk [tilespmem:v7+s14+$0x0], $0xffff;
	v7 =	vor.u32 $0x17, v3  }
0x11c: {  	v36 =	vld.idx.msk [tilespmem:v4+s14+$0x0], $0xffff;
	v4 =	vor.u32 $0x16, v3  }
0x11d: {  	v38 =	vld.idx.msk [tilespmem:v6+s14+$0x0], $0xffff;
	v6 =	vor.u32 $0x13, v3  }
0x11e: {  	v42 =	vld.idx.msk [tilespmem:v8+s14+$0x0], $0xffff  }
0x11f: {  	v8 =	vor.u32 $0x1A, v3;
	v34 =	vld.idx.msk [tilespmem:v12+s14+$0x0], $0xffff  }
0x120: {  	v12 =	vor.u32 $0x1E, v3;
	v30 =	vld.idx.msk [tilespmem:v7+s14+$0x0], $0xffff  }
0x121: {  	v37 =	vld.idx.msk [tilespmem:v4+s14+$0x0], $0xffff;
	v4 =	vor.u32 $0x1B, v3  }
0x122: {  	v29 =	vld.idx.msk [tilespmem:v6+s14+$0x0], $0xffff;
	v3 =	vor.u32 $0x1F, v3;
	_ =	sdelay $0x1  }
0x123: {  	v43 =	vld.idx.msk [tilespmem:v8+s14+$0x0], $0xffff  }
0x124: {  	s24 =	spop (v2sf);
	v44 =	vld.idx.msk [tilespmem:v12+s14+$0x0], $0xffff  }
0x125: {  	s25 =	spop (v2sf);
	v39 =	vld.idx.msk [tilespmem:v4+s14+$0x0], $0xffff  }
0x126: {  	v8 =	vsub.f32 v30, v38;
	v6 =	vsub.f32 v29, v36;
	v41 =	vld.idx.msk [tilespmem:v3+s14+$0x0], $0xffff;
	s19 =	sxor.u32 $0x80000000, s25  }
0x127: {  	v4 =	vsub.f32 v34, v32;
	v7 =	vsub.f32 v37, v35;
	v3 =	vmov s19  }
0x128: {  	vm4 =	vlt.f32 v5, $-5.000000080e+29;
	vm1 =	vgt.f32 v25, v26;
	vm0 =	vgt.s32 v3, v21  }
0x129: {  	v28 =	vmul.f32 v6, v4;
	v27 =	vmul.f32 v8, v7;
	vm0 =	vmand vm10, vm0  }
0x12a: {  	v4 =	vsub.f32 v43, v31;
	v6 =	vsub.f32 v44, v33;
	vm0 =	vmor vm1, vm0  }
0x12b: {  	v5 =	vsub.f32 v39, v40;
	v7 =	vsub.f32 v41, v42;
	vm1 =	veq.s32 v3, v23  }
0x12c: {  	vm0 =	vmand vm4, vm0;
	vm4 =	vmand vm9, vm1;
	vm9 =	veq.s32 v3, v21  }
0x12d: {  	v8 =	vsel vm0, $0x1, v2;
	vm0 =	veq.s32 v3, v22;
	v12 =	vnsel vm4, $0xF149F2CA, v32  }
0x12e: {  	vm10 =	vmand vm10, vm9;
	v15 =	vnsel vm4, $0xF149F2CA, v36;
	v45 =	vmul.f32 v5, v4  }
0x12f: {  	v46 =	vmul.f32 v7, v6;
	v8 =	vor.u32 $0x80000000, v8;
	vm15 =	vmand vm8, vm0  }
0x130: {  	vm8 =	veq.s32 v3, v24;
	v14 =	vnsel vm10, $0xF149F2CA, v33;
	v18 =	vnsel vm10, $0xF149F2CA, v42  }
0x131: {  	v13 =	vnsel vm15, $0xF149F2CA, v35;
	vm5 =	vmand vm14, vm8;
	v16 =	vnsel vm15, $0xF149F2CA, v38  }
0x132: {  	v12 =	vmax.f32 v12, v13;
	v13 =	vnsel vm5, $0xF149F2CA, v31;
	v17 =	vnsel vm5, $0xF149F2CA, v40  }
0x133: {  	v13 =	vmax.f32 v13, v14;
	v14 =	vmax.f32 v15, v16;
	v15 =	vmax.f32 v17, v18  }
0x134: {  	v16 =	vnsel vm5, $0xF149F2CA, v43;
	v17 =	vnsel vm10, $0xF149F2CA, v44;
	v12 =	vmax.f32 v12, v13  }
0x135: {  	v13 =	vmax.f32 v14, v15;
	v14 =	vnsel vm4, $0xF149F2CA, v34;
	v15 =	vnsel vm15, $0xF149F2CA, v37  }
0x136: {  	(xrf0) =	vmax.scan.msk.u32 $0xffff, v8;
	v8 =	vmax.f32 v14, v15;
	v14 =	vmax.f32 v16, v17;
	v15 =	vnsel vm4, $0xF149F2CA, v29  }
0x137: {  	(xrf0) =	vmax.scan.msk.f32 $0xffff, v12;
	v12 =	vnsel vm15, $0xF149F2CA, v30;
	v16 =	vnsel vm5, $0xF149F2CA, v39;
	v17 =	vnsel vm10, $0xF149F2CA, v41  }
0x138: {  	(xrf0) =	vmax.scan.msk.f32 $0xffff, v13;
	v8 =	vmax.f32 v8, v14;
	v12 =	vmax.f32 v15, v12;
	v13 =	vmax.f32 v16, v17  }
0x139: {  	v5 =	vnsel vm15, $0xF149F2CA, v27;
	(xrf0) =	vmax.scan.msk.f32 $0xffff, v8;
	v4 =	vmax.f32 v12, v13  }
0x13a: {  	v7 =	vnsel vm10, $0xF149F2CA, v46;
	v6 =	vnsel vm5, $0xF149F2CA, v45;
	(xrf0) =	vmax.scan.msk.f32 $0xffff, v4;
	v4 =	vnsel vm4, $0xF149F2CA, v28  }
0x13b: {  	v4 =	vmax.f32 v4, v5;
	v5 =	vmax.f32 v6, v7  }
0x13c: {  	v12, _, _ =	vpop (xrf0)  }
0x13d: {  	v4 =	vmax.f32 v4, v5;
	v6, _, _ =	vpop (xrf0)  }
0x13e: {  	v5, _, _ =	vpop (xrf0);
	(xrf0) =	vmax.scan.msk.f32 $0xffff, v4  }
0x13f: {  	v7, _, _ =	vpop (xrf0)  }
0x140: {  	v4 =	vbroadcast v6, $0xF;
	v5 =	vbroadcast v5, $0xF;
	v8, _, _ =	vpop (xrf0)  }
0x141: {  	v6 =	vbroadcast v7, $0xF;
	v7 =	vbroadcast v8, $0xF  }
0x142: {  	(v2sf) =	vpush v12, $0xF;
	v8 =	vmax.f32 v4, v32  }
0x143: {  	v13 =	vmax.f32 v5, v36;
	v14 =	vmin.f32 v6, v34;
	v15 =	vmin.f32 v7, v29  }
0x144: {  	v14 =	vsub.f32 v14, v8;
	v16, _, _ =	vpop (xrf0);
	v13 =	vsub.f32 v15, v13  }
0x145: {  	v19 =	vmax.f32 v5, v42;
	v20 =	vmin.f32 v6, v44;
	v8 =	vbroadcast v16, $0xF  }
0x146: {  	v17 =	vmin.f32 v7, v30;
	v14 =	vmax.f32 v14, $0.0e+00;
	v13 =	vmax.f32 v13, $0.0e+00  }
0x147: {  	v47 =	vmin.f32 v7, v41;
	v13 =	vmul.f32 v13, v14;
	v14 =	vadd.f32 v8, v28  }
0x148: {  	v18 =	vmin.f32 v7, v39;
	v15 =	vmin.f32 v6, v37;
	v19 =	vsub.f32 v47, v19  }
0x149: {  	v16 =	vmax.f32 v5, v38;
	v12 =	vsub.f32 v14, v13;
	v14 =	vmax.f32 v4, v35  }
0x14a: {  	v19 =	vmax.f32 v19, $0.0e+00;
	v14 =	vsub.f32 v15, v14;
	v15 =	vsub.f32 v17, v16  }
0x14b: {  	v16 =	vmax.f32 v4, v31;
	v17 =	vmin.f32 v6, v43;
	v12 =	vadd.f32 $9.999999930e-09, v12  }
0x14c: {  	v16 =	vsub.f32 v17, v16;
	v17 =	vmax.f32 v5, v40;
	v14 =	vmax.f32 v14, $0.0e+00  }
0x14d: {  	v15 =	vmax.f32 v15, $0.0e+00;
	v17 =	vsub.f32 v18, v17;
	v18 =	vmax.f32 v4, v33  }
0x14e: {  	v16 =	vmax.f32 v16, $0.0e+00;
	v18 =	vsub.f32 v20, v18;
	v14 =	vmul.f32 v15, v14  }
0x14f: {  	v15 =	vadd.f32 v8, v27;
	(erf) = vrcp.f32 v12;
	v17 =	vmax.f32 v17, $0.0e+00  }
0x150: {  	v16 =	vmul.f32 v17, v16;
	v17 =	vadd.f32 v8, v45;
	v18 =	vmax.f32 v18, $0.0e+00  }
0x151: {  	v15 =	vsub.f32 v15, v14;
	v18 =	vmul.f32 v19, v18;
	v19 =	vadd.f32 v8, v46  }
0x152: {  	v17 =	vsub.f32 v17, v16  }
0x153: {  	v12 =	vadd.f32 $9.999999930e-09, v15;
	v15 =	vsub.f32 v19, v18  }
0x154: {  	v17 =	vadd.f32 $9.999999930e-09, v17  }
0x155: {  	(erf) = vrcp.f32 v12;
	v12 =	vadd.f32 $9.999999930e-09, v15  }
0x156: {  	(erf) = vrcp.f32 v17  }
0x157: {  	(erf) = vrcp.f32 v12;
	_ =	sdelay $0x2  }
0x158: {  	v12 =	vpop (erf)  }
0x159: {  	v12 =	vmul.f32 v12, v13  }
0x15a: {  	p0 =	sgt.f32 s24, $-5.000000080e+29;
	s26 =	spop (v2sf)  }
0x15b: {  	p1 =	slt.u32 s26, $0x80000001  }
0x15c: {  	p0 =	por !p0, !p1;
	v13 =	vpop (erf)  }
0x15d: {  	vm14 =	vmmov vm7;
	p0 =	por !p0, !p0;
	vm4 =	vgt.f32 v12, $5.000000000e-01;
	v12 =	vpop (erf)  }
0x15e: {  	vm14 =	vmneg @p0 vm14;
	vm1 =	vmor vm1, vm4;
	v13 =	vmul.f32 v13, v14;
	v14 =	vpop (erf)  }
0x15f: {  	vm1 =	vmand vm14, vm1;
	v12 =	vmul.f32 v12, v16;
	v14 =	vmul.f32 v14, v18  }
0x160: {  	v15 =	vsel vm1, $0xF149F2CA, v11  }
0x161: {  	vm1 =	vgt.f32 v13, $5.000000000e-01;
	vm4 =	vgt.f32 v12, $5.000000000e-01;
	vm5 =	vgt.f32 v14, $5.000000000e-01  }
0x162: {  	vm0 =	vmor vm0, vm1;
	vm1 =	vmor vm8, vm4;
	vm4 =	vmor vm9, vm5  }
0x163: {  	vm0 =	vmand vm14, vm0;
	vm1 =	vmand vm14, vm1;
	vm4 =	vmand vm14, vm4  }
0x164: {  	v16 =	vsel vm0, $0xF149F2CA, v9;
	v17 =	vsel vm1, $0xF149F2CA, v10;
	v18 =	vsel vm4, $0xF149F2CA, v25  }
0x165: {  	v9 =	vmax.f32 v15, v16;
	v10 =	vmax.f32 v17, v18  }
0x166: {  	v10 =	vmax.f32 v9, v10  }
0x167: {  	(xrf0) =	vmax.scan.msk.f32 $0xffff, v10;
	_ =	sdelay $0x5  }
0x168: {  	v9, _, _ =	vpop (xrf0)  }
0x169: {  	v48 =	vbroadcast v9, $0xF;
	_ =	sdelay $0x1  }
0x16a: {  	vm5 =	veq.f32 v16, v48;
	vm1 =	veq.f32 v18, v48  }
0x16b: {  	v11 =	vnsel vm5, $0x7FFFFFFF, v22;
	v12 =	vnsel vm1, $0x7FFFFFFF, v21  }
0x16c: {  	vm4 =	veq.f32 v15, v48;
	vm0 =	vlt.s32 v23, v11;
	vm6 =	vlt.s32 v24, v12  }
0x16d: {  	vm3 =	veq.f32 v17, v48;
	v13 =	vsel vm0, v23, v11;
	v14 =	vsel vm6, v24, v12  }
0x16e: {  	v11 =	vsel vm4, v13, v11;
	v12 =	vsel vm3, v14, v12  }
0x16f: {  	vm0 =	vlt.s32 v11, v12  }
0x170: {  	v11 =	vsel vm0, v11, v12  }
0x171: {  	v11 =	vxor.u32 $0x80000000, v11  }
0x172: {  	(xrf0) =	vmin.scan.msk.u32 $0xffff, v11;
	_ =	sdelay $0x5  }
0x173: {  	(v2sf) =	vpush v9, $0xF;
	v9, _, _ =	vpop (xrf0)  }
0x174: {  	(v2sf) =	vpush v9, $0xF;
	_ =	sdelay $0xd  }
0x175: {  	s28 =	spop (v2sf)  }
0x176: {  	s29 =	spop (v2sf)  }
0x177: {  	s19 =	sxor.u32 $0x80000000, s29  }
0x178: {  	vm8 =	vgt.f32 v25, v48;
	vm0 =	veq.f32 v25, v48;
	v9 =	vmov s19  }
0x179: {  	vm6 =	vgt.s32 v9, v21;
	vm9 =	veq.s32 v9, v23;
	vm10 =	veq.s32 v9, v21  }
0x17a: {  	vm0 =	vmand vm0, vm6;
	vm6 =	vlt.f32 v10, $-5.000000080e+29;
	vm4 =	vmand vm4, vm9  }
0x17b: {  	vm1 =	vmand vm1, vm10;
	vm0 =	vmor vm8, vm0;
	vm8 =	veq.s32 v9, v24  }
0x17c: {  	v11 =	vnsel vm4, $0xF149F2CA, v32;
	v13 =	vnsel vm1, $0xF149F2CA, v33;
	vm0 =	vmand vm6, vm0  }
0x17d: {  	v14 =	vnsel vm4, $0xF149F2CA, v36;
	v10 =	vsel vm0, $0x1, v2;
	vm0 =	veq.s32 v9, v22  }
0x17e: {  	v53 =	vnsel vm1, $0xF149F2CA, v42;
	v10 =	vor.u32 $0x80000000, v10;
	vm15 =	vmand vm5, vm0  }
0x17f: {  	vm5 =	vmand vm3, vm8;
	v12 =	vnsel vm15, $0xF149F2CA, v35;
	v19 =	vnsel vm15, $0xF149F2CA, v38  }
0x180: {  	v20 =	vnsel vm5, $0xF149F2CA, v40;
	v11 =	vmax.f32 v11, v12;
	v12 =	vnsel vm5, $0xF149F2CA, v31  }
0x181: {  	v12 =	vmax.f32 v12, v13;
	v13 =	vmax.f32 v14, v19;
	v14 =	vmax.f32 v20, v53  }
0x182: {  	v19 =	vnsel vm5, $0xF149F2CA, v43;
	v20 =	vnsel vm1, $0xF149F2CA, v44;
	v11 =	vmax.f32 v11, v12  }
0x183: {  	v12 =	vmax.f32 v13, v14;
	v13 =	vnsel vm4, $0xF149F2CA, v34;
	v14 =	vnsel vm15, $0xF149F2CA, v37  }
0x184: {  	(xrf0) =	vmax.scan.msk.u32 $0xffff, v10;
	v10 =	vmax.f32 v13, v14;
	v13 =	vmax.f32 v19, v20;
	v14 =	vnsel vm4, $0xF149F2CA, v29  }
0x185: {  	(xrf0) =	vmax.scan.msk.f32 $0xffff, v11;
	v11 =	vnsel vm15, $0xF149F2CA, v30;
	v19 =	vnsel vm5, $0xF149F2CA, v39;
	v20 =	vnsel vm1, $0xF149F2CA, v41  }
0x186: {  	(xrf0) =	vmax.scan.msk.f32 $0xffff, v12;
	v10 =	vmax.f32 v10, v13;
	v11 =	vmax.f32 v14, v11;
	v12 =	vmax.f32 v19, v20  }
0x187: {  	v13 =	vnsel vm1, $0xF149F2CA, v46;
	(xrf0) =	vmax.scan.msk.f32 $0xffff, v10;
	v10 =	vmax.f32 v11, v12  }
0x188: {  	v11 =	vnsel vm15, $0xF149F2CA, v27;
	v12 =	vnsel vm5, $0xF149F2CA, v45;
	(xrf0) =	vmax.scan.msk.f32 $0xffff, v10;
	v10 =	vnsel vm4, $0xF149F2CA, v28  }
0x189: {  	v10 =	vmax.f32 v10, v11;
	v11 =	vmax.f32 v12, v13  }
0x18a: {  	v19, _, _ =	vpop (xrf0)  }
0x18b: {  	v10 =	vmax.f32 v10, v11;
	v12, _, _ =	vpop (xrf0)  }
0x18c: {  	v11, _, _ =	vpop (xrf0);
	(xrf0) =	vmax.scan.msk.f32 $0xffff, v10;
	v10 =	vbroadcast v12, $0xF  }
0x18d: {  	(v2sf) =	vpush v19, $0xF;
	v13, _, _ =	vpop (xrf0)  }
0x18e: {  	v11 =	vbroadcast v11, $0xF;
	v14, _, _ =	vpop (xrf0);
	v12 =	vbroadcast v13, $0xF;
	v56 =	vmax.f32 v10, v35  }
0x18f: {  	v60 =	vmax.f32 v10, v31;
	v63 =	vmax.f32 v10, v33;
	v13 =	vbroadcast v14, $0xF  }
0x190: {  	v14 =	vmax.f32 v10, v32;
	v20 =	vmax.f32 v11, v36;
	v58 =	vmax.f32 v11, v38  }
0x191: {  	v62 =	vmax.f32 v11, v40;
	v53 =	vmax.f32 v11, v42;
	v54 =	vmin.f32 v12, v34  }
0x192: {  	v57 =	vmin.f32 v12, v37;
	v61 =	vmin.f32 v12, v43;
	v49 =	vmin.f32 v13, v29  }
0x193: {  	v47 =	vsub.f32 v54, v14;
	v51 =	vmin.f32 v13, v30;
	v52 =	vmin.f32 v13, v39  }
0x194: {  	v54 =	vmin.f32 v12, v44;
	v50, _, _ =	vpop (xrf0);
	v20 =	vsub.f32 v49, v20;
	v59 =	vsub.f32 v51, v58  }
0x195: {  	v51 =	vsub.f32 v52, v62;
	v52 =	vsub.f32 v54, v63;
	v14 =	vbroadcast v50, $0xF  }
0x196: {  	v47 =	vmax.f32 v47, $0.0e+00;
	v50 =	vsub.f32 v61, v60;
	v20 =	vmax.f32 v20, $0.0e+00  }
0x197: {  	v49 =	vmax.f32 v59, $0.0e+00;
	v20 =	vmul.f32 v20, v47;
	v55 =	vadd.f32 v14, v28  }
0x198: {  	v51 =	vmax.f32 v51, $0.0e+00;
	v52 =	vmax.f32 v52, $0.0e+00;
	v47 =	vsub.f32 v57, v56  }
0x199: {  	v50 =	vmax.f32 v50, $0.0e+00;
	v19 =	vsub.f32 v55, v20;
	v55 =	vmin.f32 v13, v41  }
0x19a: {  	v57 =	vadd.f32 v14, v27;
	v47 =	vmax.f32 v47, $0.0e+00;
	v53 =	vsub.f32 v55, v53  }
0x19b: {  	v58 =	vadd.f32 v14, v45;
	v47 =	vmul.f32 v49, v47;
	v19 =	vadd.f32 $9.999999930e-09, v19  }
0x19c: {  	v59 =	vadd.f32 v14, v46;
	v50 =	vmul.f32 v51, v50;
	v53 =	vmax.f32 v53, $0.0e+00  }
0x19d: {  	v49 =	vsub.f32 v57, v47;
	v52 =	vmul.f32 v53, v52;
	(erf) = vrcp.f32 v19  }
0x19e: {  	v51 =	vsub.f32 v58, v50  }
0x19f: {  	v19 =	vadd.f32 $9.999999930e-09, v49;
	v60 =	vsub.f32 v59, v52  }
0x1a0: {  	v51 =	vadd.f32 $9.999999930e-09, v51  }
0x1a1: {  	(erf) = vrcp.f32 v19;
	v19 =	vadd.f32 $9.999999930e-09, v60  }
0x1a2: {  	(erf) = vrcp.f32 v51  }
0x1a3: {  	(erf) = vrcp.f32 v19  }
0x1a4: {  	p3 =	sgt.f32 s28, $-5.000000080e+29;
	s19 =	simm.s32 $0x1;
	s30 =	spop (v2sf)  }
0x1a5: {  	s19 =	simm.s32 @!p0 $0x0;
	p2 =	slt.u32 s30, $0x80000001  }
0x1a6: {  	s31 =	sadd.s32 s19, s17;
	p1 =	por !p3, !p2;
	v19 =	vpop (erf)  }
0x1a7: {  	p4 =	slt.s32 s31, $0x1E;
	p1 =	por !p1, !p1;
	v19 =	vmul.f32 v19, v20  }
0x1a8: {  	p1 =	por !p4, !p1  }
0x1a9: {  	p1 =	por !p1, !p1  }
0x1aa: {  	p1 =	por !p0, !p1;
	v20 =	vpop (erf)  }
0x1ab: {  	vm15 =	vmmov vm7;
	p1 =	por !p1, !p1;
	vm1 =	vgt.f32 v19, $5.000000000e-01;
	v19 =	vpop (erf)  }
0x1ac: {  	vm15 =	vmneg @p1 vm15;
	vm1 =	vmor vm9, vm1;
	v20 =	vmul.f32 v20, v47;
	v61 =	vpop (erf)  }
0x1ad: {  	vm1 =	vmand vm15, vm1;
	v19 =	vmul.f32 v19, v50;
	v62 =	vmul.f32 v61, v52  }
0x1ae: {  	v47 =	vsel vm1, $0xF149F2CA, v15  }
0x1af: {  	vm1 =	vgt.f32 v20, $5.000000000e-01;
	vm3 =	vgt.f32 v19, $5.000000000e-01;
	vm4 =	vgt.f32 v62, $5.000000000e-01  }
0x1b0: {  	vm0 =	vmor vm0, vm1;
	vm1 =	vmor vm8, vm3;
	vm3 =	vmor vm10, vm4  }
0x1b1: {  	vm0 =	vmand vm15, vm0;
	vm1 =	vmand vm15, vm1;
	vm3 =	vmand vm15, vm3  }
0x1b2: {  	v50 =	vsel vm0, $0xF149F2CA, v16;
	v51 =	vsel vm1, $0xF149F2CA, v17;
	v52 =	vsel vm3, $0xF149F2CA, v18  }
0x1b3: {  	v15 =	vmax.f32 v47, v50;
	v16 =	vmax.f32 v51, v52  }
0x1b4: {  	v16 =	vmax.f32 v15, v16  }
0x1b5: {  	(xrf0) =	vmax.scan.msk.f32 $0xffff, v16;
	_ =	sdelay $0x5  }
0x1b6: {  	v15, _, _ =	vpop (xrf0)  }
0x1b7: {  	v49 =	vbroadcast v15, $0xF;
	_ =	sdelay $0x1  }
0x1b8: {  	vm8 =	veq.f32 v50, v49;
	vm4 =	veq.f32 v52, v49  }
0x1b9: {  	v17 =	vnsel vm8, $0x7FFFFFFF, v22;
	v18 =	vnsel vm4, $0x7FFFFFFF, v21  }
0x1ba: {  	vm3 =	veq.f32 v47, v49;
	vm0 =	vlt.s32 v23, v17;
	vm1 =	vlt.s32 v24, v18  }
0x1bb: {  	vm6 =	veq.f32 v51, v49;
	v19 =	vsel vm0, v23, v17;
	v20 =	vsel vm1, v24, v18  }
0x1bc: {  	v17 =	vsel vm3, v19, v17;
	v18 =	vsel vm6, v20, v18  }
0x1bd: {  	vm0 =	vlt.s32 v17, v18  }
0x1be: {  	v17 =	vsel vm0, v17, v18  }
0x1bf: {  	v17 =	vxor.u32 $0x80000000, v17  }
0x1c0: {  	(xrf0) =	vmin.scan.msk.u32 $0xffff, v17;
	_ =	sdelay $0x5  }
0x1c1: {  	(v2sf) =	vpush v15, $0xF;
	v15, _, _ =	vpop (xrf0)  }
0x1c2: {  	(v2sf) =	vpush v15, $0xF;
	_ =	sdelay $0xd  }
0x1c3: {  	s21 =	spop (v2sf)  }
0x1c4: {  	s22 =	spop (v2sf)  }
0x1c5: {  	s20 =	sxor.u32 $0x80000000, s22  }
0x1c6: {  	v15 =	vmov s20  }
0x1c7: {  	vm0 =	veq.f32 v25, v49;
	vm1 =	vgt.s32 v15, v21  }
0x1c8: {  	vm5 =	vgt.f32 v25, v49;
	vm9 =	veq.s32 v15, v21;
	vm0 =	vmand vm0, vm1  }
0x1c9: {  	vm1 =	vlt.f32 v16, $-5.000000080e+29;
	vm4 =	vmand vm4, vm9;
	vm0 =	vmor vm5, vm0  }
0x1ca: {  	v19 =	vnsel vm4, $0xF149F2CA, v33;
	v58 =	vnsel vm4, $0xF149F2CA, v42;
	v60 =	vnsel vm4, $0xF149F2CA, v44  }
0x1cb: {  	v62 =	vnsel vm4, $0xF149F2CA, v41;
	vm0 =	vmand vm1, vm0;
	vm1 =	veq.s32 v15, v23  }
0x1cc: {  	v16 =	vsel vm0, $0x1, v2;
	vm0 =	veq.s32 v15, v22;
	vm5 =	vmand vm3, vm1  }
0x1cd: {  	v16 =	vor.u32 $0x80000000, v16;
	vm10 =	vmand vm8, vm0;
	vm8 =	veq.s32 v15, v24  }
0x1ce: {  	v17 =	vnsel vm5, $0xF149F2CA, v32;
	v18 =	vnsel vm10, $0xF149F2CA, v35;
	vm6 =	vmand vm6, vm8  }
0x1cf: {  	v20 =	vnsel vm5, $0xF149F2CA, v36;
	v17 =	vmax.f32 v17, v18;
	v18 =	vnsel vm6, $0xF149F2CA, v31  }
0x1d0: {  	v63 =	vnsel vm10, $0xF149F2CA, v38;
	v57 =	vnsel vm6, $0xF149F2CA, v40;
	v18 =	vmax.f32 v18, v19  }
0x1d1: {  	v19 =	vmax.f32 v20, v63;
	v20 =	vmax.f32 v57, v58;
	v17 =	vmax.f32 v17, v18  }
0x1d2: {  	v18 =	vmax.f32 v19, v20;
	v19 =	vnsel vm5, $0xF149F2CA, v34;
	v20 =	vnsel vm10, $0xF149F2CA, v37  }
0x1d3: {  	(xrf0) =	vmax.scan.msk.u32 $0xffff, v16;
	v59 =	vnsel vm6, $0xF149F2CA, v43;
	v61 =	vnsel vm6, $0xF149F2CA, v39;
	v16 =	vmax.f32 v19, v20  }
0x1d4: {  	v19 =	vmax.f32 v59, v60;
	v20 =	vnsel vm5, $0xF149F2CA, v29;
	(xrf0) =	vmax.scan.msk.f32 $0xffff, v17;
	v17 =	vnsel vm10, $0xF149F2CA, v30  }
0x1d5: {  	(xrf0) =	vmax.scan.msk.f32 $0xffff, v18;
	v16 =	vmax.f32 v16, v19;
	v17 =	vmax.f32 v20, v17;
	v18 =	vmax.f32 v61, v62  }
0x1d6: {  	v19 =	vnsel vm4, $0xF149F2CA, v46;
	(xrf0) =	vmax.scan.msk.f32 $0xffff, v16;
	v16 =	vmax.f32 v17, v18  }
0x1d7: {  	v17 =	vnsel vm5, $0xF149F2CA, v28;
	v18 =	vnsel vm6, $0xF149F2CA, v45;
	(xrf0) =	vmax.scan.msk.f32 $0xffff, v16;
	v16 =	vnsel vm10, $0xF149F2CA, v27  }
0x1d8: {  	v16 =	vmax.f32 v17, v16;
	v17 =	vmax.f32 v18, v19  }
0x1d9: {  	v63, _, _ =	vpop (xrf0)  }
0x1da: {  	v16 =	vmax.f32 v16, v17;
	v18, _, _ =	vpop (xrf0)  }
0x1db: {  	v17, _, _ =	vpop (xrf0);
	(xrf0) =	vmax.scan.msk.f32 $0xffff, v16  }
0x1dc: {  	v16 =	vbroadcast v18, $0xF;
	v19, _, _ =	vpop (xrf0)  }
0x1dd: {  	(v2sf) =	vpush v63, $0xF;
	v17 =	vbroadcast v17, $0xF;
	v20, _, _ =	vpop (xrf0);
	v18 =	vbroadcast v19, $0xF  }
0x1de: {  	v63 =	vmax.f32 v16, v35;
	v19 =	vbroadcast v20, $0xF;
	v20 =	vmax.f32 v16, v32  }
0x1df: {  	v60 =	vmax.f32 v17, v36;
	v59 =	vmax.f32 v17, v40;
	v61 =	vmin.f32 v18, v34  }
0x1e0: {  	v56 =	vmin.f32 v19, v29;
	v55 =	vsub.f32 v61, v20;
	v61 =	vmax.f32 v17, v38  }
0x1e1: {  	v58 =	vmin.f32 v19, v30;
	v57, _, _ =	vpop (xrf0);
	v54 =	vsub.f32 v56, v60;
	v60 =	vmin.f32 v18, v37  }
0x1e2: {  	v56 =	vsub.f32 v58, v61;
	v58 =	vmin.f32 v18, v43;
	v20 =	vbroadcast v57, $0xF  }
0x1e3: {  	v55 =	vmax.f32 v55, $0.0e+00;
	v57 =	vmax.f32 v16, v31;
	v54 =	vmax.f32 v54, $0.0e+00  }
0x1e4: {  	v61 =	vmax.f32 v17, v42;
	v57 =	vsub.f32 v58, v57;
	v54 =	vmul.f32 v54, v55  }
0x1e5: {  	v62 =	vadd.f32 v20, v28;
	v55 =	vsub.f32 v60, v63;
	v60 =	vmin.f32 v19, v39  }
0x1e6: {  	v56 =	vmax.f32 v56, $0.0e+00;
	v58 =	vsub.f32 v60, v59;
	v59 =	vmax.f32 v16, v33  }
0x1e7: {  	v60 =	vmin.f32 v18, v44;
	v57 =	vmax.f32 v57, $0.0e+00;
	v53 =	vsub.f32 v62, v54  }
0x1e8: {  	v59 =	vsub.f32 v60, v59;
	v60 =	vmin.f32 v19, v41;
	v55 =	vmax.f32 v55, $0.0e+00  }
0x1e9: {  	v60 =	vsub.f32 v60, v61;
	v58 =	vmax.f32 v58, $0.0e+00;
	v55 =	vmul.f32 v56, v55  }
0x1ea: {  	v56 =	vadd.f32 v20, v27;
	v53 =	vadd.f32 $9.999999930e-09, v53;
	v57 =	vmul.f32 v58, v57  }
0x1eb: {  	v58 =	vadd.f32 v20, v45;
	v59 =	vmax.f32 v59, $0.0e+00;
	v60 =	vmax.f32 v60, $0.0e+00  }
0x1ec: {  	v56 =	vsub.f32 v56, v55;
	v59 =	vmul.f32 v60, v59;
	v60 =	vadd.f32 v20, v46  }
0x1ed: {  	v58 =	vsub.f32 v58, v57  }
0x1ee: {  	(erf) = vrcp.f32 v53;
	v62 =	vadd.f32 $9.999999930e-09, v56;
	v63 =	vsub.f32 v60, v59  }
0x1ef: {  	v58 =	vadd.f32 $9.999999930e-09, v58  }
0x1f0: {  	(erf) = vrcp.f32 v62;
	v56 =	vadd.f32 $9.999999930e-09, v63  }
0x1f1: {  	(erf) = vrcp.f32 v58  }
0x1f2: {  	(erf) = vrcp.f32 v56  }
0x1f3: {  	p5 =	sgt.f32 s21, $-5.000000080e+29;
	s20 =	simm.s32 $0x1;
	s23 =	spop (v2sf)  }
0x1f4: {  	s20 =	simm.s32 @!p1 $0x0;
	p3 =	slt.u32 s23, $0x80000001  }
0x1f5: {  	s24 =	sadd.s32 s20, s31;
	p2 =	por !p5, !p3  }
0x1f6: {  	p6 =	slt.s32 s24, $0x1E;
	p2 =	por !p2, !p2  }
0x1f7: {  	p2 =	por !p6, !p2;
	v58 =	vpop (erf)  }
0x1f8: {  	p2 =	por !p2, !p2;
	v53 =	vmul.f32 v58, v54  }
0x1f9: {  	p1 =	por !p1, !p2;
	v60 =	vpop (erf)  }
0x1fa: {  	vm10 =	vmmov vm7;
	p1 =	por !p1, !p1;
	vm3 =	vgt.f32 v53, $5.000000000e-01;
	v61 =	vpop (erf)  }
0x1fb: {  	vm10 =	vmneg @p1 vm10;
	vm1 =	vmor vm1, vm3;
	v62 =	vmul.f32 v60, v55;
	v63 =	vpop (erf)  }
0x1fc: {  	v58 =	vmul.f32 v61, v57;
	vm1 =	vmand vm10, vm1;
	v54 =	vmul.f32 v63, v59  }
0x1fd: {  	v47 =	vsel vm1, $0xF149F2CA, v47  }
0x1fe: {  	vm1 =	vgt.f32 v62, $5.000000000e-01;
	vm3 =	vgt.f32 v58, $5.000000000e-01;
	vm4 =	vgt.f32 v54, $5.000000000e-01  }
0x1ff: {  	vm0 =	vmor vm0, vm1;
	vm1 =	vmor vm8, vm3;
	vm3 =	vmor vm9, vm4  }
0x200: {  	vm0 =	vmand vm10, vm0;
	vm1 =	vmand vm10, vm1;
	vm3 =	vmand vm10, vm3  }
0x201: {  	v50 =	vsel vm0, $0xF149F2CA, v50;
	v51 =	vsel vm1, $0xF149F2CA, v51;
	v52 =	vsel vm3, $0xF149F2CA, v52  }
0x202: {  	v60 =	vmax.f32 v47, v50;
	v61 =	vmax.f32 v51, v52  }
0x203: {  	v53 =	vmax.f32 v60, v61  }
0x204: {  	(xrf0) =	vmax.scan.msk.f32 $0xffff, v53;
	_ =	sdelay $0x5  }
0x205: {  	v62, _, _ =	vpop (xrf0)  }
0x206: {  	v63 =	vbroadcast v62, $0xF;
	_ =	sdelay $0x1  }
0x207: {  	vm0 =	veq.f32 v50, v63;
	vm9 =	veq.f32 v52, v63  }
0x208: {  	v50 =	vnsel vm0, $0x7FFFFFFF, v22;
	v52 =	vnsel vm9, $0x7FFFFFFF, v21  }
0x209: {  	vm4 =	veq.f32 v47, v63;
	vm1 =	vlt.s32 v23, v50;
	vm3 =	vlt.s32 v24, v52  }
0x20a: {  	v57 =	vsel vm1, v23, v50;
	vm1 =	veq.f32 v51, v63;
	v58 =	vsel vm3, v24, v52  }
0x20b: {  	v47 =	vsel vm4, v57, v50;
	v59 =	vsel vm1, v58, v52  }
0x20c: {  	vm3 =	vlt.s32 v47, v59  }
0x20d: {  	v47 =	vsel vm3, v47, v59  }
0x20e: {  	v47 =	vxor.u32 $0x80000000, v47  }
0x20f: {  	(xrf0) =	vmin.scan.msk.u32 $0xffff, v47;
	_ =	sdelay $0x5  }
0x210: {  	(v2sf) =	vpush v62, $0xF;
	v47, _, _ =	vpop (xrf0)  }
0x211: {  	(v2sf) =	vpush v47, $0xF;
	_ =	sdelay $0xd  }
0x212: {  	s25 =	spop (v2sf)  }
0x213: {  	s26 =	spop (v2sf)  }
0x214: {  	s21 =	sxor.u32 $0x80000000, s26  }
0x215: {  	v47 =	vmov s21  }
0x216: {  	vm3 =	veq.f32 v25, v63;
	vm5 =	vgt.s32 v47, v21  }
0x217: {  	vm3 =	vmand vm3, vm5;
	vm5 =	vgt.f32 v25, v63  }
0x218: {  	vm3 =	vmor vm5, vm3;
	vm5 =	vlt.f32 v53, $-5.000000080e+29  }
0x219: {  	vm3 =	vmand vm5, vm3  }
0x21a: {  	v25 =	vsel vm3, $0x1, v2  }
0x21b: {  	v25 =	vor.u32 $0x80000000, v25  }
0x21c: {  	(xrf0) =	vmax.scan.msk.u32 $0xffff, v25;
	_ =	sdelay $0x5  }
0x21d: {  	v25, _, _ =	vpop (xrf0)  }
0x21e: {  	(v2sf) =	vpush v25, $0xF  }
0x21f: {  	s30 =	sshll.u32 s24, $0x7;
	vm5 =	vcmask $0x1310  }
0x220: {  	v61 =	vor.u32 s30, v1;
	vm3 =	veq.s32 v47, v23;
	v62 =	vnsel vm5, $0x0, v63  }
0x221: {  	s21 =	simm.s32 $0x1;
	vm8 =	vmand vm4, vm3;
	vm3 =	veq.s32 v47, v22;
	vm4 =	veq.s32 v47, v24  }
0x222: {  	s21 =	simm.s32 @!p1 $0x0;
	vm0 =	vmand vm0, vm3;
	vm1 =	vmand vm1, vm4;
	vm3 =	veq.s32 v47, v21  }
0x223: {  	s29 =	sshll.u32 s17, $0x7;
	s17 =	sadd.s32 s21, s24;
	v21 =	vnsel vm8, $0xF149F2CA, v32;
	v23 =	vnsel vm0, $0xF149F2CA, v35;
	vm9 =	vmand vm9, vm3  }
0x224: {  	s18 =	sshll.u32 s31, $0x7;
	s31 =	sshll.u32 s17, $0x7;
	v21 =	vmax.f32 v21, v23;
	v23 =	vnsel vm1, $0xF149F2CA, v31;
	v24 =	vnsel vm9, $0xF149F2CA, v33  }
0x225: {  	v63 =	vor.u32 s31, v1;
	vm4 =	vmmov $0x1f;
	v23 =	vmax.f32 v23, v24  }
0x226: {  	v31 =	vnsel vm1, $0xF149F2CA, v40;
	v60 =	vnsel vm9, $0xF149F2CA, v42;
	v21 =	vmax.f32 v21, v23  }
0x227: {  	(xrf0) =	vmax.scan.msk.f32 $0xffff, v21;
	v21 =	vnsel vm0, $0xF149F2CA, v30;
	v30 =	vnsel vm9, $0xF149F2CA, v41;
	v25 =	vnsel vm5, $0x0, v26  }
0x228: {  	v26 =	vnsel vm0, $0xF149F2CA, v38;
	v22 =	vsel vm2, v25, v7;
	v25 =	vnsel vm8, $0xF149F2CA, v36  }
0x229: {  	v22 =	vsel vm11, v22, v6;
	v24 =	vmax.f32 v25, v26;
	v25 =	vmax.f32 v31, v60  }
0x22a: {  	v23 =	vmax.f32 v24, v25;
	v24 =	vnsel vm8, $0xF149F2CA, v34;
	v25 =	vnsel vm0, $0xF149F2CA, v37  }
0x22b: {  	v26 =	vnsel vm1, $0xF149F2CA, v43;
	v31 =	vnsel vm9, $0xF149F2CA, v44;
	v24 =	vmax.f32 v24, v25  }
0x22c: {  	v25 =	vmax.f32 v26, v31;
	v26 =	vnsel vm8, $0xF149F2CA, v29;
	v29 =	vnsel vm1, $0xF149F2CA, v39  }
0x22d: {  	p4 =	sgt.f32 s25, $-5.000000080e+29;
	(xrf0) =	vmax.scan.msk.f32 $0xffff, v23;
	v23 =	vmax.f32 v24, v25;
	v21 =	vmax.f32 v26, v21;
	v24 =	vmax.f32 v29, v30;
	s28 =	spop (v2sf)  }
0x22e: {  	v32 =	vimm.f32 $-1.000000020e+30;
	v22 =	vsel vm12, v22, v5;
	(xrf0) =	vmax.scan.msk.f32 $0xffff, v23;
	v21 =	vmax.f32 v21, v24;
	p5 =	slt.u32 s28, $0x80000001  }
0x22f: {  	vm3 =	vmand vm10, vm4;
	v26 =	vnsel vm1, $0xF149F2CA, v45;
	v24 =	vsel vm13, v22, v4;
	(xrf0) =	vmax.scan.msk.f32 $0xffff, v21;
	p2 =	por !p4, !p5  }
0x230: {  	p6 =	slt.s32 s17, $0x1E;
	v23 =	vnsel vm0, $0xF149F2CA, v27;
	v27 =	vnsel vm9, $0xF149F2CA, v46;
	v21 =	vnsel vm8, $0xF149F2CA, v28;
	p2 =	por !p2, !p2  }
0x231: {  	v22 =	vnsel vm5, $0x0, v48;
	v21 =	vmax.f32 v21, v23;
	v23 =	vmax.f32 v26, v27;
	p2 =	por !p6, !p2  }
0x232: {  	vm8 =	vmand vm14, vm4;
	v28, _, _ =	vpop (xrf0);
	v22 =	vsel vm2, v22, v13;
	v21 =	vmax.f32 v21, v23;
	p2 =	por !p2, !p2  }
0x233: {  	v25 =	vor.u32 s29, v1;
	vm1 =	vmand vm15, vm4;
	v22 =	vsel vm11, v22, v12;
	v26, _, _ =	vpop (xrf0);
	p1 =	por !p1, !p2  }
0x234: {  	vm0 =	vmmov vm7;
	v27 =	vnsel vm5, $0x0, v49;
	v30 =	vsel vm12, v22, v11;
	v23, _, _ =	vpop (xrf0);
	p1 =	por !p1, !p1  }
0x235: {  	v22 =	vsel vm2, v27, v19;
	v27 =	vor.u32 s18, v1;
	(xrf0) =	vmax.scan.msk.f32 $0xffff, v21;
	v21, _, _ =	vpop (xrf0);
	vm0 =	vmneg @p1 vm0  }
0x236: {  	v33 =	vimm.f32 $-1.000000020e+30;
	v21 =	vbroadcast v21, $0xF;
	vm4 =	vmand vm0, vm4  }
0x237: {  	v34 =	vimm.f32 $-1.000000020e+30;
	v31 =	vsel vm11, v22, v18;
	v22 =	vbroadcast v23, $0xF  }
0x238: {  	v23 =	vbroadcast v26, $0xF;
	[tilespmem:v25+s15+$0x0] =	vst.idx.msk vm8, v24;
	v25 =	vsel vm12, v31, v17;
	v26 =	vsel vm2, v62, v21  }
0x239: {  	v24 =	vbroadcast v28, $0xF;
	v28 =	vsel vm13, v30, v10;
	v26 =	vsel vm11, v26, v22  }
0x23a: {  	v29 =	vimm.f32 $-1.000000020e+30;
	v30 =	vsel vm13, v25, v16;
	[tilespmem:v27+s15+$0x0] =	vst.idx.msk vm1, v28;
	v26 =	vsel vm12, v26, v23  }
0x23b: {  	v27 =	vimm.s32 $0x0;
	v28 =	vimm.s32 $0x0;
	[tilespmem:v61+s15+$0x0] =	vst.idx.msk vm3, v30;
	v25, _, _ =	vpop (xrf0);
	v31 =	vsel vm13, v26, v24  }
0x23c: {  	s19 =	simm.s32 $0x0;
	s18 =	smov.u32 s3;
	v30 =	vimm.s32 $0x0;
	v25 =	vbroadcast v25, $0xF;
	v26 =	vimm.s32 $0x0;
	[tilespmem:v63+s15+$0x0] =	vst.idx.msk vm4, v31  }
.LBB2_6:
0x23d: {  	s20 =	sshra.s32 s19, $0x2  }
0x23e: {  	v31 =	vld [tilespmem:s20+$0x0]  }
0x23f: {  	v35 =	vld [tilespmem:s20+$0x500]  }
0x240: {  	v36 =	vld [tilespmem:s20+$0xA00]  }
0x241: {  	v37 =	vld [tilespmem:s20+$0xF00]  }
0x242: {  	v38 =	vld [tilespmem:s20+$0x1400];
	_ =	sdelay $0x3  }
0x243: {  	v39 =	vmax.f32 v4, v31;
	v40 =	vmin.f32 v6, v36  }
0x244: {  	v41 =	vmax.f32 v5, v35;
	v42 =	vmin.f32 v7, v37;
	v55 =	vadd.f32 v38, v8  }
0x245: {  	v56 =	vmax.f32 v10, v31;
	v43 =	vmax.f32 v11, v35;
	v44 =	vmin.f32 v12, v36  }
0x246: {  	v45 =	vmin.f32 v13, v37;
	v59 =	vadd.f32 v38, v14;
	v60 =	vmax.f32 v16, v31  }
0x247: {  	v61 =	vmax.f32 v17, v35;
	v39 =	vsub.f32 v40, v39;
	v54 =	vsub.f32 v42, v41  }
0x248: {  	v62 =	vmin.f32 v18, v36;
	v57 =	vsub.f32 v44, v56;
	v58 =	vsub.f32 v45, v43  }
0x249: {  	v46 =	vmin.f32 v19, v37;
	v39 =	vmax.f32 v39, $0.0e+00;
	v40 =	vmax.f32 v54, $0.0e+00  }
0x24a: {  	v42 =	vmax.f32 v58, $0.0e+00;
	v39 =	vmul.f32 v40, v39;
	v40 =	vmax.f32 v57, $0.0e+00  }
0x24b: {  	v43 =	vsub.f32 v62, v60;
	v44 =	vsub.f32 v46, v61;
	v40 =	vmul.f32 v42, v40  }
0x24c: {  	v41 =	vsub.f32 v55, v39  }
0x24d: {  	v43 =	vmax.f32 v43, $0.0e+00;
	v44 =	vmax.f32 v44, $0.0e+00;
	v42 =	vsub.f32 v59, v40  }
0x24e: {  	v63 =	vadd.f32 v38, v20;
	v43 =	vmul.f32 v44, v43;
	v41 =	vadd.f32 $9.999999930e-09, v41  }
0x24f: {  	v42 =	vadd.f32 $9.999999930e-09, v42  }
0x250: {  	v44 =	vsub.f32 v63, v43;
	(erf) = vrcp.f32 v41  }
0x251: {  	v31 =	vmax.f32 v24, v31;
	v35 =	vmax.f32 v23, v35;
	(erf) = vrcp.f32 v42  }
0x252: {  	v36 =	vmin.f32 v22, v36;
	v37 =	vmin.f32 v21, v37;
	v41 =	vadd.f32 $9.999999930e-09, v44  }
0x253: {  	v31 =	vsub.f32 v36, v31;
	v35 =	vsub.f32 v37, v35  }
0x254: {  	v48 =	vadd.f32 v38, v25;
	v38 =	vld [tilespmem:s20+$0x10];
	(erf) = vrcp.f32 v41  }
0x255: {  	v31 =	vmax.f32 v31, $0.0e+00;
	v35 =	vmax.f32 v35, $0.0e+00  }
0x256: {  	v31 =	vmul.f32 v35, v31;
	_ =	sdelay $0x1  }
0x257: {  	v35 =	vsub.f32 v48, v31  }
0x258: {  	v49 =	vmax.f32 v4, v38;
	v53 =	vmax.f32 v10, v38;
	v45 =	vpop (erf)  }
0x259: {  	v60 =	vmax.f32 v16, v38;
	v35 =	vadd.f32 $9.999999930e-09, v35;
	v36 =	vmul.f32 v45, v39;
	v46 =	vpop (erf)  }
0x25a: {  	v38 =	vmax.f32 v24, v38;
	v39 =	vld [tilespmem:s20+$0xA10];
	v37 =	vmul.f32 v46, v40;
	v40 =	vor.u32 s18, v1  }
0x25b: {  	(erf) = vrcp.f32 v35;
	vm1 =	vgt.f32 v36, $5.000000000e-01;
	vm3 =	veq.s32 v40, v3  }
0x25c: {  	v41 =	vpop (erf);
	vm5 =	veq.s32 v40, v9;
	vm4 =	vgt.f32 v37, $5.000000000e-01;
	vm1 =	vmor vm3, vm1  }
0x25d: {  	v36 =	vld [tilespmem:s20+$0x510];
	v41 =	vmul.f32 v41, v43;
	vm3 =	vmor vm5, vm4;
	vm1 =	vmand vm14, vm1  }
0x25e: {  	v43 =	vld [tilespmem:s20+$0x1410];
	vm4 =	veq.s32 v40, v15;
	vm5 =	veq.s32 v40, v47;
	vm3 =	vmand vm15, vm3  }
0x25f: {  	v37 =	vld [tilespmem:s20+$0xF10];
	v50 =	vmin.f32 v6, v39;
	v55 =	vmin.f32 v12, v39;
	v48 =	vmin.f32 v18, v39  }
0x260: {  	v39 =	vmin.f32 v22, v39;
	vm1 =	vmor vm1, vm3;
	v35 =	vsub.f32 v50, v49  }
0x261: {  	vm3 =	vgt.f32 v41, $5.000000000e-01;
	v42 =	vsub.f32 v55, v53;
	v61 =	vsub.f32 v48, v60  }
0x262: {  	v38 =	vsub.f32 v39, v38;
	v51 =	vmax.f32 v5, v36;
	v54 =	vmax.f32 v11, v36  }
0x263: {  	v57 =	vadd.f32 v43, v8;
	vm3 =	vmor vm4, vm3;
	v59 =	vadd.f32 v43, v14  }
0x264: {  	v62 =	vmax.f32 v17, v36;
	v36 =	vmax.f32 v23, v36;
	v52 =	vmin.f32 v7, v37  }
0x265: {  	v35 =	vmax.f32 v35, $0.0e+00;
	v56 =	vmin.f32 v13, v37;
	v41 =	vsub.f32 v52, v51  }
0x266: {  	v42 =	vmax.f32 v42, $0.0e+00;
	vm4 =	vmand vm10, vm3;
	v63 =	vmin.f32 v19, v37  }
0x267: {  	v37 =	vmin.f32 v21, v37;
	v44 =	vsub.f32 v56, v54;
	v41 =	vmax.f32 v41, $0.0e+00  }
0x268: {  	v38 =	vmax.f32 v38, $0.0e+00;
	v46 =	vsub.f32 v63, v62;
	v41 =	vmul.f32 v41, v35  }
0x269: {  	v58 =	vpop (erf);
	v36 =	vsub.f32 v37, v36;
	v51 =	vadd.f32 v43, v20;
	v44 =	vmax.f32 v44, $0.0e+00  }
0x26a: {  	v31 =	vmul.f32 v58, v31;
	v42 =	vmul.f32 v44, v42;
	v35 =	vsub.f32 v57, v41  }
0x26b: {  	v46 =	vmax.f32 v46, $0.0e+00;
	v36 =	vmax.f32 v36, $0.0e+00;
	v44 =	vmax.f32 v61, $0.0e+00  }
0x26c: {  	v50 =	vmul.f32 v46, v44;
	v45 =	vsub.f32 v59, v42;
	v35 =	vadd.f32 $9.999999930e-09, v35  }
0x26d: {  	v53 =	vld [tilespmem:s20+$0x1900];
	v54 =	vadd.f32 v43, v25;
	v36 =	vmul.f32 v36, v38;
	vm3 =	vgt.f32 v31, $5.000000000e-01  }
0x26e: {  	v44 =	vld [tilespmem:s20+$0x520];
	v52 =	vadd.f32 $9.999999930e-09, v45;
	(erf) = vrcp.f32 v35;
	v35 =	vsub.f32 v51, v50  }
0x26f: {  	vm1 =	vmor vm4, vm1;
	vm3 =	vmor vm5, vm3;
	v55 =	vsub.f32 v54, v36  }
0x270: {  	vm3 =	vmand vm0, vm3;
	(erf) = vrcp.f32 v52;
	v31 =	vadd.f32 $9.999999930e-09, v35  }
0x271: {  	vm1 =	vmor vm3, vm1  }
0x272: {  	v35 =	vadd.f32 $9.999999930e-09, v55;
	(erf) = vrcp.f32 v31;
	v31 =	vsel vm1, $0xF149F2CA, v53  }
0x273: {  	v52 =	vmax.f32 v17, v44;
	v53 =	vmax.f32 v5, v44;
	vm1 =	vgt.f32 v31, v34  }
0x274: {  	(erf) = vrcp.f32 v35;
	v56 =	vsel vm1, v34, v31;
	v34 =	vsel vm1, v31, v34  }
0x275: {  	v45 =	vld [tilespmem:s20+$0x1420];
	v35 =	vsel vm1, v40, v28;
	v28 =	vsel vm1, v28, v40;
	vm3 =	vgt.f32 v56, v33  }
0x276: {  	s21 =	sadd.s32 $0x10, s18;
	v39 =	vsel vm3, v56, v33;
	v57 =	vsel vm3, v33, v56;
	v40 =	vsel vm3, v28, v30  }
0x277: {  	v30 =	vsel vm3, v30, v28;
	v28 =	vor.u32 s21, v1;
	v58 =	vpop (erf);
	vm1 =	vgt.f32 v57, v32  }
0x278: {  	vm4 =	veq.s32 v28, v3;
	vm6 =	veq.s32 v28, v9;
	v38 =	vmul.f32 v58, v41  }
0x279: {  	v59 =	vpop (erf);
	v43 =	vsel vm1, v57, v32;
	v32 =	vsel vm1, v32, v57;
	v57 =	vmax.f32 v11, v44  }
0x27a: {  	v58 =	vadd.f32 v45, v8;
	v44 =	vmax.f32 v23, v44;
	v41 =	vmul.f32 v59, v42  }
0x27b: {  	v42 =	vsel vm1, v30, v27;
	v30 =	vsel vm1, v27, v30;
	vm3 =	vgt.f32 v38, $5.000000000e-01;
	v38 =	vld [tilespmem:s20+$0xA20];
	v60 =	vpop (erf)  }
0x27c: {  	vm5 =	vgt.f32 v41, $5.000000000e-01;
	vm3 =	vmor vm4, vm3;
	v37 =	vmul.f32 v60, v50  }
0x27d: {  	v41 =	vld [tilespmem:s20+$0x20];
	vm4 =	vmor vm6, vm5;
	vm3 =	vmand vm14, vm3;
	v61 =	vpop (erf);
	vm6 =	veq.s32 v28, v15  }
0x27e: {  	vm4 =	vmand vm15, vm4;
	v33 =	vmul.f32 v61, v36;
	vm5 =	vgt.f32 v37, $5.000000000e-01  }
0x27f: {  	v60 =	vadd.f32 v45, v14;
	vm1 =	vmor vm3, vm4;
	vm3 =	vmor vm6, vm5  }
0x280: {  	v37 =	vld [tilespmem:s20+$0xF20];
	vm4 =	vgt.f32 v33, $5.000000000e-01;
	vm5 =	veq.s32 v28, v47;
	v62 =	vmin.f32 v6, v38  }
0x281: {  	v49 =	vmin.f32 v12, v38;
	vm3 =	vmand vm10, vm3;
	vm4 =	vmor vm5, vm4  }
0x282: {  	v27 =	vmax.f32 v4, v41;
	v56 =	vmax.f32 v10, v41;
	vm1 =	vmor vm3, vm1  }
0x283: {  	vm3 =	vmand vm0, vm4;
	v27 =	vsub.f32 v62, v27;
	v33 =	vsub.f32 v49, v56  }
0x284: {  	v63 =	vld [tilespmem:s20+$0x1910];
	v56 =	vmin.f32 v18, v38;
	v38 =	vmin.f32 v22, v38;
	vm1 =	vmor vm3, vm1  }
0x285: {  	vm3 =	vgt.f32 v32, v29;
	v54 =	vmin.f32 v7, v37;
	v55 =	vmax.f32 v27, $0.0e+00  }
0x286: {  	v50 =	vmin.f32 v13, v37;
	v33 =	vmax.f32 v33, $0.0e+00;
	v27 =	vsub.f32 v54, v53  }
0x287: {  	v46 =	vsub.f32 v50, v57;
	v53 =	vmin.f32 v19, v37;
	v37 =	vmin.f32 v21, v37  }
0x288: {  	v36 =	vsel vm3, v32, v29;
	v57 =	vadd.f32 v45, v20;
	v37 =	vsub.f32 v37, v44  }
0x289: {  	v51 =	vmax.f32 v27, $0.0e+00;
	v27 =	vsel vm1, $0xF149F2CA, v63;
	v59 =	vmax.f32 v46, $0.0e+00  }
0x28a: {  	v63 =	vmax.f32 v16, v41;
	v41 =	vmax.f32 v24, v41;
	v48 =	vmul.f32 v51, v55  }
0x28b: {  	vm8 =	vgt.f32 v27, v34;
	v46 =	vmul.f32 v59, v33;
	v33 =	vsel vm3, v30, v26  }
0x28c: {  	v44 =	vld [tilespmem:s20+$0xF30];
	v50 =	vsub.f32 v56, v63;
	v38 =	vsub.f32 v38, v41;
	v37 =	vmax.f32 v37, $0.0e+00  }
0x28d: {  	v59 =	vadd.f32 v45, v25;
	v29 =	vsel vm8, v34, v27;
	v61 =	vsub.f32 v58, v48  }
0x28e: {  	v51 =	vld [tilespmem:s20+$0x530];
	v62 =	vsel vm8, v35, v28;
	vm1 =	vgt.f32 v29, v39;
	v30 =	vsub.f32 v60, v46  }
0x28f: {  	v38 =	vmax.f32 v38, $0.0e+00;
	v26 =	vsel vm1, v29, v39;
	v32 =	vadd.f32 $9.999999930e-09, v61  }
0x290: {  	v39 =	vsel vm1, v39, v29;
	v29 =	vsub.f32 v53, v52;
	v37 =	vmul.f32 v37, v38  }
0x291: {  	v41 =	vld [tilespmem:s20+$0xA30];
	v55 =	vmin.f32 v13, v44;
	v30 =	vadd.f32 $9.999999930e-09, v30;
	(erf) = vrcp.f32 v32  }
0x292: {  	v53 =	vld [tilespmem:s20+$0x1430];
	vm3 =	vgt.f32 v39, v43;
	v29 =	vmax.f32 v29, $0.0e+00;
	v38 =	vsub.f32 v59, v37  }
0x293: {  	v54 =	vmax.f32 v5, v51;
	(erf) = vrcp.f32 v30;
	v30 =	vmax.f32 v50, $0.0e+00;
	v50 =	vld [tilespmem:s20+$0x30]  }
0x294: {  	v38 =	vadd.f32 $9.999999930e-09, v38;
	v52 =	vmul.f32 v29, v30;
	v30 =	vsel vm1, v62, v40  }
0x295: {  	v40 =	vsel vm1, v40, v62;
	v29 =	vsel vm3, v39, v43;
	v39 =	vsel vm3, v43, v39  }
0x296: {  	v62 =	vmin.f32 v6, v41;
	v58 =	vsub.f32 v57, v52;
	v57 =	vmin.f32 v7, v44  }
0x297: {  	v56 =	vadd.f32 v53, v8;
	v32 =	vsel vm3, v40, v42;
	v59 =	vsub.f32 v57, v54  }
0x298: {  	v40 =	vsel vm3, v42, v40;
	v60 =	vadd.f32 $9.999999930e-09, v58;
	v61 =	vmax.f32 v4, v50  }
0x299: {  	v43 =	vsub.f32 v62, v61;
	v42 =	vmax.f32 v59, $0.0e+00;
	v61 =	vmax.f32 v10, v50  }
0x29a: {  	v62 =	vmin.f32 v12, v41;
	v59 =	vmax.f32 v16, v50;
	v50 =	vmax.f32 v24, v50;
	v63 =	vpop (erf)  }
0x29b: {  	(erf) = vrcp.f32 v60;
	v43 =	vmax.f32 v43, $0.0e+00;
	v48 =	vmul.f32 v63, v48  }
0x29c: {  	v58 =	vpop (erf);
	v63 =	vmax.f32 v11, v51;
	v42 =	vmul.f32 v42, v43;
	(erf) = vrcp.f32 v38  }
0x29d: {  	v60 =	vmul.f32 v58, v46;
	v46 =	vsub.f32 v62, v61;
	v49 =	vsub.f32 v55, v63  }
0x29e: {  	v61 =	vadd.f32 v53, v14;
	v62 =	vmax.f32 v17, v51;
	vm4 =	vgt.f32 v48, $5.000000000e-01  }
0x29f: {  	v38 =	vsub.f32 v56, v42;
	vm1 =	vgt.f32 v60, $5.000000000e-01;
	v57 =	vmax.f32 v46, $0.0e+00  }
0x2a0: {  	v58 =	vmax.f32 v49, $0.0e+00;
	v60 =	vmin.f32 v18, v41;
	v41 =	vmin.f32 v22, v41  }
0x2a1: {  	v43 =	vmul.f32 v58, v57;
	v45 =	vsub.f32 v60, v59;
	v57 =	vmin.f32 v19, v44  }
0x2a2: {  	s30 =	sadd.s32 $0x20, s18;
	v41 =	vsub.f32 v41, v50;
	v38 =	vadd.f32 $9.999999930e-09, v38;
	v58 =	vmax.f32 v23, v51  }
0x2a3: {  	v44 =	vmin.f32 v21, v44;
	v60 =	vor.u32 s30, v1;
	v49 =	vsub.f32 v57, v62  }
0x2a4: {  	v59 =	vadd.f32 v53, v20;
	v44 =	vsub.f32 v44, v58;
	vm3 =	veq.s32 v60, v3  }
0x2a5: {  	v48 =	vsub.f32 v61, v43;
	v45 =	vmax.f32 v45, $0.0e+00;
	v49 =	vmax.f32 v49, $0.0e+00  }
0x2a6: {  	v41 =	vmax.f32 v41, $0.0e+00;
	v61 =	vadd.f32 v53, v25;
	v45 =	vmul.f32 v49, v45  }
0x2a7: {  	vm3 =	vmor vm3, vm4;
	vm4 =	veq.s32 v60, v9;
	v44 =	vmax.f32 v44, $0.0e+00  }
0x2a8: {  	v48 =	vadd.f32 $9.999999930e-09, v48;
	v41 =	vmul.f32 v44, v41;
	v49 =	vsub.f32 v59, v45  }
0x2a9: {  	v28 =	vsel vm8, v28, v35;
	(erf) = vrcp.f32 v38;
	vm1 =	vmor vm4, vm1  }
0x2aa: {  	v63 =	vpop (erf);
	(erf) = vrcp.f32 v48;
	v44 =	vsub.f32 v61, v41;
	v62 =	vadd.f32 $9.999999930e-09, v49  }
0x2ab: {  	v34 =	vsel vm8, v27, v34;
	vm3 =	vmand vm14, vm3;
	vm1 =	vmand vm15, vm1  }
0x2ac: {  	s31 =	sadd.s32 $0x30, s18;
	v46 =	vmul.f32 v63, v52;
	v63 =	vpop (erf);
	v44 =	vadd.f32 $9.999999930e-09, v44;
	(erf) = vrcp.f32 v62  }
0x2ad: {  	v51 =	vor.u32 s31, v1;
	vm1 =	vmor vm3, vm1;
	v37 =	vmul.f32 v63, v37  }
0x2ae: {  	vm3 =	veq.s32 v60, v15;
	v48 =	vld [tilespmem:s20+$0x1920];
	vm5 =	vgt.f32 v46, $5.000000000e-01;
	(erf) = vrcp.f32 v44  }
0x2af: {  	vm4 =	vgt.f32 v37, $5.000000000e-01;
	vm3 =	vmor vm3, vm5;
	vm5 =	veq.s32 v60, v47  }
0x2b0: {  	vm6 =	veq.s32 v51, v15;
	vm4 =	vmor vm5, vm4;
	vm3 =	vmand vm10, vm3  }
0x2b1: {  	vm5 =	vgt.f32 v39, v36;
	vm1 =	vmor vm3, vm1;
	vm3 =	vmand vm0, vm4  }
0x2b2: {  	v36 =	vsel vm5, v39, v36;
	v33 =	vsel vm5, v40, v33;
	v49 =	vpop (erf);
	vm1 =	vmor vm3, vm1  }
0x2b3: {  	vm4 =	veq.s32 v51, v3;
	v37 =	vsel vm1, $0xF149F2CA, v48;
	v39 =	vmul.f32 v49, v42;
	v50 =	vpop (erf)  }
0x2b4: {  	vm5 =	veq.s32 v51, v9;
	vm1 =	vgt.f32 v37, v34;
	v35 =	vmul.f32 v50, v43  }
0x2b5: {  	v52 =	vsel vm1, v37, v34;
	vm3 =	vgt.f32 v39, $5.000000000e-01;
	v54 =	vsel vm1, v60, v28;
	v53 =	vpop (erf)  }
0x2b6: {  	vm3 =	vmor vm4, vm3;
	vm4 =	vgt.f32 v35, $5.000000000e-01;
	v39 =	vmul.f32 v53, v45  }
0x2b7: {  	v34 =	vsel vm1, v34, v37;
	vm3 =	vmand vm14, vm3;
	vm4 =	vmor vm5, vm4;
	v55 =	vpop (erf)  }
0x2b8: {  	vm4 =	vmand vm15, vm4;
	v56 =	vmul.f32 v55, v41;
	vm5 =	vgt.f32 v39, $5.000000000e-01  }
0x2b9: {  	v57 =	vld [tilespmem:s20+$0x1930];
	v28 =	vsel vm1, v28, v60;
	vm1 =	vmor vm3, vm4;
	vm3 =	vmor vm6, vm5  }
0x2ba: {  	vm4 =	vgt.f32 v56, $5.000000000e-01;
	vm5 =	veq.s32 v51, v47;
	vm3 =	vmand vm10, vm3  }
0x2bb: {  	vm1 =	vmor vm3, vm1;
	vm3 =	vmor vm5, vm4;
	vm4 =	vgt.f32 v34, v26  }
0x2bc: {  	v58 =	vsel vm4, v34, v26;
	v26 =	vsel vm4, v26, v34;
	vm3 =	vmand vm0, vm3  }
0x2bd: {  	v59 =	vsel vm4, v28, v30;
	vm1 =	vmor vm3, vm1;
	vm3 =	vgt.f32 v26, v29  }
0x2be: {  	v28 =	vsel vm4, v30, v28;
	v60 =	vsel vm3, v26, v29;
	v38 =	vsel vm1, $0xF149F2CA, v57  }
0x2bf: {  	v61 =	vsel vm3, v28, v32;
	v26 =	vsel vm3, v29, v26;
	vm1 =	vgt.f32 v38, v52  }
0x2c0: {  	v28 =	vsel vm3, v32, v28;
	vm3 =	vgt.f32 v26, v36;
	v29 =	vsel vm1, v52, v38  }
0x2c1: {  	p2 =	sne.s32 s19, $0x1300;
	v26 =	vsel vm3, v26, v36;
	v62 =	vsel vm3, v28, v33;
	vm3 =	vgt.f32 v29, v58  }
.Ltmp2:
0x2c2: {  	v34 =	vsel vm1, v38, v52;
	v28 =	vsel vm1, v51, v54;
	v63 =	vsel vm3, v58, v29;
	(pc) =	sbr.rel @p2 .LBB2_6-.Ltmp2, $4  }
0x2c3: {  	[tilespmem:s20+$0x1900] =	vst v31;
	v31 =	vsel vm1, v54, v51;
	v33 =	vsel vm3, v29, v58;
	vm1 =	vgt.f32 v63, v60  }
0x2c4: {  	[tilespmem:s20+$0x1910] =	vst v27;
	v30 =	vsel vm3, v31, v59;
	v27 =	vsel vm3, v59, v31;
	v29 =	vsel vm1, v60, v63  }
0x2c5: {  	[tilespmem:s20+$0x1920] =	vst v37;
	v32 =	vsel vm1, v63, v60;
	v31 =	vsel vm1, v61, v27;
	vm3 =	vgt.f32 v29, v26  }
0x2c6: {  	s19 =	sadd.s32 $0x100, s19;
	s18 =	sadd.s32 $0x40, s18;
	[tilespmem:s20+$0x1930] =	vst v38;
	v27 =	vsel vm1, v27, v61;
	v29 =	vsel vm3, v29, v26;
	v26 =	vsel vm3, v31, v62  }
0x2c7: {  	v3 =	vmax.f32 v34, v33;
	v4 =	vmax.f32 v32, v29  }
0x2c8: {  	v3 =	vmax.f32 v3, v4  }
0x2c9: {  	(xrf0) =	vmax.scan.msk.f32 $0xffff, v3;
	_ =	sdelay $0x5  }
0x2ca: {  	v3, _, _ =	vpop (xrf0)  }
0x2cb: {  	v42 =	vbroadcast v3, $0xF;
	_ =	sdelay $0x1  }
0x2cc: {  	vm0 =	veq.f32 v33, v42;
	vm1 =	veq.f32 v29, v42  }
0x2cd: {  	v5 =	vnsel vm0, $0x7FFFFFFF, v30;
	v6 =	vnsel vm1, $0x7FFFFFFF, v26  }
0x2ce: {  	vm3 =	veq.f32 v34, v42;
	vm4 =	vlt.s32 v28, v5;
	vm5 =	vlt.s32 v27, v6  }
0x2cf: {  	v7 =	vsel vm4, v28, v5;
	vm4 =	veq.f32 v32, v42;
	v43 =	vsel vm5, v27, v6  }
0x2d0: {  	v5 =	vsel vm3, v7, v5;
	v4 =	vsel vm4, v43, v6  }
0x2d1: {  	vm5 =	vlt.s32 v5, v4  }
0x2d2: {  	v4 =	vsel vm5, v5, v4  }
0x2d3: {  	v4 =	vxor.u32 $0x80000000, v4  }
0x2d4: {  	(xrf0) =	vmin.scan.msk.u32 $0xffff, v4;
	_ =	sdelay $0x5  }
0x2d5: {  	(v2sf) =	vpush v3, $0xF;
	v3, _, _ =	vpop (xrf0)  }
0x2d6: {  	(v2sf) =	vpush v3, $0xF;
	_ =	sdelay $0xd  }
0x2d7: {  	s18 =	spop (v2sf)  }
0x2d8: {  	s19 =	spop (v2sf)  }
0x2d9: {  	s19 =	sxor.u32 $0x80000000, s19  }
0x2da: {  	vm5 =	veq.s32 v28, s19  }
0x2db: {  	vm6 =	veq.s32 v26, s19;
	vm3 =	vmand vm3, vm5  }
0x2dc: {  	vm5 =	veq.s32 v27, s19;
	v3 =	vsel vm3, $0xF149F2CA, v34;
	vm3 =	veq.s32 v30, s19  }
0x2dd: {  	vm1 =	vmand vm1, vm6;
	vm0 =	vmand vm0, vm3;
	vm3 =	vmand vm4, vm5  }
0x2de: {  	v46 =	vsel vm1, $0xF149F2CA, v29;
	v44 =	vsel vm0, $0xF149F2CA, v33;
	v45 =	vsel vm3, $0xF149F2CA, v32  }
0x2df: {  	v47 =	vmax.f32 v3, v44;
	v8 =	vmax.f32 v45, v46  }
0x2e0: {  	v7 =	vmax.f32 v47, v8  }
0x2e1: {  	(xrf0) =	vmax.scan.msk.f32 $0xffff, v7;
	_ =	sdelay $0x5  }
0x2e2: {  	v7, _, _ =	vpop (xrf0)  }
0x2e3: {  	v48 =	vbroadcast v7, $0xF;
	_ =	sdelay $0x1  }
0x2e4: {  	vm0 =	veq.f32 v44, v48;
	vm1 =	veq.f32 v46, v48  }
0x2e5: {  	v9 =	vnsel vm0, $0x7FFFFFFF, v30;
	v10 =	vnsel vm1, $0x7FFFFFFF, v26  }
0x2e6: {  	vm3 =	veq.f32 v3, v48;
	vm4 =	vlt.s32 v28, v9;
	vm5 =	vlt.s32 v27, v10  }
0x2e7: {  	v11 =	vsel vm4, v28, v9;
	vm4 =	veq.f32 v45, v48;
	v49 =	vsel vm5, v27, v10  }
0x2e8: {  	v9 =	vsel vm3, v11, v9;
	v8 =	vsel vm4, v49, v10  }
0x2e9: {  	vm5 =	vlt.s32 v9, v8  }
0x2ea: {  	v8 =	vsel vm5, v9, v8  }
0x2eb: {  	v8 =	vxor.u32 $0x80000000, v8  }
0x2ec: {  	(xrf0) =	vmin.scan.msk.u32 $0xffff, v8;
	_ =	sdelay $0x5  }
0x2ed: {  	(v2sf) =	vpush v7, $0xF;
	v50, _, _ =	vpop (xrf0)  }
0x2ee: {  	(v2sf) =	vpush v50, $0xF;
	_ =	sdelay $0xd  }
0x2ef: {  	s20 =	spop (v2sf)  }
0x2f0: {  	s21 =	spop (v2sf)  }
0x2f1: {  	s21 =	sxor.u32 $0x80000000, s21  }
0x2f2: {  	vm5 =	veq.s32 v28, s21  }
0x2f3: {  	vm6 =	veq.s32 v26, s21;
	vm3 =	vmand vm3, vm5  }
0x2f4: {  	vm5 =	veq.s32 v27, s21;
	v3 =	vsel vm3, $0xF149F2CA, v3;
	vm3 =	veq.s32 v30, s21  }
0x2f5: {  	vm1 =	vmand vm1, vm6;
	vm0 =	vmand vm0, vm3;
	vm3 =	vmand vm4, vm5  }
0x2f6: {  	v6 =	vsel vm1, $0xF149F2CA, v46;
	v4 =	vsel vm0, $0xF149F2CA, v44;
	v5 =	vsel vm3, $0xF149F2CA, v45  }
0x2f7: {  	v51 =	vmax.f32 v3, v4;
	v52 =	vmax.f32 v5, v6  }
0x2f8: {  	v7 =	vmax.f32 v51, v52  }
0x2f9: {  	(xrf0) =	vmax.scan.msk.f32 $0xffff, v7;
	_ =	sdelay $0x5  }
0x2fa: {  	v7, _, _ =	vpop (xrf0)  }
0x2fb: {  	v53 =	vbroadcast v7, $0xF;
	_ =	sdelay $0x1  }
0x2fc: {  	vm0 =	veq.f32 v4, v53;
	vm1 =	veq.f32 v6, v53  }
0x2fd: {  	v54 =	vnsel vm0, $0x7FFFFFFF, v30;
	v55 =	vnsel vm1, $0x7FFFFFFF, v26  }
0x2fe: {  	vm3 =	veq.f32 v3, v53;
	vm4 =	vlt.s32 v28, v54;
	vm5 =	vlt.s32 v27, v55  }
0x2ff: {  	v56 =	vsel vm4, v28, v54;
	vm4 =	veq.f32 v5, v53;
	v57 =	vsel vm5, v27, v55  }
0x300: {  	v9 =	vsel vm3, v56, v54;
	v8 =	vsel vm4, v57, v55  }
0x301: {  	vm5 =	vlt.s32 v9, v8  }
0x302: {  	v8 =	vsel vm5, v9, v8  }
0x303: {  	v8 =	vxor.u32 $0x80000000, v8  }
0x304: {  	(xrf0) =	vmin.scan.msk.u32 $0xffff, v8;
	_ =	sdelay $0x5  }
0x305: {  	(v2sf) =	vpush v7, $0xF;
	v58, _, _ =	vpop (xrf0)  }
0x306: {  	(v2sf) =	vpush v58, $0xF;
	_ =	sdelay $0xd  }
0x307: {  	s22 =	spop (v2sf)  }
0x308: {  	s23 =	spop (v2sf)  }
0x309: {  	s23 =	sxor.u32 $0x80000000, s23  }
0x30a: {  	vm5 =	veq.s32 v28, s23  }
0x30b: {  	vm6 =	veq.s32 v26, s23;
	vm3 =	vmand vm3, vm5  }
0x30c: {  	vm5 =	veq.s32 v27, s23;
	v3 =	vsel vm3, $0xF149F2CA, v3;
	vm3 =	veq.s32 v30, s23  }
0x30d: {  	vm1 =	vmand vm1, vm6;
	vm0 =	vmand vm0, vm3;
	vm3 =	vmand vm4, vm5  }
0x30e: {  	v6 =	vsel vm1, $0xF149F2CA, v6;
	v4 =	vsel vm0, $0xF149F2CA, v4;
	v5 =	vsel vm3, $0xF149F2CA, v5  }
0x30f: {  	v59 =	vmax.f32 v3, v4;
	v60 =	vmax.f32 v5, v6  }
0x310: {  	v7 =	vmax.f32 v59, v60  }
0x311: {  	(xrf0) =	vmax.scan.msk.f32 $0xffff, v7;
	_ =	sdelay $0x5  }
0x312: {  	v7, _, _ =	vpop (xrf0)  }
0x313: {  	v61 =	vbroadcast v7, $0xF;
	_ =	sdelay $0x1  }
0x314: {  	vm0 =	veq.f32 v4, v61;
	vm1 =	veq.f32 v6, v61  }
0x315: {  	v4 =	vnsel vm0, $0x7FFFFFFF, v30;
	v6 =	vnsel vm1, $0x7FFFFFFF, v26  }
0x316: {  	vm0 =	veq.f32 v3, v61;
	vm1 =	vlt.s32 v28, v4;
	vm3 =	vlt.s32 v27, v6  }
0x317: {  	v3 =	vsel vm1, v28, v4;
	vm1 =	veq.f32 v5, v61;
	v62 =	vsel vm3, v27, v6  }
0x318: {  	v3 =	vsel vm0, v3, v4;
	v63 =	vsel vm1, v62, v6  }
0x319: {  	vm0 =	vlt.s32 v3, v63  }
0x31a: {  	v3 =	vsel vm0, v3, v63  }
0x31b: {  	v3 =	vxor.u32 $0x80000000, v3  }
0x31c: {  	(xrf0) =	vmin.scan.msk.u32 $0xffff, v3;
	_ =	sdelay $0x5  }
0x31d: {  	(v2sf) =	vpush v7, $0xF;
	v3, _, _ =	vpop (xrf0)  }
0x31e: {  	(v2sf) =	vpush v3, $0xF;
	_ =	sdelay $0x4  }
0x31f: {  	s24 =	simm.s32 $0x1  }
0x320: {  	s24 =	simm.s32 @!p1 $0x0  }
0x321: {  	s17 =	sadd.s32 s24, s17  }
0x322: {  	p6 =	slt.s32 s17, $0x1E  }
0x323: {  	p0 =	por !p6, !p0  }
0x324: {  	p0 =	por !p0, !p0  }
.Ltmp3:
0x325: {  	_ = 	snop;
	(pc) =	sbr.rel @p0 .LBB2_5-.Ltmp3, $3  }
0x326: {  	_ =	sdelay $0x1  }
0x327: {  	s24 =	spop (v2sf)  }
0x328: {  	s16 =	sadd.s32 $0x1, s16;
	s25 =	spop (v2sf)  }
0x329: {  	p0 =	sne.s32 s1, $0x0  }
0x32a: {  	_ =	sfence.sel @p0 $0x180000  }
0x32b: {  	[bflag:$0x0] =	sbarrier.arrive @p0 $0xFFFF  }
0x32c: {  	_ =	strace @p0 $0x90000047  }
0x32d: {  	s1 =	simm.s32 @!p0 $0x0;
	s2 =	simm.s32 @!p0 $0x2080;
	[bflag:$0x2] =	sbarrier.arrive @p0 $0xFFFF  }
0x32e: {  	[hbm4b:s4+s1] =	stream.linear.scatter @!p0 [tilespmem:s2], [sflag:$0x1], $0xF00, $0x38;
	[tilespmem:$0x3080] =	vst v63  }
0x32f: {  	s1 =	simm.s32 @!p0 $0x1  }
0x330: {  	_ =	swait.ge @!p0 [sflag:s1], $0xF00  }
0x331: {  	[sflag:s1] =	ssyncset.done @!p0 $0x0  }
0x332: {  	[sflag:s1] =	ssyncadd.s32 @!p0 $0xFFFFF100  }
0x333: {  	_ =	sfence.sel @!p0 $0x180000  }
0x334: {  	[bflag:$0x0] =	sbarrier.arrive @!p0 $0xFFFF  }
0x335: {  	_ =	strace @!p0 $0x90000047  }
0x336: {  	s0 =	sadd.s32 @!p0 $0x100000, s0;
	[bflag:$0x2] =	sbarrier.arrive @!p0 $0xFFFF  }
0x337: {  	[sflag:s0] =	ssyncadd.tile.s32 @!p0 $0x1;
	_ =	shalt  }
.Lfunc_end2:
_tile_overlayer_lowered:
.L_overlay_start_2:
0x338: {  	(tag) =	ssettag $0x2  }
0x339: {  	s0 =	rddreg [dreg:$0x0];
	s2 =	stileid.u32  }
0x33a: {  	s1 =	rddreg [dreg:$0x1];
	p0 =	sne.s32 s2, $0x0  }
0x33b: {  	s3 =	rddreg [dreg:$0x2];
	[bflag:$0x3] =	sbarrier.arrive $0xFFFF;
	s2 =	simm.s32 @!p0 $0x1C01  }
0x33c: {  	[timem:s3], [sflag:s2] =	dma.local @!p0 [hbm:s0], s1  }
0x33d: {  	s0 =	simm.s32 @!p0 $0x1  }
0x33e: {  	_ =	swait.ge @!p0 [sflag:s0], s1  }
0x33f: {  	s1 =	ssub.s32 @!p0 $0x0, s1;
	[sflag:s0] =	ssyncset.done @!p0 $0x0  }
0x340: {  	[sflag:s0] =	ssyncadd.s32 @!p0 s1  }
0x341: {  	[bflag:$0x3] =	sbarrier.arrive $0xFFFF  }
0x342: {  	_ =	shalt  }

</sc_bundles>
